<compile_context>
chip_gen: v7x
topology: tpu7x:2x2x1
jax: 0.10.2.dev20260603
libtpu: 0.0.44.dev20260713+nightly
codegen_flags: <defaults>
</compile_context>

<pallas_src>
import jax
import jax.numpy as jnp
from jax import lax
from jax.experimental import pallas as pl
from jax.experimental.pallas import tpu as pltpu
from jax.experimental.pallas import tpu_sc as plsc

NUM_EMB = 1000000
D = 64
R = 8
SCALE = 16 / 8

NC = 2
NS = 16
NW = NC * NS
L = 16

B_TOTAL = 4096 * 50
B_W = B_TOTAL // NW
GROUP = 128
CHUNK = 128
G_PER_CHUNK = CHUNK // GROUP
N_CHUNKS = B_W // CHUNK
UNROLL = 16


def _sc_body(x_hbm, a_hbm, base_hbm, lora_hbm, out_hbm,
             idx_v, ib_v, il_v, qo_v, mo_v, browg_v, lrowg_v, out_v, a_v,
             sem):
    sid = lax.axis_index("s")
    wid = sid * NC + lax.axis_index("c")
    wbase = pl.multiple_of(wid * B_W, B_W)
    obase = pl.multiple_of(wid * (B_W // 2), B_W // 2)

    pltpu.sync_copy(x_hbm.at[pl.ds(wbase, B_W)], idx_v)
    pltpu.sync_copy(a_hbm, a_v)

    def idx_body(t, carry):
        v = idx_v[pl.ds(t * L, L)]
        ib_v[pl.ds(t * L, L)] = v >> 1
        il_v[pl.ds(t * L, L)] = v >> 4
        qo_v[pl.ds(t * L, L)] = (v & 1) * D
        mo_v[pl.ds(t * L, L)] = ((v >> 1) & 7) * L
        return carry

    lax.fori_loop(0, B_W // L, idx_body, 0)

    a_regs = [[a_v[r, pl.ds(dv * L, L)] for dv in range(4)]
              for r in range(R)]
    lane8 = lax.iota(jnp.int32, L) & 7

    def mk_copies(k, slot):
        cbase = pl.multiple_of(k * CHUNK, CHUNK)
        return (
            pltpu.make_async_copy(
                base_hbm.at[ib_v.at[pl.ds(cbase, CHUNK)]],
                browg_v.at[slot], sem.at[slot]),
            pltpu.make_async_copy(
                lora_hbm.at[il_v.at[pl.ds(cbase, CHUNK)]],
                lrowg_v.at[slot], sem.at[slot]),
        )

    for c in mk_copies(0, 0):
        c.start()

    def chunk_body(k, carry):
        slot = k & 1
        cbase = pl.multiple_of(k * CHUNK, CHUNK)

        @pl.when(k + 1 < N_CHUNKS)
        def _fire_next():
            for c in mk_copies(k + 1, (k + 1) & 1):
                c.start()

        for c in mk_copies(k, slot):
            c.wait()

        def blk_body(t, carry2):
            qo16 = qo_v[pl.ds(cbase + t * UNROLL, UNROLL)]
            mo16 = mo_v[pl.ds(cbase + t * UNROLL, UNROLL)]
            for u in range(UNROLL):
                i = t * UNROLL + u
                qo = qo16[u]
                bslot = lrowg_v[slot, i, pl.ds(mo16[u], L)]
                bv = bslot.at[lane8 + (qo >> 3)].get(
                    mode="promise_in_bounds")
                for dv in range(4):
                    acc = browg_v[slot, i, pl.ds(qo + dv * L, L)]
                    for r in range(R):
                        acc = acc + bv[r] * a_regs[r][dv]
                    out_v[t * (UNROLL // 2) + u // 2,
                          pl.ds((u & 1) * D + dv * L, L)] = acc
            return carry2

        lax.fori_loop(0, CHUNK // UNROLL, blk_body, 0)

        pltpu.sync_copy(
            out_v,
            out_hbm.at[pl.ds(obase + pl.multiple_of(k * (CHUNK // 2),
                                                    CHUNK // 2),
                             CHUNK // 2)])
        return carry

    lax.fori_loop(0, N_CHUNKS, chunk_body, 0)


TBLK = 4096


def _tp_body(bt_ref, lt_ref, ob_ref, ol_ref):
    half = TBLK // 2
    vt = bt_ref[...].T
    v3 = vt.reshape(half, 2, D)
    ob_ref[pl.ds(0, half), 0:D] = v3[:, 0, :]
    ob_ref[pl.ds(0, half), D:2 * D] = v3[:, 1, :]

    lt = lt_ref[...].T
    l3 = lt.reshape(TBLK // 16, 16, R)
    for s in range(16):
        ol_ref[pl.ds(0, TBLK // 16), s * R:(s + 1) * R] = l3[:, s, :]


def _to_row_major(base_t, lora_t):
    grid = (NUM_EMB + TBLK - 1) // TBLK
    return pl.pallas_call(
        _tp_body,
        grid=(grid,),
        in_specs=[
            pl.BlockSpec((D, TBLK), lambda i: (0, i)),
            pl.BlockSpec((R, TBLK), lambda i: (0, i)),
        ],
        out_specs=[
            pl.BlockSpec((TBLK // 2, 128), lambda i: (i, 0)),
            pl.BlockSpec((TBLK // 16, 128), lambda i: (i, 0)),
        ],
        out_shape=[
            jax.ShapeDtypeStruct((NUM_EMB * D // 128, 128), jnp.float32),
            jax.ShapeDtypeStruct((NUM_EMB * R // 128, 128), jnp.float32),
        ],
    )(base_t, lora_t)


def kernel(x, base_table, lora_A, lora_B):
    xf = x.reshape(-1)
    a_scaled = lora_A * SCALE
    base128, lora128 = _to_row_major(base_table.T, lora_B.T)

    mesh = plsc.VectorSubcoreMesh(core_axis_name="c", subcore_axis_name="s",
                                  num_cores=NC, num_subcores=NS)
    out = pl.kernel(
        _sc_body,
        out_type=jax.ShapeDtypeStruct((B_TOTAL * D // 128, 128),
                                      jnp.float32),
        mesh=mesh,
        compiler_params=pltpu.CompilerParams(use_tc_tiling_on_sc=True),
        scratch_types=[
            pltpu.VMEM((B_W,), jnp.int32),
            pltpu.VMEM((B_W,), jnp.int32),
            pltpu.VMEM((B_W,), jnp.int32),
            pltpu.VMEM((B_W,), jnp.int32),
            pltpu.VMEM((B_W,), jnp.int32),
            pltpu.VMEM((2, CHUNK, 128), jnp.float32),
            pltpu.VMEM((2, CHUNK, 128), jnp.float32),
            pltpu.VMEM((CHUNK // 2, 128), jnp.float32),
            pltpu.VMEM((R, D), jnp.float32),
            pltpu.SemaphoreType.DMA((2,)),
        ],
    )(xf, a_scaled, base128, lora128)
    return out.reshape(x.shape[0], x.shape[1], D)

# --- scband reference (transcript-rebuilt; emitter-appended) ---
"""Pipeline reference for scband-lo-raembedding-4045859193509 (READ-ONLY COPY).

The authoritative reference and input builder live on the scoring server;
editing this copy changes nothing except your own understanding.
"""

import jax, jax.numpy as jnp
import numpy as np

NUM_EMBEDDINGS = 1000000
EMBEDDING_DIM = 64
R = 8
LORA_ALPHA = 16
SCALING = LORA_ALPHA / R


def setup_inputs(seed: int = 0) -> dict:
    key = jax.random.key(seed)
    k1, k2, k3, k4 = jax.random.split(key, 4)
    x = jax.random.randint(k1, (4096, 50), 0, NUM_EMBEDDINGS, dtype=jnp.int32)
    base_table = jax.random.normal(k2, (NUM_EMBEDDINGS, EMBEDDING_DIM), dtype=jnp.float32)
    lora_A = jax.random.normal(k3, (R, EMBEDDING_DIM), dtype=jnp.float32) * 0.02
    lora_B = jax.random.normal(k4, (NUM_EMBEDDINGS, R), dtype=jnp.float32) * 0.02
    return {"x": x, "base_table": base_table, "lora_A": lora_A, "lora_B": lora_B}


def reference(x, base_table, lora_A, lora_B):
    # base embedding lookup: gather rows from base_table
    base_embeds = jnp.take(base_table, x, axis=0)
    # LoRA path: gather rows from lora_B, then project up via lora_A
    after_A = jnp.take(lora_B, x, axis=0)
    lora_embeds = jnp.matmul(after_A, lora_A) * SCALING
    return base_embeds + lora_embeds

if __name__ == "__main__":
    import jax
    _d = setup_inputs()
    print(jax.jit(kernel)(*tuple(_d.values())))

</pallas_src>

<mosaic_0001>
#map = affine_map<(d0, d1) -> (0)>
#map1 = affine_map<(d0, d1) -> (0, 0)>
module attributes {stable_mosaic.version = 14 : i64} {
  func.func @_sc_body(%arg0: i32, %arg1: i32, %arg2: memref<204800xi32, #tpu.memory_space<hbm>>, %arg3: memref<8x64xf32, #tpu.memory_space<hbm>>, %arg4: memref<500000x128xf32, #tpu.memory_space<hbm>>, %arg5: memref<62500x128xf32, #tpu.memory_space<hbm>>, %arg6: memref<102400x128xf32, #tpu.memory_space<hbm>>, %arg7: memref<6400xi32, #tpu.memory_space<vmem>>, %arg8: memref<6400xi32, #tpu.memory_space<vmem>>, %arg9: memref<6400xi32, #tpu.memory_space<vmem>>, %arg10: memref<6400xi32, #tpu.memory_space<vmem>>, %arg11: memref<6400xi32, #tpu.memory_space<vmem>>, %arg12: memref<2x128x128xf32, #tpu.memory_space<vmem>>, %arg13: memref<2x128x128xf32, #tpu.memory_space<vmem>>, %arg14: memref<64x128xf32, #tpu.memory_space<vmem>>, %arg15: memref<8x64xf32, #tpu.memory_space<vmem>>, %arg16: memref<2x!tpu.dma_semaphore, #tpu.memory_space<semaphore_mem>>) attributes {dimension_semantics = [#tpu.dimension_semantics<core_parallel>, #tpu.dimension_semantics<subcore_parallel>], iteration_bounds = array<i64: 2, 16>, scalar_prefetch = 0 : i64, scratch_operands = 10 : i64, tpu.core_type = #tpu.core_type<sc_vector_subcore>, window_params = [{transform_indices = #map}, {transform_indices = #map1}, {transform_indices = #map1}, {transform_indices = #map1}, {transform_indices = #map1}]} {
    %mul3A = arith.constant 2 : i32
    %mul3A_0 = arith.muli %arg1, %mul3A : i32
    %add3A = arith.addi %mul3A_0, %arg0 : i32
    %mul3A_1 = arith.constant 6400 : i32
    %mul3A_2 = arith.muli %add3A, %mul3A_1 : i32
    %multiple_of3A = tpu.assume_multiple %mul3A_2, 6400 : i32
    %mul3A_3 = arith.constant 3200 : i32
    %mul3A_4 = arith.muli %add3A, %mul3A_3 : i32
    %multiple_of3A_5 = tpu.assume_multiple %mul3A_4, 3200 : i32
    "tpu.region"() ({
      %run_scoped3A = tpu.sem_alloc : memref<!tpu.dma_semaphore, #tpu.memory_space<semaphore_mem>>
      %dma_start3A_203 = tpu.memref_slice %arg2[%multiple_of3A] : memref<204800xi32, #tpu.memory_space<hbm>> -> memref<6400xi32, #tpu.memory_space<hbm>>
      %dma_start3A_204 = tpu.memref_slice %arg2[%multiple_of3A] : memref<204800xi32, #tpu.memory_space<hbm>> -> memref<6400xi32, #tpu.memory_space<hbm>>
      tpu.enqueue_dma source(%dma_start3A_204 : memref<6400xi32, #tpu.memory_space<hbm>>) target(%arg7 : memref<6400xi32, #tpu.memory_space<vmem>>) target_semaphore(%run_scoped3A : memref<!tpu.dma_semaphore, #tpu.memory_space<semaphore_mem>>)
      %dma_wait3A = tpu.memref_slice %arg2[%multiple_of3A] : memref<204800xi32, #tpu.memory_space<hbm>> -> memref<6400xi32, #tpu.memory_space<hbm>>
      %dma_wait3A_205 = tpu.memref_slice %arg2[%multiple_of3A] : memref<204800xi32, #tpu.memory_space<hbm>> -> memref<6400xi32, #tpu.memory_space<hbm>>
      tpu.wait_dma2 semaphore(%run_scoped3A : memref<!tpu.dma_semaphore, #tpu.memory_space<semaphore_mem>>) src(%dma_wait3A_205 : memref<6400xi32, #tpu.memory_space<hbm>>) dst(%arg7 : memref<6400xi32, #tpu.memory_space<vmem>>)
      tpu.yield
    }) : () -> ()
    "tpu.region"() ({
      %run_scoped3A = tpu.sem_alloc : memref<!tpu.dma_semaphore, #tpu.memory_space<semaphore_mem>>
      tpu.enqueue_dma source(%arg3 : memref<8x64xf32, #tpu.memory_space<hbm>>) target(%arg15 : memref<8x64xf32, #tpu.memory_space<vmem>>) target_semaphore(%run_scoped3A : memref<!tpu.dma_semaphore, #tpu.memory_space<semaphore_mem>>)
      tpu.wait_dma2 semaphore(%run_scoped3A : memref<!tpu.dma_semaphore, #tpu.memory_space<semaphore_mem>>) src(%arg3 : memref<8x64xf32, #tpu.memory_space<hbm>>) dst(%arg15 : memref<8x64xf32, #tpu.memory_space<vmem>>)
      tpu.yield
    }) : () -> ()
    %scan3A = arith.constant 0 : i32
    %scan3A_6 = arith.constant 0 : i32
    %scan3A_7 = arith.constant 400 : i32
    %scan3A_8 = arith.addi %scan3A_6, %scan3A_7 : i32
    %scan3A_9 = arith.constant 1 : i32
    scf.for %scan3A_203 = %scan3A_6 to %scan3A_8 step %scan3A_9  : i32 {
      %mul3A_204 = arith.constant 16 : i32
      %mul3A_205 = arith.muli %scan3A_203, %mul3A_204 : i32
      %get3A_206 = arith.index_cast %mul3A_205 : i32 to index
      %get3A_207 = tpu.vector_load %arg7[%get3A_206] {strides = array<i32>} : memref<6400xi32, #tpu.memory_space<vmem>>, vector<16xi32>,
      %get3A_208 = vector.shape_cast %get3A_207 : vector<16xi32> to vector<16xi32>
      %shift_right_arithmetic3A = arith.constant 1 : i32
      %shift_right_arithmetic3A_209 = vector.broadcast %shift_right_arithmetic3A : i32 to vector<16xi32>
      %shift_right_arithmetic3A_210 = arith.shrsi %get3A_208, %shift_right_arithmetic3A_209 : vector<16xi32>
      %mul3A_211 = arith.constant 16 : i32
      %mul3A_212 = arith.muli %scan3A_203, %mul3A_211 : i32
      %swap3A = arith.index_cast %mul3A_212 : i32 to index
      %swap3A_213 = tpu.vector_load %arg8[%swap3A] {strides = array<i32>} : memref<6400xi32, #tpu.memory_space<vmem>>, vector<16xi32>,
      %swap3A_214 = vector.shape_cast %swap3A_213 : vector<16xi32> to vector<16xi32>
      %swap3A_215 = vector.shape_cast %shift_right_arithmetic3A_210 : vector<16xi32> to vector<16xi32>
      tpu.vector_store %arg8[%swap3A], %swap3A_215 {strides = array<i32>} : memref<6400xi32, #tpu.memory_space<vmem>>, vector<16xi32>,
      %shift_right_arithmetic3A_216 = arith.constant 4 : i32
      %shift_right_arithmetic3A_217 = vector.broadcast %shift_right_arithmetic3A_216 : i32 to vector<16xi32>
      %shift_right_arithmetic3A_218 = arith.shrsi %get3A_208, %shift_right_arithmetic3A_217 : vector<16xi32>
      %mul3A_219 = arith.constant 16 : i32
      %mul3A_220 = arith.muli %scan3A_203, %mul3A_219 : i32
      %swap3A_221 = arith.index_cast %mul3A_220 : i32 to index
      %swap3A_222 = tpu.vector_load %arg9[%swap3A_221] {strides = array<i32>} : memref<6400xi32, #tpu.memory_space<vmem>>, vector<16xi32>,
      %swap3A_223 = vector.shape_cast %swap3A_222 : vector<16xi32> to vector<16xi32>
      %swap3A_224 = vector.shape_cast %shift_right_arithmetic3A_218 : vector<16xi32> to vector<16xi32>
      tpu.vector_store %arg9[%swap3A_221], %swap3A_224 {strides = array<i32>} : memref<6400xi32, #tpu.memory_space<vmem>>, vector<16xi32>,
      %and3A_225 = arith.constant 1 : i32
      %and3A_226 = vector.broadcast %and3A_225 : i32 to vector<16xi32>
      %and3A_227 = arith.andi %get3A_208, %and3A_226 : vector<16xi32>
      %mul3A_228 = arith.constant 64 : i32
      %mul3A_229 = vector.broadcast %mul3A_228 : i32 to vector<16xi32>
      %mul3A_230 = arith.muli %and3A_227, %mul3A_229 : vector<16xi32>
      %mul3A_231 = arith.constant 16 : i32
      %mul3A_232 = arith.muli %scan3A_203, %mul3A_231 : i32
      %swap3A_233 = arith.index_cast %mul3A_232 : i32 to index
      %swap3A_234 = tpu.vector_load %arg10[%swap3A_233] {strides = array<i32>} : memref<6400xi32, #tpu.memory_space<vmem>>, vector<16xi32>,
      %swap3A_235 = vector.shape_cast %swap3A_234 : vector<16xi32> to vector<16xi32>
      %swap3A_236 = vector.shape_cast %mul3A_230 : vector<16xi32> to vector<16xi32>
      tpu.vector_store %arg10[%swap3A_233], %swap3A_236 {strides = array<i32>} : memref<6400xi32, #tpu.memory_space<vmem>>, vector<16xi32>,
      %shift_right_arithmetic3A_237 = arith.constant 1 : i32
      %shift_right_arithmetic3A_238 = vector.broadcast %shift_right_arithmetic3A_237 : i32 to vector<16xi32>
      %shift_right_arithmetic3A_239 = arith.shrsi %get3A_208, %shift_right_arithmetic3A_238 : vector<16xi32>
      %and3A_240 = arith.constant 7 : i32
      %and3A_241 = vector.broadcast %and3A_240 : i32 to vector<16xi32>
      %and3A_242 = arith.andi %shift_right_arithmetic3A_239, %and3A_241 : vector<16xi32>
      %mul3A_243 = arith.constant 16 : i32
      %mul3A_244 = vector.broadcast %mul3A_243 : i32 to vector<16xi32>
      %mul3A_245 = arith.muli %and3A_242, %mul3A_244 : vector<16xi32>
      %mul3A_246 = arith.constant 16 : i32
      %mul3A_247 = arith.muli %scan3A_203, %mul3A_246 : i32
      %swap3A_248 = arith.index_cast %mul3A_247 : i32 to index
      %swap3A_249 = tpu.vector_load %arg11[%swap3A_248] {strides = array<i32>} : memref<6400xi32, #tpu.memory_space<vmem>>, vector<16xi32>,
      %swap3A_250 = vector.shape_cast %swap3A_249 : vector<16xi32> to vector<16xi32>
      %swap3A_251 = vector.shape_cast %mul3A_245 : vector<16xi32> to vector<16xi32>
      tpu.vector_store %arg11[%swap3A_248], %swap3A_251 {strides = array<i32>} : memref<6400xi32, #tpu.memory_space<vmem>>, vector<16xi32>,
    }
    %scan3A_10 = arith.constant 400 : i32
    %get3A = arith.constant 0 : i32
    %get3A_11 = arith.index_cast %get3A : i32 to index
    %get3A_12 = arith.constant 0 : index
    %get3A_13 = tpu.vector_load %arg15[%get3A_11, %get3A_12] {strides = array<i32>} : memref<8x64xf32, #tpu.memory_space<vmem>>, vector<1x16xf32>,
    %get3A_14 = vector.shape_cast %get3A_13 : vector<1x16xf32> to vector<16xf32>
    %get3A_15 = arith.constant 0 : i32
    %get3A_16 = arith.index_cast %get3A_15 : i32 to index
    %get3A_17 = arith.constant 16 : index
    %get3A_18 = tpu.vector_load %arg15[%get3A_16, %get3A_17] {strides = array<i32>} : memref<8x64xf32, #tpu.memory_space<vmem>>, vector<1x16xf32>,
    %get3A_19 = vector.shape_cast %get3A_18 : vector<1x16xf32> to vector<16xf32>
    %get3A_20 = arith.constant 0 : i32
    %get3A_21 = arith.index_cast %get3A_20 : i32 to index
    %get3A_22 = arith.constant 32 : index
    %get3A_23 = tpu.vector_load %arg15[%get3A_21, %get3A_22] {strides = array<i32>} : memref<8x64xf32, #tpu.memory_space<vmem>>, vector<1x16xf32>,
    %get3A_24 = vector.shape_cast %get3A_23 : vector<1x16xf32> to vector<16xf32>
    %get3A_25 = arith.constant 0 : i32
    %get3A_26 = arith.index_cast %get3A_25 : i32 to index
    %get3A_27 = arith.constant 48 : index
    %get3A_28 = tpu.vector_load %arg15[%get3A_26, %get3A_27] {strides = array<i32>} : memref<8x64xf32, #tpu.memory_space<vmem>>, vector<1x16xf32>,
    %get3A_29 = vector.shape_cast %get3A_28 : vector<1x16xf32> to vector<16xf32>
    %get3A_30 = arith.constant 1 : i32
    %get3A_31 = arith.index_cast %get3A_30 : i32 to index
    %get3A_32 = arith.constant 0 : index
    %get3A_33 = tpu.vector_load %arg15[%get3A_31, %get3A_32] {strides = array<i32>} : memref<8x64xf32, #tpu.memory_space<vmem>>, vector<1x16xf32>,
    %get3A_34 = vector.shape_cast %get3A_33 : vector<1x16xf32> to vector<16xf32>
    %get3A_35 = arith.constant 1 : i32
    %get3A_36 = arith.index_cast %get3A_35 : i32 to index
    %get3A_37 = arith.constant 16 : index
    %get3A_38 = tpu.vector_load %arg15[%get3A_36, %get3A_37] {strides = array<i32>} : memref<8x64xf32, #tpu.memory_space<vmem>>, vector<1x16xf32>,
    %get3A_39 = vector.shape_cast %get3A_38 : vector<1x16xf32> to vector<16xf32>
    %get3A_40 = arith.constant 1 : i32
    %get3A_41 = arith.index_cast %get3A_40 : i32 to index
    %get3A_42 = arith.constant 32 : index
    %get3A_43 = tpu.vector_load %arg15[%get3A_41, %get3A_42] {strides = array<i32>} : memref<8x64xf32, #tpu.memory_space<vmem>>, vector<1x16xf32>,
    %get3A_44 = vector.shape_cast %get3A_43 : vector<1x16xf32> to vector<16xf32>
    %get3A_45 = arith.constant 1 : i32
    %get3A_46 = arith.index_cast %get3A_45 : i32 to index
    %get3A_47 = arith.constant 48 : index
    %get3A_48 = tpu.vector_load %arg15[%get3A_46, %get3A_47] {strides = array<i32>} : memref<8x64xf32, #tpu.memory_space<vmem>>, vector<1x16xf32>,
    %get3A_49 = vector.shape_cast %get3A_48 : vector<1x16xf32> to vector<16xf32>
    %get3A_50 = arith.constant 2 : i32
    %get3A_51 = arith.index_cast %get3A_50 : i32 to index
    %get3A_52 = arith.constant 0 : index
    %get3A_53 = tpu.vector_load %arg15[%get3A_51, %get3A_52] {strides = array<i32>} : memref<8x64xf32, #tpu.memory_space<vmem>>, vector<1x16xf32>,
    %get3A_54 = vector.shape_cast %get3A_53 : vector<1x16xf32> to vector<16xf32>
    %get3A_55 = arith.constant 2 : i32
    %get3A_56 = arith.index_cast %get3A_55 : i32 to index
    %get3A_57 = arith.constant 16 : index
    %get3A_58 = tpu.vector_load %arg15[%get3A_56, %get3A_57] {strides = array<i32>} : memref<8x64xf32, #tpu.memory_space<vmem>>, vector<1x16xf32>,
    %get3A_59 = vector.shape_cast %get3A_58 : vector<1x16xf32> to vector<16xf32>
    %get3A_60 = arith.constant 2 : i32
    %get3A_61 = arith.index_cast %get3A_60 : i32 to index
    %get3A_62 = arith.constant 32 : index
    %get3A_63 = tpu.vector_load %arg15[%get3A_61, %get3A_62] {strides = array<i32>} : memref<8x64xf32, #tpu.memory_space<vmem>>, vector<1x16xf32>,
    %get3A_64 = vector.shape_cast %get3A_63 : vector<1x16xf32> to vector<16xf32>
    %get3A_65 = arith.constant 2 : i32
    %get3A_66 = arith.index_cast %get3A_65 : i32 to index
    %get3A_67 = arith.constant 48 : index
    %get3A_68 = tpu.vector_load %arg15[%get3A_66, %get3A_67] {strides = array<i32>} : memref<8x64xf32, #tpu.memory_space<vmem>>, vector<1x16xf32>,
    %get3A_69 = vector.shape_cast %get3A_68 : vector<1x16xf32> to vector<16xf32>
    %get3A_70 = arith.constant 3 : i32
    %get3A_71 = arith.index_cast %get3A_70 : i32 to index
    %get3A_72 = arith.constant 0 : index
    %get3A_73 = tpu.vector_load %arg15[%get3A_71, %get3A_72] {strides = array<i32>} : memref<8x64xf32, #tpu.memory_space<vmem>>, vector<1x16xf32>,
    %get3A_74 = vector.shape_cast %get3A_73 : vector<1x16xf32> to vector<16xf32>
    %get3A_75 = arith.constant 3 : i32
    %get3A_76 = arith.index_cast %get3A_75 : i32 to index
    %get3A_77 = arith.constant 16 : index
    %get3A_78 = tpu.vector_load %arg15[%get3A_76, %get3A_77] {strides = array<i32>} : memref<8x64xf32, #tpu.memory_space<vmem>>, vector<1x16xf32>,
    %get3A_79 = vector.shape_cast %get3A_78 : vector<1x16xf32> to vector<16xf32>
    %get3A_80 = arith.constant 3 : i32
    %get3A_81 = arith.index_cast %get3A_80 : i32 to index
    %get3A_82 = arith.constant 32 : index
    %get3A_83 = tpu.vector_load %arg15[%get3A_81, %get3A_82] {strides = array<i32>} : memref<8x64xf32, #tpu.memory_space<vmem>>, vector<1x16xf32>,
    %get3A_84 = vector.shape_cast %get3A_83 : vector<1x16xf32> to vector<16xf32>
    %get3A_85 = arith.constant 3 : i32
    %get3A_86 = arith.index_cast %get3A_85 : i32 to index
    %get3A_87 = arith.constant 48 : index
    %get3A_88 = tpu.vector_load %arg15[%get3A_86, %get3A_87] {strides = array<i32>} : memref<8x64xf32, #tpu.memory_space<vmem>>, vector<1x16xf32>,
    %get3A_89 = vector.shape_cast %get3A_88 : vector<1x16xf32> to vector<16xf32>
    %get3A_90 = arith.constant 4 : i32
    %get3A_91 = arith.index_cast %get3A_90 : i32 to index
    %get3A_92 = arith.constant 0 : index
    %get3A_93 = tpu.vector_load %arg15[%get3A_91, %get3A_92] {strides = array<i32>} : memref<8x64xf32, #tpu.memory_space<vmem>>, vector<1x16xf32>,
    %get3A_94 = vector.shape_cast %get3A_93 : vector<1x16xf32> to vector<16xf32>
    %get3A_95 = arith.constant 4 : i32
    %get3A_96 = arith.index_cast %get3A_95 : i32 to index
    %get3A_97 = arith.constant 16 : index
    %get3A_98 = tpu.vector_load %arg15[%get3A_96, %get3A_97] {strides = array<i32>} : memref<8x64xf32, #tpu.memory_space<vmem>>, vector<1x16xf32>,
    %get3A_99 = vector.shape_cast %get3A_98 : vector<1x16xf32> to vector<16xf32>
    %get3A_100 = arith.constant 4 : i32
    %get3A_101 = arith.index_cast %get3A_100 : i32 to index
    %get3A_102 = arith.constant 32 : index
    %get3A_103 = tpu.vector_load %arg15[%get3A_101, %get3A_102] {strides = array<i32>} : memref<8x64xf32, #tpu.memory_space<vmem>>, vector<1x16xf32>,
    %get3A_104 = vector.shape_cast %get3A_103 : vector<1x16xf32> to vector<16xf32>
    %get3A_105 = arith.constant 4 : i32
    %get3A_106 = arith.index_cast %get3A_105 : i32 to index
    %get3A_107 = arith.constant 48 : index
    %get3A_108 = tpu.vector_load %arg15[%get3A_106, %get3A_107] {strides = array<i32>} : memref<8x64xf32, #tpu.memory_space<vmem>>, vector<1x16xf32>,
    %get3A_109 = vector.shape_cast %get3A_108 : vector<1x16xf32> to vector<16xf32>
    %get3A_110 = arith.constant 5 : i32
    %get3A_111 = arith.index_cast %get3A_110 : i32 to index
    %get3A_112 = arith.constant 0 : index
    %get3A_113 = tpu.vector_load %arg15[%get3A_111, %get3A_112] {strides = array<i32>} : memref<8x64xf32, #tpu.memory_space<vmem>>, vector<1x16xf32>,
    %get3A_114 = vector.shape_cast %get3A_113 : vector<1x16xf32> to vector<16xf32>
    %get3A_115 = arith.constant 5 : i32
    %get3A_116 = arith.index_cast %get3A_115 : i32 to index
    %get3A_117 = arith.constant 16 : index
    %get3A_118 = tpu.vector_load %arg15[%get3A_116, %get3A_117] {strides = array<i32>} : memref<8x64xf32, #tpu.memory_space<vmem>>, vector<1x16xf32>,
    %get3A_119 = vector.shape_cast %get3A_118 : vector<1x16xf32> to vector<16xf32>
    %get3A_120 = arith.constant 5 : i32
    %get3A_121 = arith.index_cast %get3A_120 : i32 to index
    %get3A_122 = arith.constant 32 : index
    %get3A_123 = tpu.vector_load %arg15[%get3A_121, %get3A_122] {strides = array<i32>} : memref<8x64xf32, #tpu.memory_space<vmem>>, vector<1x16xf32>,
    %get3A_124 = vector.shape_cast %get3A_123 : vector<1x16xf32> to vector<16xf32>
    %get3A_125 = arith.constant 5 : i32
    %get3A_126 = arith.index_cast %get3A_125 : i32 to index
    %get3A_127 = arith.constant 48 : index
    %get3A_128 = tpu.vector_load %arg15[%get3A_126, %get3A_127] {strides = array<i32>} : memref<8x64xf32, #tpu.memory_space<vmem>>, vector<1x16xf32>,
    %get3A_129 = vector.shape_cast %get3A_128 : vector<1x16xf32> to vector<16xf32>
    %get3A_130 = arith.constant 6 : i32
    %get3A_131 = arith.index_cast %get3A_130 : i32 to index
    %get3A_132 = arith.constant 0 : index
    %get3A_133 = tpu.vector_load %arg15[%get3A_131, %get3A_132] {strides = array<i32>} : memref<8x64xf32, #tpu.memory_space<vmem>>, vector<1x16xf32>,
    %get3A_134 = vector.shape_cast %get3A_133 : vector<1x16xf32> to vector<16xf32>
    %get3A_135 = arith.constant 6 : i32
    %get3A_136 = arith.index_cast %get3A_135 : i32 to index
    %get3A_137 = arith.constant 16 : index
    %get3A_138 = tpu.vector_load %arg15[%get3A_136, %get3A_137] {strides = array<i32>} : memref<8x64xf32, #tpu.memory_space<vmem>>, vector<1x16xf32>,
    %get3A_139 = vector.shape_cast %get3A_138 : vector<1x16xf32> to vector<16xf32>
    %get3A_140 = arith.constant 6 : i32
    %get3A_141 = arith.index_cast %get3A_140 : i32 to index
    %get3A_142 = arith.constant 32 : index
    %get3A_143 = tpu.vector_load %arg15[%get3A_141, %get3A_142] {strides = array<i32>} : memref<8x64xf32, #tpu.memory_space<vmem>>, vector<1x16xf32>,
    %get3A_144 = vector.shape_cast %get3A_143 : vector<1x16xf32> to vector<16xf32>
    %get3A_145 = arith.constant 6 : i32
    %get3A_146 = arith.index_cast %get3A_145 : i32 to index
    %get3A_147 = arith.constant 48 : index
    %get3A_148 = tpu.vector_load %arg15[%get3A_146, %get3A_147] {strides = array<i32>} : memref<8x64xf32, #tpu.memory_space<vmem>>, vector<1x16xf32>,
    %get3A_149 = vector.shape_cast %get3A_148 : vector<1x16xf32> to vector<16xf32>
    %get3A_150 = arith.constant 7 : i32
    %get3A_151 = arith.index_cast %get3A_150 : i32 to index
    %get3A_152 = arith.constant 0 : index
    %get3A_153 = tpu.vector_load %arg15[%get3A_151, %get3A_152] {strides = array<i32>} : memref<8x64xf32, #tpu.memory_space<vmem>>, vector<1x16xf32>,
    %get3A_154 = vector.shape_cast %get3A_153 : vector<1x16xf32> to vector<16xf32>
    %get3A_155 = arith.constant 7 : i32
    %get3A_156 = arith.index_cast %get3A_155 : i32 to index
    %get3A_157 = arith.constant 16 : index
    %get3A_158 = tpu.vector_load %arg15[%get3A_156, %get3A_157] {strides = array<i32>} : memref<8x64xf32, #tpu.memory_space<vmem>>, vector<1x16xf32>,
    %get3A_159 = vector.shape_cast %get3A_158 : vector<1x16xf32> to vector<16xf32>
    %get3A_160 = arith.constant 7 : i32
    %get3A_161 = arith.index_cast %get3A_160 : i32 to index
    %get3A_162 = arith.constant 32 : index
    %get3A_163 = tpu.vector_load %arg15[%get3A_161, %get3A_162] {strides = array<i32>} : memref<8x64xf32, #tpu.memory_space<vmem>>, vector<1x16xf32>,
    %get3A_164 = vector.shape_cast %get3A_163 : vector<1x16xf32> to vector<16xf32>
    %get3A_165 = arith.constant 7 : i32
    %get3A_166 = arith.index_cast %get3A_165 : i32 to index
    %get3A_167 = arith.constant 48 : index
    %get3A_168 = tpu.vector_load %arg15[%get3A_166, %get3A_167] {strides = array<i32>} : memref<8x64xf32, #tpu.memory_space<vmem>>, vector<1x16xf32>,
    %get3A_169 = vector.shape_cast %get3A_168 : vector<1x16xf32> to vector<16xf32>
    %iota3A = tpu.iota {dimensions = array<i32: 0>} : vector<16xi32>
    %and3A = arith.constant 7 : i32
    %and3A_170 = vector.broadcast %and3A : i32 to vector<16xi32>
    %and3A_171 = arith.andi %iota3A, %and3A_170 : vector<16xi32>
    %multiple_of3A_172 = arith.constant 0 : i32
    %multiple_of3A_173 = tpu.assume_multiple %multiple_of3A_172, 128 : i32
    %dma_start3A = arith.constant 0 : i32
    %dma_start3A_174 = arith.constant 0 : i32
    %dma_start3A_175 = arith.constant 0 : i32
    %dma_start3A_176 = arith.constant 0 : i32
    %dma_start3A_177 = tpu.memref_slice %arg12[%dma_start3A, %dma_start3A_175, %dma_start3A_176] : memref<2x128x128xf32, #tpu.memory_space<vmem>> -> memref<1x128x128xf32, #tpu.memory_space<vmem>>
    %dma_start3A_178 = tpu.memref_squeeze %dma_start3A_177 : memref<1x128x128xf32, #tpu.memory_space<vmem>> -> memref<128x128xf32, #tpu.memory_space<vmem>>
    %dma_start3A_179 = tpu.memref_slice %arg8[%multiple_of3A_173] : memref<6400xi32, #tpu.memory_space<vmem>> -> memref<128xi32, #tpu.memory_space<vmem>>
    %dma_start3A_180 = arith.constant 0 : i32
    %dma_start3A_181 = arith.constant 0 : i32
    %dma_start3A_182 = tpu.memref_slice %arg4[%dma_start3A_180, %dma_start3A_181] : memref<500000x128xf32, #tpu.memory_space<hbm>> -> memref<500000x128xf32, #tpu.memory_space<hbm>>
    %dma_start3A_183 = tpu.memref_slice %arg16[%dma_start3A_174] : memref<2x!tpu.dma_semaphore, #tpu.memory_space<semaphore_mem>> -> memref<1x!tpu.dma_semaphore, #tpu.memory_space<semaphore_mem>>
    %dma_start3A_184 = tpu.memref_squeeze %dma_start3A_183 : memref<1x!tpu.dma_semaphore, #tpu.memory_space<semaphore_mem>> -> memref<!tpu.dma_semaphore, #tpu.memory_space<semaphore_mem>>
    tpu.enqueue_indirect_dma source(%dma_start3A_182 : memref<500000x128xf32, #tpu.memory_space<hbm>>) target(%dma_start3A_178 : memref<128x128xf32, #tpu.memory_space<vmem>>) offsets(%dma_start3A_179 : memref<128xi32, #tpu.memory_space<vmem>>) semaphore(%dma_start3A_184 : memref<!tpu.dma_semaphore, #tpu.memory_space<semaphore_mem>>)
    %dma_start3A_185 = arith.constant 0 : i32
    %dma_start3A_186 = arith.constant 0 : i32
    %dma_start3A_187 = arith.constant 0 : i32
    %dma_start3A_188 = arith.constant 0 : i32
    %dma_start3A_189 = tpu.memref_slice %arg13[%dma_start3A_185, %dma_start3A_187, %dma_start3A_188] : memref<2x128x128xf32, #tpu.memory_space<vmem>> -> memref<1x128x128xf32, #tpu.memory_space<vmem>>
    %dma_start3A_190 = tpu.memref_squeeze %dma_start3A_189 : memref<1x128x128xf32, #tpu.memory_space<vmem>> -> memref<128x128xf32, #tpu.memory_space<vmem>>
    %dma_start3A_191 = tpu.memref_slice %arg9[%multiple_of3A_173] : memref<6400xi32, #tpu.memory_space<vmem>> -> memref<128xi32, #tpu.memory_space<vmem>>
    %dma_start3A_192 = arith.constant 0 : i32
    %dma_start3A_193 = arith.constant 0 : i32
    %dma_start3A_194 = tpu.memref_slice %arg5[%dma_start3A_192, %dma_start3A_193] : memref<62500x128xf32, #tpu.memory_space<hbm>> -> memref<62500x128xf32, #tpu.memory_space<hbm>>
    %dma_start3A_195 = tpu.memref_slice %arg16[%dma_start3A_186] : memref<2x!tpu.dma_semaphore, #tpu.memory_space<semaphore_mem>> -> memref<1x!tpu.dma_semaphore, #tpu.memory_space<semaphore_mem>>
    %dma_start3A_196 = tpu.memref_squeeze %dma_start3A_195 : memref<1x!tpu.dma_semaphore, #tpu.memory_space<semaphore_mem>> -> memref<!tpu.dma_semaphore, #tpu.memory_space<semaphore_mem>>
    tpu.enqueue_indirect_dma source(%dma_start3A_194 : memref<62500x128xf32, #tpu.memory_space<hbm>>) target(%dma_start3A_190 : memref<128x128xf32, #tpu.memory_space<vmem>>) offsets(%dma_start3A_191 : memref<128xi32, #tpu.memory_space<vmem>>) semaphore(%dma_start3A_196 : memref<!tpu.dma_semaphore, #tpu.memory_space<semaphore_mem>>)
    %scan3A_197 = arith.constant 0 : i32
    %scan3A_198 = arith.constant 0 : i32
    %scan3A_199 = arith.constant 50 : i32
    %scan3A_200 = arith.addi %scan3A_198, %scan3A_199 : i32
    %scan3A_201 = arith.constant 1 : i32
    scf.for %scan3A_203 = %scan3A_198 to %scan3A_200 step %scan3A_201  : i32 {
      %and3A_204 = arith.constant 1 : i32
      %and3A_205 = arith.andi %scan3A_203, %and3A_204 : i32
      %mul3A_206 = arith.constant 128 : i32
      %mul3A_207 = arith.muli %scan3A_203, %mul3A_206 : i32
      %multiple_of3A_208 = tpu.assume_multiple %mul3A_207, 128 : i32
      %add3A_209 = arith.constant 1 : i32
      %add3A_210 = arith.addi %scan3A_203, %add3A_209 : i32
      %lt3A = arith.constant 50 : i32
      %lt3A_211 = arith.cmpi slt, %add3A_210, %lt3A : i32
      %convert_element_type3A = arith.extui %lt3A_211 : i1 to i32
      %cond3A = arith.constant 0 : i32
      %cond3A_212 = arith.cmpi ne, %convert_element_type3A, %cond3A : i32
      scf.if %cond3A_212 {
        %add3A_245 = arith.constant 1 : i32
        %add3A_246 = arith.addi %scan3A_203, %add3A_245 : i32
        %add3A_247 = arith.constant 1 : i32
        %add3A_248 = arith.addi %scan3A_203, %add3A_247 : i32
        %and3A_249 = arith.constant 1 : i32
        %and3A_250 = arith.andi %add3A_248, %and3A_249 : i32
        %mul3A_251 = arith.constant 128 : i32
        %mul3A_252 = arith.muli %add3A_246, %mul3A_251 : i32
        %multiple_of3A_253 = tpu.assume_multiple %mul3A_252, 128 : i32
        %dma_start3A_254 = arith.constant 0 : i32
        %dma_start3A_255 = arith.constant 0 : i32
        %dma_start3A_256 = tpu.memref_slice %arg12[%and3A_250, %dma_start3A_254, %dma_start3A_255] : memref<2x128x128xf32, #tpu.memory_space<vmem>> -> memref<1x128x128xf32, #tpu.memory_space<vmem>>
        %dma_start3A_257 = tpu.memref_squeeze %dma_start3A_256 : memref<1x128x128xf32, #tpu.memory_space<vmem>> -> memref<128x128xf32, #tpu.memory_space<vmem>>
        %dma_start3A_258 = tpu.memref_slice %arg8[%multiple_of3A_253] : memref<6400xi32, #tpu.memory_space<vmem>> -> memref<128xi32, #tpu.memory_space<vmem>>
        %dma_start3A_259 = arith.constant 0 : i32
        %dma_start3A_260 = arith.constant 0 : i32
        %dma_start3A_261 = tpu.memref_slice %arg4[%dma_start3A_259, %dma_start3A_260] : memref<500000x128xf32, #tpu.memory_space<hbm>> -> memref<500000x128xf32, #tpu.memory_space<hbm>>
        %dma_start3A_262 = tpu.memref_slice %arg16[%and3A_250] : memref<2x!tpu.dma_semaphore, #tpu.memory_space<semaphore_mem>> -> memref<1x!tpu.dma_semaphore, #tpu.memory_space<semaphore_mem>>
        %dma_start3A_263 = tpu.memref_squeeze %dma_start3A_262 : memref<1x!tpu.dma_semaphore, #tpu.memory_space<semaphore_mem>> -> memref<!tpu.dma_semaphore, #tpu.memory_space<semaphore_mem>>
        tpu.enqueue_indirect_dma source(%dma_start3A_261 : memref<500000x128xf32, #tpu.memory_space<hbm>>) target(%dma_start3A_257 : memref<128x128xf32, #tpu.memory_space<vmem>>) offsets(%dma_start3A_258 : memref<128xi32, #tpu.memory_space<vmem>>) semaphore(%dma_start3A_263 : memref<!tpu.dma_semaphore, #tpu.memory_space<semaphore_mem>>)
        %dma_start3A_264 = arith.constant 0 : i32
        %dma_start3A_265 = arith.constant 0 : i32
        %dma_start3A_266 = tpu.memref_slice %arg13[%and3A_250, %dma_start3A_264, %dma_start3A_265] : memref<2x128x128xf32, #tpu.memory_space<vmem>> -> memref<1x128x128xf32, #tpu.memory_space<vmem>>
        %dma_start3A_267 = tpu.memref_squeeze %dma_start3A_266 : memref<1x128x128xf32, #tpu.memory_space<vmem>> -> memref<128x128xf32, #tpu.memory_space<vmem>>
        %dma_start3A_268 = tpu.memref_slice %arg9[%multiple_of3A_253] : memref<6400xi32, #tpu.memory_space<vmem>> -> memref<128xi32, #tpu.memory_space<vmem>>
        %dma_start3A_269 = arith.constant 0 : i32
        %dma_start3A_270 = arith.constant 0 : i32
        %dma_start3A_271 = tpu.memref_slice %arg5[%dma_start3A_269, %dma_start3A_270] : memref<62500x128xf32, #tpu.memory_space<hbm>> -> memref<62500x128xf32, #tpu.memory_space<hbm>>
        %dma_start3A_272 = tpu.memref_slice %arg16[%and3A_250] : memref<2x!tpu.dma_semaphore, #tpu.memory_space<semaphore_mem>> -> memref<1x!tpu.dma_semaphore, #tpu.memory_space<semaphore_mem>>
        %dma_start3A_273 = tpu.memref_squeeze %dma_start3A_272 : memref<1x!tpu.dma_semaphore, #tpu.memory_space<semaphore_mem>> -> memref<!tpu.dma_semaphore, #tpu.memory_space<semaphore_mem>>
        tpu.enqueue_indirect_dma source(%dma_start3A_271 : memref<62500x128xf32, #tpu.memory_space<hbm>>) target(%dma_start3A_267 : memref<128x128xf32, #tpu.memory_space<vmem>>) offsets(%dma_start3A_268 : memref<128xi32, #tpu.memory_space<vmem>>) semaphore(%dma_start3A_273 : memref<!tpu.dma_semaphore, #tpu.memory_space<semaphore_mem>>)
      } else {
      }
      %mul3A_213 = arith.constant 128 : i32
      %mul3A_214 = arith.muli %scan3A_203, %mul3A_213 : i32
      %multiple_of3A_215 = tpu.assume_multiple %mul3A_214, 128 : i32
      %dma_wait3A = arith.constant 0 : i32
      %dma_wait3A_216 = arith.constant 0 : i32
      %dma_wait3A_217 = tpu.memref_slice %arg12[%and3A_205, %dma_wait3A, %dma_wait3A_216] : memref<2x128x128xf32, #tpu.memory_space<vmem>> -> memref<1x128x128xf32, #tpu.memory_space<vmem>>
      %dma_wait3A_218 = tpu.memref_squeeze %dma_wait3A_217 : memref<1x128x128xf32, #tpu.memory_space<vmem>> -> memref<128x128xf32, #tpu.memory_space<vmem>>
      %dma_wait3A_219 = tpu.memref_slice %arg8[%multiple_of3A_215] : memref<6400xi32, #tpu.memory_space<vmem>> -> memref<128xi32, #tpu.memory_space<vmem>>
      %dma_wait3A_220 = arith.constant 0 : i32
      %dma_wait3A_221 = arith.constant 0 : i32
      %dma_wait3A_222 = tpu.memref_slice %arg4[%dma_wait3A_220, %dma_wait3A_221] : memref<500000x128xf32, #tpu.memory_space<hbm>> -> memref<500000x128xf32, #tpu.memory_space<hbm>>
      %dma_wait3A_223 = tpu.memref_slice %arg16[%and3A_205] : memref<2x!tpu.dma_semaphore, #tpu.memory_space<semaphore_mem>> -> memref<1x!tpu.dma_semaphore, #tpu.memory_space<semaphore_mem>>
      %dma_wait3A_224 = tpu.memref_squeeze %dma_wait3A_223 : memref<1x!tpu.dma_semaphore, #tpu.memory_space<semaphore_mem>> -> memref<!tpu.dma_semaphore, #tpu.memory_space<semaphore_mem>>
      tpu.wait_indirect_dma semaphore(%dma_wait3A_224 : memref<!tpu.dma_semaphore, #tpu.memory_space<semaphore_mem>>) src(%dma_wait3A_222 : memref<500000x128xf32, #tpu.memory_space<hbm>>) dst(%dma_wait3A_218 : memref<128x128xf32, #tpu.memory_space<vmem>>)
      %dma_wait3A_225 = arith.constant 0 : i32
      %dma_wait3A_226 = arith.constant 0 : i32
      %dma_wait3A_227 = tpu.memref_slice %arg13[%and3A_205, %dma_wait3A_225, %dma_wait3A_226] : memref<2x128x128xf32, #tpu.memory_space<vmem>> -> memref<1x128x128xf32, #tpu.memory_space<vmem>>
      %dma_wait3A_228 = tpu.memref_squeeze %dma_wait3A_227 : memref<1x128x128xf32, #tpu.memory_space<vmem>> -> memref<128x128xf32, #tpu.memory_space<vmem>>
      %dma_wait3A_229 = tpu.memref_slice %arg9[%multiple_of3A_215] : memref<6400xi32, #tpu.memory_space<vmem>> -> memref<128xi32, #tpu.memory_space<vmem>>
      %dma_wait3A_230 = arith.constant 0 : i32
      %dma_wait3A_231 = arith.constant 0 : i32
      %dma_wait3A_232 = tpu.memref_slice %arg5[%dma_wait3A_230, %dma_wait3A_231] : memref<62500x128xf32, #tpu.memory_space<hbm>> -> memref<62500x128xf32, #tpu.memory_space<hbm>>
      %dma_wait3A_233 = tpu.memref_slice %arg16[%and3A_205] : memref<2x!tpu.dma_semaphore, #tpu.memory_space<semaphore_mem>> -> memref<1x!tpu.dma_semaphore, #tpu.memory_space<semaphore_mem>>
      %dma_wait3A_234 = tpu.memref_squeeze %dma_wait3A_233 : memref<1x!tpu.dma_semaphore, #tpu.memory_space<semaphore_mem>> -> memref<!tpu.dma_semaphore, #tpu.memory_space<semaphore_mem>>
      tpu.wait_indirect_dma semaphore(%dma_wait3A_234 : memref<!tpu.dma_semaphore, #tpu.memory_space<semaphore_mem>>) src(%dma_wait3A_232 : memref<62500x128xf32, #tpu.memory_space<hbm>>) dst(%dma_wait3A_228 : memref<128x128xf32, #tpu.memory_space<vmem>>)
      %scan3A_235 = arith.constant 0 : i32
      %scan3A_236 = arith.constant 0 : i32
      %scan3A_237 = arith.constant 8 : i32
      %scan3A_238 = arith.addi %scan3A_236, %scan3A_237 : i32
      %scan3A_239 = arith.constant 1 : i32
      scf.for %scan3A_245 = %scan3A_236 to %scan3A_238 step %scan3A_239  : i32 {
        %mul3A_246 = arith.constant 16 : i32
        %mul3A_247 = arith.muli %scan3A_245, %mul3A_246 : i32
        %add3A_248 = arith.addi %multiple_of3A_208, %mul3A_247 : i32
        %get3A_249 = arith.index_cast %add3A_248 : i32 to index
        %get3A_250 = tpu.vector_load %arg10[%get3A_249] {strides = array<i32>} : memref<6400xi32, #tpu.memory_space<vmem>>, vector<16xi32>,
        %get3A_251 = vector.shape_cast %get3A_250 : vector<16xi32> to vector<16xi32>
        %mul3A_252 = arith.constant 16 : i32
        %mul3A_253 = arith.muli %scan3A_245, %mul3A_252 : i32
        %add3A_254 = arith.addi %multiple_of3A_208, %mul3A_253 : i32
        %get3A_255 = arith.index_cast %add3A_254 : i32 to index
        %get3A_256 = tpu.vector_load %arg11[%get3A_255] {strides = array<i32>} : memref<6400xi32, #tpu.memory_space<vmem>>, vector<16xi32>,
        %get3A_257 = vector.shape_cast %get3A_256 : vector<16xi32> to vector<16xi32>
        %mul3A_258 = arith.constant 16 : i32
        %mul3A_259 = arith.muli %scan3A_245, %mul3A_258 : i32
        %add3A_260 = arith.constant 0 : i32
        %add3A_261 = arith.addi %mul3A_259, %add3A_260 : i32
        %slice3A = vector.extract_strided_slice %get3A_251 {offsets = [0], sizes = [1], strides = [1]} : vector<16xi32> to vector<1xi32>
        %squeeze3A = vector.extract %slice3A[0] : i32 from vector<1xi32>
        %slice3A_262 = vector.extract_strided_slice %get3A_257 {offsets = [0], sizes = [1], strides = [1]} : vector<16xi32> to vector<1xi32>
        %squeeze3A_263 = vector.extract %slice3A_262[0] : i32 from vector<1xi32>
        %get3A_264 = arith.index_cast %and3A_205 : i32 to index
        %get3A_265 = arith.index_cast %add3A_261 : i32 to index
        %get3A_266 = arith.index_cast %squeeze3A_263 : i32 to index
        %get3A_267 = tpu.vector_load %arg13[%get3A_264, %get3A_265, %get3A_266] {strides = array<i32>} : memref<2x128x128xf32, #tpu.memory_space<vmem>>, vector<1x1x16xf32>,
        %get3A_268 = vector.shape_cast %get3A_267 : vector<1x1x16xf32> to vector<16xf32>
        %shift_right_arithmetic3A = arith.constant 3 : i32
        %shift_right_arithmetic3A_269 = arith.shrsi %squeeze3A, %shift_right_arithmetic3A : i32
        %add3A_270 = vector.broadcast %shift_right_arithmetic3A_269 : i32 to vector<16xi32>
        %add3A_271 = arith.addi %and3A_171, %add3A_270 : vector<16xi32>
        %lt3A_272 = arith.constant 0 : i32
        %lt3A_273 = vector.broadcast %lt3A_272 : i32 to vector<16xi32>
        %lt3A_274 = arith.cmpi slt, %add3A_271, %lt3A_273 : vector<16xi32>
        %add3A_275 = arith.constant 16 : i32
        %add3A_276 = vector.broadcast %add3A_275 : i32 to vector<16xi32>
        %add3A_277 = arith.addi %add3A_271, %add3A_276 : vector<16xi32>
        %select_n3A = arith.select %lt3A_274, %add3A_277, %add3A_271 : vector<16xi1>, vector<16xi32>
        %broadcast_in_dim3A = vector.shape_cast %select_n3A : vector<16xi32> to vector<16x1xi32>
        %gather3A = vector.shape_cast %broadcast_in_dim3A : vector<16x1xi32> to vector<16xi32>
        %gather3A_278 = tpu.dynamic_gather %get3A_268[%gather3A] in [0] : vector<16xf32>, vector<16xi32> -> vector<16xf32>
        %add3A_279 = arith.constant 0 : i32
        %add3A_280 = arith.addi %squeeze3A, %add3A_279 : i32
        %get3A_281 = arith.index_cast %and3A_205 : i32 to index
        %get3A_282 = arith.index_cast %add3A_261 : i32 to index
        %get3A_283 = arith.index_cast %add3A_280 : i32 to index
        %get3A_284 = tpu.vector_load %arg12[%get3A_281, %get3A_282, %get3A_283] {strides = array<i32>} : memref<2x128x128xf32, #tpu.memory_space<vmem>>, vector<1x1x16xf32>,
        %get3A_285 = vector.shape_cast %get3A_284 : vector<1x1x16xf32> to vector<16xf32>
        %slice3A_286 = vector.extract_strided_slice %gather3A_278 {offsets = [0], sizes = [1], strides = [1]} : vector<16xf32> to vector<1xf32>
        %squeeze3A_287 = vector.extract %slice3A_286[0] : f32 from vector<1xf32>
        %mul3A_288 = vector.broadcast %squeeze3A_287 : f32 to vector<16xf32>
        %mul3A_289 = arith.mulf %mul3A_288, %get3A_14 : vector<16xf32>
        %add3A_290 = arith.addf %get3A_285, %mul3A_289 : vector<16xf32>
        %slice3A_291 = vector.extract_strided_slice %gather3A_278 {offsets = [1], sizes = [1], strides = [1]} : vector<16xf32> to vector<1xf32>
        %squeeze3A_292 = vector.extract %slice3A_291[0] : f32 from vector<1xf32>
        %mul3A_293 = vector.broadcast %squeeze3A_292 : f32 to vector<16xf32>
        %mul3A_294 = arith.mulf %mul3A_293, %get3A_34 : vector<16xf32>
        %add3A_295 = arith.addf %add3A_290, %mul3A_294 : vector<16xf32>
        %slice3A_296 = vector.extract_strided_slice %gather3A_278 {offsets = [2], sizes = [1], strides = [1]} : vector<16xf32> to vector<1xf32>
        %squeeze3A_297 = vector.extract %slice3A_296[0] : f32 from vector<1xf32>
        %mul3A_298 = vector.broadcast %squeeze3A_297 : f32 to vector<16xf32>
        %mul3A_299 = arith.mulf %mul3A_298, %get3A_54 : vector<16xf32>
        %add3A_300 = arith.addf %add3A_295, %mul3A_299 : vector<16xf32>
        %slice3A_301 = vector.extract_strided_slice %gather3A_278 {offsets = [3], sizes = [1], strides = [1]} : vector<16xf32> to vector<1xf32>
        %squeeze3A_302 = vector.extract %slice3A_301[0] : f32 from vector<1xf32>
        %mul3A_303 = vector.broadcast %squeeze3A_302 : f32 to vector<16xf32>
        %mul3A_304 = arith.mulf %mul3A_303, %get3A_74 : vector<16xf32>
        %add3A_305 = arith.addf %add3A_300, %mul3A_304 : vector<16xf32>
        %slice3A_306 = vector.extract_strided_slice %gather3A_278 {offsets = [4], sizes = [1], strides = [1]} : vector<16xf32> to vector<1xf32>
        %squeeze3A_307 = vector.extract %slice3A_306[0] : f32 from vector<1xf32>
        %mul3A_308 = vector.broadcast %squeeze3A_307 : f32 to vector<16xf32>
        %mul3A_309 = arith.mulf %mul3A_308, %get3A_94 : vector<16xf32>
        %add3A_310 = arith.addf %add3A_305, %mul3A_309 : vector<16xf32>
        %slice3A_311 = vector.extract_strided_slice %gather3A_278 {offsets = [5], sizes = [1], strides = [1]} : vector<16xf32> to vector<1xf32>
        %squeeze3A_312 = vector.extract %slice3A_311[0] : f32 from vector<1xf32>
        %mul3A_313 = vector.broadcast %squeeze3A_312 : f32 to vector<16xf32>
        %mul3A_314 = arith.mulf %mul3A_313, %get3A_114 : vector<16xf32>
        %add3A_315 = arith.addf %add3A_310, %mul3A_314 : vector<16xf32>
        %slice3A_316 = vector.extract_strided_slice %gather3A_278 {offsets = [6], sizes = [1], strides = [1]} : vector<16xf32> to vector<1xf32>
        %squeeze3A_317 = vector.extract %slice3A_316[0] : f32 from vector<1xf32>
        %mul3A_318 = vector.broadcast %squeeze3A_317 : f32 to vector<16xf32>
        %mul3A_319 = arith.mulf %mul3A_318, %get3A_134 : vector<16xf32>
        %add3A_320 = arith.addf %add3A_315, %mul3A_319 : vector<16xf32>
        %slice3A_321 = vector.extract_strided_slice %gather3A_278 {offsets = [7], sizes = [1], strides = [1]} : vector<16xf32> to vector<1xf32>
        %squeeze3A_322 = vector.extract %slice3A_321[0] : f32 from vector<1xf32>
        %mul3A_323 = vector.broadcast %squeeze3A_322 : f32 to vector<16xf32>
        %mul3A_324 = arith.mulf %mul3A_323, %get3A_154 : vector<16xf32>
        %add3A_325 = arith.addf %add3A_320, %mul3A_324 : vector<16xf32>
        %mul3A_326 = arith.constant 8 : i32
        %mul3A_327 = arith.muli %scan3A_245, %mul3A_326 : i32
        %add3A_328 = arith.constant 0 : i32
        %add3A_329 = arith.addi %mul3A_327, %add3A_328 : i32
        %swap3A = arith.index_cast %add3A_329 : i32 to index
        %swap3A_330 = arith.constant 0 : index
        %swap3A_331 = tpu.vector_load %arg14[%swap3A, %swap3A_330] {strides = array<i32>} : memref<64x128xf32, #tpu.memory_space<vmem>>, vector<1x16xf32>,
        %swap3A_332 = vector.shape_cast %swap3A_331 : vector<1x16xf32> to vector<16xf32>
        %swap3A_333 = vector.shape_cast %add3A_325 : vector<16xf32> to vector<1x16xf32>
        tpu.vector_store %arg14[%swap3A, %swap3A_330], %swap3A_333 {strides = array<i32>} : memref<64x128xf32, #tpu.memory_space<vmem>>, vector<1x16xf32>,
        %add3A_334 = arith.constant 16 : i32
        %add3A_335 = arith.addi %squeeze3A, %add3A_334 : i32
        %get3A_336 = arith.index_cast %and3A_205 : i32 to index
        %get3A_337 = arith.index_cast %add3A_261 : i32 to index
        %get3A_338 = arith.index_cast %add3A_335 : i32 to index
        %get3A_339 = tpu.vector_load %arg12[%get3A_336, %get3A_337, %get3A_338] {strides = array<i32>} : memref<2x128x128xf32, #tpu.memory_space<vmem>>, vector<1x1x16xf32>,
        %get3A_340 = vector.shape_cast %get3A_339 : vector<1x1x16xf32> to vector<16xf32>
        %slice3A_341 = vector.extract_strided_slice %gather3A_278 {offsets = [0], sizes = [1], strides = [1]} : vector<16xf32> to vector<1xf32>
        %squeeze3A_342 = vector.extract %slice3A_341[0] : f32 from vector<1xf32>
        %mul3A_343 = vector.broadcast %squeeze3A_342 : f32 to vector<16xf32>
        %mul3A_344 = arith.mulf %mul3A_343, %get3A_19 : vector<16xf32>
        %add3A_345 = arith.addf %get3A_340, %mul3A_344 : vector<16xf32>
        %slice3A_346 = vector.extract_strided_slice %gather3A_278 {offsets = [1], sizes = [1], strides = [1]} : vector<16xf32> to vector<1xf32>
        %squeeze3A_347 = vector.extract %slice3A_346[0] : f32 from vector<1xf32>
        %mul3A_348 = vector.broadcast %squeeze3A_347 : f32 to vector<16xf32>
        %mul3A_349 = arith.mulf %mul3A_348, %get3A_39 : vector<16xf32>
        %add3A_350 = arith.addf %add3A_345, %mul3A_349 : vector<16xf32>
        %slice3A_351 = vector.extract_strided_slice %gather3A_278 {offsets = [2], sizes = [1], strides = [1]} : vector<16xf32> to vector<1xf32>
        %squeeze3A_352 = vector.extract %slice3A_351[0] : f32 from vector<1xf32>
        %mul3A_353 = vector.broadcast %squeeze3A_352 : f32 to vector<16xf32>
        %mul3A_354 = arith.mulf %mul3A_353, %get3A_59 : vector<16xf32>
        %add3A_355 = arith.addf %add3A_350, %mul3A_354 : vector<16xf32>
        %slice3A_356 = vector.extract_strided_slice %gather3A_278 {offsets = [3], sizes = [1], strides = [1]} : vector<16xf32> to vector<1xf32>
        %squeeze3A_357 = vector.extract %slice3A_356[0] : f32 from vector<1xf32>
        %mul3A_358 = vector.broadcast %squeeze3A_357 : f32 to vector<16xf32>
        %mul3A_359 = arith.mulf %mul3A_358, %get3A_79 : vector<16xf32>
        %add3A_360 = arith.addf %add3A_355, %mul3A_359 : vector<16xf32>
        %slice3A_361 = vector.extract_strided_slice %gather3A_278 {offsets = [4], sizes = [1], strides = [1]} : vector<16xf32> to vector<1xf32>
        %squeeze3A_362 = vector.extract %slice3A_361[0] : f32 from vector<1xf32>
        %mul3A_363 = vector.broadcast %squeeze3A_362 : f32 to vector<16xf32>
        %mul3A_364 = arith.mulf %mul3A_363, %get3A_99 : vector<16xf32>
        %add3A_365 = arith.addf %add3A_360, %mul3A_364 : vector<16xf32>
        %slice3A_366 = vector.extract_strided_slice %gather3A_278 {offsets = [5], sizes = [1], strides = [1]} : vector<16xf32> to vector<1xf32>
        %squeeze3A_367 = vector.extract %slice3A_366[0] : f32 from vector<1xf32>
        %mul3A_368 = vector.broadcast %squeeze3A_367 : f32 to vector<16xf32>
        %mul3A_369 = arith.mulf %mul3A_368, %get3A_119 : vector<16xf32>
        %add3A_370 = arith.addf %add3A_365, %mul3A_369 : vector<16xf32>
        %slice3A_371 = vector.extract_strided_slice %gather3A_278 {offsets = [6], sizes = [1], strides = [1]} : vector<16xf32> to vector<1xf32>
        %squeeze3A_372 = vector.extract %slice3A_371[0] : f32 from vector<1xf32>
        %mul3A_373 = vector.broadcast %squeeze3A_372 : f32 to vector<16xf32>
        %mul3A_374 = arith.mulf %mul3A_373, %get3A_139 : vector<16xf32>
        %add3A_375 = arith.addf %add3A_370, %mul3A_374 : vector<16xf32>
        %slice3A_376 = vector.extract_strided_slice %gather3A_278 {offsets = [7], sizes = [1], strides = [1]} : vector<16xf32> to vector<1xf32>
        %squeeze3A_377 = vector.extract %slice3A_376[0] : f32 from vector<1xf32>
        %mul3A_378 = vector.broadcast %squeeze3A_377 : f32 to vector<16xf32>
        %mul3A_379 = arith.mulf %mul3A_378, %get3A_159 : vector<16xf32>
        %add3A_380 = arith.addf %add3A_375, %mul3A_379 : vector<16xf32>
        %mul3A_381 = arith.constant 8 : i32
        %mul3A_382 = arith.muli %scan3A_245, %mul3A_381 : i32
        %add3A_383 = arith.constant 0 : i32
        %add3A_384 = arith.addi %mul3A_382, %add3A_383 : i32
        %swap3A_385 = arith.index_cast %add3A_384 : i32 to index
        %swap3A_386 = arith.constant 16 : index
        %swap3A_387 = tpu.vector_load %arg14[%swap3A_385, %swap3A_386] {strides = array<i32>} : memref<64x128xf32, #tpu.memory_space<vmem>>, vector<1x16xf32>,
        %swap3A_388 = vector.shape_cast %swap3A_387 : vector<1x16xf32> to vector<16xf32>
        %swap3A_389 = vector.shape_cast %add3A_380 : vector<16xf32> to vector<1x16xf32>
        tpu.vector_store %arg14[%swap3A_385, %swap3A_386], %swap3A_389 {strides = array<i32>} : memref<64x128xf32, #tpu.memory_space<vmem>>, vector<1x16xf32>,
        %add3A_390 = arith.constant 32 : i32
        %add3A_391 = arith.addi %squeeze3A, %add3A_390 : i32
        %get3A_392 = arith.index_cast %and3A_205 : i32 to index
        %get3A_393 = arith.index_cast %add3A_261 : i32 to index
        %get3A_394 = arith.index_cast %add3A_391 : i32 to index
        %get3A_395 = tpu.vector_load %arg12[%get3A_392, %get3A_393, %get3A_394] {strides = array<i32>} : memref<2x128x128xf32, #tpu.memory_space<vmem>>, vector<1x1x16xf32>,
        %get3A_396 = vector.shape_cast %get3A_395 : vector<1x1x16xf32> to vector<16xf32>
        %slice3A_397 = vector.extract_strided_slice %gather3A_278 {offsets = [0], sizes = [1], strides = [1]} : vector<16xf32> to vector<1xf32>
        %squeeze3A_398 = vector.extract %slice3A_397[0] : f32 from vector<1xf32>
        %mul3A_399 = vector.broadcast %squeeze3A_398 : f32 to vector<16xf32>
        %mul3A_400 = arith.mulf %mul3A_399, %get3A_24 : vector<16xf32>
        %add3A_401 = arith.addf %get3A_396, %mul3A_400 : vector<16xf32>
        %slice3A_402 = vector.extract_strided_slice %gather3A_278 {offsets = [1], sizes = [1], strides = [1]} : vector<16xf32> to vector<1xf32>
        %squeeze3A_403 = vector.extract %slice3A_402[0] : f32 from vector<1xf32>
        %mul3A_404 = vector.broadcast %squeeze3A_403 : f32 to vector<16xf32>
        %mul3A_405 = arith.mulf %mul3A_404, %get3A_44 : vector<16xf32>
        %add3A_406 = arith.addf %add3A_401, %mul3A_405 : vector<16xf32>
        %slice3A_407 = vector.extract_strided_slice %gather3A_278 {offsets = [2], sizes = [1], strides = [1]} : vector<16xf32> to vector<1xf32>
        %squeeze3A_408 = vector.extract %slice3A_407[0] : f32 from vector<1xf32>
        %mul3A_409 = vector.broadcast %squeeze3A_408 : f32 to vector<16xf32>
        %mul3A_410 = arith.mulf %mul3A_409, %get3A_64 : vector<16xf32>
        %add3A_411 = arith.addf %add3A_406, %mul3A_410 : vector<16xf32>
        %slice3A_412 = vector.extract_strided_slice %gather3A_278 {offsets = [3], sizes = [1], strides = [1]} : vector<16xf32> to vector<1xf32>
        %squeeze3A_413 = vector.extract %slice3A_412[0] : f32 from vector<1xf32>
        %mul3A_414 = vector.broadcast %squeeze3A_413 : f32 to vector<16xf32>
        %mul3A_415 = arith.mulf %mul3A_414, %get3A_84 : vector<16xf32>
        %add3A_416 = arith.addf %add3A_411, %mul3A_415 : vector<16xf32>
        %slice3A_417 = vector.extract_strided_slice %gather3A_278 {offsets = [4], sizes = [1], strides = [1]} : vector<16xf32> to vector<1xf32>
        %squeeze3A_418 = vector.extract %slice3A_417[0] : f32 from vector<1xf32>
        %mul3A_419 = vector.broadcast %squeeze3A_418 : f32 to vector<16xf32>
        %mul3A_420 = arith.mulf %mul3A_419, %get3A_104 : vector<16xf32>
        %add3A_421 = arith.addf %add3A_416, %mul3A_420 : vector<16xf32>
        %slice3A_422 = vector.extract_strided_slice %gather3A_278 {offsets = [5], sizes = [1], strides = [1]} : vector<16xf32> to vector<1xf32>
        %squeeze3A_423 = vector.extract %slice3A_422[0] : f32 from vector<1xf32>
        %mul3A_424 = vector.broadcast %squeeze3A_423 : f32 to vector<16xf32>
        %mul3A_425 = arith.mulf %mul3A_424, %get3A_124 : vector<16xf32>
        %add3A_426 = arith.addf %add3A_421, %mul3A_425 : vector<16xf32>
        %slice3A_427 = vector.extract_strided_slice %gather3A_278 {offsets = [6], sizes = [1], strides = [1]} : vector<16xf32> to vector<1xf32>
        %squeeze3A_428 = vector.extract %slice3A_427[0] : f32 from vector<1xf32>
        %mul3A_429 = vector.broadcast %squeeze3A_428 : f32 to vector<16xf32>
        %mul3A_430 = arith.mulf %mul3A_429, %get3A_144 : vector<16xf32>
        %add3A_431 = arith.addf %add3A_426, %mul3A_430 : vector<16xf32>
        %slice3A_432 = vector.extract_strided_slice %gather3A_278 {offsets = [7], sizes = [1], strides = [1]} : vector<16xf32> to vector<1xf32>
        %squeeze3A_433 = vector.extract %slice3A_432[0] : f32 from vector<1xf32>
        %mul3A_434 = vector.broadcast %squeeze3A_433 : f32 to vector<16xf32>
        %mul3A_435 = arith.mulf %mul3A_434, %get3A_164 : vector<16xf32>
        %add3A_436 = arith.addf %add3A_431, %mul3A_435 : vector<16xf32>
        %mul3A_437 = arith.constant 8 : i32
        %mul3A_438 = arith.muli %scan3A_245, %mul3A_437 : i32
        %add3A_439 = arith.constant 0 : i32
        %add3A_440 = arith.addi %mul3A_438, %add3A_439 : i32
        %swap3A_441 = arith.index_cast %add3A_440 : i32 to index
        %swap3A_442 = arith.constant 32 : index
        %swap3A_443 = tpu.vector_load %arg14[%swap3A_441, %swap3A_442] {strides = array<i32>} : memref<64x128xf32, #tpu.memory_space<vmem>>, vector<1x16xf32>,
        %swap3A_444 = vector.shape_cast %swap3A_443 : vector<1x16xf32> to vector<16xf32>
        %swap3A_445 = vector.shape_cast %add3A_436 : vector<16xf32> to vector<1x16xf32>
        tpu.vector_store %arg14[%swap3A_441, %swap3A_442], %swap3A_445 {strides = array<i32>} : memref<64x128xf32, #tpu.memory_space<vmem>>, vector<1x16xf32>,
        %add3A_446 = arith.constant 48 : i32
        %add3A_447 = arith.addi %squeeze3A, %add3A_446 : i32
        %get3A_448 = arith.index_cast %and3A_205 : i32 to index
        %get3A_449 = arith.index_cast %add3A_261 : i32 to index
        %get3A_450 = arith.index_cast %add3A_447 : i32 to index
        %get3A_451 = tpu.vector_load %arg12[%get3A_448, %get3A_449, %get3A_450] {strides = array<i32>} : memref<2x128x128xf32, #tpu.memory_space<vmem>>, vector<1x1x16xf32>,
        %get3A_452 = vector.shape_cast %get3A_451 : vector<1x1x16xf32> to vector<16xf32>
        %slice3A_453 = vector.extract_strided_slice %gather3A_278 {offsets = [0], sizes = [1], strides = [1]} : vector<16xf32> to vector<1xf32>
        %squeeze3A_454 = vector.extract %slice3A_453[0] : f32 from vector<1xf32>
        %mul3A_455 = vector.broadcast %squeeze3A_454 : f32 to vector<16xf32>
        %mul3A_456 = arith.mulf %mul3A_455, %get3A_29 : vector<16xf32>
        %add3A_457 = arith.addf %get3A_452, %mul3A_456 : vector<16xf32>
        %slice3A_458 = vector.extract_strided_slice %gather3A_278 {offsets = [1], sizes = [1], strides = [1]} : vector<16xf32> to vector<1xf32>
        %squeeze3A_459 = vector.extract %slice3A_458[0] : f32 from vector<1xf32>
        %mul3A_460 = vector.broadcast %squeeze3A_459 : f32 to vector<16xf32>
        %mul3A_461 = arith.mulf %mul3A_460, %get3A_49 : vector<16xf32>
        %add3A_462 = arith.addf %add3A_457, %mul3A_461 : vector<16xf32>
        %slice3A_463 = vector.extract_strided_slice %gather3A_278 {offsets = [2], sizes = [1], strides = [1]} : vector<16xf32> to vector<1xf32>
        %squeeze3A_464 = vector.extract %slice3A_463[0] : f32 from vector<1xf32>
        %mul3A_465 = vector.broadcast %squeeze3A_464 : f32 to vector<16xf32>
        %mul3A_466 = arith.mulf %mul3A_465, %get3A_69 : vector<16xf32>
        %add3A_467 = arith.addf %add3A_462, %mul3A_466 : vector<16xf32>
        %slice3A_468 = vector.extract_strided_slice %gather3A_278 {offsets = [3], sizes = [1], strides = [1]} : vector<16xf32> to vector<1xf32>
        %squeeze3A_469 = vector.extract %slice3A_468[0] : f32 from vector<1xf32>
        %mul3A_470 = vector.broadcast %squeeze3A_469 : f32 to vector<16xf32>
        %mul3A_471 = arith.mulf %mul3A_470, %get3A_89 : vector<16xf32>
        %add3A_472 = arith.addf %add3A_467, %mul3A_471 : vector<16xf32>
        %slice3A_473 = vector.extract_strided_slice %gather3A_278 {offsets = [4], sizes = [1], strides = [1]} : vector<16xf32> to vector<1xf32>
        %squeeze3A_474 = vector.extract %slice3A_473[0] : f32 from vector<1xf32>
        %mul3A_475 = vector.broadcast %squeeze3A_474 : f32 to vector<16xf32>
        %mul3A_476 = arith.mulf %mul3A_475, %get3A_109 : vector<16xf32>
        %add3A_477 = arith.addf %add3A_472, %mul3A_476 : vector<16xf32>
        %slice3A_478 = vector.extract_strided_slice %gather3A_278 {offsets = [5], sizes = [1], strides = [1]} : vector<16xf32> to vector<1xf32>
        %squeeze3A_479 = vector.extract %slice3A_478[0] : f32 from vector<1xf32>
        %mul3A_480 = vector.broadcast %squeeze3A_479 : f32 to vector<16xf32>
        %mul3A_481 = arith.mulf %mul3A_480, %get3A_129 : vector<16xf32>
        %add3A_482 = arith.addf %add3A_477, %mul3A_481 : vector<16xf32>
        %slice3A_483 = vector.extract_strided_slice %gather3A_278 {offsets = [6], sizes = [1], strides = [1]} : vector<16xf32> to vector<1xf32>
        %squeeze3A_484 = vector.extract %slice3A_483[0] : f32 from vector<1xf32>
        %mul3A_485 = vector.broadcast %squeeze3A_484 : f32 to vector<16xf32>
        %mul3A_486 = arith.mulf %mul3A_485, %get3A_149 : vector<16xf32>
        %add3A_487 = arith.addf %add3A_482, %mul3A_486 : vector<16xf32>
        %slice3A_488 = vector.extract_strided_slice %gather3A_278 {offsets = [7], sizes = [1], strides = [1]} : vector<16xf32> to vector<1xf32>
        %squeeze3A_489 = vector.extract %slice3A_488[0] : f32 from vector<1xf32>
        %mul3A_490 = vector.broadcast %squeeze3A_489 : f32 to vector<16xf32>
        %mul3A_491 = arith.mulf %mul3A_490, %get3A_169 : vector<16xf32>
        %add3A_492 = arith.addf %add3A_487, %mul3A_491 : vector<16xf32>
        %mul3A_493 = arith.constant 8 : i32
        %mul3A_494 = arith.muli %scan3A_245, %mul3A_493 : i32
        %add3A_495 = arith.constant 0 : i32
        %add3A_496 = arith.addi %mul3A_494, %add3A_495 : i32
        %swap3A_497 = arith.index_cast %add3A_496 : i32 to index
        %swap3A_498 = arith.constant 48 : index
        %swap3A_499 = tpu.vector_load %arg14[%swap3A_497, %swap3A_498] {strides = array<i32>} : memref<64x128xf32, #tpu.memory_space<vmem>>, vector<1x16xf32>,
        %swap3A_500 = vector.shape_cast %swap3A_499 : vector<1x16xf32> to vector<16xf32>
        %swap3A_501 = vector.shape_cast %add3A_492 : vector<16xf32> to vector<1x16xf32>
        tpu.vector_store %arg14[%swap3A_497, %swap3A_498], %swap3A_501 {strides = array<i32>} : memref<64x128xf32, #tpu.memory_space<vmem>>, vector<1x16xf32>,
        %mul3A_502 = arith.constant 16 : i32
        %mul3A_503 = arith.muli %scan3A_245, %mul3A_502 : i32
        %add3A_504 = arith.constant 1 : i32
        %add3A_505 = arith.addi %mul3A_503, %add3A_504 : i32
        %slice3A_506 = vector.extract_strided_slice %get3A_251 {offsets = [1], sizes = [1], strides = [1]} : vector<16xi32> to vector<1xi32>
        %squeeze3A_507 = vector.extract %slice3A_506[0] : i32 from vector<1xi32>
        %slice3A_508 = vector.extract_strided_slice %get3A_257 {offsets = [1], sizes = [1], strides = [1]} : vector<16xi32> to vector<1xi32>
        %squeeze3A_509 = vector.extract %slice3A_508[0] : i32 from vector<1xi32>
        %get3A_510 = arith.index_cast %and3A_205 : i32 to index
        %get3A_511 = arith.index_cast %add3A_505 : i32 to index
        %get3A_512 = arith.index_cast %squeeze3A_509 : i32 to index
        %get3A_513 = tpu.vector_load %arg13[%get3A_510, %get3A_511, %get3A_512] {strides = array<i32>} : memref<2x128x128xf32, #tpu.memory_space<vmem>>, vector<1x1x16xf32>,
        %get3A_514 = vector.shape_cast %get3A_513 : vector<1x1x16xf32> to vector<16xf32>
        %shift_right_arithmetic3A_515 = arith.constant 3 : i32
        %shift_right_arithmetic3A_516 = arith.shrsi %squeeze3A_507, %shift_right_arithmetic3A_515 : i32
        %add3A_517 = vector.broadcast %shift_right_arithmetic3A_516 : i32 to vector<16xi32>
        %add3A_518 = arith.addi %and3A_171, %add3A_517 : vector<16xi32>
        %lt3A_519 = arith.constant 0 : i32
        %lt3A_520 = vector.broadcast %lt3A_519 : i32 to vector<16xi32>
        %lt3A_521 = arith.cmpi slt, %add3A_518, %lt3A_520 : vector<16xi32>
        %add3A_522 = arith.constant 16 : i32
        %add3A_523 = vector.broadcast %add3A_522 : i32 to vector<16xi32>
        %add3A_524 = arith.addi %add3A_518, %add3A_523 : vector<16xi32>
        %select_n3A_525 = arith.select %lt3A_521, %add3A_524, %add3A_518 : vector<16xi1>, vector<16xi32>
        %broadcast_in_dim3A_526 = vector.shape_cast %select_n3A_525 : vector<16xi32> to vector<16x1xi32>
        %gather3A_527 = vector.shape_cast %broadcast_in_dim3A_526 : vector<16x1xi32> to vector<16xi32>
        %gather3A_528 = tpu.dynamic_gather %get3A_514[%gather3A_527] in [0] : vector<16xf32>, vector<16xi32> -> vector<16xf32>
        %add3A_529 = arith.constant 0 : i32
        %add3A_530 = arith.addi %squeeze3A_507, %add3A_529 : i32
        %get3A_531 = arith.index_cast %and3A_205 : i32 to index
        %get3A_532 = arith.index_cast %add3A_505 : i32 to index
        %get3A_533 = arith.index_cast %add3A_530 : i32 to index
        %get3A_534 = tpu.vector_load %arg12[%get3A_531, %get3A_532, %get3A_533] {strides = array<i32>} : memref<2x128x128xf32, #tpu.memory_space<vmem>>, vector<1x1x16xf32>,
        %get3A_535 = vector.shape_cast %get3A_534 : vector<1x1x16xf32> to vector<16xf32>
        %slice3A_536 = vector.extract_strided_slice %gather3A_528 {offsets = [0], sizes = [1], strides = [1]} : vector<16xf32> to vector<1xf32>
        %squeeze3A_537 = vector.extract %slice3A_536[0] : f32 from vector<1xf32>
        %mul3A_538 = vector.broadcast %squeeze3A_537 : f32 to vector<16xf32>
        %mul3A_539 = arith.mulf %mul3A_538, %get3A_14 : vector<16xf32>
        %add3A_540 = arith.addf %get3A_535, %mul3A_539 : vector<16xf32>
        %slice3A_541 = vector.extract_strided_slice %gather3A_528 {offsets = [1], sizes = [1], strides = [1]} : vector<16xf32> to vector<1xf32>
        %squeeze3A_542 = vector.extract %slice3A_541[0] : f32 from vector<1xf32>
        %mul3A_543 = vector.broadcast %squeeze3A_542 : f32 to vector<16xf32>
        %mul3A_544 = arith.mulf %mul3A_543, %get3A_34 : vector<16xf32>
        %add3A_545 = arith.addf %add3A_540, %mul3A_544 : vector<16xf32>
        %slice3A_546 = vector.extract_strided_slice %gather3A_528 {offsets = [2], sizes = [1], strides = [1]} : vector<16xf32> to vector<1xf32>
        %squeeze3A_547 = vector.extract %slice3A_546[0] : f32 from vector<1xf32>
        %mul3A_548 = vector.broadcast %squeeze3A_547 : f32 to vector<16xf32>
        %mul3A_549 = arith.mulf %mul3A_548, %get3A_54 : vector<16xf32>
        %add3A_550 = arith.addf %add3A_545, %mul3A_549 : vector<16xf32>
        %slice3A_551 = vector.extract_strided_slice %gather3A_528 {offsets = [3], sizes = [1], strides = [1]} : vector<16xf32> to vector<1xf32>
        %squeeze3A_552 = vector.extract %slice3A_551[0] : f32 from vector<1xf32>
        %mul3A_553 = vector.broadcast %squeeze3A_552 : f32 to vector<16xf32>
        %mul3A_554 = arith.mulf %mul3A_553, %get3A_74 : vector<16xf32>
        %add3A_555 = arith.addf %add3A_550, %mul3A_554 : vector<16xf32>
        %slice3A_556 = vector.extract_strided_slice %gather3A_528 {offsets = [4], sizes = [1], strides = [1]} : vector<16xf32> to vector<1xf32>
        %squeeze3A_557 = vector.extract %slice3A_556[0] : f32 from vector<1xf32>
        %mul3A_558 = vector.broadcast %squeeze3A_557 : f32 to vector<16xf32>
        %mul3A_559 = arith.mulf %mul3A_558, %get3A_94 : vector<16xf32>
        %add3A_560 = arith.addf %add3A_555, %mul3A_559 : vector<16xf32>
        %slice3A_561 = vector.extract_strided_slice %gather3A_528 {offsets = [5], sizes = [1], strides = [1]} : vector<16xf32> to vector<1xf32>
        %squeeze3A_562 = vector.extract %slice3A_561[0] : f32 from vector<1xf32>
        %mul3A_563 = vector.broadcast %squeeze3A_562 : f32 to vector<16xf32>
        %mul3A_564 = arith.mulf %mul3A_563, %get3A_114 : vector<16xf32>
        %add3A_565 = arith.addf %add3A_560, %mul3A_564 : vector<16xf32>
        %slice3A_566 = vector.extract_strided_slice %gather3A_528 {offsets = [6], sizes = [1], strides = [1]} : vector<16xf32> to vector<1xf32>
        %squeeze3A_567 = vector.extract %slice3A_566[0] : f32 from vector<1xf32>
        %mul3A_568 = vector.broadcast %squeeze3A_567 : f32 to vector<16xf32>
        %mul3A_569 = arith.mulf %mul3A_568, %get3A_134 : vector<16xf32>
        %add3A_570 = arith.addf %add3A_565, %mul3A_569 : vector<16xf32>
        %slice3A_571 = vector.extract_strided_slice %gather3A_528 {offsets = [7], sizes = [1], strides = [1]} : vector<16xf32> to vector<1xf32>
        %squeeze3A_572 = vector.extract %slice3A_571[0] : f32 from vector<1xf32>
        %mul3A_573 = vector.broadcast %squeeze3A_572 : f32 to vector<16xf32>
        %mul3A_574 = arith.mulf %mul3A_573, %get3A_154 : vector<16xf32>
        %add3A_575 = arith.addf %add3A_570, %mul3A_574 : vector<16xf32>
        %mul3A_576 = arith.constant 8 : i32
        %mul3A_577 = arith.muli %scan3A_245, %mul3A_576 : i32
        %add3A_578 = arith.constant 0 : i32
        %add3A_579 = arith.addi %mul3A_577, %add3A_578 : i32
        %swap3A_580 = arith.index_cast %add3A_579 : i32 to index
        %swap3A_581 = arith.constant 64 : index
        %swap3A_582 = tpu.vector_load %arg14[%swap3A_580, %swap3A_581] {strides = array<i32>} : memref<64x128xf32, #tpu.memory_space<vmem>>, vector<1x16xf32>,
        %swap3A_583 = vector.shape_cast %swap3A_582 : vector<1x16xf32> to vector<16xf32>
        %swap3A_584 = vector.shape_cast %add3A_575 : vector<16xf32> to vector<1x16xf32>
        tpu.vector_store %arg14[%swap3A_580, %swap3A_581], %swap3A_584 {strides = array<i32>} : memref<64x128xf32, #tpu.memory_space<vmem>>, vector<1x16xf32>,
        %add3A_585 = arith.constant 16 : i32
        %add3A_586 = arith.addi %squeeze3A_507, %add3A_585 : i32
        %get3A_587 = arith.index_cast %and3A_205 : i32 to index
        %get3A_588 = arith.index_cast %add3A_505 : i32 to index
        %get3A_589 = arith.index_cast %add3A_586 : i32 to index
        %get3A_590 = tpu.vector_load %arg12[%get3A_587, %get3A_588, %get3A_589] {strides = array<i32>} : memref<2x128x128xf32, #tpu.memory_space<vmem>>, vector<1x1x16xf32>,
        %get3A_591 = vector.shape_cast %get3A_590 : vector<1x1x16xf32> to vector<16xf32>
        %slice3A_592 = vector.extract_strided_slice %gather3A_528 {offsets = [0], sizes = [1], strides = [1]} : vector<16xf32> to vector<1xf32>
        %squeeze3A_593 = vector.extract %slice3A_592[0] : f32 from vector<1xf32>
        %mul3A_594 = vector.broadcast %squeeze3A_593 : f32 to vector<16xf32>
        %mul3A_595 = arith.mulf %mul3A_594, %get3A_19 : vector<16xf32>
        %add3A_596 = arith.addf %get3A_591, %mul3A_595 : vector<16xf32>
        %slice3A_597 = vector.extract_strided_slice %gather3A_528 {offsets = [1], sizes = [1], strides = [1]} : vector<16xf32> to vector<1xf32>
        %squeeze3A_598 = vector.extract %slice3A_597[0] : f32 from vector<1xf32>
        %mul3A_599 = vector.broadcast %squeeze3A_598 : f32 to vector<16xf32>
        %mul3A_600 = arith.mulf %mul3A_599, %get3A_39 : vector<16xf32>
        %add3A_601 = arith.addf %add3A_596, %mul3A_600 : vector<16xf32>
        %slice3A_602 = vector.extract_strided_slice %gather3A_528 {offsets = [2], sizes = [1], strides = [1]} : vector<16xf32> to vector<1xf32>
        %squeeze3A_603 = vector.extract %slice3A_602[0] : f32 from vector<1xf32>
        %mul3A_604 = vector.broadcast %squeeze3A_603 : f32 to vector<16xf32>
        %mul3A_605 = arith.mulf %mul3A_604, %get3A_59 : vector<16xf32>
        %add3A_606 = arith.addf %add3A_601, %mul3A_605 : vector<16xf32>
        %slice3A_607 = vector.extract_strided_slice %gather3A_528 {offsets = [3], sizes = [1], strides = [1]} : vector<16xf32> to vector<1xf32>
        %squeeze3A_608 = vector.extract %slice3A_607[0] : f32 from vector<1xf32>
        %mul3A_609 = vector.broadcast %squeeze3A_608 : f32 to vector<16xf32>
        %mul3A_610 = arith.mulf %mul3A_609, %get3A_79 : vector<16xf32>
        %add3A_611 = arith.addf %add3A_606, %mul3A_610 : vector<16xf32>
        %slice3A_612 = vector.extract_strided_slice %gather3A_528 {offsets = [4], sizes = [1], strides = [1]} : vector<16xf32> to vector<1xf32>
        %squeeze3A_613 = vector.extract %slice3A_612[0] : f32 from vector<1xf32>
        %mul3A_614 = vector.broadcast %squeeze3A_613 : f32 to vector<16xf32>
        %mul3A_615 = arith.mulf %mul3A_614, %get3A_99 : vector<16xf32>
        %add3A_616 = arith.addf %add3A_611, %mul3A_615 : vector<16xf32>
        %slice3A_617 = vector.extract_strided_slice %gather3A_528 {offsets = [5], sizes = [1], strides = [1]} : vector<16xf32> to vector<1xf32>
        %squeeze3A_618 = vector.extract %slice3A_617[0] : f32 from vector<1xf32>
        %mul3A_619 = vector.broadcast %squeeze3A_618 : f32 to vector<16xf32>
        %mul3A_620 = arith.mulf %mul3A_619, %get3A_119 : vector<16xf32>
        %add3A_621 = arith.addf %add3A_616, %mul3A_620 : vector<16xf32>
        %slice3A_622 = vector.extract_strided_slice %gather3A_528 {offsets = [6], sizes = [1], strides = [1]} : vector<16xf32> to vector<1xf32>
        %squeeze3A_623 = vector.extract %slice3A_622[0] : f32 from vector<1xf32>
        %mul3A_624 = vector.broadcast %squeeze3A_623 : f32 to vector<16xf32>
        %mul3A_625 = arith.mulf %mul3A_624, %get3A_139 : vector<16xf32>
        %add3A_626 = arith.addf %add3A_621, %mul3A_625 : vector<16xf32>
        %slice3A_627 = vector.extract_strided_slice %gather3A_528 {offsets = [7], sizes = [1], strides = [1]} : vector<16xf32> to vector<1xf32>
        %squeeze3A_628 = vector.extract %slice3A_627[0] : f32 from vector<1xf32>
        %mul3A_629 = vector.broadcast %squeeze3A_628 : f32 to vector<16xf32>
        %mul3A_630 = arith.mulf %mul3A_629, %get3A_159 : vector<16xf32>
        %add3A_631 = arith.addf %add3A_626, %mul3A_630 : vector<16xf32>
        %mul3A_632 = arith.constant 8 : i32
        %mul3A_633 = arith.muli %scan3A_245, %mul3A_632 : i32
        %add3A_634 = arith.constant 0 : i32
        %add3A_635 = arith.addi %mul3A_633, %add3A_634 : i32
        %swap3A_636 = arith.index_cast %add3A_635 : i32 to index
        %swap3A_637 = arith.constant 80 : index
        %swap3A_638 = tpu.vector_load %arg14[%swap3A_636, %swap3A_637] {strides = array<i32>} : memref<64x128xf32, #tpu.memory_space<vmem>>, vector<1x16xf32>,
        %swap3A_639 = vector.shape_cast %swap3A_638 : vector<1x16xf32> to vector<16xf32>
        %swap3A_640 = vector.shape_cast %add3A_631 : vector<16xf32> to vector<1x16xf32>
        tpu.vector_store %arg14[%swap3A_636, %swap3A_637], %swap3A_640 {strides = array<i32>} : memref<64x128xf32, #tpu.memory_space<vmem>>, vector<1x16xf32>,
        %add3A_641 = arith.constant 32 : i32
        %add3A_642 = arith.addi %squeeze3A_507, %add3A_641 : i32
        %get3A_643 = arith.index_cast %and3A_205 : i32 to index
        %get3A_644 = arith.index_cast %add3A_505 : i32 to index
        %get3A_645 = arith.index_cast %add3A_642 : i32 to index
        %get3A_646 = tpu.vector_load %arg12[%get3A_643, %get3A_644, %get3A_645] {strides = array<i32>} : memref<2x128x128xf32, #tpu.memory_space<vmem>>, vector<1x1x16xf32>,
        %get3A_647 = vector.shape_cast %get3A_646 : vector<1x1x16xf32> to vector<16xf32>
        %slice3A_648 = vector.extract_strided_slice %gather3A_528 {offsets = [0], sizes = [1], strides = [1]} : vector<16xf32> to vector<1xf32>
        %squeeze3A_649 = vector.extract %slice3A_648[0] : f32 from vector<1xf32>
        %mul3A_650 = vector.broadcast %squeeze3A_649 : f32 to vector<16xf32>
        %mul3A_651 = arith.mulf %mul3A_650, %get3A_24 : vector<16xf32>
        %add3A_652 = arith.addf %get3A_647, %mul3A_651 : vector<16xf32>
        %slice3A_653 = vector.extract_strided_slice %gather3A_528 {offsets = [1], sizes = [1], strides = [1]} : vector<16xf32> to vector<1xf32>
        %squeeze3A_654 = vector.extract %slice3A_653[0] : f32 from vector<1xf32>
        %mul3A_655 = vector.broadcast %squeeze3A_654 : f32 to vector<16xf32>
        %mul3A_656 = arith.mulf %mul3A_655, %get3A_44 : vector<16xf32>
        %add3A_657 = arith.addf %add3A_652, %mul3A_656 : vector<16xf32>
        %slice3A_658 = vector.extract_strided_slice %gather3A_528 {offsets = [2], sizes = [1], strides = [1]} : vector<16xf32> to vector<1xf32>
        %squeeze3A_659 = vector.extract %slice3A_658[0] : f32 from vector<1xf32>
        %mul3A_660 = vector.broadcast %squeeze3A_659 : f32 to vector<16xf32>
        %mul3A_661 = arith.mulf %mul3A_660, %get3A_64 : vector<16xf32>
        %add3A_662 = arith.addf %add3A_657, %mul3A_661 : vector<16xf32>
        %slice3A_663 = vector.extract_strided_slice %gather3A_528 {offsets = [3], sizes = [1], strides = [1]} : vector<16xf32> to vector<1xf32>
        %squeeze3A_664 = vector.extract %slice3A_663[0] : f32 from vector<1xf32>
        %mul3A_665 = vector.broadcast %squeeze3A_664 : f32 to vector<16xf32>
        %mul3A_666 = arith.mulf %mul3A_665, %get3A_84 : vector<16xf32>
        %add3A_667 = arith.addf %add3A_662, %mul3A_666 : vector<16xf32>
        %slice3A_668 = vector.extract_strided_slice %gather3A_528 {offsets = [4], sizes = [1], strides = [1]} : vector<16xf32> to vector<1xf32>
        %squeeze3A_669 = vector.extract %slice3A_668[0] : f32 from vector<1xf32>
        %mul3A_670 = vector.broadcast %squeeze3A_669 : f32 to vector<16xf32>
        %mul3A_671 = arith.mulf %mul3A_670, %get3A_104 : vector<16xf32>
        %add3A_672 = arith.addf %add3A_667, %mul3A_671 : vector<16xf32>
        %slice3A_673 = vector.extract_strided_slice %gather3A_528 {offsets = [5], sizes = [1], strides = [1]} : vector<16xf32> to vector<1xf32>
        %squeeze3A_674 = vector.extract %slice3A_673[0] : f32 from vector<1xf32>
        %mul3A_675 = vector.broadcast %squeeze3A_674 : f32 to vector<16xf32>
        %mul3A_676 = arith.mulf %mul3A_675, %get3A_124 : vector<16xf32>
        %add3A_677 = arith.addf %add3A_672, %mul3A_676 : vector<16xf32>
        %slice3A_678 = vector.extract_strided_slice %gather3A_528 {offsets = [6], sizes = [1], strides = [1]} : vector<16xf32> to vector<1xf32>
        %squeeze3A_679 = vector.extract %slice3A_678[0] : f32 from vector<1xf32>
        %mul3A_680 = vector.broadcast %squeeze3A_679 : f32 to vector<16xf32>
        %mul3A_681 = arith.mulf %mul3A_680, %get3A_144 : vector<16xf32>
        %add3A_682 = arith.addf %add3A_677, %mul3A_681 : vector<16xf32>
        %slice3A_683 = vector.extract_strided_slice %gather3A_528 {offsets = [7], sizes = [1], strides = [1]} : vector<16xf32> to vector<1xf32>
        %squeeze3A_684 = vector.extract %slice3A_683[0] : f32 from vector<1xf32>
        %mul3A_685 = vector.broadcast %squeeze3A_684 : f32 to vector<16xf32>
        %mul3A_686 = arith.mulf %mul3A_685, %get3A_164 : vector<16xf32>
        %add3A_687 = arith.addf %add3A_682, %mul3A_686 : vector<16xf32>
        %mul3A_688 = arith.constant 8 : i32
        %mul3A_689 = arith.muli %scan3A_245, %mul3A_688 : i32
        %add3A_690 = arith.constant 0 : i32
        %add3A_691 = arith.addi %mul3A_689, %add3A_690 : i32
        %swap3A_692 = arith.index_cast %add3A_691 : i32 to index
        %swap3A_693 = arith.constant 96 : index
        %swap3A_694 = tpu.vector_load %arg14[%swap3A_692, %swap3A_693] {strides = array<i32>} : memref<64x128xf32, #tpu.memory_space<vmem>>, vector<1x16xf32>,
        %swap3A_695 = vector.shape_cast %swap3A_694 : vector<1x16xf32> to vector<16xf32>
        %swap3A_696 = vector.shape_cast %add3A_687 : vector<16xf32> to vector<1x16xf32>
        tpu.vector_store %arg14[%swap3A_692, %swap3A_693], %swap3A_696 {strides = array<i32>} : memref<64x128xf32, #tpu.memory_space<vmem>>, vector<1x16xf32>,
        %add3A_697 = arith.constant 48 : i32
        %add3A_698 = arith.addi %squeeze3A_507, %add3A_697 : i32
        %get3A_699 = arith.index_cast %and3A_205 : i32 to index
        %get3A_700 = arith.index_cast %add3A_505 : i32 to index
        %get3A_701 = arith.index_cast %add3A_698 : i32 to index
        %get3A_702 = tpu.vector_load %arg12[%get3A_699, %get3A_700, %get3A_701] {strides = array<i32>} : memref<2x128x128xf32, #tpu.memory_space<vmem>>, vector<1x1x16xf32>,
        %get3A_703 = vector.shape_cast %get3A_702 : vector<1x1x16xf32> to vector<16xf32>
        %slice3A_704 = vector.extract_strided_slice %gather3A_528 {offsets = [0], sizes = [1], strides = [1]} : vector<16xf32> to vector<1xf32>
        %squeeze3A_705 = vector.extract %slice3A_704[0] : f32 from vector<1xf32>
        %mul3A_706 = vector.broadcast %squeeze3A_705 : f32 to vector<16xf32>
        %mul3A_707 = arith.mulf %mul3A_706, %get3A_29 : vector<16xf32>
        %add3A_708 = arith.addf %get3A_703, %mul3A_707 : vector<16xf32>
        %slice3A_709 = vector.extract_strided_slice %gather3A_528 {offsets = [1], sizes = [1], strides = [1]} : vector<16xf32> to vector<1xf32>
        %squeeze3A_710 = vector.extract %slice3A_709[0] : f32 from vector<1xf32>
        %mul3A_711 = vector.broadcast %squeeze3A_710 : f32 to vector<16xf32>
        %mul3A_712 = arith.mulf %mul3A_711, %get3A_49 : vector<16xf32>
        %add3A_713 = arith.addf %add3A_708, %mul3A_712 : vector<16xf32>
        %slice3A_714 = vector.extract_strided_slice %gather3A_528 {offsets = [2], sizes = [1], strides = [1]} : vector<16xf32> to vector<1xf32>
        %squeeze3A_715 = vector.extract %slice3A_714[0] : f32 from vector<1xf32>
        %mul3A_716 = vector.broadcast %squeeze3A_715 : f32 to vector<16xf32>
        %mul3A_717 = arith.mulf %mul3A_716, %get3A_69 : vector<16xf32>
        %add3A_718 = arith.addf %add3A_713, %mul3A_717 : vector<16xf32>
        %slice3A_719 = vector.extract_strided_slice %gather3A_528 {offsets = [3], sizes = [1], strides = [1]} : vector<16xf32> to vector<1xf32>
        %squeeze3A_720 = vector.extract %slice3A_719[0] : f32 from vector<1xf32>
        %mul3A_721 = vector.broadcast %squeeze3A_720 : f32 to vector<16xf32>
        %mul3A_722 = arith.mulf %mul3A_721, %get3A_89 : vector<16xf32>
        %add3A_723 = arith.addf %add3A_718, %mul3A_722 : vector<16xf32>
        %slice3A_724 = vector.extract_strided_slice %gather3A_528 {offsets = [4], sizes = [1], strides = [1]} : vector<16xf32> to vector<1xf32>
        %squeeze3A_725 = vector.extract %slice3A_724[0] : f32 from vector<1xf32>
        %mul3A_726 = vector.broadcast %squeeze3A_725 : f32 to vector<16xf32>
        %mul3A_727 = arith.mulf %mul3A_726, %get3A_109 : vector<16xf32>
        %add3A_728 = arith.addf %add3A_723, %mul3A_727 : vector<16xf32>
        %slice3A_729 = vector.extract_strided_slice %gather3A_528 {offsets = [5], sizes = [1], strides = [1]} : vector<16xf32> to vector<1xf32>
        %squeeze3A_730 = vector.extract %slice3A_729[0] : f32 from vector<1xf32>
        %mul3A_731 = vector.broadcast %squeeze3A_730 : f32 to vector<16xf32>
        %mul3A_732 = arith.mulf %mul3A_731, %get3A_129 : vector<16xf32>
        %add3A_733 = arith.addf %add3A_728, %mul3A_732 : vector<16xf32>
        %slice3A_734 = vector.extract_strided_slice %gather3A_528 {offsets = [6], sizes = [1], strides = [1]} : vector<16xf32> to vector<1xf32>
        %squeeze3A_735 = vector.extract %slice3A_734[0] : f32 from vector<1xf32>
        %mul3A_736 = vector.broadcast %squeeze3A_735 : f32 to vector<16xf32>
        %mul3A_737 = arith.mulf %mul3A_736, %get3A_149 : vector<16xf32>
        %add3A_738 = arith.addf %add3A_733, %mul3A_737 : vector<16xf32>
        %slice3A_739 = vector.extract_strided_slice %gather3A_528 {offsets = [7], sizes = [1], strides = [1]} : vector<16xf32> to vector<1xf32>
        %squeeze3A_740 = vector.extract %slice3A_739[0] : f32 from vector<1xf32>
        %mul3A_741 = vector.broadcast %squeeze3A_740 : f32 to vector<16xf32>
        %mul3A_742 = arith.mulf %mul3A_741, %get3A_169 : vector<16xf32>
        %add3A_743 = arith.addf %add3A_738, %mul3A_742 : vector<16xf32>
        %mul3A_744 = arith.constant 8 : i32
        %mul3A_745 = arith.muli %scan3A_245, %mul3A_744 : i32
        %add3A_746 = arith.constant 0 : i32
        %add3A_747 = arith.addi %mul3A_745, %add3A_746 : i32
        %swap3A_748 = arith.index_cast %add3A_747 : i32 to index
        %swap3A_749 = arith.constant 112 : index
        %swap3A_750 = tpu.vector_load %arg14[%swap3A_748, %swap3A_749] {strides = array<i32>} : memref<64x128xf32, #tpu.memory_space<vmem>>, vector<1x16xf32>,
        %swap3A_751 = vector.shape_cast %swap3A_750 : vector<1x16xf32> to vector<16xf32>
        %swap3A_752 = vector.shape_cast %add3A_743 : vector<16xf32> to vector<1x16xf32>
        tpu.vector_store %arg14[%swap3A_748, %swap3A_749], %swap3A_752 {strides = array<i32>} : memref<64x128xf32, #tpu.memory_space<vmem>>, vector<1x16xf32>,
        %mul3A_753 = arith.constant 16 : i32
        %mul3A_754 = arith.muli %scan3A_245, %mul3A_753 : i32
        %add3A_755 = arith.constant 2 : i32
        %add3A_756 = arith.addi %mul3A_754, %add3A_755 : i32
        %slice3A_757 = vector.extract_strided_slice %get3A_251 {offsets = [2], sizes = [1], strides = [1]} : vector<16xi32> to vector<1xi32>
        %squeeze3A_758 = vector.extract %slice3A_757[0] : i32 from vector<1xi32>
        %slice3A_759 = vector.extract_strided_slice %get3A_257 {offsets = [2], sizes = [1], strides = [1]} : vector<16xi32> to vector<1xi32>
        %squeeze3A_760 = vector.extract %slice3A_759[0] : i32 from vector<1xi32>
        %get3A_761 = arith.index_cast %and3A_205 : i32 to index
        %get3A_762 = arith.index_cast %add3A_756 : i32 to index
        %get3A_763 = arith.index_cast %squeeze3A_760 : i32 to index
        %get3A_764 = tpu.vector_load %arg13[%get3A_761, %get3A_762, %get3A_763] {strides = array<i32>} : memref<2x128x128xf32, #tpu.memory_space<vmem>>, vector<1x1x16xf32>,
        %get3A_765 = vector.shape_cast %get3A_764 : vector<1x1x16xf32> to vector<16xf32>
        %shift_right_arithmetic3A_766 = arith.constant 3 : i32
        %shift_right_arithmetic3A_767 = arith.shrsi %squeeze3A_758, %shift_right_arithmetic3A_766 : i32
        %add3A_768 = vector.broadcast %shift_right_arithmetic3A_767 : i32 to vector<16xi32>
        %add3A_769 = arith.addi %and3A_171, %add3A_768 : vector<16xi32>
        %lt3A_770 = arith.constant 0 : i32
        %lt3A_771 = vector.broadcast %lt3A_770 : i32 to vector<16xi32>
        %lt3A_772 = arith.cmpi slt, %add3A_769, %lt3A_771 : vector<16xi32>
        %add3A_773 = arith.constant 16 : i32
        %add3A_774 = vector.broadcast %add3A_773 : i32 to vector<16xi32>
        %add3A_775 = arith.addi %add3A_769, %add3A_774 : vector<16xi32>
        %select_n3A_776 = arith.select %lt3A_772, %add3A_775, %add3A_769 : vector<16xi1>, vector<16xi32>
        %broadcast_in_dim3A_777 = vector.shape_cast %select_n3A_776 : vector<16xi32> to vector<16x1xi32>
        %gather3A_778 = vector.shape_cast %broadcast_in_dim3A_777 : vector<16x1xi32> to vector<16xi32>
        %gather3A_779 = tpu.dynamic_gather %get3A_765[%gather3A_778] in [0] : vector<16xf32>, vector<16xi32> -> vector<16xf32>
        %add3A_780 = arith.constant 0 : i32
        %add3A_781 = arith.addi %squeeze3A_758, %add3A_780 : i32
        %get3A_782 = arith.index_cast %and3A_205 : i32 to index
        %get3A_783 = arith.index_cast %add3A_756 : i32 to index
        %get3A_784 = arith.index_cast %add3A_781 : i32 to index
        %get3A_785 = tpu.vector_load %arg12[%get3A_782, %get3A_783, %get3A_784] {strides = array<i32>} : memref<2x128x128xf32, #tpu.memory_space<vmem>>, vector<1x1x16xf32>,
        %get3A_786 = vector.shape_cast %get3A_785 : vector<1x1x16xf32> to vector<16xf32>
        %slice3A_787 = vector.extract_strided_slice %gather3A_779 {offsets = [0], sizes = [1], strides = [1]} : vector<16xf32> to vector<1xf32>
        %squeeze3A_788 = vector.extract %slice3A_787[0] : f32 from vector<1xf32>
        %mul3A_789 = vector.broadcast %squeeze3A_788 : f32 to vector<16xf32>
        %mul3A_790 = arith.mulf %mul3A_789, %get3A_14 : vector<16xf32>
        %add3A_791 = arith.addf %get3A_786, %mul3A_790 : vector<16xf32>
        %slice3A_792 = vector.extract_strided_slice %gather3A_779 {offsets = [1], sizes = [1], strides = [1]} : vector<16xf32> to vector<1xf32>
        %squeeze3A_793 = vector.extract %slice3A_792[0] : f32 from vector<1xf32>
        %mul3A_794 = vector.broadcast %squeeze3A_793 : f32 to vector<16xf32>
        %mul3A_795 = arith.mulf %mul3A_794, %get3A_34 : vector<16xf32>
        %add3A_796 = arith.addf %add3A_791, %mul3A_795 : vector<16xf32>
        %slice3A_797 = vector.extract_strided_slice %gather3A_779 {offsets = [2], sizes = [1], strides = [1]} : vector<16xf32> to vector<1xf32>
        %squeeze3A_798 = vector.extract %slice3A_797[0] : f32 from vector<1xf32>
        %mul3A_799 = vector.broadcast %squeeze3A_798 : f32 to vector<16xf32>
        %mul3A_800 = arith.mulf %mul3A_799, %get3A_54 : vector<16xf32>
        %add3A_801 = arith.addf %add3A_796, %mul3A_800 : vector<16xf32>
        %slice3A_802 = vector.extract_strided_slice %gather3A_779 {offsets = [3], sizes = [1], strides = [1]} : vector<16xf32> to vector<1xf32>
        %squeeze3A_803 = vector.extract %slice3A_802[0] : f32 from vector<1xf32>
        %mul3A_804 = vector.broadcast %squeeze3A_803 : f32 to vector<16xf32>
        %mul3A_805 = arith.mulf %mul3A_804, %get3A_74 : vector<16xf32>
        %add3A_806 = arith.addf %add3A_801, %mul3A_805 : vector<16xf32>
        %slice3A_807 = vector.extract_strided_slice %gather3A_779 {offsets = [4], sizes = [1], strides = [1]} : vector<16xf32> to vector<1xf32>
        %squeeze3A_808 = vector.extract %slice3A_807[0] : f32 from vector<1xf32>
        %mul3A_809 = vector.broadcast %squeeze3A_808 : f32 to vector<16xf32>
        %mul3A_810 = arith.mulf %mul3A_809, %get3A_94 : vector<16xf32>
        %add3A_811 = arith.addf %add3A_806, %mul3A_810 : vector<16xf32>
        %slice3A_812 = vector.extract_strided_slice %gather3A_779 {offsets = [5], sizes = [1], strides = [1]} : vector<16xf32> to vector<1xf32>
        %squeeze3A_813 = vector.extract %slice3A_812[0] : f32 from vector<1xf32>
        %mul3A_814 = vector.broadcast %squeeze3A_813 : f32 to vector<16xf32>
        %mul3A_815 = arith.mulf %mul3A_814, %get3A_114 : vector<16xf32>
        %add3A_816 = arith.addf %add3A_811, %mul3A_815 : vector<16xf32>
        %slice3A_817 = vector.extract_strided_slice %gather3A_779 {offsets = [6], sizes = [1], strides = [1]} : vector<16xf32> to vector<1xf32>
        %squeeze3A_818 = vector.extract %slice3A_817[0] : f32 from vector<1xf32>
        %mul3A_819 = vector.broadcast %squeeze3A_818 : f32 to vector<16xf32>
        %mul3A_820 = arith.mulf %mul3A_819, %get3A_134 : vector<16xf32>
        %add3A_821 = arith.addf %add3A_816, %mul3A_820 : vector<16xf32>
        %slice3A_822 = vector.extract_strided_slice %gather3A_779 {offsets = [7], sizes = [1], strides = [1]} : vector<16xf32> to vector<1xf32>
        %squeeze3A_823 = vector.extract %slice3A_822[0] : f32 from vector<1xf32>
        %mul3A_824 = vector.broadcast %squeeze3A_823 : f32 to vector<16xf32>
        %mul3A_825 = arith.mulf %mul3A_824, %get3A_154 : vector<16xf32>
        %add3A_826 = arith.addf %add3A_821, %mul3A_825 : vector<16xf32>
        %mul3A_827 = arith.constant 8 : i32
        %mul3A_828 = arith.muli %scan3A_245, %mul3A_827 : i32
        %add3A_829 = arith.constant 1 : i32
        %add3A_830 = arith.addi %mul3A_828, %add3A_829 : i32
        %swap3A_831 = arith.index_cast %add3A_830 : i32 to index
        %swap3A_832 = arith.constant 0 : index
        %swap3A_833 = tpu.vector_load %arg14[%swap3A_831, %swap3A_832] {strides = array<i32>} : memref<64x128xf32, #tpu.memory_space<vmem>>, vector<1x16xf32>,
        %swap3A_834 = vector.shape_cast %swap3A_833 : vector<1x16xf32> to vector<16xf32>
        %swap3A_835 = vector.shape_cast %add3A_826 : vector<16xf32> to vector<1x16xf32>
        tpu.vector_store %arg14[%swap3A_831, %swap3A_832], %swap3A_835 {strides = array<i32>} : memref<64x128xf32, #tpu.memory_space<vmem>>, vector<1x16xf32>,
        %add3A_836 = arith.constant 16 : i32
        %add3A_837 = arith.addi %squeeze3A_758, %add3A_836 : i32
        %get3A_838 = arith.index_cast %and3A_205 : i32 to index
        %get3A_839 = arith.index_cast %add3A_756 : i32 to index
        %get3A_840 = arith.index_cast %add3A_837 : i32 to index
        %get3A_841 = tpu.vector_load %arg12[%get3A_838, %get3A_839, %get3A_840] {strides = array<i32>} : memref<2x128x128xf32, #tpu.memory_space<vmem>>, vector<1x1x16xf32>,
        %get3A_842 = vector.shape_cast %get3A_841 : vector<1x1x16xf32> to vector<16xf32>
        %slice3A_843 = vector.extract_strided_slice %gather3A_779 {offsets = [0], sizes = [1], strides = [1]} : vector<16xf32> to vector<1xf32>
        %squeeze3A_844 = vector.extract %slice3A_843[0] : f32 from vector<1xf32>
        %mul3A_845 = vector.broadcast %squeeze3A_844 : f32 to vector<16xf32>
        %mul3A_846 = arith.mulf %mul3A_845, %get3A_19 : vector<16xf32>
        %add3A_847 = arith.addf %get3A_842, %mul3A_846 : vector<16xf32>
        %slice3A_848 = vector.extract_strided_slice %gather3A_779 {offsets = [1], sizes = [1], strides = [1]} : vector<16xf32> to vector<1xf32>
        %squeeze3A_849 = vector.extract %slice3A_848[0] : f32 from vector<1xf32>
        %mul3A_850 = vector.broadcast %squeeze3A_849 : f32 to vector<16xf32>
        %mul3A_851 = arith.mulf %mul3A_850, %get3A_39 : vector<16xf32>
        %add3A_852 = arith.addf %add3A_847, %mul3A_851 : vector<16xf32>
        %slice3A_853 = vector.extract_strided_slice %gather3A_779 {offsets = [2], sizes = [1], strides = [1]} : vector<16xf32> to vector<1xf32>
        %squeeze3A_854 = vector.extract %slice3A_853[0] : f32 from vector<1xf32>
        %mul3A_855 = vector.broadcast %squeeze3A_854 : f32 to vector<16xf32>
        %mul3A_856 = arith.mulf %mul3A_855, %get3A_59 : vector<16xf32>
        %add3A_857 = arith.addf %add3A_852, %mul3A_856 : vector<16xf32>
        %slice3A_858 = vector.extract_strided_slice %gather3A_779 {offsets = [3], sizes = [1], strides = [1]} : vector<16xf32> to vector<1xf32>
        %squeeze3A_859 = vector.extract %slice3A_858[0] : f32 from vector<1xf32>
        %mul3A_860 = vector.broadcast %squeeze3A_859 : f32 to vector<16xf32>
        %mul3A_861 = arith.mulf %mul3A_860, %get3A_79 : vector<16xf32>
        %add3A_862 = arith.addf %add3A_857, %mul3A_861 : vector<16xf32>
        %slice3A_863 = vector.extract_strided_slice %gather3A_779 {offsets = [4], sizes = [1], strides = [1]} : vector<16xf32> to vector<1xf32>
        %squeeze3A_864 = vector.extract %slice3A_863[0] : f32 from vector<1xf32>
        %mul3A_865 = vector.broadcast %squeeze3A_864 : f32 to vector<16xf32>
        %mul3A_866 = arith.mulf %mul3A_865, %get3A_99 : vector<16xf32>
        %add3A_867 = arith.addf %add3A_862, %mul3A_866 : vector<16xf32>
        %slice3A_868 = vector.extract_strided_slice %gather3A_779 {offsets = [5], sizes = [1], strides = [1]} : vector<16xf32> to vector<1xf32>
        %squeeze3A_869 = vector.extract %slice3A_868[0] : f32 from vector<1xf32>
        %mul3A_870 = vector.broadcast %squeeze3A_869 : f32 to vector<16xf32>
        %mul3A_871 = arith.mulf %mul3A_870, %get3A_119 : vector<16xf32>
        %add3A_872 = arith.addf %add3A_867, %mul3A_871 : vector<16xf32>
        %slice3A_873 = vector.extract_strided_slice %gather3A_779 {offsets = [6], sizes = [1], strides = [1]} : vector<16xf32> to vector<1xf32>
        %squeeze3A_874 = vector.extract %slice3A_873[0] : f32 from vector<1xf32>
        %mul3A_875 = vector.broadcast %squeeze3A_874 : f32 to vector<16xf32>
        %mul3A_876 = arith.mulf %mul3A_875, %get3A_139 : vector<16xf32>
        %add3A_877 = arith.addf %add3A_872, %mul3A_876 : vector<16xf32>
        %slice3A_878 = vector.extract_strided_slice %gather3A_779 {offsets = [7], sizes = [1], strides = [1]} : vector<16xf32> to vector<1xf32>
        %squeeze3A_879 = vector.extract %slice3A_878[0] : f32 from vector<1xf32>
        %mul3A_880 = vector.broadcast %squeeze3A_879 : f32 to vector<16xf32>
        %mul3A_881 = arith.mulf %mul3A_880, %get3A_159 : vector<16xf32>
        %add3A_882 = arith.addf %add3A_877, %mul3A_881 : vector<16xf32>
        %mul3A_883 = arith.constant 8 : i32
        %mul3A_884 = arith.muli %scan3A_245, %mul3A_883 : i32
        %add3A_885 = arith.constant 1 : i32
        %add3A_886 = arith.addi %mul3A_884, %add3A_885 : i32
        %swap3A_887 = arith.index_cast %add3A_886 : i32 to index
        %swap3A_888 = arith.constant 16 : index
        %swap3A_889 = tpu.vector_load %arg14[%swap3A_887, %swap3A_888] {strides = array<i32>} : memref<64x128xf32, #tpu.memory_space<vmem>>, vector<1x16xf32>,
        %swap3A_890 = vector.shape_cast %swap3A_889 : vector<1x16xf32> to vector<16xf32>
        %swap3A_891 = vector.shape_cast %add3A_882 : vector<16xf32> to vector<1x16xf32>
        tpu.vector_store %arg14[%swap3A_887, %swap3A_888], %swap3A_891 {strides = array<i32>} : memref<64x128xf32, #tpu.memory_space<vmem>>, vector<1x16xf32>,
        %add3A_892 = arith.constant 32 : i32
        %add3A_893 = arith.addi %squeeze3A_758, %add3A_892 : i32
        %get3A_894 = arith.index_cast %and3A_205 : i32 to index
        %get3A_895 = arith.index_cast %add3A_756 : i32 to index
        %get3A_896 = arith.index_cast %add3A_893 : i32 to index
        %get3A_897 = tpu.vector_load %arg12[%get3A_894, %get3A_895, %get3A_896] {strides = array<i32>} : memref<2x128x128xf32, #tpu.memory_space<vmem>>, vector<1x1x16xf32>,
        %get3A_898 = vector.shape_cast %get3A_897 : vector<1x1x16xf32> to vector<16xf32>
        %slice3A_899 = vector.extract_strided_slice %gather3A_779 {offsets = [0], sizes = [1], strides = [1]} : vector<16xf32> to vector<1xf32>
        %squeeze3A_900 = vector.extract %slice3A_899[0] : f32 from vector<1xf32>
        %mul3A_901 = vector.broadcast %squeeze3A_900 : f32 to vector<16xf32>
        %mul3A_902 = arith.mulf %mul3A_901, %get3A_24 : vector<16xf32>
        %add3A_903 = arith.addf %get3A_898, %mul3A_902 : vector<16xf32>
        %slice3A_904 = vector.extract_strided_slice %gather3A_779 {offsets = [1], sizes = [1], strides = [1]} : vector<16xf32> to vector<1xf32>
        %squeeze3A_905 = vector.extract %slice3A_904[0] : f32 from vector<1xf32>
        %mul3A_906 = vector.broadcast %squeeze3A_905 : f32 to vector<16xf32>
        %mul3A_907 = arith.mulf %mul3A_906, %get3A_44 : vector<16xf32>
        %add3A_908 = arith.addf %add3A_903, %mul3A_907 : vector<16xf32>
        %slice3A_909 = vector.extract_strided_slice %gather3A_779 {offsets = [2], sizes = [1], strides = [1]} : vector<16xf32> to vector<1xf32>
        %squeeze3A_910 = vector.extract %slice3A_909[0] : f32 from vector<1xf32>
        %mul3A_911 = vector.broadcast %squeeze3A_910 : f32 to vector<16xf32>
        %mul3A_912 = arith.mulf %mul3A_911, %get3A_64 : vector<16xf32>
        %add3A_913 = arith.addf %add3A_908, %mul3A_912 : vector<16xf32>
        %slice3A_914 = vector.extract_strided_slice %gather3A_779 {offsets = [3], sizes = [1], strides = [1]} : vector<16xf32> to vector<1xf32>
        %squeeze3A_915 = vector.extract %slice3A_914[0] : f32 from vector<1xf32>
        %mul3A_916 = vector.broadcast %squeeze3A_915 : f32 to vector<16xf32>
        %mul3A_917 = arith.mulf %mul3A_916, %get3A_84 : vector<16xf32>
        %add3A_918 = arith.addf %add3A_913, %mul3A_917 : vector<16xf32>
        %slice3A_919 = vector.extract_strided_slice %gather3A_779 {offsets = [4], sizes = [1], strides = [1]} : vector<16xf32> to vector<1xf32>
        %squeeze3A_920 = vector.extract %slice3A_919[0] : f32 from vector<1xf32>
        %mul3A_921 = vector.broadcast %squeeze3A_920 : f32 to vector<16xf32>
        %mul3A_922 = arith.mulf %mul3A_921, %get3A_104 : vector<16xf32>
        %add3A_923 = arith.addf %add3A_918, %mul3A_922 : vector<16xf32>
        %slice3A_924 = vector.extract_strided_slice %gather3A_779 {offsets = [5], sizes = [1], strides = [1]} : vector<16xf32> to vector<1xf32>
        %squeeze3A_925 = vector.extract %slice3A_924[0] : f32 from vector<1xf32>
        %mul3A_926 = vector.broadcast %squeeze3A_925 : f32 to vector<16xf32>
        %mul3A_927 = arith.mulf %mul3A_926, %get3A_124 : vector<16xf32>
        %add3A_928 = arith.addf %add3A_923, %mul3A_927 : vector<16xf32>
        %slice3A_929 = vector.extract_strided_slice %gather3A_779 {offsets = [6], sizes = [1], strides = [1]} : vector<16xf32> to vector<1xf32>
        %squeeze3A_930 = vector.extract %slice3A_929[0] : f32 from vector<1xf32>
        %mul3A_931 = vector.broadcast %squeeze3A_930 : f32 to vector<16xf32>
        %mul3A_932 = arith.mulf %mul3A_931, %get3A_144 : vector<16xf32>
        %add3A_933 = arith.addf %add3A_928, %mul3A_932 : vector<16xf32>
        %slice3A_934 = vector.extract_strided_slice %gather3A_779 {offsets = [7], sizes = [1], strides = [1]} : vector<16xf32> to vector<1xf32>
        %squeeze3A_935 = vector.extract %slice3A_934[0] : f32 from vector<1xf32>
        %mul3A_936 = vector.broadcast %squeeze3A_935 : f32 to vector<16xf32>
        %mul3A_937 = arith.mulf %mul3A_936, %get3A_164 : vector<16xf32>
        %add3A_938 = arith.addf %add3A_933, %mul3A_937 : vector<16xf32>
        %mul3A_939 = arith.constant 8 : i32
        %mul3A_940 = arith.muli %scan3A_245, %mul3A_939 : i32
        %add3A_941 = arith.constant 1 : i32
        %add3A_942 = arith.addi %mul3A_940, %add3A_941 : i32
        %swap3A_943 = arith.index_cast %add3A_942 : i32 to index
        %swap3A_944 = arith.constant 32 : index
        %swap3A_945 = tpu.vector_load %arg14[%swap3A_943, %swap3A_944] {strides = array<i32>} : memref<64x128xf32, #tpu.memory_space<vmem>>, vector<1x16xf32>,
        %swap3A_946 = vector.shape_cast %swap3A_945 : vector<1x16xf32> to vector<16xf32>
        %swap3A_947 = vector.shape_cast %add3A_938 : vector<16xf32> to vector<1x16xf32>
        tpu.vector_store %arg14[%swap3A_943, %swap3A_944], %swap3A_947 {strides = array<i32>} : memref<64x128xf32, #tpu.memory_space<vmem>>, vector<1x16xf32>,
        %add3A_948 = arith.constant 48 : i32
        %add3A_949 = arith.addi %squeeze3A_758, %add3A_948 : i32
        %get3A_950 = arith.index_cast %and3A_205 : i32 to index
        %get3A_951 = arith.index_cast %add3A_756 : i32 to index
        %get3A_952 = arith.index_cast %add3A_949 : i32 to index
        %get3A_953 = tpu.vector_load %arg12[%get3A_950, %get3A_951, %get3A_952] {strides = array<i32>} : memref<2x128x128xf32, #tpu.memory_space<vmem>>, vector<1x1x16xf32>,
        %get3A_954 = vector.shape_cast %get3A_953 : vector<1x1x16xf32> to vector<16xf32>
        %slice3A_955 = vector.extract_strided_slice %gather3A_779 {offsets = [0], sizes = [1], strides = [1]} : vector<16xf32> to vector<1xf32>
        %squeeze3A_956 = vector.extract %slice3A_955[0] : f32 from vector<1xf32>
        %mul3A_957 = vector.broadcast %squeeze3A_956 : f32 to vector<16xf32>
        %mul3A_958 = arith.mulf %mul3A_957, %get3A_29 : vector<16xf32>
        %add3A_959 = arith.addf %get3A_954, %mul3A_958 : vector<16xf32>
        %slice3A_960 = vector.extract_strided_slice %gather3A_779 {offsets = [1], sizes = [1], strides = [1]} : vector<16xf32> to vector<1xf32>
        %squeeze3A_961 = vector.extract %slice3A_960[0] : f32 from vector<1xf32>
        %mul3A_962 = vector.broadcast %squeeze3A_961 : f32 to vector<16xf32>
        %mul3A_963 = arith.mulf %mul3A_962, %get3A_49 : vector<16xf32>
        %add3A_964 = arith.addf %add3A_959, %mul3A_963 : vector<16xf32>
        %slice3A_965 = vector.extract_strided_slice %gather3A_779 {offsets = [2], sizes = [1], strides = [1]} : vector<16xf32> to vector<1xf32>
        %squeeze3A_966 = vector.extract %slice3A_965[0] : f32 from vector<1xf32>
        %mul3A_967 = vector.broadcast %squeeze3A_966 : f32 to vector<16xf32>
        %mul3A_968 = arith.mulf %mul3A_967, %get3A_69 : vector<16xf32>
        %add3A_969 = arith.addf %add3A_964, %mul3A_968 : vector<16xf32>
        %slice3A_970 = vector.extract_strided_slice %gather3A_779 {offsets = [3], sizes = [1], strides = [1]} : vector<16xf32> to vector<1xf32>
        %squeeze3A_971 = vector.extract %slice3A_970[0] : f32 from vector<1xf32>
        %mul3A_972 = vector.broadcast %squeeze3A_971 : f32 to vector<16xf32>
        %mul3A_973 = arith.mulf %mul3A_972, %get3A_89 : vector<16xf32>
        %add3A_974 = arith.addf %add3A_969, %mul3A_973 : vector<16xf32>
        %slice3A_975 = vector.extract_strided_slice %gather3A_779 {offsets = [4], sizes = [1], strides = [1]} : vector<16xf32> to vector<1xf32>
        %squeeze3A_976 = vector.extract %slice3A_975[0] : f32 from vector<1xf32>
        %mul3A_977 = vector.broadcast %squeeze3A_976 : f32 to vector<16xf32>
        %mul3A_978 = arith.mulf %mul3A_977, %get3A_109 : vector<16xf32>
        %add3A_979 = arith.addf %add3A_974, %mul3A_978 : vector<16xf32>
        %slice3A_980 = vector.extract_strided_slice %gather3A_779 {offsets = [5], sizes = [1], strides = [1]} : vector<16xf32> to vector<1xf32>
        %squeeze3A_981 = vector.extract %slice3A_980[0] : f32 from vector<1xf32>
        %mul3A_982 = vector.broadcast %squeeze3A_981 : f32 to vector<16xf32>
        %mul3A_983 = arith.mulf %mul3A_982, %get3A_129 : vector<16xf32>
        %add3A_984 = arith.addf %add3A_979, %mul3A_983 : vector<16xf32>
        %slice3A_985 = vector.extract_strided_slice %gather3A_779 {offsets = [6], sizes = [1], strides = [1]} : vector<16xf32> to vector<1xf32>
        %squeeze3A_986 = vector.extract %slice3A_985[0] : f32 from vector<1xf32>
        %mul3A_987 = vector.broadcast %squeeze3A_986 : f32 to vector<16xf32>
        %mul3A_988 = arith.mulf %mul3A_987, %get3A_149 : vector<16xf32>
        %add3A_989 = arith.addf %add3A_984, %mul3A_988 : vector<16xf32>
        %slice3A_990 = vector.extract_strided_slice %gather3A_779 {offsets = [7], sizes = [1], strides = [1]} : vector<16xf32> to vector<1xf32>
        %squeeze3A_991 = vector.extract %slice3A_990[0] : f32 from vector<1xf32>
        %mul3A_992 = vector.broadcast %squeeze3A_991 : f32 to vector<16xf32>
        %mul3A_993 = arith.mulf %mul3A_992, %get3A_169 : vector<16xf32>
        %add3A_994 = arith.addf %add3A_989, %mul3A_993 : vector<16xf32>
        %mul3A_995 = arith.constant 8 : i32
        %mul3A_996 = arith.muli %scan3A_245, %mul3A_995 : i32
        %add3A_997 = arith.constant 1 : i32
        %add3A_998 = arith.addi %mul3A_996, %add3A_997 : i32
        %swap3A_999 = arith.index_cast %add3A_998 : i32 to index
        %swap3A_1000 = arith.constant 48 : index
        %swap3A_1001 = tpu.vector_load %arg14[%swap3A_999, %swap3A_1000] {strides = array<i32>} : memref<64x128xf32, #tpu.memory_space<vmem>>, vector<1x16xf32>,
        %swap3A_1002 = vector.shape_cast %swap3A_1001 : vector<1x16xf32> to vector<16xf32>
        %swap3A_1003 = vector.shape_cast %add3A_994 : vector<16xf32> to vector<1x16xf32>
        tpu.vector_store %arg14[%swap3A_999, %swap3A_1000], %swap3A_1003 {strides = array<i32>} : memref<64x128xf32, #tpu.memory_space<vmem>>, vector<1x16xf32>,
        %mul3A_1004 = arith.constant 16 : i32
        %mul3A_1005 = arith.muli %scan3A_245, %mul3A_1004 : i32
        %add3A_1006 = arith.constant 3 : i32
        %add3A_1007 = arith.addi %mul3A_1005, %add3A_1006 : i32
        %slice3A_1008 = vector.extract_strided_slice %get3A_251 {offsets = [3], sizes = [1], strides = [1]} : vector<16xi32> to vector<1xi32>
        %squeeze3A_1009 = vector.extract %slice3A_1008[0] : i32 from vector<1xi32>
        %slice3A_1010 = vector.extract_strided_slice %get3A_257 {offsets = [3], sizes = [1], strides = [1]} : vector<16xi32> to vector<1xi32>
        %squeeze3A_1011 = vector.extract %slice3A_1010[0] : i32 from vector<1xi32>
        %get3A_1012 = arith.index_cast %and3A_205 : i32 to index
        %get3A_1013 = arith.index_cast %add3A_1007 : i32 to index
        %get3A_1014 = arith.index_cast %squeeze3A_1011 : i32 to index
        %get3A_1015 = tpu.vector_load %arg13[%get3A_1012, %get3A_1013, %get3A_1014] {strides = array<i32>} : memref<2x128x128xf32, #tpu.memory_space<vmem>>, vector<1x1x16xf32>,
        %get3A_1016 = vector.shape_cast %get3A_1015 : vector<1x1x16xf32> to vector<16xf32>
        %shift_right_arithmetic3A_1017 = arith.constant 3 : i32
        %shift_right_arithmetic3A_1018 = arith.shrsi %squeeze3A_1009, %shift_right_arithmetic3A_1017 : i32
        %add3A_1019 = vector.broadcast %shift_right_arithmetic3A_1018 : i32 to vector<16xi32>
        %add3A_1020 = arith.addi %and3A_171, %add3A_1019 : vector<16xi32>
        %lt3A_1021 = arith.constant 0 : i32
        %lt3A_1022 = vector.broadcast %lt3A_1021 : i32 to vector<16xi32>
        %lt3A_1023 = arith.cmpi slt, %add3A_1020, %lt3A_1022 : vector<16xi32>
        %add3A_1024 = arith.constant 16 : i32
        %add3A_1025 = vector.broadcast %add3A_1024 : i32 to vector<16xi32>
        %add3A_1026 = arith.addi %add3A_1020, %add3A_1025 : vector<16xi32>
        %select_n3A_1027 = arith.select %lt3A_1023, %add3A_1026, %add3A_1020 : vector<16xi1>, vector<16xi32>
        %broadcast_in_dim3A_1028 = vector.shape_cast %select_n3A_1027 : vector<16xi32> to vector<16x1xi32>
        %gather3A_1029 = vector.shape_cast %broadcast_in_dim3A_1028 : vector<16x1xi32> to vector<16xi32>
        %gather3A_1030 = tpu.dynamic_gather %get3A_1016[%gather3A_1029] in [0] : vector<16xf32>, vector<16xi32> -> vector<16xf32>
        %add3A_1031 = arith.constant 0 : i32
        %add3A_1032 = arith.addi %squeeze3A_1009, %add3A_1031 : i32
        %get3A_1033 = arith.index_cast %and3A_205 : i32 to index
        %get3A_1034 = arith.index_cast %add3A_1007 : i32 to index
        %get3A_1035 = arith.index_cast %add3A_1032 : i32 to index
        %get3A_1036 = tpu.vector_load %arg12[%get3A_1033, %get3A_1034, %get3A_1035] {strides = array<i32>} : memref<2x128x128xf32, #tpu.memory_space<vmem>>, vector<1x1x16xf32>,
        %get3A_1037 = vector.shape_cast %get3A_1036 : vector<1x1x16xf32> to vector<16xf32>
        %slice3A_1038 = vector.extract_strided_slice %gather3A_1030 {offsets = [0], sizes = [1], strides = [1]} : vector<16xf32> to vector<1xf32>
        %squeeze3A_1039 = vector.extract %slice3A_1038[0] : f32 from vector<1xf32>
        %mul3A_1040 = vector.broadcast %squeeze3A_1039 : f32 to vector<16xf32>
        %mul3A_1041 = arith.mulf %mul3A_1040, %get3A_14 : vector<16xf32>
        %add3A_1042 = arith.addf %get3A_1037, %mul3A_1041 : vector<16xf32>
        %slice3A_1043 = vector.extract_strided_slice %gather3A_1030 {offsets = [1], sizes = [1], strides = [1]} : vector<16xf32> to vector<1xf32>
        %squeeze3A_1044 = vector.extract %slice3A_1043[0] : f32 from vector<1xf32>
        %mul3A_1045 = vector.broadcast %squeeze3A_1044 : f32 to vector<16xf32>
        %mul3A_1046 = arith.mulf %mul3A_1045, %get3A_34 : vector<16xf32>
        %add3A_1047 = arith.addf %add3A_1042, %mul3A_1046 : vector<16xf32>
        %slice3A_1048 = vector.extract_strided_slice %gather3A_1030 {offsets = [2], sizes = [1], strides = [1]} : vector<16xf32> to vector<1xf32>
        %squeeze3A_1049 = vector.extract %slice3A_1048[0] : f32 from vector<1xf32>
        %mul3A_1050 = vector.broadcast %squeeze3A_1049 : f32 to vector<16xf32>
        %mul3A_1051 = arith.mulf %mul3A_1050, %get3A_54 : vector<16xf32>
        %add3A_1052 = arith.addf %add3A_1047, %mul3A_1051 : vector<16xf32>
        %slice3A_1053 = vector.extract_strided_slice %gather3A_1030 {offsets = [3], sizes = [1], strides = [1]} : vector<16xf32> to vector<1xf32>
        %squeeze3A_1054 = vector.extract %slice3A_1053[0] : f32 from vector<1xf32>
        %mul3A_1055 = vector.broadcast %squeeze3A_1054 : f32 to vector<16xf32>
        %mul3A_1056 = arith.mulf %mul3A_1055, %get3A_74 : vector<16xf32>
        %add3A_1057 = arith.addf %add3A_1052, %mul3A_1056 : vector<16xf32>
        %slice3A_1058 = vector.extract_strided_slice %gather3A_1030 {offsets = [4], sizes = [1], strides = [1]} : vector<16xf32> to vector<1xf32>
        %squeeze3A_1059 = vector.extract %slice3A_1058[0] : f32 from vector<1xf32>
        %mul3A_1060 = vector.broadcast %squeeze3A_1059 : f32 to vector<16xf32>
        %mul3A_1061 = arith.mulf %mul3A_1060, %get3A_94 : vector<16xf32>
        %add3A_1062 = arith.addf %add3A_1057, %mul3A_1061 : vector<16xf32>
        %slice3A_1063 = vector.extract_strided_slice %gather3A_1030 {offsets = [5], sizes = [1], strides = [1]} : vector<16xf32> to vector<1xf32>
        %squeeze3A_1064 = vector.extract %slice3A_1063[0] : f32 from vector<1xf32>
        %mul3A_1065 = vector.broadcast %squeeze3A_1064 : f32 to vector<16xf32>
        %mul3A_1066 = arith.mulf %mul3A_1065, %get3A_114 : vector<16xf32>
        %add3A_1067 = arith.addf %add3A_1062, %mul3A_1066 : vector<16xf32>
        %slice3A_1068 = vector.extract_strided_slice %gather3A_1030 {offsets = [6], sizes = [1], strides = [1]} : vector<16xf32> to vector<1xf32>
        %squeeze3A_1069 = vector.extract %slice3A_1068[0] : f32 from vector<1xf32>
        %mul3A_1070 = vector.broadcast %squeeze3A_1069 : f32 to vector<16xf32>
        %mul3A_1071 = arith.mulf %mul3A_1070, %get3A_134 : vector<16xf32>
        %add3A_1072 = arith.addf %add3A_1067, %mul3A_1071 : vector<16xf32>
        %slice3A_1073 = vector.extract_strided_slice %gather3A_1030 {offsets = [7], sizes = [1], strides = [1]} : vector<16xf32> to vector<1xf32>
        %squeeze3A_1074 = vector.extract %slice3A_1073[0] : f32 from vector<1xf32>
        %mul3A_1075 = vector.broadcast %squeeze3A_1074 : f32 to vector<16xf32>
        %mul3A_1076 = arith.mulf %mul3A_1075, %get3A_154 : vector<16xf32>
        %add3A_1077 = arith.addf %add3A_1072, %mul3A_1076 : vector<16xf32>
        %mul3A_1078 = arith.constant 8 : i32
        %mul3A_1079 = arith.muli %scan3A_245, %mul3A_1078 : i32
        %add3A_1080 = arith.constant 1 : i32
        %add3A_1081 = arith.addi %mul3A_1079, %add3A_1080 : i32
        %swap3A_1082 = arith.index_cast %add3A_1081 : i32 to index
        %swap3A_1083 = arith.constant 64 : index
        %swap3A_1084 = tpu.vector_load %arg14[%swap3A_1082, %swap3A_1083] {strides = array<i32>} : memref<64x128xf32, #tpu.memory_space<vmem>>, vector<1x16xf32>,
        %swap3A_1085 = vector.shape_cast %swap3A_1084 : vector<1x16xf32> to vector<16xf32>
        %swap3A_1086 = vector.shape_cast %add3A_1077 : vector<16xf32> to vector<1x16xf32>
        tpu.vector_store %arg14[%swap3A_1082, %swap3A_1083], %swap3A_1086 {strides = array<i32>} : memref<64x128xf32, #tpu.memory_space<vmem>>, vector<1x16xf32>,
        %add3A_1087 = arith.constant 16 : i32
        %add3A_1088 = arith.addi %squeeze3A_1009, %add3A_1087 : i32
        %get3A_1089 = arith.index_cast %and3A_205 : i32 to index
        %get3A_1090 = arith.index_cast %add3A_1007 : i32 to index
        %get3A_1091 = arith.index_cast %add3A_1088 : i32 to index
        %get3A_1092 = tpu.vector_load %arg12[%get3A_1089, %get3A_1090, %get3A_1091] {strides = array<i32>} : memref<2x128x128xf32, #tpu.memory_space<vmem>>, vector<1x1x16xf32>,
        %get3A_1093 = vector.shape_cast %get3A_1092 : vector<1x1x16xf32> to vector<16xf32>
        %slice3A_1094 = vector.extract_strided_slice %gather3A_1030 {offsets = [0], sizes = [1], strides = [1]} : vector<16xf32> to vector<1xf32>
        %squeeze3A_1095 = vector.extract %slice3A_1094[0] : f32 from vector<1xf32>
        %mul3A_1096 = vector.broadcast %squeeze3A_1095 : f32 to vector<16xf32>
        %mul3A_1097 = arith.mulf %mul3A_1096, %get3A_19 : vector<16xf32>
        %add3A_1098 = arith.addf %get3A_1093, %mul3A_1097 : vector<16xf32>
        %slice3A_1099 = vector.extract_strided_slice %gather3A_1030 {offsets = [1], sizes = [1], strides = [1]} : vector<16xf32> to vector<1xf32>
        %squeeze3A_1100 = vector.extract %slice3A_1099[0] : f32 from vector<1xf32>
        %mul3A_1101 = vector.broadcast %squeeze3A_1100 : f32 to vector<16xf32>
        %mul3A_1102 = arith.mulf %mul3A_1101, %get3A_39 : vector<16xf32>
        %add3A_1103 = arith.addf %add3A_1098, %mul3A_1102 : vector<16xf32>
        %slice3A_1104 = vector.extract_strided_slice %gather3A_1030 {offsets = [2], sizes = [1], strides = [1]} : vector<16xf32> to vector<1xf32>
        %squeeze3A_1105 = vector.extract %slice3A_1104[0] : f32 from vector<1xf32>
        %mul3A_1106 = vector.broadcast %squeeze3A_1105 : f32 to vector<16xf32>
        %mul3A_1107 = arith.mulf %mul3A_1106, %get3A_59 : vector<16xf32>
        %add3A_1108 = arith.addf %add3A_1103, %mul3A_1107 : vector<16xf32>
        %slice3A_1109 = vector.extract_strided_slice %gather3A_1030 {offsets = [3], sizes = [1], strides = [1]} : vector<16xf32> to vector<1xf32>
        %squeeze3A_1110 = vector.extract %slice3A_1109[0] : f32 from vector<1xf32>
        %mul3A_1111 = vector.broadcast %squeeze3A_1110 : f32 to vector<16xf32>
        %mul3A_1112 = arith.mulf %mul3A_1111, %get3A_79 : vector<16xf32>
        %add3A_1113 = arith.addf %add3A_1108, %mul3A_1112 : vector<16xf32>
        %slice3A_1114 = vector.extract_strided_slice %gather3A_1030 {offsets = [4], sizes = [1], strides = [1]} : vector<16xf32> to vector<1xf32>
        %squeeze3A_1115 = vector.extract %slice3A_1114[0] : f32 from vector<1xf32>
        %mul3A_1116 = vector.broadcast %squeeze3A_1115 : f32 to vector<16xf32>
        %mul3A_1117 = arith.mulf %mul3A_1116, %get3A_99 : vector<16xf32>
        %add3A_1118 = arith.addf %add3A_1113, %mul3A_1117 : vector<16xf32>
        %slice3A_1119 = vector.extract_strided_slice %gather3A_1030 {offsets = [5], sizes = [1], strides = [1]} : vector<16xf32> to vector<1xf32>
        %squeeze3A_1120 = vector.extract %slice3A_1119[0] : f32 from vector<1xf32>
        %mul3A_1121 = vector.broadcast %squeeze3A_1120 : f32 to vector<16xf32>
        %mul3A_1122 = arith.mulf %mul3A_1121, %get3A_119 : vector<16xf32>
        %add3A_1123 = arith.addf %add3A_1118, %mul3A_1122 : vector<16xf32>
        %slice3A_1124 = vector.extract_strided_slice %gather3A_1030 {offsets = [6], sizes = [1], strides = [1]} : vector<16xf32> to vector<1xf32>
        %squeeze3A_1125 = vector.extract %slice3A_1124[0] : f32 from vector<1xf32>
        %mul3A_1126 = vector.broadcast %squeeze3A_1125 : f32 to vector<16xf32>
        %mul3A_1127 = arith.mulf %mul3A_1126, %get3A_139 : vector<16xf32>
        %add3A_1128 = arith.addf %add3A_1123, %mul3A_1127 : vector<16xf32>
        %slice3A_1129 = vector.extract_strided_slice %gather3A_1030 {offsets = [7], sizes = [1], strides = [1]} : vector<16xf32> to vector<1xf32>
        %squeeze3A_1130 = vector.extract %slice3A_1129[0] : f32 from vector<1xf32>
        %mul3A_1131 = vector.broadcast %squeeze3A_1130 : f32 to vector<16xf32>
        %mul3A_1132 = arith.mulf %mul3A_1131, %get3A_159 : vector<16xf32>
        %add3A_1133 = arith.addf %add3A_1128, %mul3A_1132 : vector<16xf32>
        %mul3A_1134 = arith.constant 8 : i32
        %mul3A_1135 = arith.muli %scan3A_245, %mul3A_1134 : i32
        %add3A_1136 = arith.constant 1 : i32
        %add3A_1137 = arith.addi %mul3A_1135, %add3A_1136 : i32
        %swap3A_1138 = arith.index_cast %add3A_1137 : i32 to index
        %swap3A_1139 = arith.constant 80 : index
        %swap3A_1140 = tpu.vector_load %arg14[%swap3A_1138, %swap3A_1139] {strides = array<i32>} : memref<64x128xf32, #tpu.memory_space<vmem>>, vector<1x16xf32>,
        %swap3A_1141 = vector.shape_cast %swap3A_1140 : vector<1x16xf32> to vector<16xf32>
        %swap3A_1142 = vector.shape_cast %add3A_1133 : vector<16xf32> to vector<1x16xf32>
        tpu.vector_store %arg14[%swap3A_1138, %swap3A_1139], %swap3A_1142 {strides = array<i32>} : memref<64x128xf32, #tpu.memory_space<vmem>>, vector<1x16xf32>,
        %add3A_1143 = arith.constant 32 : i32
        %add3A_1144 = arith.addi %squeeze3A_1009, %add3A_1143 : i32
        %get3A_1145 = arith.index_cast %and3A_205 : i32 to index
        %get3A_1146 = arith.index_cast %add3A_1007 : i32 to index
        %get3A_1147 = arith.index_cast %add3A_1144 : i32 to index
        %get3A_1148 = tpu.vector_load %arg12[%get3A_1145, %get3A_1146, %get3A_1147] {strides = array<i32>} : memref<2x128x128xf32, #tpu.memory_space<vmem>>, vector<1x1x16xf32>,
        %get3A_1149 = vector.shape_cast %get3A_1148 : vector<1x1x16xf32> to vector<16xf32>
        %slice3A_1150 = vector.extract_strided_slice %gather3A_1030 {offsets = [0], sizes = [1], strides = [1]} : vector<16xf32> to vector<1xf32>
        %squeeze3A_1151 = vector.extract %slice3A_1150[0] : f32 from vector<1xf32>
        %mul3A_1152 = vector.broadcast %squeeze3A_1151 : f32 to vector<16xf32>
        %mul3A_1153 = arith.mulf %mul3A_1152, %get3A_24 : vector<16xf32>
        %add3A_1154 = arith.addf %get3A_1149, %mul3A_1153 : vector<16xf32>
        %slice3A_1155 = vector.extract_strided_slice %gather3A_1030 {offsets = [1], sizes = [1], strides = [1]} : vector<16xf32> to vector<1xf32>
        %squeeze3A_1156 = vector.extract %slice3A_1155[0] : f32 from vector<1xf32>
        %mul3A_1157 = vector.broadcast %squeeze3A_1156 : f32 to vector<16xf32>
        %mul3A_1158 = arith.mulf %mul3A_1157, %get3A_44 : vector<16xf32>
        %add3A_1159 = arith.addf %add3A_1154, %mul3A_1158 : vector<16xf32>
        %slice3A_1160 = vector.extract_strided_slice %gather3A_1030 {offsets = [2], sizes = [1], strides = [1]} : vector<16xf32> to vector<1xf32>
        %squeeze3A_1161 = vector.extract %slice3A_1160[0] : f32 from vector<1xf32>
        %mul3A_1162 = vector.broadcast %squeeze3A_1161 : f32 to vector<16xf32>
        %mul3A_1163 = arith.mulf %mul3A_1162, %get3A_64 : vector<16xf32>
        %add3A_1164 = arith.addf %add3A_1159, %mul3A_1163 : vector<16xf32>
        %slice3A_1165 = vector.extract_strided_slice %gather3A_1030 {offsets = [3], sizes = [1], strides = [1]} : vector<16xf32> to vector<1xf32>
        %squeeze3A_1166 = vector.extract %slice3A_1165[0] : f32 from vector<1xf32>
        %mul3A_1167 = vector.broadcast %squeeze3A_1166 : f32 to vector<16xf32>
        %mul3A_1168 = arith.mulf %mul3A_1167, %get3A_84 : vector<16xf32>
        %add3A_1169 = arith.addf %add3A_1164, %mul3A_1168 : vector<16xf32>
        %slice3A_1170 = vector.extract_strided_slice %gather3A_1030 {offsets = [4], sizes = [1], strides = [1]} : vector<16xf32> to vector<1xf32>
        %squeeze3A_1171 = vector.extract %slice3A_1170[0] : f32 from vector<1xf32>
        %mul3A_1172 = vector.broadcast %squeeze3A_1171 : f32 to vector<16xf32>
        %mul3A_1173 = arith.mulf %mul3A_1172, %get3A_104 : vector<16xf32>
        %add3A_1174 = arith.addf %add3A_1169, %mul3A_1173 : vector<16xf32>
        %slice3A_1175 = vector.extract_strided_slice %gather3A_1030 {offsets = [5], sizes = [1], strides = [1]} : vector<16xf32> to vector<1xf32>
        %squeeze3A_1176 = vector.extract %slice3A_1175[0] : f32 from vector<1xf32>
        %mul3A_1177 = vector.broadcast %squeeze3A_1176 : f32 to vector<16xf32>
        %mul3A_1178 = arith.mulf %mul3A_1177, %get3A_124 : vector<16xf32>
        %add3A_1179 = arith.addf %add3A_1174, %mul3A_1178 : vector<16xf32>
        %slice3A_1180 = vector.extract_strided_slice %gather3A_1030 {offsets = [6], sizes = [1], strides = [1]} : vector<16xf32> to vector<1xf32>
        %squeeze3A_1181 = vector.extract %slice3A_1180[0] : f32 from vector<1xf32>
        %mul3A_1182 = vector.broadcast %squeeze3A_1181 : f32 to vector<16xf32>
        %mul3A_1183 = arith.mulf %mul3A_1182, %get3A_144 : vector<16xf32>
        %add3A_1184 = arith.addf %add3A_1179, %mul3A_1183 : vector<16xf32>
        %slice3A_1185 = vector.extract_strided_slice %gather3A_1030 {offsets = [7], sizes = [1], strides = [1]} : vector<16xf32> to vector<1xf32>
        %squeeze3A_1186 = vector.extract %slice3A_1185[0] : f32 from vector<1xf32>
        %mul3A_1187 = vector.broadcast %squeeze3A_1186 : f32 to vector<16xf32>
        %mul3A_1188 = arith.mulf %mul3A_1187, %get3A_164 : vector<16xf32>
        %add3A_1189 = arith.addf %add3A_1184, %mul3A_1188 : vector<16xf32>
        %mul3A_1190 = arith.constant 8 : i32
        %mul3A_1191 = arith.muli %scan3A_245, %mul3A_1190 : i32
        %add3A_1192 = arith.constant 1 : i32
        %add3A_1193 = arith.addi %mul3A_1191, %add3A_1192 : i32
        %swap3A_1194 = arith.index_cast %add3A_1193 : i32 to index
        %swap3A_1195 = arith.constant 96 : index
        %swap3A_1196 = tpu.vector_load %arg14[%swap3A_1194, %swap3A_1195] {strides = array<i32>} : memref<64x128xf32, #tpu.memory_space<vmem>>, vector<1x16xf32>,
        %swap3A_1197 = vector.shape_cast %swap3A_1196 : vector<1x16xf32> to vector<16xf32>
        %swap3A_1198 = vector.shape_cast %add3A_1189 : vector<16xf32> to vector<1x16xf32>
        tpu.vector_store %arg14[%swap3A_1194, %swap3A_1195], %swap3A_1198 {strides = array<i32>} : memref<64x128xf32, #tpu.memory_space<vmem>>, vector<1x16xf32>,
        %add3A_1199 = arith.constant 48 : i32
        %add3A_1200 = arith.addi %squeeze3A_1009, %add3A_1199 : i32
        %get3A_1201 = arith.index_cast %and3A_205 : i32 to index
        %get3A_1202 = arith.index_cast %add3A_1007 : i32 to index
        %get3A_1203 = arith.index_cast %add3A_1200 : i32 to index
        %get3A_1204 = tpu.vector_load %arg12[%get3A_1201, %get3A_1202, %get3A_1203] {strides = array<i32>} : memref<2x128x128xf32, #tpu.memory_space<vmem>>, vector<1x1x16xf32>,
        %get3A_1205 = vector.shape_cast %get3A_1204 : vector<1x1x16xf32> to vector<16xf32>
        %slice3A_1206 = vector.extract_strided_slice %gather3A_1030 {offsets = [0], sizes = [1], strides = [1]} : vector<16xf32> to vector<1xf32>
        %squeeze3A_1207 = vector.extract %slice3A_1206[0] : f32 from vector<1xf32>
        %mul3A_1208 = vector.broadcast %squeeze3A_1207 : f32 to vector<16xf32>
        %mul3A_1209 = arith.mulf %mul3A_1208, %get3A_29 : vector<16xf32>
        %add3A_1210 = arith.addf %get3A_1205, %mul3A_1209 : vector<16xf32>
        %slice3A_1211 = vector.extract_strided_slice %gather3A_1030 {offsets = [1], sizes = [1], strides = [1]} : vector<16xf32> to vector<1xf32>
        %squeeze3A_1212 = vector.extract %slice3A_1211[0] : f32 from vector<1xf32>
        %mul3A_1213 = vector.broadcast %squeeze3A_1212 : f32 to vector<16xf32>
        %mul3A_1214 = arith.mulf %mul3A_1213, %get3A_49 : vector<16xf32>
        %add3A_1215 = arith.addf %add3A_1210, %mul3A_1214 : vector<16xf32>
        %slice3A_1216 = vector.extract_strided_slice %gather3A_1030 {offsets = [2], sizes = [1], strides = [1]} : vector<16xf32> to vector<1xf32>
        %squeeze3A_1217 = vector.extract %slice3A_1216[0] : f32 from vector<1xf32>
        %mul3A_1218 = vector.broadcast %squeeze3A_1217 : f32 to vector<16xf32>
        %mul3A_1219 = arith.mulf %mul3A_1218, %get3A_69 : vector<16xf32>
        %add3A_1220 = arith.addf %add3A_1215, %mul3A_1219 : vector<16xf32>
        %slice3A_1221 = vector.extract_strided_slice %gather3A_1030 {offsets = [3], sizes = [1], strides = [1]} : vector<16xf32> to vector<1xf32>
        %squeeze3A_1222 = vector.extract %slice3A_1221[0] : f32 from vector<1xf32>
        %mul3A_1223 = vector.broadcast %squeeze3A_1222 : f32 to vector<16xf32>
        %mul3A_1224 = arith.mulf %mul3A_1223, %get3A_89 : vector<16xf32>
        %add3A_1225 = arith.addf %add3A_1220, %mul3A_1224 : vector<16xf32>
        %slice3A_1226 = vector.extract_strided_slice %gather3A_1030 {offsets = [4], sizes = [1], strides = [1]} : vector<16xf32> to vector<1xf32>
        %squeeze3A_1227 = vector.extract %slice3A_1226[0] : f32 from vector<1xf32>
        %mul3A_1228 = vector.broadcast %squeeze3A_1227 : f32 to vector<16xf32>
        %mul3A_1229 = arith.mulf %mul3A_1228, %get3A_109 : vector<16xf32>
        %add3A_1230 = arith.addf %add3A_1225, %mul3A_1229 : vector<16xf32>
        %slice3A_1231 = vector.extract_strided_slice %gather3A_1030 {offsets = [5], sizes = [1], strides = [1]} : vector<16xf32> to vector<1xf32>
        %squeeze3A_1232 = vector.extract %slice3A_1231[0] : f32 from vector<1xf32>
        %mul3A_1233 = vector.broadcast %squeeze3A_1232 : f32 to vector<16xf32>
        %mul3A_1234 = arith.mulf %mul3A_1233, %get3A_129 : vector<16xf32>
        %add3A_1235 = arith.addf %add3A_1230, %mul3A_1234 : vector<16xf32>
        %slice3A_1236 = vector.extract_strided_slice %gather3A_1030 {offsets = [6], sizes = [1], strides = [1]} : vector<16xf32> to vector<1xf32>
        %squeeze3A_1237 = vector.extract %slice3A_1236[0] : f32 from vector<1xf32>
        %mul3A_1238 = vector.broadcast %squeeze3A_1237 : f32 to vector<16xf32>
        %mul3A_1239 = arith.mulf %mul3A_1238, %get3A_149 : vector<16xf32>
        %add3A_1240 = arith.addf %add3A_1235, %mul3A_1239 : vector<16xf32>
        %slice3A_1241 = vector.extract_strided_slice %gather3A_1030 {offsets = [7], sizes = [1], strides = [1]} : vector<16xf32> to vector<1xf32>
        %squeeze3A_1242 = vector.extract %slice3A_1241[0] : f32 from vector<1xf32>
        %mul3A_1243 = vector.broadcast %squeeze3A_1242 : f32 to vector<16xf32>
        %mul3A_1244 = arith.mulf %mul3A_1243, %get3A_169 : vector<16xf32>
        %add3A_1245 = arith.addf %add3A_1240, %mul3A_1244 : vector<16xf32>
        %mul3A_1246 = arith.constant 8 : i32
        %mul3A_1247 = arith.muli %scan3A_245, %mul3A_1246 : i32
        %add3A_1248 = arith.constant 1 : i32
        %add3A_1249 = arith.addi %mul3A_1247, %add3A_1248 : i32
        %swap3A_1250 = arith.index_cast %add3A_1249 : i32 to index
        %swap3A_1251 = arith.constant 112 : index
        %swap3A_1252 = tpu.vector_load %arg14[%swap3A_1250, %swap3A_1251] {strides = array<i32>} : memref<64x128xf32, #tpu.memory_space<vmem>>, vector<1x16xf32>,
        %swap3A_1253 = vector.shape_cast %swap3A_1252 : vector<1x16xf32> to vector<16xf32>
        %swap3A_1254 = vector.shape_cast %add3A_1245 : vector<16xf32> to vector<1x16xf32>
        tpu.vector_store %arg14[%swap3A_1250, %swap3A_1251], %swap3A_1254 {strides = array<i32>} : memref<64x128xf32, #tpu.memory_space<vmem>>, vector<1x16xf32>,
        %mul3A_1255 = arith.constant 16 : i32
        %mul3A_1256 = arith.muli %scan3A_245, %mul3A_1255 : i32
        %add3A_1257 = arith.constant 4 : i32
        %add3A_1258 = arith.addi %mul3A_1256, %add3A_1257 : i32
        %slice3A_1259 = vector.extract_strided_slice %get3A_251 {offsets = [4], sizes = [1], strides = [1]} : vector<16xi32> to vector<1xi32>
        %squeeze3A_1260 = vector.extract %slice3A_1259[0] : i32 from vector<1xi32>
        %slice3A_1261 = vector.extract_strided_slice %get3A_257 {offsets = [4], sizes = [1], strides = [1]} : vector<16xi32> to vector<1xi32>
        %squeeze3A_1262 = vector.extract %slice3A_1261[0] : i32 from vector<1xi32>
        %get3A_1263 = arith.index_cast %and3A_205 : i32 to index
        %get3A_1264 = arith.index_cast %add3A_1258 : i32 to index
        %get3A_1265 = arith.index_cast %squeeze3A_1262 : i32 to index
        %get3A_1266 = tpu.vector_load %arg13[%get3A_1263, %get3A_1264, %get3A_1265] {strides = array<i32>} : memref<2x128x128xf32, #tpu.memory_space<vmem>>, vector<1x1x16xf32>,
        %get3A_1267 = vector.shape_cast %get3A_1266 : vector<1x1x16xf32> to vector<16xf32>
        %shift_right_arithmetic3A_1268 = arith.constant 3 : i32
        %shift_right_arithmetic3A_1269 = arith.shrsi %squeeze3A_1260, %shift_right_arithmetic3A_1268 : i32
        %add3A_1270 = vector.broadcast %shift_right_arithmetic3A_1269 : i32 to vector<16xi32>
        %add3A_1271 = arith.addi %and3A_171, %add3A_1270 : vector<16xi32>
        %lt3A_1272 = arith.constant 0 : i32
        %lt3A_1273 = vector.broadcast %lt3A_1272 : i32 to vector<16xi32>
        %lt3A_1274 = arith.cmpi slt, %add3A_1271, %lt3A_1273 : vector<16xi32>
        %add3A_1275 = arith.constant 16 : i32
        %add3A_1276 = vector.broadcast %add3A_1275 : i32 to vector<16xi32>
        %add3A_1277 = arith.addi %add3A_1271, %add3A_1276 : vector<16xi32>
        %select_n3A_1278 = arith.select %lt3A_1274, %add3A_1277, %add3A_1271 : vector<16xi1>, vector<16xi32>
        %broadcast_in_dim3A_1279 = vector.shape_cast %select_n3A_1278 : vector<16xi32> to vector<16x1xi32>
        %gather3A_1280 = vector.shape_cast %broadcast_in_dim3A_1279 : vector<16x1xi32> to vector<16xi32>
        %gather3A_1281 = tpu.dynamic_gather %get3A_1267[%gather3A_1280] in [0] : vector<16xf32>, vector<16xi32> -> vector<16xf32>
        %add3A_1282 = arith.constant 0 : i32
        %add3A_1283 = arith.addi %squeeze3A_1260, %add3A_1282 : i32
        %get3A_1284 = arith.index_cast %and3A_205 : i32 to index
        %get3A_1285 = arith.index_cast %add3A_1258 : i32 to index
        %get3A_1286 = arith.index_cast %add3A_1283 : i32 to index
        %get3A_1287 = tpu.vector_load %arg12[%get3A_1284, %get3A_1285, %get3A_1286] {strides = array<i32>} : memref<2x128x128xf32, #tpu.memory_space<vmem>>, vector<1x1x16xf32>,
        %get3A_1288 = vector.shape_cast %get3A_1287 : vector<1x1x16xf32> to vector<16xf32>
        %slice3A_1289 = vector.extract_strided_slice %gather3A_1281 {offsets = [0], sizes = [1], strides = [1]} : vector<16xf32> to vector<1xf32>
        %squeeze3A_1290 = vector.extract %slice3A_1289[0] : f32 from vector<1xf32>
        %mul3A_1291 = vector.broadcast %squeeze3A_1290 : f32 to vector<16xf32>
        %mul3A_1292 = arith.mulf %mul3A_1291, %get3A_14 : vector<16xf32>
        %add3A_1293 = arith.addf %get3A_1288, %mul3A_1292 : vector<16xf32>
        %slice3A_1294 = vector.extract_strided_slice %gather3A_1281 {offsets = [1], sizes = [1], strides = [1]} : vector<16xf32> to vector<1xf32>
        %squeeze3A_1295 = vector.extract %slice3A_1294[0] : f32 from vector<1xf32>
        %mul3A_1296 = vector.broadcast %squeeze3A_1295 : f32 to vector<16xf32>
        %mul3A_1297 = arith.mulf %mul3A_1296, %get3A_34 : vector<16xf32>
        %add3A_1298 = arith.addf %add3A_1293, %mul3A_1297 : vector<16xf32>
        %slice3A_1299 = vector.extract_strided_slice %gather3A_1281 {offsets = [2], sizes = [1], strides = [1]} : vector<16xf32> to vector<1xf32>
        %squeeze3A_1300 = vector.extract %slice3A_1299[0] : f32 from vector<1xf32>
        %mul3A_1301 = vector.broadcast %squeeze3A_1300 : f32 to vector<16xf32>
        %mul3A_1302 = arith.mulf %mul3A_1301, %get3A_54 : vector<16xf32>
        %add3A_1303 = arith.addf %add3A_1298, %mul3A_1302 : vector<16xf32>
        %slice3A_1304 = vector.extract_strided_slice %gather3A_1281 {offsets = [3], sizes = [1], strides = [1]} : vector<16xf32> to vector<1xf32>
        %squeeze3A_1305 = vector.extract %slice3A_1304[0] : f32 from vector<1xf32>
        %mul3A_1306 = vector.broadcast %squeeze3A_1305 : f32 to vector<16xf32>
        %mul3A_1307 = arith.mulf %mul3A_1306, %get3A_74 : vector<16xf32>
        %add3A_1308 = arith.addf %add3A_1303, %mul3A_1307 : vector<16xf32>
        %slice3A_1309 = vector.extract_strided_slice %gather3A_1281 {offsets = [4], sizes = [1], strides = [1]} : vector<16xf32> to vector<1xf32>
        %squeeze3A_1310 = vector.extract %slice3A_1309[0] : f32 from vector<1xf32>
        %mul3A_1311 = vector.broadcast %squeeze3A_1310 : f32 to vector<16xf32>
        %mul3A_1312 = arith.mulf %mul3A_1311, %get3A_94 : vector<16xf32>
        %add3A_1313 = arith.addf %add3A_1308, %mul3A_1312 : vector<16xf32>
        %slice3A_1314 = vector.extract_strided_slice %gather3A_1281 {offsets = [5], sizes = [1], strides = [1]} : vector<16xf32> to vector<1xf32>
        %squeeze3A_1315 = vector.extract %slice3A_1314[0] : f32 from vector<1xf32>
        %mul3A_1316 = vector.broadcast %squeeze3A_1315 : f32 to vector<16xf32>
        %mul3A_1317 = arith.mulf %mul3A_1316, %get3A_114 : vector<16xf32>
        %add3A_1318 = arith.addf %add3A_1313, %mul3A_1317 : vector<16xf32>
        %slice3A_1319 = vector.extract_strided_slice %gather3A_1281 {offsets = [6], sizes = [1], strides = [1]} : vector<16xf32> to vector<1xf32>
        %squeeze3A_1320 = vector.extract %slice3A_1319[0] : f32 from vector<1xf32>
        %mul3A_1321 = vector.broadcast %squeeze3A_1320 : f32 to vector<16xf32>
        %mul3A_1322 = arith.mulf %mul3A_1321, %get3A_134 : vector<16xf32>
        %add3A_1323 = arith.addf %add3A_1318, %mul3A_1322 : vector<16xf32>
        %slice3A_1324 = vector.extract_strided_slice %gather3A_1281 {offsets = [7], sizes = [1], strides = [1]} : vector<16xf32> to vector<1xf32>
        %squeeze3A_1325 = vector.extract %slice3A_1324[0] : f32 from vector<1xf32>
        %mul3A_1326 = vector.broadcast %squeeze3A_1325 : f32 to vector<16xf32>
        %mul3A_1327 = arith.mulf %mul3A_1326, %get3A_154 : vector<16xf32>
        %add3A_1328 = arith.addf %add3A_1323, %mul3A_1327 : vector<16xf32>
        %mul3A_1329 = arith.constant 8 : i32
        %mul3A_1330 = arith.muli %scan3A_245, %mul3A_1329 : i32
        %add3A_1331 = arith.constant 2 : i32
        %add3A_1332 = arith.addi %mul3A_1330, %add3A_1331 : i32
        %swap3A_1333 = arith.index_cast %add3A_1332 : i32 to index
        %swap3A_1334 = arith.constant 0 : index
        %swap3A_1335 = tpu.vector_load %arg14[%swap3A_1333, %swap3A_1334] {strides = array<i32>} : memref<64x128xf32, #tpu.memory_space<vmem>>, vector<1x16xf32>,
        %swap3A_1336 = vector.shape_cast %swap3A_1335 : vector<1x16xf32> to vector<16xf32>
        %swap3A_1337 = vector.shape_cast %add3A_1328 : vector<16xf32> to vector<1x16xf32>
        tpu.vector_store %arg14[%swap3A_1333, %swap3A_1334], %swap3A_1337 {strides = array<i32>} : memref<64x128xf32, #tpu.memory_space<vmem>>, vector<1x16xf32>,
        %add3A_1338 = arith.constant 16 : i32
        %add3A_1339 = arith.addi %squeeze3A_1260, %add3A_1338 : i32
        %get3A_1340 = arith.index_cast %and3A_205 : i32 to index
        %get3A_1341 = arith.index_cast %add3A_1258 : i32 to index
        %get3A_1342 = arith.index_cast %add3A_1339 : i32 to index
        %get3A_1343 = tpu.vector_load %arg12[%get3A_1340, %get3A_1341, %get3A_1342] {strides = array<i32>} : memref<2x128x128xf32, #tpu.memory_space<vmem>>, vector<1x1x16xf32>,
        %get3A_1344 = vector.shape_cast %get3A_1343 : vector<1x1x16xf32> to vector<16xf32>
        %slice3A_1345 = vector.extract_strided_slice %gather3A_1281 {offsets = [0], sizes = [1], strides = [1]} : vector<16xf32> to vector<1xf32>
        %squeeze3A_1346 = vector.extract %slice3A_1345[0] : f32 from vector<1xf32>
        %mul3A_1347 = vector.broadcast %squeeze3A_1346 : f32 to vector<16xf32>
        %mul3A_1348 = arith.mulf %mul3A_1347, %get3A_19 : vector<16xf32>
        %add3A_1349 = arith.addf %get3A_1344, %mul3A_1348 : vector<16xf32>
        %slice3A_1350 = vector.extract_strided_slice %gather3A_1281 {offsets = [1], sizes = [1], strides = [1]} : vector<16xf32> to vector<1xf32>
        %squeeze3A_1351 = vector.extract %slice3A_1350[0] : f32 from vector<1xf32>
        %mul3A_1352 = vector.broadcast %squeeze3A_1351 : f32 to vector<16xf32>
        %mul3A_1353 = arith.mulf %mul3A_1352, %get3A_39 : vector<16xf32>
        %add3A_1354 = arith.addf %add3A_1349, %mul3A_1353 : vector<16xf32>
        %slice3A_1355 = vector.extract_strided_slice %gather3A_1281 {offsets = [2], sizes = [1], strides = [1]} : vector<16xf32> to vector<1xf32>
        %squeeze3A_1356 = vector.extract %slice3A_1355[0] : f32 from vector<1xf32>
        %mul3A_1357 = vector.broadcast %squeeze3A_1356 : f32 to vector<16xf32>
        %mul3A_1358 = arith.mulf %mul3A_1357, %get3A_59 : vector<16xf32>
        %add3A_1359 = arith.addf %add3A_1354, %mul3A_1358 : vector<16xf32>
        %slice3A_1360 = vector.extract_strided_slice %gather3A_1281 {offsets = [3], sizes = [1], strides = [1]} : vector<16xf32> to vector<1xf32>
        %squeeze3A_1361 = vector.extract %slice3A_1360[0] : f32 from vector<1xf32>
        %mul3A_1362 = vector.broadcast %squeeze3A_1361 : f32 to vector<16xf32>
        %mul3A_1363 = arith.mulf %mul3A_1362, %get3A_79 : vector<16xf32>
        %add3A_1364 = arith.addf %add3A_1359, %mul3A_1363 : vector<16xf32>
        %slice3A_1365 = vector.extract_strided_slice %gather3A_1281 {offsets = [4], sizes = [1], strides = [1]} : vector<16xf32> to vector<1xf32>
        %squeeze3A_1366 = vector.extract %slice3A_1365[0] : f32 from vector<1xf32>
        %mul3A_1367 = vector.broadcast %squeeze3A_1366 : f32 to vector<16xf32>
        %mul3A_1368 = arith.mulf %mul3A_1367, %get3A_99 : vector<16xf32>
        %add3A_1369 = arith.addf %add3A_1364, %mul3A_1368 : vector<16xf32>
        %slice3A_1370 = vector.extract_strided_slice %gather3A_1281 {offsets = [5], sizes = [1], strides = [1]} : vector<16xf32> to vector<1xf32>
        %squeeze3A_1371 = vector.extract %slice3A_1370[0] : f32 from vector<1xf32>
        %mul3A_1372 = vector.broadcast %squeeze3A_1371 : f32 to vector<16xf32>
        %mul3A_1373 = arith.mulf %mul3A_1372, %get3A_119 : vector<16xf32>
        %add3A_1374 = arith.addf %add3A_1369, %mul3A_1373 : vector<16xf32>
        %slice3A_1375 = vector.extract_strided_slice %gather3A_1281 {offsets = [6], sizes = [1], strides = [1]} : vector<16xf32> to vector<1xf32>
        %squeeze3A_1376 = vector.extract %slice3A_1375[0] : f32 from vector<1xf32>
        %mul3A_1377 = vector.broadcast %squeeze3A_1376 : f32 to vector<16xf32>
        %mul3A_1378 = arith.mulf %mul3A_1377, %get3A_139 : vector<16xf32>
        %add3A_1379 = arith.addf %add3A_1374, %mul3A_1378 : vector<16xf32>
        %slice3A_1380 = vector.extract_strided_slice %gather3A_1281 {offsets = [7], sizes = [1], strides = [1]} : vector<16xf32> to vector<1xf32>
        %squeeze3A_1381 = vector.extract %slice3A_1380[0] : f32 from vector<1xf32>
        %mul3A_1382 = vector.broadcast %squeeze3A_1381 : f32 to vector<16xf32>
        %mul3A_1383 = arith.mulf %mul3A_1382, %get3A_159 : vector<16xf32>
        %add3A_1384 = arith.addf %add3A_1379, %mul3A_1383 : vector<16xf32>
        %mul3A_1385 = arith.constant 8 : i32
        %mul3A_1386 = arith.muli %scan3A_245, %mul3A_1385 : i32
        %add3A_1387 = arith.constant 2 : i32
        %add3A_1388 = arith.addi %mul3A_1386, %add3A_1387 : i32
        %swap3A_1389 = arith.index_cast %add3A_1388 : i32 to index
        %swap3A_1390 = arith.constant 16 : index
        %swap3A_1391 = tpu.vector_load %arg14[%swap3A_1389, %swap3A_1390] {strides = array<i32>} : memref<64x128xf32, #tpu.memory_space<vmem>>, vector<1x16xf32>,
        %swap3A_1392 = vector.shape_cast %swap3A_1391 : vector<1x16xf32> to vector<16xf32>
        %swap3A_1393 = vector.shape_cast %add3A_1384 : vector<16xf32> to vector<1x16xf32>
        tpu.vector_store %arg14[%swap3A_1389, %swap3A_1390], %swap3A_1393 {strides = array<i32>} : memref<64x128xf32, #tpu.memory_space<vmem>>, vector<1x16xf32>,
        %add3A_1394 = arith.constant 32 : i32
        %add3A_1395 = arith.addi %squeeze3A_1260, %add3A_1394 : i32
        %get3A_1396 = arith.index_cast %and3A_205 : i32 to index
        %get3A_1397 = arith.index_cast %add3A_1258 : i32 to index
        %get3A_1398 = arith.index_cast %add3A_1395 : i32 to index
        %get3A_1399 = tpu.vector_load %arg12[%get3A_1396, %get3A_1397, %get3A_1398] {strides = array<i32>} : memref<2x128x128xf32, #tpu.memory_space<vmem>>, vector<1x1x16xf32>,
        %get3A_1400 = vector.shape_cast %get3A_1399 : vector<1x1x16xf32> to vector<16xf32>
        %slice3A_1401 = vector.extract_strided_slice %gather3A_1281 {offsets = [0], sizes = [1], strides = [1]} : vector<16xf32> to vector<1xf32>
        %squeeze3A_1402 = vector.extract %slice3A_1401[0] : f32 from vector<1xf32>
        %mul3A_1403 = vector.broadcast %squeeze3A_1402 : f32 to vector<16xf32>
        %mul3A_1404 = arith.mulf %mul3A_1403, %get3A_24 : vector<16xf32>
        %add3A_1405 = arith.addf %get3A_1400, %mul3A_1404 : vector<16xf32>
        %slice3A_1406 = vector.extract_strided_slice %gather3A_1281 {offsets = [1], sizes = [1], strides = [1]} : vector<16xf32> to vector<1xf32>
        %squeeze3A_1407 = vector.extract %slice3A_1406[0] : f32 from vector<1xf32>
        %mul3A_1408 = vector.broadcast %squeeze3A_1407 : f32 to vector<16xf32>
        %mul3A_1409 = arith.mulf %mul3A_1408, %get3A_44 : vector<16xf32>
        %add3A_1410 = arith.addf %add3A_1405, %mul3A_1409 : vector<16xf32>
        %slice3A_1411 = vector.extract_strided_slice %gather3A_1281 {offsets = [2], sizes = [1], strides = [1]} : vector<16xf32> to vector<1xf32>
        %squeeze3A_1412 = vector.extract %slice3A_1411[0] : f32 from vector<1xf32>
        %mul3A_1413 = vector.broadcast %squeeze3A_1412 : f32 to vector<16xf32>
        %mul3A_1414 = arith.mulf %mul3A_1413, %get3A_64 : vector<16xf32>
        %add3A_1415 = arith.addf %add3A_1410, %mul3A_1414 : vector<16xf32>
        %slice3A_1416 = vector.extract_strided_slice %gather3A_1281 {offsets = [3], sizes = [1], strides = [1]} : vector<16xf32> to vector<1xf32>
        %squeeze3A_1417 = vector.extract %slice3A_1416[0] : f32 from vector<1xf32>
        %mul3A_1418 = vector.broadcast %squeeze3A_1417 : f32 to vector<16xf32>
        %mul3A_1419 = arith.mulf %mul3A_1418, %get3A_84 : vector<16xf32>
        %add3A_1420 = arith.addf %add3A_1415, %mul3A_1419 : vector<16xf32>
        %slice3A_1421 = vector.extract_strided_slice %gather3A_1281 {offsets = [4], sizes = [1], strides = [1]} : vector<16xf32> to vector<1xf32>
        %squeeze3A_1422 = vector.extract %slice3A_1421[0] : f32 from vector<1xf32>
        %mul3A_1423 = vector.broadcast %squeeze3A_1422 : f32 to vector<16xf32>
        %mul3A_1424 = arith.mulf %mul3A_1423, %get3A_104 : vector<16xf32>
        %add3A_1425 = arith.addf %add3A_1420, %mul3A_1424 : vector<16xf32>
        %slice3A_1426 = vector.extract_strided_slice %gather3A_1281 {offsets = [5], sizes = [1], strides = [1]} : vector<16xf32> to vector<1xf32>
        %squeeze3A_1427 = vector.extract %slice3A_1426[0] : f32 from vector<1xf32>
        %mul3A_1428 = vector.broadcast %squeeze3A_1427 : f32 to vector<16xf32>
        %mul3A_1429 = arith.mulf %mul3A_1428, %get3A_124 : vector<16xf32>
        %add3A_1430 = arith.addf %add3A_1425, %mul3A_1429 : vector<16xf32>
        %slice3A_1431 = vector.extract_strided_slice %gather3A_1281 {offsets = [6], sizes = [1], strides = [1]} : vector<16xf32> to vector<1xf32>
        %squeeze3A_1432 = vector.extract %slice3A_1431[0] : f32 from vector<1xf32>
        %mul3A_1433 = vector.broadcast %squeeze3A_1432 : f32 to vector<16xf32>
        %mul3A_1434 = arith.mulf %mul3A_1433, %get3A_144 : vector<16xf32>
        %add3A_1435 = arith.addf %add3A_1430, %mul3A_1434 : vector<16xf32>
        %slice3A_1436 = vector.extract_strided_slice %gather3A_1281 {offsets = [7], sizes = [1], strides = [1]} : vector<16xf32> to vector<1xf32>
        %squeeze3A_1437 = vector.extract %slice3A_1436[0] : f32 from vector<1xf32>
        %mul3A_1438 = vector.broadcast %squeeze3A_1437 : f32 to vector<16xf32>
        %mul3A_1439 = arith.mulf %mul3A_1438, %get3A_164 : vector<16xf32>
        %add3A_1440 = arith.addf %add3A_1435, %mul3A_1439 : vector<16xf32>
        %mul3A_1441 = arith.constant 8 : i32
        %mul3A_1442 = arith.muli %scan3A_245, %mul3A_1441 : i32
        %add3A_1443 = arith.constant 2 : i32
        %add3A_1444 = arith.addi %mul3A_1442, %add3A_1443 : i32
        %swap3A_1445 = arith.index_cast %add3A_1444 : i32 to index
        %swap3A_1446 = arith.constant 32 : index
        %swap3A_1447 = tpu.vector_load %arg14[%swap3A_1445, %swap3A_1446] {strides = array<i32>} : memref<64x128xf32, #tpu.memory_space<vmem>>, vector<1x16xf32>,
        %swap3A_1448 = vector.shape_cast %swap3A_1447 : vector<1x16xf32> to vector<16xf32>
        %swap3A_1449 = vector.shape_cast %add3A_1440 : vector<16xf32> to vector<1x16xf32>
        tpu.vector_store %arg14[%swap3A_1445, %swap3A_1446], %swap3A_1449 {strides = array<i32>} : memref<64x128xf32, #tpu.memory_space<vmem>>, vector<1x16xf32>,
        %add3A_1450 = arith.constant 48 : i32
        %add3A_1451 = arith.addi %squeeze3A_1260, %add3A_1450 : i32
        %get3A_1452 = arith.index_cast %and3A_205 : i32 to index
        %get3A_1453 = arith.index_cast %add3A_1258 : i32 to index
        %get3A_1454 = arith.index_cast %add3A_1451 : i32 to index
        %get3A_1455 = tpu.vector_load %arg12[%get3A_1452, %get3A_1453, %get3A_1454] {strides = array<i32>} : memref<2x128x128xf32, #tpu.memory_space<vmem>>, vector<1x1x16xf32>,
        %get3A_1456 = vector.shape_cast %get3A_1455 : vector<1x1x16xf32> to vector<16xf32>
        %slice3A_1457 = vector.extract_strided_slice %gather3A_1281 {offsets = [0], sizes = [1], strides = [1]} : vector<16xf32> to vector<1xf32>
        %squeeze3A_1458 = vector.extract %slice3A_1457[0] : f32 from vector<1xf32>
        %mul3A_1459 = vector.broadcast %squeeze3A_1458 : f32 to vector<16xf32>
        %mul3A_1460 = arith.mulf %mul3A_1459, %get3A_29 : vector<16xf32>
        %add3A_1461 = arith.addf %get3A_1456, %mul3A_1460 : vector<16xf32>
        %slice3A_1462 = vector.extract_strided_slice %gather3A_1281 {offsets = [1], sizes = [1], strides = [1]} : vector<16xf32> to vector<1xf32>
        %squeeze3A_1463 = vector.extract %slice3A_1462[0] : f32 from vector<1xf32>
        %mul3A_1464 = vector.broadcast %squeeze3A_1463 : f32 to vector<16xf32>
        %mul3A_1465 = arith.mulf %mul3A_1464, %get3A_49 : vector<16xf32>
        %add3A_1466 = arith.addf %add3A_1461, %mul3A_1465 : vector<16xf32>
        %slice3A_1467 = vector.extract_strided_slice %gather3A_1281 {offsets = [2], sizes = [1], strides = [1]} : vector<16xf32> to vector<1xf32>
        %squeeze3A_1468 = vector.extract %slice3A_1467[0] : f32 from vector<1xf32>
        %mul3A_1469 = vector.broadcast %squeeze3A_1468 : f32 to vector<16xf32>
        %mul3A_1470 = arith.mulf %mul3A_1469, %get3A_69 : vector<16xf32>
        %add3A_1471 = arith.addf %add3A_1466, %mul3A_1470 : vector<16xf32>
        %slice3A_1472 = vector.extract_strided_slice %gather3A_1281 {offsets = [3], sizes = [1], strides = [1]} : vector<16xf32> to vector<1xf32>
        %squeeze3A_1473 = vector.extract %slice3A_1472[0] : f32 from vector<1xf32>
        %mul3A_1474 = vector.broadcast %squeeze3A_1473 : f32 to vector<16xf32>
        %mul3A_1475 = arith.mulf %mul3A_1474, %get3A_89 : vector<16xf32>
        %add3A_1476 = arith.addf %add3A_1471, %mul3A_1475 : vector<16xf32>
        %slice3A_1477 = vector.extract_strided_slice %gather3A_1281 {offsets = [4], sizes = [1], strides = [1]} : vector<16xf32> to vector<1xf32>
        %squeeze3A_1478 = vector.extract %slice3A_1477[0] : f32 from vector<1xf32>
        %mul3A_1479 = vector.broadcast %squeeze3A_1478 : f32 to vector<16xf32>
        %mul3A_1480 = arith.mulf %mul3A_1479, %get3A_109 : vector<16xf32>
        %add3A_1481 = arith.addf %add3A_1476, %mul3A_1480 : vector<16xf32>
        %slice3A_1482 = vector.extract_strided_slice %gather3A_1281 {offsets = [5], sizes = [1], strides = [1]} : vector<16xf32> to vector<1xf32>
        %squeeze3A_1483 = vector.extract %slice3A_1482[0] : f32 from vector<1xf32>
        %mul3A_1484 = vector.broadcast %squeeze3A_1483 : f32 to vector<16xf32>
        %mul3A_1485 = arith.mulf %mul3A_1484, %get3A_129 : vector<16xf32>
        %add3A_1486 = arith.addf %add3A_1481, %mul3A_1485 : vector<16xf32>
        %slice3A_1487 = vector.extract_strided_slice %gather3A_1281 {offsets = [6], sizes = [1], strides = [1]} : vector<16xf32> to vector<1xf32>
        %squeeze3A_1488 = vector.extract %slice3A_1487[0] : f32 from vector<1xf32>
        %mul3A_1489 = vector.broadcast %squeeze3A_1488 : f32 to vector<16xf32>
        %mul3A_1490 = arith.mulf %mul3A_1489, %get3A_149 : vector<16xf32>
        %add3A_1491 = arith.addf %add3A_1486, %mul3A_1490 : vector<16xf32>
        %slice3A_1492 = vector.extract_strided_slice %gather3A_1281 {offsets = [7], sizes = [1], strides = [1]} : vector<16xf32> to vector<1xf32>
        %squeeze3A_1493 = vector.extract %slice3A_1492[0] : f32 from vector<1xf32>
        %mul3A_1494 = vector.broadcast %squeeze3A_1493 : f32 to vector<16xf32>
        %mul3A_1495 = arith.mulf %mul3A_1494, %get3A_169 : vector<16xf32>
        %add3A_1496 = arith.addf %add3A_1491, %mul3A_1495 : vector<16xf32>
        %mul3A_1497 = arith.constant 8 : i32
        %mul3A_1498 = arith.muli %scan3A_245, %mul3A_1497 : i32
        %add3A_1499 = arith.constant 2 : i32
        %add3A_1500 = arith.addi %mul3A_1498, %add3A_1499 : i32
        %swap3A_1501 = arith.index_cast %add3A_1500 : i32 to index
        %swap3A_1502 = arith.constant 48 : index
        %swap3A_1503 = tpu.vector_load %arg14[%swap3A_1501, %swap3A_1502] {strides = array<i32>} : memref<64x128xf32, #tpu.memory_space<vmem>>, vector<1x16xf32>,
        %swap3A_1504 = vector.shape_cast %swap3A_1503 : vector<1x16xf32> to vector<16xf32>
        %swap3A_1505 = vector.shape_cast %add3A_1496 : vector<16xf32> to vector<1x16xf32>
        tpu.vector_store %arg14[%swap3A_1501, %swap3A_1502], %swap3A_1505 {strides = array<i32>} : memref<64x128xf32, #tpu.memory_space<vmem>>, vector<1x16xf32>,
        %mul3A_1506 = arith.constant 16 : i32
        %mul3A_1507 = arith.muli %scan3A_245, %mul3A_1506 : i32
        %add3A_1508 = arith.constant 5 : i32
        %add3A_1509 = arith.addi %mul3A_1507, %add3A_1508 : i32
        %slice3A_1510 = vector.extract_strided_slice %get3A_251 {offsets = [5], sizes = [1], strides = [1]} : vector<16xi32> to vector<1xi32>
        %squeeze3A_1511 = vector.extract %slice3A_1510[0] : i32 from vector<1xi32>
        %slice3A_1512 = vector.extract_strided_slice %get3A_257 {offsets = [5], sizes = [1], strides = [1]} : vector<16xi32> to vector<1xi32>
        %squeeze3A_1513 = vector.extract %slice3A_1512[0] : i32 from vector<1xi32>
        %get3A_1514 = arith.index_cast %and3A_205 : i32 to index
        %get3A_1515 = arith.index_cast %add3A_1509 : i32 to index
        %get3A_1516 = arith.index_cast %squeeze3A_1513 : i32 to index
        %get3A_1517 = tpu.vector_load %arg13[%get3A_1514, %get3A_1515, %get3A_1516] {strides = array<i32>} : memref<2x128x128xf32, #tpu.memory_space<vmem>>, vector<1x1x16xf32>,
        %get3A_1518 = vector.shape_cast %get3A_1517 : vector<1x1x16xf32> to vector<16xf32>
        %shift_right_arithmetic3A_1519 = arith.constant 3 : i32
        %shift_right_arithmetic3A_1520 = arith.shrsi %squeeze3A_1511, %shift_right_arithmetic3A_1519 : i32
        %add3A_1521 = vector.broadcast %shift_right_arithmetic3A_1520 : i32 to vector<16xi32>
        %add3A_1522 = arith.addi %and3A_171, %add3A_1521 : vector<16xi32>
        %lt3A_1523 = arith.constant 0 : i32
        %lt3A_1524 = vector.broadcast %lt3A_1523 : i32 to vector<16xi32>
        %lt3A_1525 = arith.cmpi slt, %add3A_1522, %lt3A_1524 : vector<16xi32>
        %add3A_1526 = arith.constant 16 : i32
        %add3A_1527 = vector.broadcast %add3A_1526 : i32 to vector<16xi32>
        %add3A_1528 = arith.addi %add3A_1522, %add3A_1527 : vector<16xi32>
        %select_n3A_1529 = arith.select %lt3A_1525, %add3A_1528, %add3A_1522 : vector<16xi1>, vector<16xi32>
        %broadcast_in_dim3A_1530 = vector.shape_cast %select_n3A_1529 : vector<16xi32> to vector<16x1xi32>
        %gather3A_1531 = vector.shape_cast %broadcast_in_dim3A_1530 : vector<16x1xi32> to vector<16xi32>
        %gather3A_1532 = tpu.dynamic_gather %get3A_1518[%gather3A_1531] in [0] : vector<16xf32>, vector<16xi32> -> vector<16xf32>
        %add3A_1533 = arith.constant 0 : i32
        %add3A_1534 = arith.addi %squeeze3A_1511, %add3A_1533 : i32
        %get3A_1535 = arith.index_cast %and3A_205 : i32 to index
        %get3A_1536 = arith.index_cast %add3A_1509 : i32 to index
        %get3A_1537 = arith.index_cast %add3A_1534 : i32 to index
        %get3A_1538 = tpu.vector_load %arg12[%get3A_1535, %get3A_1536, %get3A_1537] {strides = array<i32>} : memref<2x128x128xf32, #tpu.memory_space<vmem>>, vector<1x1x16xf32>,
        %get3A_1539 = vector.shape_cast %get3A_1538 : vector<1x1x16xf32> to vector<16xf32>
        %slice3A_1540 = vector.extract_strided_slice %gather3A_1532 {offsets = [0], sizes = [1], strides = [1]} : vector<16xf32> to vector<1xf32>
        %squeeze3A_1541 = vector.extract %slice3A_1540[0] : f32 from vector<1xf32>
        %mul3A_1542 = vector.broadcast %squeeze3A_1541 : f32 to vector<16xf32>
        %mul3A_1543 = arith.mulf %mul3A_1542, %get3A_14 : vector<16xf32>
        %add3A_1544 = arith.addf %get3A_1539, %mul3A_1543 : vector<16xf32>
        %slice3A_1545 = vector.extract_strided_slice %gather3A_1532 {offsets = [1], sizes = [1], strides = [1]} : vector<16xf32> to vector<1xf32>
        %squeeze3A_1546 = vector.extract %slice3A_1545[0] : f32 from vector<1xf32>
        %mul3A_1547 = vector.broadcast %squeeze3A_1546 : f32 to vector<16xf32>
        %mul3A_1548 = arith.mulf %mul3A_1547, %get3A_34 : vector<16xf32>
        %add3A_1549 = arith.addf %add3A_1544, %mul3A_1548 : vector<16xf32>
        %slice3A_1550 = vector.extract_strided_slice %gather3A_1532 {offsets = [2], sizes = [1], strides = [1]} : vector<16xf32> to vector<1xf32>
        %squeeze3A_1551 = vector.extract %slice3A_1550[0] : f32 from vector<1xf32>
        %mul3A_1552 = vector.broadcast %squeeze3A_1551 : f32 to vector<16xf32>
        %mul3A_1553 = arith.mulf %mul3A_1552, %get3A_54 : vector<16xf32>
        %add3A_1554 = arith.addf %add3A_1549, %mul3A_1553 : vector<16xf32>
        %slice3A_1555 = vector.extract_strided_slice %gather3A_1532 {offsets = [3], sizes = [1], strides = [1]} : vector<16xf32> to vector<1xf32>
        %squeeze3A_1556 = vector.extract %slice3A_1555[0] : f32 from vector<1xf32>
        %mul3A_1557 = vector.broadcast %squeeze3A_1556 : f32 to vector<16xf32>
        %mul3A_1558 = arith.mulf %mul3A_1557, %get3A_74 : vector<16xf32>
        %add3A_1559 = arith.addf %add3A_1554, %mul3A_1558 : vector<16xf32>
        %slice3A_1560 = vector.extract_strided_slice %gather3A_1532 {offsets = [4], sizes = [1], strides = [1]} : vector<16xf32> to vector<1xf32>
        %squeeze3A_1561 = vector.extract %slice3A_1560[0] : f32 from vector<1xf32>
        %mul3A_1562 = vector.broadcast %squeeze3A_1561 : f32 to vector<16xf32>
        %mul3A_1563 = arith.mulf %mul3A_1562, %get3A_94 : vector<16xf32>
        %add3A_1564 = arith.addf %add3A_1559, %mul3A_1563 : vector<16xf32>
        %slice3A_1565 = vector.extract_strided_slice %gather3A_1532 {offsets = [5], sizes = [1], strides = [1]} : vector<16xf32> to vector<1xf32>
        %squeeze3A_1566 = vector.extract %slice3A_1565[0] : f32 from vector<1xf32>
        %mul3A_1567 = vector.broadcast %squeeze3A_1566 : f32 to vector<16xf32>
        %mul3A_1568 = arith.mulf %mul3A_1567, %get3A_114 : vector<16xf32>
        %add3A_1569 = arith.addf %add3A_1564, %mul3A_1568 : vector<16xf32>
        %slice3A_1570 = vector.extract_strided_slice %gather3A_1532 {offsets = [6], sizes = [1], strides = [1]} : vector<16xf32> to vector<1xf32>
        %squeeze3A_1571 = vector.extract %slice3A_1570[0] : f32 from vector<1xf32>
        %mul3A_1572 = vector.broadcast %squeeze3A_1571 : f32 to vector<16xf32>
        %mul3A_1573 = arith.mulf %mul3A_1572, %get3A_134 : vector<16xf32>
        %add3A_1574 = arith.addf %add3A_1569, %mul3A_1573 : vector<16xf32>
        %slice3A_1575 = vector.extract_strided_slice %gather3A_1532 {offsets = [7], sizes = [1], strides = [1]} : vector<16xf32> to vector<1xf32>
        %squeeze3A_1576 = vector.extract %slice3A_1575[0] : f32 from vector<1xf32>
        %mul3A_1577 = vector.broadcast %squeeze3A_1576 : f32 to vector<16xf32>
        %mul3A_1578 = arith.mulf %mul3A_1577, %get3A_154 : vector<16xf32>
        %add3A_1579 = arith.addf %add3A_1574, %mul3A_1578 : vector<16xf32>
        %mul3A_1580 = arith.constant 8 : i32
        %mul3A_1581 = arith.muli %scan3A_245, %mul3A_1580 : i32
        %add3A_1582 = arith.constant 2 : i32
        %add3A_1583 = arith.addi %mul3A_1581, %add3A_1582 : i32
        %swap3A_1584 = arith.index_cast %add3A_1583 : i32 to index
        %swap3A_1585 = arith.constant 64 : index
        %swap3A_1586 = tpu.vector_load %arg14[%swap3A_1584, %swap3A_1585] {strides = array<i32>} : memref<64x128xf32, #tpu.memory_space<vmem>>, vector<1x16xf32>,
        %swap3A_1587 = vector.shape_cast %swap3A_1586 : vector<1x16xf32> to vector<16xf32>
        %swap3A_1588 = vector.shape_cast %add3A_1579 : vector<16xf32> to vector<1x16xf32>
        tpu.vector_store %arg14[%swap3A_1584, %swap3A_1585], %swap3A_1588 {strides = array<i32>} : memref<64x128xf32, #tpu.memory_space<vmem>>, vector<1x16xf32>,
        %add3A_1589 = arith.constant 16 : i32
        %add3A_1590 = arith.addi %squeeze3A_1511, %add3A_1589 : i32
        %get3A_1591 = arith.index_cast %and3A_205 : i32 to index
        %get3A_1592 = arith.index_cast %add3A_1509 : i32 to index
        %get3A_1593 = arith.index_cast %add3A_1590 : i32 to index
        %get3A_1594 = tpu.vector_load %arg12[%get3A_1591, %get3A_1592, %get3A_1593] {strides = array<i32>} : memref<2x128x128xf32, #tpu.memory_space<vmem>>, vector<1x1x16xf32>,
        %get3A_1595 = vector.shape_cast %get3A_1594 : vector<1x1x16xf32> to vector<16xf32>
        %slice3A_1596 = vector.extract_strided_slice %gather3A_1532 {offsets = [0], sizes = [1], strides = [1]} : vector<16xf32> to vector<1xf32>
        %squeeze3A_1597 = vector.extract %slice3A_1596[0] : f32 from vector<1xf32>
        %mul3A_1598 = vector.broadcast %squeeze3A_1597 : f32 to vector<16xf32>
        %mul3A_1599 = arith.mulf %mul3A_1598, %get3A_19 : vector<16xf32>
        %add3A_1600 = arith.addf %get3A_1595, %mul3A_1599 : vector<16xf32>
        %slice3A_1601 = vector.extract_strided_slice %gather3A_1532 {offsets = [1], sizes = [1], strides = [1]} : vector<16xf32> to vector<1xf32>
        %squeeze3A_1602 = vector.extract %slice3A_1601[0] : f32 from vector<1xf32>
        %mul3A_1603 = vector.broadcast %squeeze3A_1602 : f32 to vector<16xf32>
        %mul3A_1604 = arith.mulf %mul3A_1603, %get3A_39 : vector<16xf32>
        %add3A_1605 = arith.addf %add3A_1600, %mul3A_1604 : vector<16xf32>
        %slice3A_1606 = vector.extract_strided_slice %gather3A_1532 {offsets = [2], sizes = [1], strides = [1]} : vector<16xf32> to vector<1xf32>
        %squeeze3A_1607 = vector.extract %slice3A_1606[0] : f32 from vector<1xf32>
        %mul3A_1608 = vector.broadcast %squeeze3A_1607 : f32 to vector<16xf32>
        %mul3A_1609 = arith.mulf %mul3A_1608, %get3A_59 : vector<16xf32>
        %add3A_1610 = arith.addf %add3A_1605, %mul3A_1609 : vector<16xf32>
        %slice3A_1611 = vector.extract_strided_slice %gather3A_1532 {offsets = [3], sizes = [1], strides = [1]} : vector<16xf32> to vector<1xf32>
        %squeeze3A_1612 = vector.extract %slice3A_1611[0] : f32 from vector<1xf32>
        %mul3A_1613 = vector.broadcast %squeeze3A_1612 : f32 to vector<16xf32>
        %mul3A_1614 = arith.mulf %mul3A_1613, %get3A_79 : vector<16xf32>
        %add3A_1615 = arith.addf %add3A_1610, %mul3A_1614 : vector<16xf32>
        %slice3A_1616 = vector.extract_strided_slice %gather3A_1532 {offsets = [4], sizes = [1], strides = [1]} : vector<16xf32> to vector<1xf32>
        %squeeze3A_1617 = vector.extract %slice3A_1616[0] : f32 from vector<1xf32>
        %mul3A_1618 = vector.broadcast %squeeze3A_1617 : f32 to vector<16xf32>
        %mul3A_1619 = arith.mulf %mul3A_1618, %get3A_99 : vector<16xf32>
        %add3A_1620 = arith.addf %add3A_1615, %mul3A_1619 : vector<16xf32>
        %slice3A_1621 = vector.extract_strided_slice %gather3A_1532 {offsets = [5], sizes = [1], strides = [1]} : vector<16xf32> to vector<1xf32>
        %squeeze3A_1622 = vector.extract %slice3A_1621[0] : f32 from vector<1xf32>
        %mul3A_1623 = vector.broadcast %squeeze3A_1622 : f32 to vector<16xf32>
        %mul3A_1624 = arith.mulf %mul3A_1623, %get3A_119 : vector<16xf32>
        %add3A_1625 = arith.addf %add3A_1620, %mul3A_1624 : vector<16xf32>
        %slice3A_1626 = vector.extract_strided_slice %gather3A_1532 {offsets = [6], sizes = [1], strides = [1]} : vector<16xf32> to vector<1xf32>
        %squeeze3A_1627 = vector.extract %slice3A_1626[0] : f32 from vector<1xf32>
        %mul3A_1628 = vector.broadcast %squeeze3A_1627 : f32 to vector<16xf32>
        %mul3A_1629 = arith.mulf %mul3A_1628, %get3A_139 : vector<16xf32>
        %add3A_1630 = arith.addf %add3A_1625, %mul3A_1629 : vector<16xf32>
        %slice3A_1631 = vector.extract_strided_slice %gather3A_1532 {offsets = [7], sizes = [1], strides = [1]} : vector<16xf32> to vector<1xf32>
        %squeeze3A_1632 = vector.extract %slice3A_1631[0] : f32 from vector<1xf32>
        %mul3A_1633 = vector.broadcast %squeeze3A_1632 : f32 to vector<16xf32>
        %mul3A_1634 = arith.mulf %mul3A_1633, %get3A_159 : vector<16xf32>
        %add3A_1635 = arith.addf %add3A_1630, %mul3A_1634 : vector<16xf32>
        %mul3A_1636 = arith.constant 8 : i32
        %mul3A_1637 = arith.muli %scan3A_245, %mul3A_1636 : i32
        %add3A_1638 = arith.constant 2 : i32
        %add3A_1639 = arith.addi %mul3A_1637, %add3A_1638 : i32
        %swap3A_1640 = arith.index_cast %add3A_1639 : i32 to index
        %swap3A_1641 = arith.constant 80 : index
        %swap3A_1642 = tpu.vector_load %arg14[%swap3A_1640, %swap3A_1641] {strides = array<i32>} : memref<64x128xf32, #tpu.memory_space<vmem>>, vector<1x16xf32>,
        %swap3A_1643 = vector.shape_cast %swap3A_1642 : vector<1x16xf32> to vector<16xf32>
        %swap3A_1644 = vector.shape_cast %add3A_1635 : vector<16xf32> to vector<1x16xf32>
        tpu.vector_store %arg14[%swap3A_1640, %swap3A_1641], %swap3A_1644 {strides = array<i32>} : memref<64x128xf32, #tpu.memory_space<vmem>>, vector<1x16xf32>,
        %add3A_1645 = arith.constant 32 : i32
        %add3A_1646 = arith.addi %squeeze3A_1511, %add3A_1645 : i32
        %get3A_1647 = arith.index_cast %and3A_205 : i32 to index
        %get3A_1648 = arith.index_cast %add3A_1509 : i32 to index
        %get3A_1649 = arith.index_cast %add3A_1646 : i32 to index
        %get3A_1650 = tpu.vector_load %arg12[%get3A_1647, %get3A_1648, %get3A_1649] {strides = array<i32>} : memref<2x128x128xf32, #tpu.memory_space<vmem>>, vector<1x1x16xf32>,
        %get3A_1651 = vector.shape_cast %get3A_1650 : vector<1x1x16xf32> to vector<16xf32>
        %slice3A_1652 = vector.extract_strided_slice %gather3A_1532 {offsets = [0], sizes = [1], strides = [1]} : vector<16xf32> to vector<1xf32>
        %squeeze3A_1653 = vector.extract %slice3A_1652[0] : f32 from vector<1xf32>
        %mul3A_1654 = vector.broadcast %squeeze3A_1653 : f32 to vector<16xf32>
        %mul3A_1655 = arith.mulf %mul3A_1654, %get3A_24 : vector<16xf32>
        %add3A_1656 = arith.addf %get3A_1651, %mul3A_1655 : vector<16xf32>
        %slice3A_1657 = vector.extract_strided_slice %gather3A_1532 {offsets = [1], sizes = [1], strides = [1]} : vector<16xf32> to vector<1xf32>
        %squeeze3A_1658 = vector.extract %slice3A_1657[0] : f32 from vector<1xf32>
        %mul3A_1659 = vector.broadcast %squeeze3A_1658 : f32 to vector<16xf32>
        %mul3A_1660 = arith.mulf %mul3A_1659, %get3A_44 : vector<16xf32>
        %add3A_1661 = arith.addf %add3A_1656, %mul3A_1660 : vector<16xf32>
        %slice3A_1662 = vector.extract_strided_slice %gather3A_1532 {offsets = [2], sizes = [1], strides = [1]} : vector<16xf32> to vector<1xf32>
        %squeeze3A_1663 = vector.extract %slice3A_1662[0] : f32 from vector<1xf32>
        %mul3A_1664 = vector.broadcast %squeeze3A_1663 : f32 to vector<16xf32>
        %mul3A_1665 = arith.mulf %mul3A_1664, %get3A_64 : vector<16xf32>
        %add3A_1666 = arith.addf %add3A_1661, %mul3A_1665 : vector<16xf32>
        %slice3A_1667 = vector.extract_strided_slice %gather3A_1532 {offsets = [3], sizes = [1], strides = [1]} : vector<16xf32> to vector<1xf32>
        %squeeze3A_1668 = vector.extract %slice3A_1667[0] : f32 from vector<1xf32>
        %mul3A_1669 = vector.broadcast %squeeze3A_1668 : f32 to vector<16xf32>
        %mul3A_1670 = arith.mulf %mul3A_1669, %get3A_84 : vector<16xf32>
        %add3A_1671 = arith.addf %add3A_1666, %mul3A_1670 : vector<16xf32>
        %slice3A_1672 = vector.extract_strided_slice %gather3A_1532 {offsets = [4], sizes = [1], strides = [1]} : vector<16xf32> to vector<1xf32>
        %squeeze3A_1673 = vector.extract %slice3A_1672[0] : f32 from vector<1xf32>
        %mul3A_1674 = vector.broadcast %squeeze3A_1673 : f32 to vector<16xf32>
        %mul3A_1675 = arith.mulf %mul3A_1674, %get3A_104 : vector<16xf32>
        %add3A_1676 = arith.addf %add3A_1671, %mul3A_1675 : vector<16xf32>
        %slice3A_1677 = vector.extract_strided_slice %gather3A_1532 {offsets = [5], sizes = [1], strides = [1]} : vector<16xf32> to vector<1xf32>
        %squeeze3A_1678 = vector.extract %slice3A_1677[0] : f32 from vector<1xf32>
        %mul3A_1679 = vector.broadcast %squeeze3A_1678 : f32 to vector<16xf32>
        %mul3A_1680 = arith.mulf %mul3A_1679, %get3A_124 : vector<16xf32>
        %add3A_1681 = arith.addf %add3A_1676, %mul3A_1680 : vector<16xf32>
        %slice3A_1682 = vector.extract_strided_slice %gather3A_1532 {offsets = [6], sizes = [1], strides = [1]} : vector<16xf32> to vector<1xf32>
        %squeeze3A_1683 = vector.extract %slice3A_1682[0] : f32 from vector<1xf32>
        %mul3A_1684 = vector.broadcast %squeeze3A_1683 : f32 to vector<16xf32>
        %mul3A_1685 = arith.mulf %mul3A_1684, %get3A_144 : vector<16xf32>
        %add3A_1686 = arith.addf %add3A_1681, %mul3A_1685 : vector<16xf32>
        %slice3A_1687 = vector.extract_strided_slice %gather3A_1532 {offsets = [7], sizes = [1], strides = [1]} : vector<16xf32> to vector<1xf32>
        %squeeze3A_1688 = vector.extract %slice3A_1687[0] : f32 from vector<1xf32>
        %mul3A_1689 = vector.broadcast %squeeze3A_1688 : f32 to vector<16xf32>
        %mul3A_1690 = arith.mulf %mul3A_1689, %get3A_164 : vector<16xf32>
        %add3A_1691 = arith.addf %add3A_1686, %mul3A_1690 : vector<16xf32>
        %mul3A_1692 = arith.constant 8 : i32
        %mul3A_1693 = arith.muli %scan3A_245, %mul3A_1692 : i32
        %add3A_1694 = arith.constant 2 : i32
        %add3A_1695 = arith.addi %mul3A_1693, %add3A_1694 : i32
        %swap3A_1696 = arith.index_cast %add3A_1695 : i32 to index
        %swap3A_1697 = arith.constant 96 : index
        %swap3A_1698 = tpu.vector_load %arg14[%swap3A_1696, %swap3A_1697] {strides = array<i32>} : memref<64x128xf32, #tpu.memory_space<vmem>>, vector<1x16xf32>,
        %swap3A_1699 = vector.shape_cast %swap3A_1698 : vector<1x16xf32> to vector<16xf32>
        %swap3A_1700 = vector.shape_cast %add3A_1691 : vector<16xf32> to vector<1x16xf32>
        tpu.vector_store %arg14[%swap3A_1696, %swap3A_1697], %swap3A_1700 {strides = array<i32>} : memref<64x128xf32, #tpu.memory_space<vmem>>, vector<1x16xf32>,
        %add3A_1701 = arith.constant 48 : i32
        %add3A_1702 = arith.addi %squeeze3A_1511, %add3A_1701 : i32
        %get3A_1703 = arith.index_cast %and3A_205 : i32 to index
        %get3A_1704 = arith.index_cast %add3A_1509 : i32 to index
        %get3A_1705 = arith.index_cast %add3A_1702 : i32 to index
        %get3A_1706 = tpu.vector_load %arg12[%get3A_1703, %get3A_1704, %get3A_1705] {strides = array<i32>} : memref<2x128x128xf32, #tpu.memory_space<vmem>>, vector<1x1x16xf32>,
        %get3A_1707 = vector.shape_cast %get3A_1706 : vector<1x1x16xf32> to vector<16xf32>
        %slice3A_1708 = vector.extract_strided_slice %gather3A_1532 {offsets = [0], sizes = [1], strides = [1]} : vector<16xf32> to vector<1xf32>
        %squeeze3A_1709 = vector.extract %slice3A_1708[0] : f32 from vector<1xf32>
        %mul3A_1710 = vector.broadcast %squeeze3A_1709 : f32 to vector<16xf32>
        %mul3A_1711 = arith.mulf %mul3A_1710, %get3A_29 : vector<16xf32>
        %add3A_1712 = arith.addf %get3A_1707, %mul3A_1711 : vector<16xf32>
        %slice3A_1713 = vector.extract_strided_slice %gather3A_1532 {offsets = [1], sizes = [1], strides = [1]} : vector<16xf32> to vector<1xf32>
        %squeeze3A_1714 = vector.extract %slice3A_1713[0] : f32 from vector<1xf32>
        %mul3A_1715 = vector.broadcast %squeeze3A_1714 : f32 to vector<16xf32>
        %mul3A_1716 = arith.mulf %mul3A_1715, %get3A_49 : vector<16xf32>
        %add3A_1717 = arith.addf %add3A_1712, %mul3A_1716 : vector<16xf32>
        %slice3A_1718 = vector.extract_strided_slice %gather3A_1532 {offsets = [2], sizes = [1], strides = [1]} : vector<16xf32> to vector<1xf32>
        %squeeze3A_1719 = vector.extract %slice3A_1718[0] : f32 from vector<1xf32>
        %mul3A_1720 = vector.broadcast %squeeze3A_1719 : f32 to vector<16xf32>
        %mul3A_1721 = arith.mulf %mul3A_1720, %get3A_69 : vector<16xf32>
        %add3A_1722 = arith.addf %add3A_1717, %mul3A_1721 : vector<16xf32>
        %slice3A_1723 = vector.extract_strided_slice %gather3A_1532 {offsets = [3], sizes = [1], strides = [1]} : vector<16xf32> to vector<1xf32>
        %squeeze3A_1724 = vector.extract %slice3A_1723[0] : f32 from vector<1xf32>
        %mul3A_1725 = vector.broadcast %squeeze3A_1724 : f32 to vector<16xf32>
        %mul3A_1726 = arith.mulf %mul3A_1725, %get3A_89 : vector<16xf32>
        %add3A_1727 = arith.addf %add3A_1722, %mul3A_1726 : vector<16xf32>
        %slice3A_1728 = vector.extract_strided_slice %gather3A_1532 {offsets = [4], sizes = [1], strides = [1]} : vector<16xf32> to vector<1xf32>
        %squeeze3A_1729 = vector.extract %slice3A_1728[0] : f32 from vector<1xf32>
        %mul3A_1730 = vector.broadcast %squeeze3A_1729 : f32 to vector<16xf32>
        %mul3A_1731 = arith.mulf %mul3A_1730, %get3A_109 : vector<16xf32>
        %add3A_1732 = arith.addf %add3A_1727, %mul3A_1731 : vector<16xf32>
        %slice3A_1733 = vector.extract_strided_slice %gather3A_1532 {offsets = [5], sizes = [1], strides = [1]} : vector<16xf32> to vector<1xf32>
        %squeeze3A_1734 = vector.extract %slice3A_1733[0] : f32 from vector<1xf32>
        %mul3A_1735 = vector.broadcast %squeeze3A_1734 : f32 to vector<16xf32>
        %mul3A_1736 = arith.mulf %mul3A_1735, %get3A_129 : vector<16xf32>
        %add3A_1737 = arith.addf %add3A_1732, %mul3A_1736 : vector<16xf32>
        %slice3A_1738 = vector.extract_strided_slice %gather3A_1532 {offsets = [6], sizes = [1], strides = [1]} : vector<16xf32> to vector<1xf32>
        %squeeze3A_1739 = vector.extract %slice3A_1738[0] : f32 from vector<1xf32>
        %mul3A_1740 = vector.broadcast %squeeze3A_1739 : f32 to vector<16xf32>
        %mul3A_1741 = arith.mulf %mul3A_1740, %get3A_149 : vector<16xf32>
        %add3A_1742 = arith.addf %add3A_1737, %mul3A_1741 : vector<16xf32>
        %slice3A_1743 = vector.extract_strided_slice %gather3A_1532 {offsets = [7], sizes = [1], strides = [1]} : vector<16xf32> to vector<1xf32>
        %squeeze3A_1744 = vector.extract %slice3A_1743[0] : f32 from vector<1xf32>
        %mul3A_1745 = vector.broadcast %squeeze3A_1744 : f32 to vector<16xf32>
        %mul3A_1746 = arith.mulf %mul3A_1745, %get3A_169 : vector<16xf32>
        %add3A_1747 = arith.addf %add3A_1742, %mul3A_1746 : vector<16xf32>
        %mul3A_1748 = arith.constant 8 : i32
        %mul3A_1749 = arith.muli %scan3A_245, %mul3A_1748 : i32
        %add3A_1750 = arith.constant 2 : i32
        %add3A_1751 = arith.addi %mul3A_1749, %add3A_1750 : i32
        %swap3A_1752 = arith.index_cast %add3A_1751 : i32 to index
        %swap3A_1753 = arith.constant 112 : index
        %swap3A_1754 = tpu.vector_load %arg14[%swap3A_1752, %swap3A_1753] {strides = array<i32>} : memref<64x128xf32, #tpu.memory_space<vmem>>, vector<1x16xf32>,
        %swap3A_1755 = vector.shape_cast %swap3A_1754 : vector<1x16xf32> to vector<16xf32>
        %swap3A_1756 = vector.shape_cast %add3A_1747 : vector<16xf32> to vector<1x16xf32>
        tpu.vector_store %arg14[%swap3A_1752, %swap3A_1753], %swap3A_1756 {strides = array<i32>} : memref<64x128xf32, #tpu.memory_space<vmem>>, vector<1x16xf32>,
        %mul3A_1757 = arith.constant 16 : i32
        %mul3A_1758 = arith.muli %scan3A_245, %mul3A_1757 : i32
        %add3A_1759 = arith.constant 6 : i32
        %add3A_1760 = arith.addi %mul3A_1758, %add3A_1759 : i32
        %slice3A_1761 = vector.extract_strided_slice %get3A_251 {offsets = [6], sizes = [1], strides = [1]} : vector<16xi32> to vector<1xi32>
        %squeeze3A_1762 = vector.extract %slice3A_1761[0] : i32 from vector<1xi32>
        %slice3A_1763 = vector.extract_strided_slice %get3A_257 {offsets = [6], sizes = [1], strides = [1]} : vector<16xi32> to vector<1xi32>
        %squeeze3A_1764 = vector.extract %slice3A_1763[0] : i32 from vector<1xi32>
        %get3A_1765 = arith.index_cast %and3A_205 : i32 to index
        %get3A_1766 = arith.index_cast %add3A_1760 : i32 to index
        %get3A_1767 = arith.index_cast %squeeze3A_1764 : i32 to index
        %get3A_1768 = tpu.vector_load %arg13[%get3A_1765, %get3A_1766, %get3A_1767] {strides = array<i32>} : memref<2x128x128xf32, #tpu.memory_space<vmem>>, vector<1x1x16xf32>,
        %get3A_1769 = vector.shape_cast %get3A_1768 : vector<1x1x16xf32> to vector<16xf32>
        %shift_right_arithmetic3A_1770 = arith.constant 3 : i32
        %shift_right_arithmetic3A_1771 = arith.shrsi %squeeze3A_1762, %shift_right_arithmetic3A_1770 : i32
        %add3A_1772 = vector.broadcast %shift_right_arithmetic3A_1771 : i32 to vector<16xi32>
        %add3A_1773 = arith.addi %and3A_171, %add3A_1772 : vector<16xi32>
        %lt3A_1774 = arith.constant 0 : i32
        %lt3A_1775 = vector.broadcast %lt3A_1774 : i32 to vector<16xi32>
        %lt3A_1776 = arith.cmpi slt, %add3A_1773, %lt3A_1775 : vector<16xi32>
        %add3A_1777 = arith.constant 16 : i32
        %add3A_1778 = vector.broadcast %add3A_1777 : i32 to vector<16xi32>
        %add3A_1779 = arith.addi %add3A_1773, %add3A_1778 : vector<16xi32>
        %select_n3A_1780 = arith.select %lt3A_1776, %add3A_1779, %add3A_1773 : vector<16xi1>, vector<16xi32>
        %broadcast_in_dim3A_1781 = vector.shape_cast %select_n3A_1780 : vector<16xi32> to vector<16x1xi32>
        %gather3A_1782 = vector.shape_cast %broadcast_in_dim3A_1781 : vector<16x1xi32> to vector<16xi32>
        %gather3A_1783 = tpu.dynamic_gather %get3A_1769[%gather3A_1782] in [0] : vector<16xf32>, vector<16xi32> -> vector<16xf32>
        %add3A_1784 = arith.constant 0 : i32
        %add3A_1785 = arith.addi %squeeze3A_1762, %add3A_1784 : i32
        %get3A_1786 = arith.index_cast %and3A_205 : i32 to index
        %get3A_1787 = arith.index_cast %add3A_1760 : i32 to index
        %get3A_1788 = arith.index_cast %add3A_1785 : i32 to index
        %get3A_1789 = tpu.vector_load %arg12[%get3A_1786, %get3A_1787, %get3A_1788] {strides = array<i32>} : memref<2x128x128xf32, #tpu.memory_space<vmem>>, vector<1x1x16xf32>,
        %get3A_1790 = vector.shape_cast %get3A_1789 : vector<1x1x16xf32> to vector<16xf32>
        %slice3A_1791 = vector.extract_strided_slice %gather3A_1783 {offsets = [0], sizes = [1], strides = [1]} : vector<16xf32> to vector<1xf32>
        %squeeze3A_1792 = vector.extract %slice3A_1791[0] : f32 from vector<1xf32>
        %mul3A_1793 = vector.broadcast %squeeze3A_1792 : f32 to vector<16xf32>
        %mul3A_1794 = arith.mulf %mul3A_1793, %get3A_14 : vector<16xf32>
        %add3A_1795 = arith.addf %get3A_1790, %mul3A_1794 : vector<16xf32>
        %slice3A_1796 = vector.extract_strided_slice %gather3A_1783 {offsets = [1], sizes = [1], strides = [1]} : vector<16xf32> to vector<1xf32>
        %squeeze3A_1797 = vector.extract %slice3A_1796[0] : f32 from vector<1xf32>
        %mul3A_1798 = vector.broadcast %squeeze3A_1797 : f32 to vector<16xf32>
        %mul3A_1799 = arith.mulf %mul3A_1798, %get3A_34 : vector<16xf32>
        %add3A_1800 = arith.addf %add3A_1795, %mul3A_1799 : vector<16xf32>
        %slice3A_1801 = vector.extract_strided_slice %gather3A_1783 {offsets = [2], sizes = [1], strides = [1]} : vector<16xf32> to vector<1xf32>
        %squeeze3A_1802 = vector.extract %slice3A_1801[0] : f32 from vector<1xf32>
        %mul3A_1803 = vector.broadcast %squeeze3A_1802 : f32 to vector<16xf32>
        %mul3A_1804 = arith.mulf %mul3A_1803, %get3A_54 : vector<16xf32>
        %add3A_1805 = arith.addf %add3A_1800, %mul3A_1804 : vector<16xf32>
        %slice3A_1806 = vector.extract_strided_slice %gather3A_1783 {offsets = [3], sizes = [1], strides = [1]} : vector<16xf32> to vector<1xf32>
        %squeeze3A_1807 = vector.extract %slice3A_1806[0] : f32 from vector<1xf32>
        %mul3A_1808 = vector.broadcast %squeeze3A_1807 : f32 to vector<16xf32>
        %mul3A_1809 = arith.mulf %mul3A_1808, %get3A_74 : vector<16xf32>
        %add3A_1810 = arith.addf %add3A_1805, %mul3A_1809 : vector<16xf32>
        %slice3A_1811 = vector.extract_strided_slice %gather3A_1783 {offsets = [4], sizes = [1], strides = [1]} : vector<16xf32> to vector<1xf32>
        %squeeze3A_1812 = vector.extract %slice3A_1811[0] : f32 from vector<1xf32>
        %mul3A_1813 = vector.broadcast %squeeze3A_1812 : f32 to vector<16xf32>
        %mul3A_1814 = arith.mulf %mul3A_1813, %get3A_94 : vector<16xf32>
        %add3A_1815 = arith.addf %add3A_1810, %mul3A_1814 : vector<16xf32>
        %slice3A_1816 = vector.extract_strided_slice %gather3A_1783 {offsets = [5], sizes = [1], strides = [1]} : vector<16xf32> to vector<1xf32>
        %squeeze3A_1817 = vector.extract %slice3A_1816[0] : f32 from vector<1xf32>
        %mul3A_1818 = vector.broadcast %squeeze3A_1817 : f32 to vector<16xf32>
        %mul3A_1819 = arith.mulf %mul3A_1818, %get3A_114 : vector<16xf32>
        %add3A_1820 = arith.addf %add3A_1815, %mul3A_1819 : vector<16xf32>
        %slice3A_1821 = vector.extract_strided_slice %gather3A_1783 {offsets = [6], sizes = [1], strides = [1]} : vector<16xf32> to vector<1xf32>
        %squeeze3A_1822 = vector.extract %slice3A_1821[0] : f32 from vector<1xf32>
        %mul3A_1823 = vector.broadcast %squeeze3A_1822 : f32 to vector<16xf32>
        %mul3A_1824 = arith.mulf %mul3A_1823, %get3A_134 : vector<16xf32>
        %add3A_1825 = arith.addf %add3A_1820, %mul3A_1824 : vector<16xf32>
        %slice3A_1826 = vector.extract_strided_slice %gather3A_1783 {offsets = [7], sizes = [1], strides = [1]} : vector<16xf32> to vector<1xf32>
        %squeeze3A_1827 = vector.extract %slice3A_1826[0] : f32 from vector<1xf32>
        %mul3A_1828 = vector.broadcast %squeeze3A_1827 : f32 to vector<16xf32>
        %mul3A_1829 = arith.mulf %mul3A_1828, %get3A_154 : vector<16xf32>
        %add3A_1830 = arith.addf %add3A_1825, %mul3A_1829 : vector<16xf32>
        %mul3A_1831 = arith.constant 8 : i32
        %mul3A_1832 = arith.muli %scan3A_245, %mul3A_1831 : i32
        %add3A_1833 = arith.constant 3 : i32
        %add3A_1834 = arith.addi %mul3A_1832, %add3A_1833 : i32
        %swap3A_1835 = arith.index_cast %add3A_1834 : i32 to index
        %swap3A_1836 = arith.constant 0 : index
        %swap3A_1837 = tpu.vector_load %arg14[%swap3A_1835, %swap3A_1836] {strides = array<i32>} : memref<64x128xf32, #tpu.memory_space<vmem>>, vector<1x16xf32>,
        %swap3A_1838 = vector.shape_cast %swap3A_1837 : vector<1x16xf32> to vector<16xf32>
        %swap3A_1839 = vector.shape_cast %add3A_1830 : vector<16xf32> to vector<1x16xf32>
        tpu.vector_store %arg14[%swap3A_1835, %swap3A_1836], %swap3A_1839 {strides = array<i32>} : memref<64x128xf32, #tpu.memory_space<vmem>>, vector<1x16xf32>,
        %add3A_1840 = arith.constant 16 : i32
        %add3A_1841 = arith.addi %squeeze3A_1762, %add3A_1840 : i32
        %get3A_1842 = arith.index_cast %and3A_205 : i32 to index
        %get3A_1843 = arith.index_cast %add3A_1760 : i32 to index
        %get3A_1844 = arith.index_cast %add3A_1841 : i32 to index
        %get3A_1845 = tpu.vector_load %arg12[%get3A_1842, %get3A_1843, %get3A_1844] {strides = array<i32>} : memref<2x128x128xf32, #tpu.memory_space<vmem>>, vector<1x1x16xf32>,
        %get3A_1846 = vector.shape_cast %get3A_1845 : vector<1x1x16xf32> to vector<16xf32>
        %slice3A_1847 = vector.extract_strided_slice %gather3A_1783 {offsets = [0], sizes = [1], strides = [1]} : vector<16xf32> to vector<1xf32>
        %squeeze3A_1848 = vector.extract %slice3A_1847[0] : f32 from vector<1xf32>
        %mul3A_1849 = vector.broadcast %squeeze3A_1848 : f32 to vector<16xf32>
        %mul3A_1850 = arith.mulf %mul3A_1849, %get3A_19 : vector<16xf32>
        %add3A_1851 = arith.addf %get3A_1846, %mul3A_1850 : vector<16xf32>
        %slice3A_1852 = vector.extract_strided_slice %gather3A_1783 {offsets = [1], sizes = [1], strides = [1]} : vector<16xf32> to vector<1xf32>
        %squeeze3A_1853 = vector.extract %slice3A_1852[0] : f32 from vector<1xf32>
        %mul3A_1854 = vector.broadcast %squeeze3A_1853 : f32 to vector<16xf32>
        %mul3A_1855 = arith.mulf %mul3A_1854, %get3A_39 : vector<16xf32>
        %add3A_1856 = arith.addf %add3A_1851, %mul3A_1855 : vector<16xf32>
        %slice3A_1857 = vector.extract_strided_slice %gather3A_1783 {offsets = [2], sizes = [1], strides = [1]} : vector<16xf32> to vector<1xf32>
        %squeeze3A_1858 = vector.extract %slice3A_1857[0] : f32 from vector<1xf32>
        %mul3A_1859 = vector.broadcast %squeeze3A_1858 : f32 to vector<16xf32>
        %mul3A_1860 = arith.mulf %mul3A_1859, %get3A_59 : vector<16xf32>
        %add3A_1861 = arith.addf %add3A_1856, %mul3A_1860 : vector<16xf32>
        %slice3A_1862 = vector.extract_strided_slice %gather3A_1783 {offsets = [3], sizes = [1], strides = [1]} : vector<16xf32> to vector<1xf32>
        %squeeze3A_1863 = vector.extract %slice3A_1862[0] : f32 from vector<1xf32>
        %mul3A_1864 = vector.broadcast %squeeze3A_1863 : f32 to vector<16xf32>
        %mul3A_1865 = arith.mulf %mul3A_1864, %get3A_79 : vector<16xf32>
        %add3A_1866 = arith.addf %add3A_1861, %mul3A_1865 : vector<16xf32>
        %slice3A_1867 = vector.extract_strided_slice %gather3A_1783 {offsets = [4], sizes = [1], strides = [1]} : vector<16xf32> to vector<1xf32>
        %squeeze3A_1868 = vector.extract %slice3A_1867[0] : f32 from vector<1xf32>
        %mul3A_1869 = vector.broadcast %squeeze3A_1868 : f32 to vector<16xf32>
        %mul3A_1870 = arith.mulf %mul3A_1869, %get3A_99 : vector<16xf32>
        %add3A_1871 = arith.addf %add3A_1866, %mul3A_1870 : vector<16xf32>
        %slice3A_1872 = vector.extract_strided_slice %gather3A_1783 {offsets = [5], sizes = [1], strides = [1]} : vector<16xf32> to vector<1xf32>
        %squeeze3A_1873 = vector.extract %slice3A_1872[0] : f32 from vector<1xf32>
        %mul3A_1874 = vector.broadcast %squeeze3A_1873 : f32 to vector<16xf32>
        %mul3A_1875 = arith.mulf %mul3A_1874, %get3A_119 : vector<16xf32>
        %add3A_1876 = arith.addf %add3A_1871, %mul3A_1875 : vector<16xf32>
        %slice3A_1877 = vector.extract_strided_slice %gather3A_1783 {offsets = [6], sizes = [1], strides = [1]} : vector<16xf32> to vector<1xf32>
        %squeeze3A_1878 = vector.extract %slice3A_1877[0] : f32 from vector<1xf32>
        %mul3A_1879 = vector.broadcast %squeeze3A_1878 : f32 to vector<16xf32>
        %mul3A_1880 = arith.mulf %mul3A_1879, %get3A_139 : vector<16xf32>
        %add3A_1881 = arith.addf %add3A_1876, %mul3A_1880 : vector<16xf32>
        %slice3A_1882 = vector.extract_strided_slice %gather3A_1783 {offsets = [7], sizes = [1], strides = [1]} : vector<16xf32> to vector<1xf32>
        %squeeze3A_1883 = vector.extract %slice3A_1882[0] : f32 from vector<1xf32>
        %mul3A_1884 = vector.broadcast %squeeze3A_1883 : f32 to vector<16xf32>
        %mul3A_1885 = arith.mulf %mul3A_1884, %get3A_159 : vector<16xf32>
        %add3A_1886 = arith.addf %add3A_1881, %mul3A_1885 : vector<16xf32>
        %mul3A_1887 = arith.constant 8 : i32
        %mul3A_1888 = arith.muli %scan3A_245, %mul3A_1887 : i32
        %add3A_1889 = arith.constant 3 : i32
        %add3A_1890 = arith.addi %mul3A_1888, %add3A_1889 : i32
        %swap3A_1891 = arith.index_cast %add3A_1890 : i32 to index
        %swap3A_1892 = arith.constant 16 : index
        %swap3A_1893 = tpu.vector_load %arg14[%swap3A_1891, %swap3A_1892] {strides = array<i32>} : memref<64x128xf32, #tpu.memory_space<vmem>>, vector<1x16xf32>,
        %swap3A_1894 = vector.shape_cast %swap3A_1893 : vector<1x16xf32> to vector<16xf32>
        %swap3A_1895 = vector.shape_cast %add3A_1886 : vector<16xf32> to vector<1x16xf32>
        tpu.vector_store %arg14[%swap3A_1891, %swap3A_1892], %swap3A_1895 {strides = array<i32>} : memref<64x128xf32, #tpu.memory_space<vmem>>, vector<1x16xf32>,
        %add3A_1896 = arith.constant 32 : i32
        %add3A_1897 = arith.addi %squeeze3A_1762, %add3A_1896 : i32
        %get3A_1898 = arith.index_cast %and3A_205 : i32 to index
        %get3A_1899 = arith.index_cast %add3A_1760 : i32 to index
        %get3A_1900 = arith.index_cast %add3A_1897 : i32 to index
        %get3A_1901 = tpu.vector_load %arg12[%get3A_1898, %get3A_1899, %get3A_1900] {strides = array<i32>} : memref<2x128x128xf32, #tpu.memory_space<vmem>>, vector<1x1x16xf32>,
        %get3A_1902 = vector.shape_cast %get3A_1901 : vector<1x1x16xf32> to vector<16xf32>
        %slice3A_1903 = vector.extract_strided_slice %gather3A_1783 {offsets = [0], sizes = [1], strides = [1]} : vector<16xf32> to vector<1xf32>
        %squeeze3A_1904 = vector.extract %slice3A_1903[0] : f32 from vector<1xf32>
        %mul3A_1905 = vector.broadcast %squeeze3A_1904 : f32 to vector<16xf32>
        %mul3A_1906 = arith.mulf %mul3A_1905, %get3A_24 : vector<16xf32>
        %add3A_1907 = arith.addf %get3A_1902, %mul3A_1906 : vector<16xf32>
        %slice3A_1908 = vector.extract_strided_slice %gather3A_1783 {offsets = [1], sizes = [1], strides = [1]} : vector<16xf32> to vector<1xf32>
        %squeeze3A_1909 = vector.extract %slice3A_1908[0] : f32 from vector<1xf32>
        %mul3A_1910 = vector.broadcast %squeeze3A_1909 : f32 to vector<16xf32>
        %mul3A_1911 = arith.mulf %mul3A_1910, %get3A_44 : vector<16xf32>
        %add3A_1912 = arith.addf %add3A_1907, %mul3A_1911 : vector<16xf32>
        %slice3A_1913 = vector.extract_strided_slice %gather3A_1783 {offsets = [2], sizes = [1], strides = [1]} : vector<16xf32> to vector<1xf32>
        %squeeze3A_1914 = vector.extract %slice3A_1913[0] : f32 from vector<1xf32>
        %mul3A_1915 = vector.broadcast %squeeze3A_1914 : f32 to vector<16xf32>
        %mul3A_1916 = arith.mulf %mul3A_1915, %get3A_64 : vector<16xf32>
        %add3A_1917 = arith.addf %add3A_1912, %mul3A_1916 : vector<16xf32>
        %slice3A_1918 = vector.extract_strided_slice %gather3A_1783 {offsets = [3], sizes = [1], strides = [1]} : vector<16xf32> to vector<1xf32>
        %squeeze3A_1919 = vector.extract %slice3A_1918[0] : f32 from vector<1xf32>
        %mul3A_1920 = vector.broadcast %squeeze3A_1919 : f32 to vector<16xf32>
        %mul3A_1921 = arith.mulf %mul3A_1920, %get3A_84 : vector<16xf32>
        %add3A_1922 = arith.addf %add3A_1917, %mul3A_1921 : vector<16xf32>
        %slice3A_1923 = vector.extract_strided_slice %gather3A_1783 {offsets = [4], sizes = [1], strides = [1]} : vector<16xf32> to vector<1xf32>
        %squeeze3A_1924 = vector.extract %slice3A_1923[0] : f32 from vector<1xf32>
        %mul3A_1925 = vector.broadcast %squeeze3A_1924 : f32 to vector<16xf32>
        %mul3A_1926 = arith.mulf %mul3A_1925, %get3A_104 : vector<16xf32>
        %add3A_1927 = arith.addf %add3A_1922, %mul3A_1926 : vector<16xf32>
        %slice3A_1928 = vector.extract_strided_slice %gather3A_1783 {offsets = [5], sizes = [1], strides = [1]} : vector<16xf32> to vector<1xf32>
        %squeeze3A_1929 = vector.extract %slice3A_1928[0] : f32 from vector<1xf32>
        %mul3A_1930 = vector.broadcast %squeeze3A_1929 : f32 to vector<16xf32>
        %mul3A_1931 = arith.mulf %mul3A_1930, %get3A_124 : vector<16xf32>
        %add3A_1932 = arith.addf %add3A_1927, %mul3A_1931 : vector<16xf32>
        %slice3A_1933 = vector.extract_strided_slice %gather3A_1783 {offsets = [6], sizes = [1], strides = [1]} : vector<16xf32> to vector<1xf32>
        %squeeze3A_1934 = vector.extract %slice3A_1933[0] : f32 from vector<1xf32>
        %mul3A_1935 = vector.broadcast %squeeze3A_1934 : f32 to vector<16xf32>
        %mul3A_1936 = arith.mulf %mul3A_1935, %get3A_144 : vector<16xf32>
        %add3A_1937 = arith.addf %add3A_1932, %mul3A_1936 : vector<16xf32>
        %slice3A_1938 = vector.extract_strided_slice %gather3A_1783 {offsets = [7], sizes = [1], strides = [1]} : vector<16xf32> to vector<1xf32>
        %squeeze3A_1939 = vector.extract %slice3A_1938[0] : f32 from vector<1xf32>
        %mul3A_1940 = vector.broadcast %squeeze3A_1939 : f32 to vector<16xf32>
        %mul3A_1941 = arith.mulf %mul3A_1940, %get3A_164 : vector<16xf32>
        %add3A_1942 = arith.addf %add3A_1937, %mul3A_1941 : vector<16xf32>
        %mul3A_1943 = arith.constant 8 : i32
        %mul3A_1944 = arith.muli %scan3A_245, %mul3A_1943 : i32
        %add3A_1945 = arith.constant 3 : i32
        %add3A_1946 = arith.addi %mul3A_1944, %add3A_1945 : i32
        %swap3A_1947 = arith.index_cast %add3A_1946 : i32 to index
        %swap3A_1948 = arith.constant 32 : index
        %swap3A_1949 = tpu.vector_load %arg14[%swap3A_1947, %swap3A_1948] {strides = array<i32>} : memref<64x128xf32, #tpu.memory_space<vmem>>, vector<1x16xf32>,
        %swap3A_1950 = vector.shape_cast %swap3A_1949 : vector<1x16xf32> to vector<16xf32>
        %swap3A_1951 = vector.shape_cast %add3A_1942 : vector<16xf32> to vector<1x16xf32>
        tpu.vector_store %arg14[%swap3A_1947, %swap3A_1948], %swap3A_1951 {strides = array<i32>} : memref<64x128xf32, #tpu.memory_space<vmem>>, vector<1x16xf32>,
        %add3A_1952 = arith.constant 48 : i32
        %add3A_1953 = arith.addi %squeeze3A_1762, %add3A_1952 : i32
        %get3A_1954 = arith.index_cast %and3A_205 : i32 to index
        %get3A_1955 = arith.index_cast %add3A_1760 : i32 to index
        %get3A_1956 = arith.index_cast %add3A_1953 : i32 to index
        %get3A_1957 = tpu.vector_load %arg12[%get3A_1954, %get3A_1955, %get3A_1956] {strides = array<i32>} : memref<2x128x128xf32, #tpu.memory_space<vmem>>, vector<1x1x16xf32>,
        %get3A_1958 = vector.shape_cast %get3A_1957 : vector<1x1x16xf32> to vector<16xf32>
        %slice3A_1959 = vector.extract_strided_slice %gather3A_1783 {offsets = [0], sizes = [1], strides = [1]} : vector<16xf32> to vector<1xf32>
        %squeeze3A_1960 = vector.extract %slice3A_1959[0] : f32 from vector<1xf32>
        %mul3A_1961 = vector.broadcast %squeeze3A_1960 : f32 to vector<16xf32>
        %mul3A_1962 = arith.mulf %mul3A_1961, %get3A_29 : vector<16xf32>
        %add3A_1963 = arith.addf %get3A_1958, %mul3A_1962 : vector<16xf32>
        %slice3A_1964 = vector.extract_strided_slice %gather3A_1783 {offsets = [1], sizes = [1], strides = [1]} : vector<16xf32> to vector<1xf32>
        %squeeze3A_1965 = vector.extract %slice3A_1964[0] : f32 from vector<1xf32>
        %mul3A_1966 = vector.broadcast %squeeze3A_1965 : f32 to vector<16xf32>
        %mul3A_1967 = arith.mulf %mul3A_1966, %get3A_49 : vector<16xf32>
        %add3A_1968 = arith.addf %add3A_1963, %mul3A_1967 : vector<16xf32>
        %slice3A_1969 = vector.extract_strided_slice %gather3A_1783 {offsets = [2], sizes = [1], strides = [1]} : vector<16xf32> to vector<1xf32>
        %squeeze3A_1970 = vector.extract %slice3A_1969[0] : f32 from vector<1xf32>
        %mul3A_1971 = vector.broadcast %squeeze3A_1970 : f32 to vector<16xf32>
        %mul3A_1972 = arith.mulf %mul3A_1971, %get3A_69 : vector<16xf32>
        %add3A_1973 = arith.addf %add3A_1968, %mul3A_1972 : vector<16xf32>
        %slice3A_1974 = vector.extract_strided_slice %gather3A_1783 {offsets = [3], sizes = [1], strides = [1]} : vector<16xf32> to vector<1xf32>
        %squeeze3A_1975 = vector.extract %slice3A_1974[0] : f32 from vector<1xf32>
        %mul3A_1976 = vector.broadcast %squeeze3A_1975 : f32 to vector<16xf32>
        %mul3A_1977 = arith.mulf %mul3A_1976, %get3A_89 : vector<16xf32>
        %add3A_1978 = arith.addf %add3A_1973, %mul3A_1977 : vector<16xf32>
        %slice3A_1979 = vector.extract_strided_slice %gather3A_1783 {offsets = [4], sizes = [1], strides = [1]} : vector<16xf32> to vector<1xf32>
        %squeeze3A_1980 = vector.extract %slice3A_1979[0] : f32 from vector<1xf32>
        %mul3A_1981 = vector.broadcast %squeeze3A_1980 : f32 to vector<16xf32>
        %mul3A_1982 = arith.mulf %mul3A_1981, %get3A_109 : vector<16xf32>
        %add3A_1983 = arith.addf %add3A_1978, %mul3A_1982 : vector<16xf32>
        %slice3A_1984 = vector.extract_strided_slice %gather3A_1783 {offsets = [5], sizes = [1], strides = [1]} : vector<16xf32> to vector<1xf32>
        %squeeze3A_1985 = vector.extract %slice3A_1984[0] : f32 from vector<1xf32>
        %mul3A_1986 = vector.broadcast %squeeze3A_1985 : f32 to vector<16xf32>
        %mul3A_1987 = arith.mulf %mul3A_1986, %get3A_129 : vector<16xf32>
        %add3A_1988 = arith.addf %add3A_1983, %mul3A_1987 : vector<16xf32>
        %slice3A_1989 = vector.extract_strided_slice %gather3A_1783 {offsets = [6], sizes = [1], strides = [1]} : vector<16xf32> to vector<1xf32>
        %squeeze3A_1990 = vector.extract %slice3A_1989[0] : f32 from vector<1xf32>
        %mul3A_1991 = vector.broadcast %squeeze3A_1990 : f32 to vector<16xf32>
        %mul3A_1992 = arith.mulf %mul3A_1991, %get3A_149 : vector<16xf32>
        %add3A_1993 = arith.addf %add3A_1988, %mul3A_1992 : vector<16xf32>
        %slice3A_1994 = vector.extract_strided_slice %gather3A_1783 {offsets = [7], sizes = [1], strides = [1]} : vector<16xf32> to vector<1xf32>
        %squeeze3A_1995 = vector.extract %slice3A_1994[0] : f32 from vector<1xf32>
        %mul3A_1996 = vector.broadcast %squeeze3A_1995 : f32 to vector<16xf32>
        %mul3A_1997 = arith.mulf %mul3A_1996, %get3A_169 : vector<16xf32>
        %add3A_1998 = arith.addf %add3A_1993, %mul3A_1997 : vector<16xf32>
        %mul3A_1999 = arith.constant 8 : i32
        %mul3A_2000 = arith.muli %scan3A_245, %mul3A_1999 : i32
        %add3A_2001 = arith.constant 3 : i32
        %add3A_2002 = arith.addi %mul3A_2000, %add3A_2001 : i32
        %swap3A_2003 = arith.index_cast %add3A_2002 : i32 to index
        %swap3A_2004 = arith.constant 48 : index
        %swap3A_2005 = tpu.vector_load %arg14[%swap3A_2003, %swap3A_2004] {strides = array<i32>} : memref<64x128xf32, #tpu.memory_space<vmem>>, vector<1x16xf32>,
        %swap3A_2006 = vector.shape_cast %swap3A_2005 : vector<1x16xf32> to vector<16xf32>
        %swap3A_2007 = vector.shape_cast %add3A_1998 : vector<16xf32> to vector<1x16xf32>
        tpu.vector_store %arg14[%swap3A_2003, %swap3A_2004], %swap3A_2007 {strides = array<i32>} : memref<64x128xf32, #tpu.memory_space<vmem>>, vector<1x16xf32>,
        %mul3A_2008 = arith.constant 16 : i32
        %mul3A_2009 = arith.muli %scan3A_245, %mul3A_2008 : i32
        %add3A_2010 = arith.constant 7 : i32
        %add3A_2011 = arith.addi %mul3A_2009, %add3A_2010 : i32
        %slice3A_2012 = vector.extract_strided_slice %get3A_251 {offsets = [7], sizes = [1], strides = [1]} : vector<16xi32> to vector<1xi32>
        %squeeze3A_2013 = vector.extract %slice3A_2012[0] : i32 from vector<1xi32>
        %slice3A_2014 = vector.extract_strided_slice %get3A_257 {offsets = [7], sizes = [1], strides = [1]} : vector<16xi32> to vector<1xi32>
        %squeeze3A_2015 = vector.extract %slice3A_2014[0] : i32 from vector<1xi32>
        %get3A_2016 = arith.index_cast %and3A_205 : i32 to index
        %get3A_2017 = arith.index_cast %add3A_2011 : i32 to index
        %get3A_2018 = arith.index_cast %squeeze3A_2015 : i32 to index
        %get3A_2019 = tpu.vector_load %arg13[%get3A_2016, %get3A_2017, %get3A_2018] {strides = array<i32>} : memref<2x128x128xf32, #tpu.memory_space<vmem>>, vector<1x1x16xf32>,
        %get3A_2020 = vector.shape_cast %get3A_2019 : vector<1x1x16xf32> to vector<16xf32>
        %shift_right_arithmetic3A_2021 = arith.constant 3 : i32
        %shift_right_arithmetic3A_2022 = arith.shrsi %squeeze3A_2013, %shift_right_arithmetic3A_2021 : i32
        %add3A_2023 = vector.broadcast %shift_right_arithmetic3A_2022 : i32 to vector<16xi32>
        %add3A_2024 = arith.addi %and3A_171, %add3A_2023 : vector<16xi32>
        %lt3A_2025 = arith.constant 0 : i32
        %lt3A_2026 = vector.broadcast %lt3A_2025 : i32 to vector<16xi32>
        %lt3A_2027 = arith.cmpi slt, %add3A_2024, %lt3A_2026 : vector<16xi32>
        %add3A_2028 = arith.constant 16 : i32
        %add3A_2029 = vector.broadcast %add3A_2028 : i32 to vector<16xi32>
        %add3A_2030 = arith.addi %add3A_2024, %add3A_2029 : vector<16xi32>
        %select_n3A_2031 = arith.select %lt3A_2027, %add3A_2030, %add3A_2024 : vector<16xi1>, vector<16xi32>
        %broadcast_in_dim3A_2032 = vector.shape_cast %select_n3A_2031 : vector<16xi32> to vector<16x1xi32>
        %gather3A_2033 = vector.shape_cast %broadcast_in_dim3A_2032 : vector<16x1xi32> to vector<16xi32>
        %gather3A_2034 = tpu.dynamic_gather %get3A_2020[%gather3A_2033] in [0] : vector<16xf32>, vector<16xi32> -> vector<16xf32>
        %add3A_2035 = arith.constant 0 : i32
        %add3A_2036 = arith.addi %squeeze3A_2013, %add3A_2035 : i32
        %get3A_2037 = arith.index_cast %and3A_205 : i32 to index
        %get3A_2038 = arith.index_cast %add3A_2011 : i32 to index
        %get3A_2039 = arith.index_cast %add3A_2036 : i32 to index
        %get3A_2040 = tpu.vector_load %arg12[%get3A_2037, %get3A_2038, %get3A_2039] {strides = array<i32>} : memref<2x128x128xf32, #tpu.memory_space<vmem>>, vector<1x1x16xf32>,
        %get3A_2041 = vector.shape_cast %get3A_2040 : vector<1x1x16xf32> to vector<16xf32>
        %slice3A_2042 = vector.extract_strided_slice %gather3A_2034 {offsets = [0], sizes = [1], strides = [1]} : vector<16xf32> to vector<1xf32>
        %squeeze3A_2043 = vector.extract %slice3A_2042[0] : f32 from vector<1xf32>
        %mul3A_2044 = vector.broadcast %squeeze3A_2043 : f32 to vector<16xf32>
        %mul3A_2045 = arith.mulf %mul3A_2044, %get3A_14 : vector<16xf32>
        %add3A_2046 = arith.addf %get3A_2041, %mul3A_2045 : vector<16xf32>
        %slice3A_2047 = vector.extract_strided_slice %gather3A_2034 {offsets = [1], sizes = [1], strides = [1]} : vector<16xf32> to vector<1xf32>
        %squeeze3A_2048 = vector.extract %slice3A_2047[0] : f32 from vector<1xf32>
        %mul3A_2049 = vector.broadcast %squeeze3A_2048 : f32 to vector<16xf32>
        %mul3A_2050 = arith.mulf %mul3A_2049, %get3A_34 : vector<16xf32>
        %add3A_2051 = arith.addf %add3A_2046, %mul3A_2050 : vector<16xf32>
        %slice3A_2052 = vector.extract_strided_slice %gather3A_2034 {offsets = [2], sizes = [1], strides = [1]} : vector<16xf32> to vector<1xf32>
        %squeeze3A_2053 = vector.extract %slice3A_2052[0] : f32 from vector<1xf32>
        %mul3A_2054 = vector.broadcast %squeeze3A_2053 : f32 to vector<16xf32>
        %mul3A_2055 = arith.mulf %mul3A_2054, %get3A_54 : vector<16xf32>
        %add3A_2056 = arith.addf %add3A_2051, %mul3A_2055 : vector<16xf32>
        %slice3A_2057 = vector.extract_strided_slice %gather3A_2034 {offsets = [3], sizes = [1], strides = [1]} : vector<16xf32> to vector<1xf32>
        %squeeze3A_2058 = vector.extract %slice3A_2057[0] : f32 from vector<1xf32>
        %mul3A_2059 = vector.broadcast %squeeze3A_2058 : f32 to vector<16xf32>
        %mul3A_2060 = arith.mulf %mul3A_2059, %get3A_74 : vector<16xf32>
        %add3A_2061 = arith.addf %add3A_2056, %mul3A_2060 : vector<16xf32>
        %slice3A_2062 = vector.extract_strided_slice %gather3A_2034 {offsets = [4], sizes = [1], strides = [1]} : vector<16xf32> to vector<1xf32>
        %squeeze3A_2063 = vector.extract %slice3A_2062[0] : f32 from vector<1xf32>
        %mul3A_2064 = vector.broadcast %squeeze3A_2063 : f32 to vector<16xf32>
        %mul3A_2065 = arith.mulf %mul3A_2064, %get3A_94 : vector<16xf32>
        %add3A_2066 = arith.addf %add3A_2061, %mul3A_2065 : vector<16xf32>
        %slice3A_2067 = vector.extract_strided_slice %gather3A_2034 {offsets = [5], sizes = [1], strides = [1]} : vector<16xf32> to vector<1xf32>
        %squeeze3A_2068 = vector.extract %slice3A_2067[0] : f32 from vector<1xf32>
        %mul3A_2069 = vector.broadcast %squeeze3A_2068 : f32 to vector<16xf32>
        %mul3A_2070 = arith.mulf %mul3A_2069, %get3A_114 : vector<16xf32>
        %add3A_2071 = arith.addf %add3A_2066, %mul3A_2070 : vector<16xf32>
        %slice3A_2072 = vector.extract_strided_slice %gather3A_2034 {offsets = [6], sizes = [1], strides = [1]} : vector<16xf32> to vector<1xf32>
        %squeeze3A_2073 = vector.extract %slice3A_2072[0] : f32 from vector<1xf32>
        %mul3A_2074 = vector.broadcast %squeeze3A_2073 : f32 to vector<16xf32>
        %mul3A_2075 = arith.mulf %mul3A_2074, %get3A_134 : vector<16xf32>
        %add3A_2076 = arith.addf %add3A_2071, %mul3A_2075 : vector<16xf32>
        %slice3A_2077 = vector.extract_strided_slice %gather3A_2034 {offsets = [7], sizes = [1], strides = [1]} : vector<16xf32> to vector<1xf32>
        %squeeze3A_2078 = vector.extract %slice3A_2077[0] : f32 from vector<1xf32>
        %mul3A_2079 = vector.broadcast %squeeze3A_2078 : f32 to vector<16xf32>
        %mul3A_2080 = arith.mulf %mul3A_2079, %get3A_154 : vector<16xf32>
        %add3A_2081 = arith.addf %add3A_2076, %mul3A_2080 : vector<16xf32>
        %mul3A_2082 = arith.constant 8 : i32
        %mul3A_2083 = arith.muli %scan3A_245, %mul3A_2082 : i32
        %add3A_2084 = arith.constant 3 : i32
        %add3A_2085 = arith.addi %mul3A_2083, %add3A_2084 : i32
        %swap3A_2086 = arith.index_cast %add3A_2085 : i32 to index
        %swap3A_2087 = arith.constant 64 : index
        %swap3A_2088 = tpu.vector_load %arg14[%swap3A_2086, %swap3A_2087] {strides = array<i32>} : memref<64x128xf32, #tpu.memory_space<vmem>>, vector<1x16xf32>,
        %swap3A_2089 = vector.shape_cast %swap3A_2088 : vector<1x16xf32> to vector<16xf32>
        %swap3A_2090 = vector.shape_cast %add3A_2081 : vector<16xf32> to vector<1x16xf32>
        tpu.vector_store %arg14[%swap3A_2086, %swap3A_2087], %swap3A_2090 {strides = array<i32>} : memref<64x128xf32, #tpu.memory_space<vmem>>, vector<1x16xf32>,
        %add3A_2091 = arith.constant 16 : i32
        %add3A_2092 = arith.addi %squeeze3A_2013, %add3A_2091 : i32
        %get3A_2093 = arith.index_cast %and3A_205 : i32 to index
        %get3A_2094 = arith.index_cast %add3A_2011 : i32 to index
        %get3A_2095 = arith.index_cast %add3A_2092 : i32 to index
        %get3A_2096 = tpu.vector_load %arg12[%get3A_2093, %get3A_2094, %get3A_2095] {strides = array<i32>} : memref<2x128x128xf32, #tpu.memory_space<vmem>>, vector<1x1x16xf32>,
        %get3A_2097 = vector.shape_cast %get3A_2096 : vector<1x1x16xf32> to vector<16xf32>
        %slice3A_2098 = vector.extract_strided_slice %gather3A_2034 {offsets = [0], sizes = [1], strides = [1]} : vector<16xf32> to vector<1xf32>
        %squeeze3A_2099 = vector.extract %slice3A_2098[0] : f32 from vector<1xf32>
        %mul3A_2100 = vector.broadcast %squeeze3A_2099 : f32 to vector<16xf32>
        %mul3A_2101 = arith.mulf %mul3A_2100, %get3A_19 : vector<16xf32>
        %add3A_2102 = arith.addf %get3A_2097, %mul3A_2101 : vector<16xf32>
        %slice3A_2103 = vector.extract_strided_slice %gather3A_2034 {offsets = [1], sizes = [1], strides = [1]} : vector<16xf32> to vector<1xf32>
        %squeeze3A_2104 = vector.extract %slice3A_2103[0] : f32 from vector<1xf32>
        %mul3A_2105 = vector.broadcast %squeeze3A_2104 : f32 to vector<16xf32>
        %mul3A_2106 = arith.mulf %mul3A_2105, %get3A_39 : vector<16xf32>
        %add3A_2107 = arith.addf %add3A_2102, %mul3A_2106 : vector<16xf32>
        %slice3A_2108 = vector.extract_strided_slice %gather3A_2034 {offsets = [2], sizes = [1], strides = [1]} : vector<16xf32> to vector<1xf32>
        %squeeze3A_2109 = vector.extract %slice3A_2108[0] : f32 from vector<1xf32>
        %mul3A_2110 = vector.broadcast %squeeze3A_2109 : f32 to vector<16xf32>
        %mul3A_2111 = arith.mulf %mul3A_2110, %get3A_59 : vector<16xf32>
        %add3A_2112 = arith.addf %add3A_2107, %mul3A_2111 : vector<16xf32>
        %slice3A_2113 = vector.extract_strided_slice %gather3A_2034 {offsets = [3], sizes = [1], strides = [1]} : vector<16xf32> to vector<1xf32>
        %squeeze3A_2114 = vector.extract %slice3A_2113[0] : f32 from vector<1xf32>
        %mul3A_2115 = vector.broadcast %squeeze3A_2114 : f32 to vector<16xf32>
        %mul3A_2116 = arith.mulf %mul3A_2115, %get3A_79 : vector<16xf32>
        %add3A_2117 = arith.addf %add3A_2112, %mul3A_2116 : vector<16xf32>
        %slice3A_2118 = vector.extract_strided_slice %gather3A_2034 {offsets = [4], sizes = [1], strides = [1]} : vector<16xf32> to vector<1xf32>
        %squeeze3A_2119 = vector.extract %slice3A_2118[0] : f32 from vector<1xf32>
        %mul3A_2120 = vector.broadcast %squeeze3A_2119 : f32 to vector<16xf32>
        %mul3A_2121 = arith.mulf %mul3A_2120, %get3A_99 : vector<16xf32>
        %add3A_2122 = arith.addf %add3A_2117, %mul3A_2121 : vector<16xf32>
        %slice3A_2123 = vector.extract_strided_slice %gather3A_2034 {offsets = [5], sizes = [1], strides = [1]} : vector<16xf32> to vector<1xf32>
        %squeeze3A_2124 = vector.extract %slice3A_2123[0] : f32 from vector<1xf32>
        %mul3A_2125 = vector.broadcast %squeeze3A_2124 : f32 to vector<16xf32>
        %mul3A_2126 = arith.mulf %mul3A_2125, %get3A_119 : vector<16xf32>
        %add3A_2127 = arith.addf %add3A_2122, %mul3A_2126 : vector<16xf32>
        %slice3A_2128 = vector.extract_strided_slice %gather3A_2034 {offsets = [6], sizes = [1], strides = [1]} : vector<16xf32> to vector<1xf32>
        %squeeze3A_2129 = vector.extract %slice3A_2128[0] : f32 from vector<1xf32>
        %mul3A_2130 = vector.broadcast %squeeze3A_2129 : f32 to vector<16xf32>
        %mul3A_2131 = arith.mulf %mul3A_2130, %get3A_139 : vector<16xf32>
        %add3A_2132 = arith.addf %add3A_2127, %mul3A_2131 : vector<16xf32>
        %slice3A_2133 = vector.extract_strided_slice %gather3A_2034 {offsets = [7], sizes = [1], strides = [1]} : vector<16xf32> to vector<1xf32>
        %squeeze3A_2134 = vector.extract %slice3A_2133[0] : f32 from vector<1xf32>
        %mul3A_2135 = vector.broadcast %squeeze3A_2134 : f32 to vector<16xf32>
        %mul3A_2136 = arith.mulf %mul3A_2135, %get3A_159 : vector<16xf32>
        %add3A_2137 = arith.addf %add3A_2132, %mul3A_2136 : vector<16xf32>
        %mul3A_2138 = arith.constant 8 : i32
        %mul3A_2139 = arith.muli %scan3A_245, %mul3A_2138 : i32
        %add3A_2140 = arith.constant 3 : i32
        %add3A_2141 = arith.addi %mul3A_2139, %add3A_2140 : i32
        %swap3A_2142 = arith.index_cast %add3A_2141 : i32 to index
        %swap3A_2143 = arith.constant 80 : index
        %swap3A_2144 = tpu.vector_load %arg14[%swap3A_2142, %swap3A_2143] {strides = array<i32>} : memref<64x128xf32, #tpu.memory_space<vmem>>, vector<1x16xf32>,
        %swap3A_2145 = vector.shape_cast %swap3A_2144 : vector<1x16xf32> to vector<16xf32>
        %swap3A_2146 = vector.shape_cast %add3A_2137 : vector<16xf32> to vector<1x16xf32>
        tpu.vector_store %arg14[%swap3A_2142, %swap3A_2143], %swap3A_2146 {strides = array<i32>} : memref<64x128xf32, #tpu.memory_space<vmem>>, vector<1x16xf32>,
        %add3A_2147 = arith.constant 32 : i32
        %add3A_2148 = arith.addi %squeeze3A_2013, %add3A_2147 : i32
        %get3A_2149 = arith.index_cast %and3A_205 : i32 to index
        %get3A_2150 = arith.index_cast %add3A_2011 : i32 to index
        %get3A_2151 = arith.index_cast %add3A_2148 : i32 to index
        %get3A_2152 = tpu.vector_load %arg12[%get3A_2149, %get3A_2150, %get3A_2151] {strides = array<i32>} : memref<2x128x128xf32, #tpu.memory_space<vmem>>, vector<1x1x16xf32>,
        %get3A_2153 = vector.shape_cast %get3A_2152 : vector<1x1x16xf32> to vector<16xf32>
        %slice3A_2154 = vector.extract_strided_slice %gather3A_2034 {offsets = [0], sizes = [1], strides = [1]} : vector<16xf32> to vector<1xf32>
        %squeeze3A_2155 = vector.extract %slice3A_2154[0] : f32 from vector<1xf32>
        %mul3A_2156 = vector.broadcast %squeeze3A_2155 : f32 to vector<16xf32>
        %mul3A_2157 = arith.mulf %mul3A_2156, %get3A_24 : vector<16xf32>
        %add3A_2158 = arith.addf %get3A_2153, %mul3A_2157 : vector<16xf32>
        %slice3A_2159 = vector.extract_strided_slice %gather3A_2034 {offsets = [1], sizes = [1], strides = [1]} : vector<16xf32> to vector<1xf32>
        %squeeze3A_2160 = vector.extract %slice3A_2159[0] : f32 from vector<1xf32>
        %mul3A_2161 = vector.broadcast %squeeze3A_2160 : f32 to vector<16xf32>
        %mul3A_2162 = arith.mulf %mul3A_2161, %get3A_44 : vector<16xf32>
        %add3A_2163 = arith.addf %add3A_2158, %mul3A_2162 : vector<16xf32>
        %slice3A_2164 = vector.extract_strided_slice %gather3A_2034 {offsets = [2], sizes = [1], strides = [1]} : vector<16xf32> to vector<1xf32>
        %squeeze3A_2165 = vector.extract %slice3A_2164[0] : f32 from vector<1xf32>
        %mul3A_2166 = vector.broadcast %squeeze3A_2165 : f32 to vector<16xf32>
        %mul3A_2167 = arith.mulf %mul3A_2166, %get3A_64 : vector<16xf32>
        %add3A_2168 = arith.addf %add3A_2163, %mul3A_2167 : vector<16xf32>
        %slice3A_2169 = vector.extract_strided_slice %gather3A_2034 {offsets = [3], sizes = [1], strides = [1]} : vector<16xf32> to vector<1xf32>
        %squeeze3A_2170 = vector.extract %slice3A_2169[0] : f32 from vector<1xf32>
        %mul3A_2171 = vector.broadcast %squeeze3A_2170 : f32 to vector<16xf32>
        %mul3A_2172 = arith.mulf %mul3A_2171, %get3A_84 : vector<16xf32>
        %add3A_2173 = arith.addf %add3A_2168, %mul3A_2172 : vector<16xf32>
        %slice3A_2174 = vector.extract_strided_slice %gather3A_2034 {offsets = [4], sizes = [1], strides = [1]} : vector<16xf32> to vector<1xf32>
        %squeeze3A_2175 = vector.extract %slice3A_2174[0] : f32 from vector<1xf32>
        %mul3A_2176 = vector.broadcast %squeeze3A_2175 : f32 to vector<16xf32>
        %mul3A_2177 = arith.mulf %mul3A_2176, %get3A_104 : vector<16xf32>
        %add3A_2178 = arith.addf %add3A_2173, %mul3A_2177 : vector<16xf32>
        %slice3A_2179 = vector.extract_strided_slice %gather3A_2034 {offsets = [5], sizes = [1], strides = [1]} : vector<16xf32> to vector<1xf32>
        %squeeze3A_2180 = vector.extract %slice3A_2179[0] : f32 from vector<1xf32>
        %mul3A_2181 = vector.broadcast %squeeze3A_2180 : f32 to vector<16xf32>
        %mul3A_2182 = arith.mulf %mul3A_2181, %get3A_124 : vector<16xf32>
        %add3A_2183 = arith.addf %add3A_2178, %mul3A_2182 : vector<16xf32>
        %slice3A_2184 = vector.extract_strided_slice %gather3A_2034 {offsets = [6], sizes = [1], strides = [1]} : vector<16xf32> to vector<1xf32>
        %squeeze3A_2185 = vector.extract %slice3A_2184[0] : f32 from vector<1xf32>
        %mul3A_2186 = vector.broadcast %squeeze3A_2185 : f32 to vector<16xf32>
        %mul3A_2187 = arith.mulf %mul3A_2186, %get3A_144 : vector<16xf32>
        %add3A_2188 = arith.addf %add3A_2183, %mul3A_2187 : vector<16xf32>
        %slice3A_2189 = vector.extract_strided_slice %gather3A_2034 {offsets = [7], sizes = [1], strides = [1]} : vector<16xf32> to vector<1xf32>
        %squeeze3A_2190 = vector.extract %slice3A_2189[0] : f32 from vector<1xf32>
        %mul3A_2191 = vector.broadcast %squeeze3A_2190 : f32 to vector<16xf32>
        %mul3A_2192 = arith.mulf %mul3A_2191, %get3A_164 : vector<16xf32>
        %add3A_2193 = arith.addf %add3A_2188, %mul3A_2192 : vector<16xf32>
        %mul3A_2194 = arith.constant 8 : i32
        %mul3A_2195 = arith.muli %scan3A_245, %mul3A_2194 : i32
        %add3A_2196 = arith.constant 3 : i32
        %add3A_2197 = arith.addi %mul3A_2195, %add3A_2196 : i32
        %swap3A_2198 = arith.index_cast %add3A_2197 : i32 to index
        %swap3A_2199 = arith.constant 96 : index
        %swap3A_2200 = tpu.vector_load %arg14[%swap3A_2198, %swap3A_2199] {strides = array<i32>} : memref<64x128xf32, #tpu.memory_space<vmem>>, vector<1x16xf32>,
        %swap3A_2201 = vector.shape_cast %swap3A_2200 : vector<1x16xf32> to vector<16xf32>
        %swap3A_2202 = vector.shape_cast %add3A_2193 : vector<16xf32> to vector<1x16xf32>
        tpu.vector_store %arg14[%swap3A_2198, %swap3A_2199], %swap3A_2202 {strides = array<i32>} : memref<64x128xf32, #tpu.memory_space<vmem>>, vector<1x16xf32>,
        %add3A_2203 = arith.constant 48 : i32
        %add3A_2204 = arith.addi %squeeze3A_2013, %add3A_2203 : i32
        %get3A_2205 = arith.index_cast %and3A_205 : i32 to index
        %get3A_2206 = arith.index_cast %add3A_2011 : i32 to index
        %get3A_2207 = arith.index_cast %add3A_2204 : i32 to index
        %get3A_2208 = tpu.vector_load %arg12[%get3A_2205, %get3A_2206, %get3A_2207] {strides = array<i32>} : memref<2x128x128xf32, #tpu.memory_space<vmem>>, vector<1x1x16xf32>,
        %get3A_2209 = vector.shape_cast %get3A_2208 : vector<1x1x16xf32> to vector<16xf32>
        %slice3A_2210 = vector.extract_strided_slice %gather3A_2034 {offsets = [0], sizes = [1], strides = [1]} : vector<16xf32> to vector<1xf32>
        %squeeze3A_2211 = vector.extract %slice3A_2210[0] : f32 from vector<1xf32>
        %mul3A_2212 = vector.broadcast %squeeze3A_2211 : f32 to vector<16xf32>
        %mul3A_2213 = arith.mulf %mul3A_2212, %get3A_29 : vector<16xf32>
        %add3A_2214 = arith.addf %get3A_2209, %mul3A_2213 : vector<16xf32>
        %slice3A_2215 = vector.extract_strided_slice %gather3A_2034 {offsets = [1], sizes = [1], strides = [1]} : vector<16xf32> to vector<1xf32>
        %squeeze3A_2216 = vector.extract %slice3A_2215[0] : f32 from vector<1xf32>
        %mul3A_2217 = vector.broadcast %squeeze3A_2216 : f32 to vector<16xf32>
        %mul3A_2218 = arith.mulf %mul3A_2217, %get3A_49 : vector<16xf32>
        %add3A_2219 = arith.addf %add3A_2214, %mul3A_2218 : vector<16xf32>
        %slice3A_2220 = vector.extract_strided_slice %gather3A_2034 {offsets = [2], sizes = [1], strides = [1]} : vector<16xf32> to vector<1xf32>
        %squeeze3A_2221 = vector.extract %slice3A_2220[0] : f32 from vector<1xf32>
        %mul3A_2222 = vector.broadcast %squeeze3A_2221 : f32 to vector<16xf32>
        %mul3A_2223 = arith.mulf %mul3A_2222, %get3A_69 : vector<16xf32>
        %add3A_2224 = arith.addf %add3A_2219, %mul3A_2223 : vector<16xf32>
        %slice3A_2225 = vector.extract_strided_slice %gather3A_2034 {offsets = [3], sizes = [1], strides = [1]} : vector<16xf32> to vector<1xf32>
        %squeeze3A_2226 = vector.extract %slice3A_2225[0] : f32 from vector<1xf32>
        %mul3A_2227 = vector.broadcast %squeeze3A_2226 : f32 to vector<16xf32>
        %mul3A_2228 = arith.mulf %mul3A_2227, %get3A_89 : vector<16xf32>
        %add3A_2229 = arith.addf %add3A_2224, %mul3A_2228 : vector<16xf32>
        %slice3A_2230 = vector.extract_strided_slice %gather3A_2034 {offsets = [4], sizes = [1], strides = [1]} : vector<16xf32> to vector<1xf32>
        %squeeze3A_2231 = vector.extract %slice3A_2230[0] : f32 from vector<1xf32>
        %mul3A_2232 = vector.broadcast %squeeze3A_2231 : f32 to vector<16xf32>
        %mul3A_2233 = arith.mulf %mul3A_2232, %get3A_109 : vector<16xf32>
        %add3A_2234 = arith.addf %add3A_2229, %mul3A_2233 : vector<16xf32>
        %slice3A_2235 = vector.extract_strided_slice %gather3A_2034 {offsets = [5], sizes = [1], strides = [1]} : vector<16xf32> to vector<1xf32>
        %squeeze3A_2236 = vector.extract %slice3A_2235[0] : f32 from vector<1xf32>
        %mul3A_2237 = vector.broadcast %squeeze3A_2236 : f32 to vector<16xf32>
        %mul3A_2238 = arith.mulf %mul3A_2237, %get3A_129 : vector<16xf32>
        %add3A_2239 = arith.addf %add3A_2234, %mul3A_2238 : vector<16xf32>
        %slice3A_2240 = vector.extract_strided_slice %gather3A_2034 {offsets = [6], sizes = [1], strides = [1]} : vector<16xf32> to vector<1xf32>
        %squeeze3A_2241 = vector.extract %slice3A_2240[0] : f32 from vector<1xf32>
        %mul3A_2242 = vector.broadcast %squeeze3A_2241 : f32 to vector<16xf32>
        %mul3A_2243 = arith.mulf %mul3A_2242, %get3A_149 : vector<16xf32>
        %add3A_2244 = arith.addf %add3A_2239, %mul3A_2243 : vector<16xf32>
        %slice3A_2245 = vector.extract_strided_slice %gather3A_2034 {offsets = [7], sizes = [1], strides = [1]} : vector<16xf32> to vector<1xf32>
        %squeeze3A_2246 = vector.extract %slice3A_2245[0] : f32 from vector<1xf32>
        %mul3A_2247 = vector.broadcast %squeeze3A_2246 : f32 to vector<16xf32>
        %mul3A_2248 = arith.mulf %mul3A_2247, %get3A_169 : vector<16xf32>
        %add3A_2249 = arith.addf %add3A_2244, %mul3A_2248 : vector<16xf32>
        %mul3A_2250 = arith.constant 8 : i32
        %mul3A_2251 = arith.muli %scan3A_245, %mul3A_2250 : i32
        %add3A_2252 = arith.constant 3 : i32
        %add3A_2253 = arith.addi %mul3A_2251, %add3A_2252 : i32
        %swap3A_2254 = arith.index_cast %add3A_2253 : i32 to index
        %swap3A_2255 = arith.constant 112 : index
        %swap3A_2256 = tpu.vector_load %arg14[%swap3A_2254, %swap3A_2255] {strides = array<i32>} : memref<64x128xf32, #tpu.memory_space<vmem>>, vector<1x16xf32>,
        %swap3A_2257 = vector.shape_cast %swap3A_2256 : vector<1x16xf32> to vector<16xf32>
        %swap3A_2258 = vector.shape_cast %add3A_2249 : vector<16xf32> to vector<1x16xf32>
        tpu.vector_store %arg14[%swap3A_2254, %swap3A_2255], %swap3A_2258 {strides = array<i32>} : memref<64x128xf32, #tpu.memory_space<vmem>>, vector<1x16xf32>,
        %mul3A_2259 = arith.constant 16 : i32
        %mul3A_2260 = arith.muli %scan3A_245, %mul3A_2259 : i32
        %add3A_2261 = arith.constant 8 : i32
        %add3A_2262 = arith.addi %mul3A_2260, %add3A_2261 : i32
        %slice3A_2263 = vector.extract_strided_slice %get3A_251 {offsets = [8], sizes = [1], strides = [1]} : vector<16xi32> to vector<1xi32>
        %squeeze3A_2264 = vector.extract %slice3A_2263[0] : i32 from vector<1xi32>
        %slice3A_2265 = vector.extract_strided_slice %get3A_257 {offsets = [8], sizes = [1], strides = [1]} : vector<16xi32> to vector<1xi32>
        %squeeze3A_2266 = vector.extract %slice3A_2265[0] : i32 from vector<1xi32>
        %get3A_2267 = arith.index_cast %and3A_205 : i32 to index
        %get3A_2268 = arith.index_cast %add3A_2262 : i32 to index
        %get3A_2269 = arith.index_cast %squeeze3A_2266 : i32 to index
        %get3A_2270 = tpu.vector_load %arg13[%get3A_2267, %get3A_2268, %get3A_2269] {strides = array<i32>} : memref<2x128x128xf32, #tpu.memory_space<vmem>>, vector<1x1x16xf32>,
        %get3A_2271 = vector.shape_cast %get3A_2270 : vector<1x1x16xf32> to vector<16xf32>
        %shift_right_arithmetic3A_2272 = arith.constant 3 : i32
        %shift_right_arithmetic3A_2273 = arith.shrsi %squeeze3A_2264, %shift_right_arithmetic3A_2272 : i32
        %add3A_2274 = vector.broadcast %shift_right_arithmetic3A_2273 : i32 to vector<16xi32>
        %add3A_2275 = arith.addi %and3A_171, %add3A_2274 : vector<16xi32>
        %lt3A_2276 = arith.constant 0 : i32
        %lt3A_2277 = vector.broadcast %lt3A_2276 : i32 to vector<16xi32>
        %lt3A_2278 = arith.cmpi slt, %add3A_2275, %lt3A_2277 : vector<16xi32>
        %add3A_2279 = arith.constant 16 : i32
        %add3A_2280 = vector.broadcast %add3A_2279 : i32 to vector<16xi32>
        %add3A_2281 = arith.addi %add3A_2275, %add3A_2280 : vector<16xi32>
        %select_n3A_2282 = arith.select %lt3A_2278, %add3A_2281, %add3A_2275 : vector<16xi1>, vector<16xi32>
        %broadcast_in_dim3A_2283 = vector.shape_cast %select_n3A_2282 : vector<16xi32> to vector<16x1xi32>
        %gather3A_2284 = vector.shape_cast %broadcast_in_dim3A_2283 : vector<16x1xi32> to vector<16xi32>
        %gather3A_2285 = tpu.dynamic_gather %get3A_2271[%gather3A_2284] in [0] : vector<16xf32>, vector<16xi32> -> vector<16xf32>
        %add3A_2286 = arith.constant 0 : i32
        %add3A_2287 = arith.addi %squeeze3A_2264, %add3A_2286 : i32
        %get3A_2288 = arith.index_cast %and3A_205 : i32 to index
        %get3A_2289 = arith.index_cast %add3A_2262 : i32 to index
        %get3A_2290 = arith.index_cast %add3A_2287 : i32 to index
        %get3A_2291 = tpu.vector_load %arg12[%get3A_2288, %get3A_2289, %get3A_2290] {strides = array<i32>} : memref<2x128x128xf32, #tpu.memory_space<vmem>>, vector<1x1x16xf32>,
        %get3A_2292 = vector.shape_cast %get3A_2291 : vector<1x1x16xf32> to vector<16xf32>
        %slice3A_2293 = vector.extract_strided_slice %gather3A_2285 {offsets = [0], sizes = [1], strides = [1]} : vector<16xf32> to vector<1xf32>
        %squeeze3A_2294 = vector.extract %slice3A_2293[0] : f32 from vector<1xf32>
        %mul3A_2295 = vector.broadcast %squeeze3A_2294 : f32 to vector<16xf32>
        %mul3A_2296 = arith.mulf %mul3A_2295, %get3A_14 : vector<16xf32>
        %add3A_2297 = arith.addf %get3A_2292, %mul3A_2296 : vector<16xf32>
        %slice3A_2298 = vector.extract_strided_slice %gather3A_2285 {offsets = [1], sizes = [1], strides = [1]} : vector<16xf32> to vector<1xf32>
        %squeeze3A_2299 = vector.extract %slice3A_2298[0] : f32 from vector<1xf32>
        %mul3A_2300 = vector.broadcast %squeeze3A_2299 : f32 to vector<16xf32>
        %mul3A_2301 = arith.mulf %mul3A_2300, %get3A_34 : vector<16xf32>
        %add3A_2302 = arith.addf %add3A_2297, %mul3A_2301 : vector<16xf32>
        %slice3A_2303 = vector.extract_strided_slice %gather3A_2285 {offsets = [2], sizes = [1], strides = [1]} : vector<16xf32> to vector<1xf32>
        %squeeze3A_2304 = vector.extract %slice3A_2303[0] : f32 from vector<1xf32>
        %mul3A_2305 = vector.broadcast %squeeze3A_2304 : f32 to vector<16xf32>
        %mul3A_2306 = arith.mulf %mul3A_2305, %get3A_54 : vector<16xf32>
        %add3A_2307 = arith.addf %add3A_2302, %mul3A_2306 : vector<16xf32>
        %slice3A_2308 = vector.extract_strided_slice %gather3A_2285 {offsets = [3], sizes = [1], strides = [1]} : vector<16xf32> to vector<1xf32>
        %squeeze3A_2309 = vector.extract %slice3A_2308[0] : f32 from vector<1xf32>
        %mul3A_2310 = vector.broadcast %squeeze3A_2309 : f32 to vector<16xf32>
        %mul3A_2311 = arith.mulf %mul3A_2310, %get3A_74 : vector<16xf32>
        %add3A_2312 = arith.addf %add3A_2307, %mul3A_2311 : vector<16xf32>
        %slice3A_2313 = vector.extract_strided_slice %gather3A_2285 {offsets = [4], sizes = [1], strides = [1]} : vector<16xf32> to vector<1xf32>
        %squeeze3A_2314 = vector.extract %slice3A_2313[0] : f32 from vector<1xf32>
        %mul3A_2315 = vector.broadcast %squeeze3A_2314 : f32 to vector<16xf32>
        %mul3A_2316 = arith.mulf %mul3A_2315, %get3A_94 : vector<16xf32>
        %add3A_2317 = arith.addf %add3A_2312, %mul3A_2316 : vector<16xf32>
        %slice3A_2318 = vector.extract_strided_slice %gather3A_2285 {offsets = [5], sizes = [1], strides = [1]} : vector<16xf32> to vector<1xf32>
        %squeeze3A_2319 = vector.extract %slice3A_2318[0] : f32 from vector<1xf32>
        %mul3A_2320 = vector.broadcast %squeeze3A_2319 : f32 to vector<16xf32>
        %mul3A_2321 = arith.mulf %mul3A_2320, %get3A_114 : vector<16xf32>
        %add3A_2322 = arith.addf %add3A_2317, %mul3A_2321 : vector<16xf32>
        %slice3A_2323 = vector.extract_strided_slice %gather3A_2285 {offsets = [6], sizes = [1], strides = [1]} : vector<16xf32> to vector<1xf32>
        %squeeze3A_2324 = vector.extract %slice3A_2323[0] : f32 from vector<1xf32>
        %mul3A_2325 = vector.broadcast %squeeze3A_2324 : f32 to vector<16xf32>
        %mul3A_2326 = arith.mulf %mul3A_2325, %get3A_134 : vector<16xf32>
        %add3A_2327 = arith.addf %add3A_2322, %mul3A_2326 : vector<16xf32>
        %slice3A_2328 = vector.extract_strided_slice %gather3A_2285 {offsets = [7], sizes = [1], strides = [1]} : vector<16xf32> to vector<1xf32>
        %squeeze3A_2329 = vector.extract %slice3A_2328[0] : f32 from vector<1xf32>
        %mul3A_2330 = vector.broadcast %squeeze3A_2329 : f32 to vector<16xf32>
        %mul3A_2331 = arith.mulf %mul3A_2330, %get3A_154 : vector<16xf32>
        %add3A_2332 = arith.addf %add3A_2327, %mul3A_2331 : vector<16xf32>
        %mul3A_2333 = arith.constant 8 : i32
        %mul3A_2334 = arith.muli %scan3A_245, %mul3A_2333 : i32
        %add3A_2335 = arith.constant 4 : i32
        %add3A_2336 = arith.addi %mul3A_2334, %add3A_2335 : i32
        %swap3A_2337 = arith.index_cast %add3A_2336 : i32 to index
        %swap3A_2338 = arith.constant 0 : index
        %swap3A_2339 = tpu.vector_load %arg14[%swap3A_2337, %swap3A_2338] {strides = array<i32>} : memref<64x128xf32, #tpu.memory_space<vmem>>, vector<1x16xf32>,
        %swap3A_2340 = vector.shape_cast %swap3A_2339 : vector<1x16xf32> to vector<16xf32>
        %swap3A_2341 = vector.shape_cast %add3A_2332 : vector<16xf32> to vector<1x16xf32>
        tpu.vector_store %arg14[%swap3A_2337, %swap3A_2338], %swap3A_2341 {strides = array<i32>} : memref<64x128xf32, #tpu.memory_space<vmem>>, vector<1x16xf32>,
        %add3A_2342 = arith.constant 16 : i32
        %add3A_2343 = arith.addi %squeeze3A_2264, %add3A_2342 : i32
        %get3A_2344 = arith.index_cast %and3A_205 : i32 to index
        %get3A_2345 = arith.index_cast %add3A_2262 : i32 to index
        %get3A_2346 = arith.index_cast %add3A_2343 : i32 to index
        %get3A_2347 = tpu.vector_load %arg12[%get3A_2344, %get3A_2345, %get3A_2346] {strides = array<i32>} : memref<2x128x128xf32, #tpu.memory_space<vmem>>, vector<1x1x16xf32>,
        %get3A_2348 = vector.shape_cast %get3A_2347 : vector<1x1x16xf32> to vector<16xf32>
        %slice3A_2349 = vector.extract_strided_slice %gather3A_2285 {offsets = [0], sizes = [1], strides = [1]} : vector<16xf32> to vector<1xf32>
        %squeeze3A_2350 = vector.extract %slice3A_2349[0] : f32 from vector<1xf32>
        %mul3A_2351 = vector.broadcast %squeeze3A_2350 : f32 to vector<16xf32>
        %mul3A_2352 = arith.mulf %mul3A_2351, %get3A_19 : vector<16xf32>
        %add3A_2353 = arith.addf %get3A_2348, %mul3A_2352 : vector<16xf32>
        %slice3A_2354 = vector.extract_strided_slice %gather3A_2285 {offsets = [1], sizes = [1], strides = [1]} : vector<16xf32> to vector<1xf32>
        %squeeze3A_2355 = vector.extract %slice3A_2354[0] : f32 from vector<1xf32>
        %mul3A_2356 = vector.broadcast %squeeze3A_2355 : f32 to vector<16xf32>
        %mul3A_2357 = arith.mulf %mul3A_2356, %get3A_39 : vector<16xf32>
        %add3A_2358 = arith.addf %add3A_2353, %mul3A_2357 : vector<16xf32>
        %slice3A_2359 = vector.extract_strided_slice %gather3A_2285 {offsets = [2], sizes = [1], strides = [1]} : vector<16xf32> to vector<1xf32>
        %squeeze3A_2360 = vector.extract %slice3A_2359[0] : f32 from vector<1xf32>
        %mul3A_2361 = vector.broadcast %squeeze3A_2360 : f32 to vector<16xf32>
        %mul3A_2362 = arith.mulf %mul3A_2361, %get3A_59 : vector<16xf32>
        %add3A_2363 = arith.addf %add3A_2358, %mul3A_2362 : vector<16xf32>
        %slice3A_2364 = vector.extract_strided_slice %gather3A_2285 {offsets = [3], sizes = [1], strides = [1]} : vector<16xf32> to vector<1xf32>
        %squeeze3A_2365 = vector.extract %slice3A_2364[0] : f32 from vector<1xf32>
        %mul3A_2366 = vector.broadcast %squeeze3A_2365 : f32 to vector<16xf32>
        %mul3A_2367 = arith.mulf %mul3A_2366, %get3A_79 : vector<16xf32>
        %add3A_2368 = arith.addf %add3A_2363, %mul3A_2367 : vector<16xf32>
        %slice3A_2369 = vector.extract_strided_slice %gather3A_2285 {offsets = [4], sizes = [1], strides = [1]} : vector<16xf32> to vector<1xf32>
        %squeeze3A_2370 = vector.extract %slice3A_2369[0] : f32 from vector<1xf32>
        %mul3A_2371 = vector.broadcast %squeeze3A_2370 : f32 to vector<16xf32>
        %mul3A_2372 = arith.mulf %mul3A_2371, %get3A_99 : vector<16xf32>
        %add3A_2373 = arith.addf %add3A_2368, %mul3A_2372 : vector<16xf32>
        %slice3A_2374 = vector.extract_strided_slice %gather3A_2285 {offsets = [5], sizes = [1], strides = [1]} : vector<16xf32> to vector<1xf32>
        %squeeze3A_2375 = vector.extract %slice3A_2374[0] : f32 from vector<1xf32>
        %mul3A_2376 = vector.broadcast %squeeze3A_2375 : f32 to vector<16xf32>
        %mul3A_2377 = arith.mulf %mul3A_2376, %get3A_119 : vector<16xf32>
        %add3A_2378 = arith.addf %add3A_2373, %mul3A_2377 : vector<16xf32>
        %slice3A_2379 = vector.extract_strided_slice %gather3A_2285 {offsets = [6], sizes = [1], strides = [1]} : vector<16xf32> to vector<1xf32>
        %squeeze3A_2380 = vector.extract %slice3A_2379[0] : f32 from vector<1xf32>
        %mul3A_2381 = vector.broadcast %squeeze3A_2380 : f32 to vector<16xf32>
        %mul3A_2382 = arith.mulf %mul3A_2381, %get3A_139 : vector<16xf32>
        %add3A_2383 = arith.addf %add3A_2378, %mul3A_2382 : vector<16xf32>
        %slice3A_2384 = vector.extract_strided_slice %gather3A_2285 {offsets = [7], sizes = [1], strides = [1]} : vector<16xf32> to vector<1xf32>
        %squeeze3A_2385 = vector.extract %slice3A_2384[0] : f32 from vector<1xf32>
        %mul3A_2386 = vector.broadcast %squeeze3A_2385 : f32 to vector<16xf32>
        %mul3A_2387 = arith.mulf %mul3A_2386, %get3A_159 : vector<16xf32>
        %add3A_2388 = arith.addf %add3A_2383, %mul3A_2387 : vector<16xf32>
        %mul3A_2389 = arith.constant 8 : i32
        %mul3A_2390 = arith.muli %scan3A_245, %mul3A_2389 : i32
        %add3A_2391 = arith.constant 4 : i32
        %add3A_2392 = arith.addi %mul3A_2390, %add3A_2391 : i32
        %swap3A_2393 = arith.index_cast %add3A_2392 : i32 to index
        %swap3A_2394 = arith.constant 16 : index
        %swap3A_2395 = tpu.vector_load %arg14[%swap3A_2393, %swap3A_2394] {strides = array<i32>} : memref<64x128xf32, #tpu.memory_space<vmem>>, vector<1x16xf32>,
        %swap3A_2396 = vector.shape_cast %swap3A_2395 : vector<1x16xf32> to vector<16xf32>
        %swap3A_2397 = vector.shape_cast %add3A_2388 : vector<16xf32> to vector<1x16xf32>
        tpu.vector_store %arg14[%swap3A_2393, %swap3A_2394], %swap3A_2397 {strides = array<i32>} : memref<64x128xf32, #tpu.memory_space<vmem>>, vector<1x16xf32>,
        %add3A_2398 = arith.constant 32 : i32
        %add3A_2399 = arith.addi %squeeze3A_2264, %add3A_2398 : i32
        %get3A_2400 = arith.index_cast %and3A_205 : i32 to index
        %get3A_2401 = arith.index_cast %add3A_2262 : i32 to index
        %get3A_2402 = arith.index_cast %add3A_2399 : i32 to index
        %get3A_2403 = tpu.vector_load %arg12[%get3A_2400, %get3A_2401, %get3A_2402] {strides = array<i32>} : memref<2x128x128xf32, #tpu.memory_space<vmem>>, vector<1x1x16xf32>,
        %get3A_2404 = vector.shape_cast %get3A_2403 : vector<1x1x16xf32> to vector<16xf32>
        %slice3A_2405 = vector.extract_strided_slice %gather3A_2285 {offsets = [0], sizes = [1], strides = [1]} : vector<16xf32> to vector<1xf32>
        %squeeze3A_2406 = vector.extract %slice3A_2405[0] : f32 from vector<1xf32>
        %mul3A_2407 = vector.broadcast %squeeze3A_2406 : f32 to vector<16xf32>
        %mul3A_2408 = arith.mulf %mul3A_2407, %get3A_24 : vector<16xf32>
        %add3A_2409 = arith.addf %get3A_2404, %mul3A_2408 : vector<16xf32>
        %slice3A_2410 = vector.extract_strided_slice %gather3A_2285 {offsets = [1], sizes = [1], strides = [1]} : vector<16xf32> to vector<1xf32>
        %squeeze3A_2411 = vector.extract %slice3A_2410[0] : f32 from vector<1xf32>
        %mul3A_2412 = vector.broadcast %squeeze3A_2411 : f32 to vector<16xf32>
        %mul3A_2413 = arith.mulf %mul3A_2412, %get3A_44 : vector<16xf32>
        %add3A_2414 = arith.addf %add3A_2409, %mul3A_2413 : vector<16xf32>
        %slice3A_2415 = vector.extract_strided_slice %gather3A_2285 {offsets = [2], sizes = [1], strides = [1]} : vector<16xf32> to vector<1xf32>
        %squeeze3A_2416 = vector.extract %slice3A_2415[0] : f32 from vector<1xf32>
        %mul3A_2417 = vector.broadcast %squeeze3A_2416 : f32 to vector<16xf32>
        %mul3A_2418 = arith.mulf %mul3A_2417, %get3A_64 : vector<16xf32>
        %add3A_2419 = arith.addf %add3A_2414, %mul3A_2418 : vector<16xf32>
        %slice3A_2420 = vector.extract_strided_slice %gather3A_2285 {offsets = [3], sizes = [1], strides = [1]} : vector<16xf32> to vector<1xf32>
        %squeeze3A_2421 = vector.extract %slice3A_2420[0] : f32 from vector<1xf32>
        %mul3A_2422 = vector.broadcast %squeeze3A_2421 : f32 to vector<16xf32>
        %mul3A_2423 = arith.mulf %mul3A_2422, %get3A_84 : vector<16xf32>
        %add3A_2424 = arith.addf %add3A_2419, %mul3A_2423 : vector<16xf32>
        %slice3A_2425 = vector.extract_strided_slice %gather3A_2285 {offsets = [4], sizes = [1], strides = [1]} : vector<16xf32> to vector<1xf32>
        %squeeze3A_2426 = vector.extract %slice3A_2425[0] : f32 from vector<1xf32>
        %mul3A_2427 = vector.broadcast %squeeze3A_2426 : f32 to vector<16xf32>
        %mul3A_2428 = arith.mulf %mul3A_2427, %get3A_104 : vector<16xf32>
        %add3A_2429 = arith.addf %add3A_2424, %mul3A_2428 : vector<16xf32>
        %slice3A_2430 = vector.extract_strided_slice %gather3A_2285 {offsets = [5], sizes = [1], strides = [1]} : vector<16xf32> to vector<1xf32>
        %squeeze3A_2431 = vector.extract %slice3A_2430[0] : f32 from vector<1xf32>
        %mul3A_2432 = vector.broadcast %squeeze3A_2431 : f32 to vector<16xf32>
        %mul3A_2433 = arith.mulf %mul3A_2432, %get3A_124 : vector<16xf32>
        %add3A_2434 = arith.addf %add3A_2429, %mul3A_2433 : vector<16xf32>
        %slice3A_2435 = vector.extract_strided_slice %gather3A_2285 {offsets = [6], sizes = [1], strides = [1]} : vector<16xf32> to vector<1xf32>
        %squeeze3A_2436 = vector.extract %slice3A_2435[0] : f32 from vector<1xf32>
        %mul3A_2437 = vector.broadcast %squeeze3A_2436 : f32 to vector<16xf32>
        %mul3A_2438 = arith.mulf %mul3A_2437, %get3A_144 : vector<16xf32>
        %add3A_2439 = arith.addf %add3A_2434, %mul3A_2438 : vector<16xf32>
        %slice3A_2440 = vector.extract_strided_slice %gather3A_2285 {offsets = [7], sizes = [1], strides = [1]} : vector<16xf32> to vector<1xf32>
        %squeeze3A_2441 = vector.extract %slice3A_2440[0] : f32 from vector<1xf32>
        %mul3A_2442 = vector.broadcast %squeeze3A_2441 : f32 to vector<16xf32>
        %mul3A_2443 = arith.mulf %mul3A_2442, %get3A_164 : vector<16xf32>
        %add3A_2444 = arith.addf %add3A_2439, %mul3A_2443 : vector<16xf32>
        %mul3A_2445 = arith.constant 8 : i32
        %mul3A_2446 = arith.muli %scan3A_245, %mul3A_2445 : i32
        %add3A_2447 = arith.constant 4 : i32
        %add3A_2448 = arith.addi %mul3A_2446, %add3A_2447 : i32
        %swap3A_2449 = arith.index_cast %add3A_2448 : i32 to index
        %swap3A_2450 = arith.constant 32 : index
        %swap3A_2451 = tpu.vector_load %arg14[%swap3A_2449, %swap3A_2450] {strides = array<i32>} : memref<64x128xf32, #tpu.memory_space<vmem>>, vector<1x16xf32>,
        %swap3A_2452 = vector.shape_cast %swap3A_2451 : vector<1x16xf32> to vector<16xf32>
        %swap3A_2453 = vector.shape_cast %add3A_2444 : vector<16xf32> to vector<1x16xf32>
        tpu.vector_store %arg14[%swap3A_2449, %swap3A_2450], %swap3A_2453 {strides = array<i32>} : memref<64x128xf32, #tpu.memory_space<vmem>>, vector<1x16xf32>,
        %add3A_2454 = arith.constant 48 : i32
        %add3A_2455 = arith.addi %squeeze3A_2264, %add3A_2454 : i32
        %get3A_2456 = arith.index_cast %and3A_205 : i32 to index
        %get3A_2457 = arith.index_cast %add3A_2262 : i32 to index
        %get3A_2458 = arith.index_cast %add3A_2455 : i32 to index
        %get3A_2459 = tpu.vector_load %arg12[%get3A_2456, %get3A_2457, %get3A_2458] {strides = array<i32>} : memref<2x128x128xf32, #tpu.memory_space<vmem>>, vector<1x1x16xf32>,
        %get3A_2460 = vector.shape_cast %get3A_2459 : vector<1x1x16xf32> to vector<16xf32>
        %slice3A_2461 = vector.extract_strided_slice %gather3A_2285 {offsets = [0], sizes = [1], strides = [1]} : vector<16xf32> to vector<1xf32>
        %squeeze3A_2462 = vector.extract %slice3A_2461[0] : f32 from vector<1xf32>
        %mul3A_2463 = vector.broadcast %squeeze3A_2462 : f32 to vector<16xf32>
        %mul3A_2464 = arith.mulf %mul3A_2463, %get3A_29 : vector<16xf32>
        %add3A_2465 = arith.addf %get3A_2460, %mul3A_2464 : vector<16xf32>
        %slice3A_2466 = vector.extract_strided_slice %gather3A_2285 {offsets = [1], sizes = [1], strides = [1]} : vector<16xf32> to vector<1xf32>
        %squeeze3A_2467 = vector.extract %slice3A_2466[0] : f32 from vector<1xf32>
        %mul3A_2468 = vector.broadcast %squeeze3A_2467 : f32 to vector<16xf32>
        %mul3A_2469 = arith.mulf %mul3A_2468, %get3A_49 : vector<16xf32>
        %add3A_2470 = arith.addf %add3A_2465, %mul3A_2469 : vector<16xf32>
        %slice3A_2471 = vector.extract_strided_slice %gather3A_2285 {offsets = [2], sizes = [1], strides = [1]} : vector<16xf32> to vector<1xf32>
        %squeeze3A_2472 = vector.extract %slice3A_2471[0] : f32 from vector<1xf32>
        %mul3A_2473 = vector.broadcast %squeeze3A_2472 : f32 to vector<16xf32>
        %mul3A_2474 = arith.mulf %mul3A_2473, %get3A_69 : vector<16xf32>
        %add3A_2475 = arith.addf %add3A_2470, %mul3A_2474 : vector<16xf32>
        %slice3A_2476 = vector.extract_strided_slice %gather3A_2285 {offsets = [3], sizes = [1], strides = [1]} : vector<16xf32> to vector<1xf32>
        %squeeze3A_2477 = vector.extract %slice3A_2476[0] : f32 from vector<1xf32>
        %mul3A_2478 = vector.broadcast %squeeze3A_2477 : f32 to vector<16xf32>
        %mul3A_2479 = arith.mulf %mul3A_2478, %get3A_89 : vector<16xf32>
        %add3A_2480 = arith.addf %add3A_2475, %mul3A_2479 : vector<16xf32>
        %slice3A_2481 = vector.extract_strided_slice %gather3A_2285 {offsets = [4], sizes = [1], strides = [1]} : vector<16xf32> to vector<1xf32>
        %squeeze3A_2482 = vector.extract %slice3A_2481[0] : f32 from vector<1xf32>
        %mul3A_2483 = vector.broadcast %squeeze3A_2482 : f32 to vector<16xf32>
        %mul3A_2484 = arith.mulf %mul3A_2483, %get3A_109 : vector<16xf32>
        %add3A_2485 = arith.addf %add3A_2480, %mul3A_2484 : vector<16xf32>
        %slice3A_2486 = vector.extract_strided_slice %gather3A_2285 {offsets = [5], sizes = [1], strides = [1]} : vector<16xf32> to vector<1xf32>
        %squeeze3A_2487 = vector.extract %slice3A_2486[0] : f32 from vector<1xf32>
        %mul3A_2488 = vector.broadcast %squeeze3A_2487 : f32 to vector<16xf32>
        %mul3A_2489 = arith.mulf %mul3A_2488, %get3A_129 : vector<16xf32>
        %add3A_2490 = arith.addf %add3A_2485, %mul3A_2489 : vector<16xf32>
        %slice3A_2491 = vector.extract_strided_slice %gather3A_2285 {offsets = [6], sizes = [1], strides = [1]} : vector<16xf32> to vector<1xf32>
        %squeeze3A_2492 = vector.extract %slice3A_2491[0] : f32 from vector<1xf32>
        %mul3A_2493 = vector.broadcast %squeeze3A_2492 : f32 to vector<16xf32>
        %mul3A_2494 = arith.mulf %mul3A_2493, %get3A_149 : vector<16xf32>
        %add3A_2495 = arith.addf %add3A_2490, %mul3A_2494 : vector<16xf32>
        %slice3A_2496 = vector.extract_strided_slice %gather3A_2285 {offsets = [7], sizes = [1], strides = [1]} : vector<16xf32> to vector<1xf32>
        %squeeze3A_2497 = vector.extract %slice3A_2496[0] : f32 from vector<1xf32>
        %mul3A_2498 = vector.broadcast %squeeze3A_2497 : f32 to vector<16xf32>
        %mul3A_2499 = arith.mulf %mul3A_2498, %get3A_169 : vector<16xf32>
        %add3A_2500 = arith.addf %add3A_2495, %mul3A_2499 : vector<16xf32>
        %mul3A_2501 = arith.constant 8 : i32
        %mul3A_2502 = arith.muli %scan3A_245, %mul3A_2501 : i32
        %add3A_2503 = arith.constant 4 : i32
        %add3A_2504 = arith.addi %mul3A_2502, %add3A_2503 : i32
        %swap3A_2505 = arith.index_cast %add3A_2504 : i32 to index
        %swap3A_2506 = arith.constant 48 : index
        %swap3A_2507 = tpu.vector_load %arg14[%swap3A_2505, %swap3A_2506] {strides = array<i32>} : memref<64x128xf32, #tpu.memory_space<vmem>>, vector<1x16xf32>,
        %swap3A_2508 = vector.shape_cast %swap3A_2507 : vector<1x16xf32> to vector<16xf32>
        %swap3A_2509 = vector.shape_cast %add3A_2500 : vector<16xf32> to vector<1x16xf32>
        tpu.vector_store %arg14[%swap3A_2505, %swap3A_2506], %swap3A_2509 {strides = array<i32>} : memref<64x128xf32, #tpu.memory_space<vmem>>, vector<1x16xf32>,
        %mul3A_2510 = arith.constant 16 : i32
        %mul3A_2511 = arith.muli %scan3A_245, %mul3A_2510 : i32
        %add3A_2512 = arith.constant 9 : i32
        %add3A_2513 = arith.addi %mul3A_2511, %add3A_2512 : i32
        %slice3A_2514 = vector.extract_strided_slice %get3A_251 {offsets = [9], sizes = [1], strides = [1]} : vector<16xi32> to vector<1xi32>
        %squeeze3A_2515 = vector.extract %slice3A_2514[0] : i32 from vector<1xi32>
        %slice3A_2516 = vector.extract_strided_slice %get3A_257 {offsets = [9], sizes = [1], strides = [1]} : vector<16xi32> to vector<1xi32>
        %squeeze3A_2517 = vector.extract %slice3A_2516[0] : i32 from vector<1xi32>
        %get3A_2518 = arith.index_cast %and3A_205 : i32 to index
        %get3A_2519 = arith.index_cast %add3A_2513 : i32 to index
        %get3A_2520 = arith.index_cast %squeeze3A_2517 : i32 to index
        %get3A_2521 = tpu.vector_load %arg13[%get3A_2518, %get3A_2519, %get3A_2520] {strides = array<i32>} : memref<2x128x128xf32, #tpu.memory_space<vmem>>, vector<1x1x16xf32>,
        %get3A_2522 = vector.shape_cast %get3A_2521 : vector<1x1x16xf32> to vector<16xf32>
        %shift_right_arithmetic3A_2523 = arith.constant 3 : i32
        %shift_right_arithmetic3A_2524 = arith.shrsi %squeeze3A_2515, %shift_right_arithmetic3A_2523 : i32
        %add3A_2525 = vector.broadcast %shift_right_arithmetic3A_2524 : i32 to vector<16xi32>
        %add3A_2526 = arith.addi %and3A_171, %add3A_2525 : vector<16xi32>
        %lt3A_2527 = arith.constant 0 : i32
        %lt3A_2528 = vector.broadcast %lt3A_2527 : i32 to vector<16xi32>
        %lt3A_2529 = arith.cmpi slt, %add3A_2526, %lt3A_2528 : vector<16xi32>
        %add3A_2530 = arith.constant 16 : i32
        %add3A_2531 = vector.broadcast %add3A_2530 : i32 to vector<16xi32>
        %add3A_2532 = arith.addi %add3A_2526, %add3A_2531 : vector<16xi32>
        %select_n3A_2533 = arith.select %lt3A_2529, %add3A_2532, %add3A_2526 : vector<16xi1>, vector<16xi32>
        %broadcast_in_dim3A_2534 = vector.shape_cast %select_n3A_2533 : vector<16xi32> to vector<16x1xi32>
        %gather3A_2535 = vector.shape_cast %broadcast_in_dim3A_2534 : vector<16x1xi32> to vector<16xi32>
        %gather3A_2536 = tpu.dynamic_gather %get3A_2522[%gather3A_2535] in [0] : vector<16xf32>, vector<16xi32> -> vector<16xf32>
        %add3A_2537 = arith.constant 0 : i32
        %add3A_2538 = arith.addi %squeeze3A_2515, %add3A_2537 : i32
        %get3A_2539 = arith.index_cast %and3A_205 : i32 to index
        %get3A_2540 = arith.index_cast %add3A_2513 : i32 to index
        %get3A_2541 = arith.index_cast %add3A_2538 : i32 to index
        %get3A_2542 = tpu.vector_load %arg12[%get3A_2539, %get3A_2540, %get3A_2541] {strides = array<i32>} : memref<2x128x128xf32, #tpu.memory_space<vmem>>, vector<1x1x16xf32>,
        %get3A_2543 = vector.shape_cast %get3A_2542 : vector<1x1x16xf32> to vector<16xf32>
        %slice3A_2544 = vector.extract_strided_slice %gather3A_2536 {offsets = [0], sizes = [1], strides = [1]} : vector<16xf32> to vector<1xf32>
        %squeeze3A_2545 = vector.extract %slice3A_2544[0] : f32 from vector<1xf32>
        %mul3A_2546 = vector.broadcast %squeeze3A_2545 : f32 to vector<16xf32>
        %mul3A_2547 = arith.mulf %mul3A_2546, %get3A_14 : vector<16xf32>
        %add3A_2548 = arith.addf %get3A_2543, %mul3A_2547 : vector<16xf32>
        %slice3A_2549 = vector.extract_strided_slice %gather3A_2536 {offsets = [1], sizes = [1], strides = [1]} : vector<16xf32> to vector<1xf32>
        %squeeze3A_2550 = vector.extract %slice3A_2549[0] : f32 from vector<1xf32>
        %mul3A_2551 = vector.broadcast %squeeze3A_2550 : f32 to vector<16xf32>
        %mul3A_2552 = arith.mulf %mul3A_2551, %get3A_34 : vector<16xf32>
        %add3A_2553 = arith.addf %add3A_2548, %mul3A_2552 : vector<16xf32>
        %slice3A_2554 = vector.extract_strided_slice %gather3A_2536 {offsets = [2], sizes = [1], strides = [1]} : vector<16xf32> to vector<1xf32>
        %squeeze3A_2555 = vector.extract %slice3A_2554[0] : f32 from vector<1xf32>
        %mul3A_2556 = vector.broadcast %squeeze3A_2555 : f32 to vector<16xf32>
        %mul3A_2557 = arith.mulf %mul3A_2556, %get3A_54 : vector<16xf32>
        %add3A_2558 = arith.addf %add3A_2553, %mul3A_2557 : vector<16xf32>
        %slice3A_2559 = vector.extract_strided_slice %gather3A_2536 {offsets = [3], sizes = [1], strides = [1]} : vector<16xf32> to vector<1xf32>
        %squeeze3A_2560 = vector.extract %slice3A_2559[0] : f32 from vector<1xf32>
        %mul3A_2561 = vector.broadcast %squeeze3A_2560 : f32 to vector<16xf32>
        %mul3A_2562 = arith.mulf %mul3A_2561, %get3A_74 : vector<16xf32>
        %add3A_2563 = arith.addf %add3A_2558, %mul3A_2562 : vector<16xf32>
        %slice3A_2564 = vector.extract_strided_slice %gather3A_2536 {offsets = [4], sizes = [1], strides = [1]} : vector<16xf32> to vector<1xf32>
        %squeeze3A_2565 = vector.extract %slice3A_2564[0] : f32 from vector<1xf32>
        %mul3A_2566 = vector.broadcast %squeeze3A_2565 : f32 to vector<16xf32>
        %mul3A_2567 = arith.mulf %mul3A_2566, %get3A_94 : vector<16xf32>
        %add3A_2568 = arith.addf %add3A_2563, %mul3A_2567 : vector<16xf32>
        %slice3A_2569 = vector.extract_strided_slice %gather3A_2536 {offsets = [5], sizes = [1], strides = [1]} : vector<16xf32> to vector<1xf32>
        %squeeze3A_2570 = vector.extract %slice3A_2569[0] : f32 from vector<1xf32>
        %mul3A_2571 = vector.broadcast %squeeze3A_2570 : f32 to vector<16xf32>
        %mul3A_2572 = arith.mulf %mul3A_2571, %get3A_114 : vector<16xf32>
        %add3A_2573 = arith.addf %add3A_2568, %mul3A_2572 : vector<16xf32>
        %slice3A_2574 = vector.extract_strided_slice %gather3A_2536 {offsets = [6], sizes = [1], strides = [1]} : vector<16xf32> to vector<1xf32>
        %squeeze3A_2575 = vector.extract %slice3A_2574[0] : f32 from vector<1xf32>
        %mul3A_2576 = vector.broadcast %squeeze3A_2575 : f32 to vector<16xf32>
        %mul3A_2577 = arith.mulf %mul3A_2576, %get3A_134 : vector<16xf32>
        %add3A_2578 = arith.addf %add3A_2573, %mul3A_2577 : vector<16xf32>
        %slice3A_2579 = vector.extract_strided_slice %gather3A_2536 {offsets = [7], sizes = [1], strides = [1]} : vector<16xf32> to vector<1xf32>
        %squeeze3A_2580 = vector.extract %slice3A_2579[0] : f32 from vector<1xf32>
        %mul3A_2581 = vector.broadcast %squeeze3A_2580 : f32 to vector<16xf32>
        %mul3A_2582 = arith.mulf %mul3A_2581, %get3A_154 : vector<16xf32>
        %add3A_2583 = arith.addf %add3A_2578, %mul3A_2582 : vector<16xf32>
        %mul3A_2584 = arith.constant 8 : i32
        %mul3A_2585 = arith.muli %scan3A_245, %mul3A_2584 : i32
        %add3A_2586 = arith.constant 4 : i32
        %add3A_2587 = arith.addi %mul3A_2585, %add3A_2586 : i32
        %swap3A_2588 = arith.index_cast %add3A_2587 : i32 to index
        %swap3A_2589 = arith.constant 64 : index
        %swap3A_2590 = tpu.vector_load %arg14[%swap3A_2588, %swap3A_2589] {strides = array<i32>} : memref<64x128xf32, #tpu.memory_space<vmem>>, vector<1x16xf32>,
        %swap3A_2591 = vector.shape_cast %swap3A_2590 : vector<1x16xf32> to vector<16xf32>
        %swap3A_2592 = vector.shape_cast %add3A_2583 : vector<16xf32> to vector<1x16xf32>
        tpu.vector_store %arg14[%swap3A_2588, %swap3A_2589], %swap3A_2592 {strides = array<i32>} : memref<64x128xf32, #tpu.memory_space<vmem>>, vector<1x16xf32>,
        %add3A_2593 = arith.constant 16 : i32
        %add3A_2594 = arith.addi %squeeze3A_2515, %add3A_2593 : i32
        %get3A_2595 = arith.index_cast %and3A_205 : i32 to index
        %get3A_2596 = arith.index_cast %add3A_2513 : i32 to index
        %get3A_2597 = arith.index_cast %add3A_2594 : i32 to index
        %get3A_2598 = tpu.vector_load %arg12[%get3A_2595, %get3A_2596, %get3A_2597] {strides = array<i32>} : memref<2x128x128xf32, #tpu.memory_space<vmem>>, vector<1x1x16xf32>,
        %get3A_2599 = vector.shape_cast %get3A_2598 : vector<1x1x16xf32> to vector<16xf32>
        %slice3A_2600 = vector.extract_strided_slice %gather3A_2536 {offsets = [0], sizes = [1], strides = [1]} : vector<16xf32> to vector<1xf32>
        %squeeze3A_2601 = vector.extract %slice3A_2600[0] : f32 from vector<1xf32>
        %mul3A_2602 = vector.broadcast %squeeze3A_2601 : f32 to vector<16xf32>
        %mul3A_2603 = arith.mulf %mul3A_2602, %get3A_19 : vector<16xf32>
        %add3A_2604 = arith.addf %get3A_2599, %mul3A_2603 : vector<16xf32>
        %slice3A_2605 = vector.extract_strided_slice %gather3A_2536 {offsets = [1], sizes = [1], strides = [1]} : vector<16xf32> to vector<1xf32>
        %squeeze3A_2606 = vector.extract %slice3A_2605[0] : f32 from vector<1xf32>
        %mul3A_2607 = vector.broadcast %squeeze3A_2606 : f32 to vector<16xf32>
        %mul3A_2608 = arith.mulf %mul3A_2607, %get3A_39 : vector<16xf32>
        %add3A_2609 = arith.addf %add3A_2604, %mul3A_2608 : vector<16xf32>
        %slice3A_2610 = vector.extract_strided_slice %gather3A_2536 {offsets = [2], sizes = [1], strides = [1]} : vector<16xf32> to vector<1xf32>
        %squeeze3A_2611 = vector.extract %slice3A_2610[0] : f32 from vector<1xf32>
        %mul3A_2612 = vector.broadcast %squeeze3A_2611 : f32 to vector<16xf32>
        %mul3A_2613 = arith.mulf %mul3A_2612, %get3A_59 : vector<16xf32>
        %add3A_2614 = arith.addf %add3A_2609, %mul3A_2613 : vector<16xf32>
        %slice3A_2615 = vector.extract_strided_slice %gather3A_2536 {offsets = [3], sizes = [1], strides = [1]} : vector<16xf32> to vector<1xf32>
        %squeeze3A_2616 = vector.extract %slice3A_2615[0] : f32 from vector<1xf32>
        %mul3A_2617 = vector.broadcast %squeeze3A_2616 : f32 to vector<16xf32>
        %mul3A_2618 = arith.mulf %mul3A_2617, %get3A_79 : vector<16xf32>
        %add3A_2619 = arith.addf %add3A_2614, %mul3A_2618 : vector<16xf32>
        %slice3A_2620 = vector.extract_strided_slice %gather3A_2536 {offsets = [4], sizes = [1], strides = [1]} : vector<16xf32> to vector<1xf32>
        %squeeze3A_2621 = vector.extract %slice3A_2620[0] : f32 from vector<1xf32>
        %mul3A_2622 = vector.broadcast %squeeze3A_2621 : f32 to vector<16xf32>
        %mul3A_2623 = arith.mulf %mul3A_2622, %get3A_99 : vector<16xf32>
        %add3A_2624 = arith.addf %add3A_2619, %mul3A_2623 : vector<16xf32>
        %slice3A_2625 = vector.extract_strided_slice %gather3A_2536 {offsets = [5], sizes = [1], strides = [1]} : vector<16xf32> to vector<1xf32>
        %squeeze3A_2626 = vector.extract %slice3A_2625[0] : f32 from vector<1xf32>
        %mul3A_2627 = vector.broadcast %squeeze3A_2626 : f32 to vector<16xf32>
        %mul3A_2628 = arith.mulf %mul3A_2627, %get3A_119 : vector<16xf32>
        %add3A_2629 = arith.addf %add3A_2624, %mul3A_2628 : vector<16xf32>
        %slice3A_2630 = vector.extract_strided_slice %gather3A_2536 {offsets = [6], sizes = [1], strides = [1]} : vector<16xf32> to vector<1xf32>
        %squeeze3A_2631 = vector.extract %slice3A_2630[0] : f32 from vector<1xf32>
        %mul3A_2632 = vector.broadcast %squeeze3A_2631 : f32 to vector<16xf32>
        %mul3A_2633 = arith.mulf %mul3A_2632, %get3A_139 : vector<16xf32>
        %add3A_2634 = arith.addf %add3A_2629, %mul3A_2633 : vector<16xf32>
        %slice3A_2635 = vector.extract_strided_slice %gather3A_2536 {offsets = [7], sizes = [1], strides = [1]} : vector<16xf32> to vector<1xf32>
        %squeeze3A_2636 = vector.extract %slice3A_2635[0] : f32 from vector<1xf32>
        %mul3A_2637 = vector.broadcast %squeeze3A_2636 : f32 to vector<16xf32>
        %mul3A_2638 = arith.mulf %mul3A_2637, %get3A_159 : vector<16xf32>
        %add3A_2639 = arith.addf %add3A_2634, %mul3A_2638 : vector<16xf32>
        %mul3A_2640 = arith.constant 8 : i32
        %mul3A_2641 = arith.muli %scan3A_245, %mul3A_2640 : i32
        %add3A_2642 = arith.constant 4 : i32
        %add3A_2643 = arith.addi %mul3A_2641, %add3A_2642 : i32
        %swap3A_2644 = arith.index_cast %add3A_2643 : i32 to index
        %swap3A_2645 = arith.constant 80 : index
        %swap3A_2646 = tpu.vector_load %arg14[%swap3A_2644, %swap3A_2645] {strides = array<i32>} : memref<64x128xf32, #tpu.memory_space<vmem>>, vector<1x16xf32>,
        %swap3A_2647 = vector.shape_cast %swap3A_2646 : vector<1x16xf32> to vector<16xf32>
        %swap3A_2648 = vector.shape_cast %add3A_2639 : vector<16xf32> to vector<1x16xf32>
        tpu.vector_store %arg14[%swap3A_2644, %swap3A_2645], %swap3A_2648 {strides = array<i32>} : memref<64x128xf32, #tpu.memory_space<vmem>>, vector<1x16xf32>,
        %add3A_2649 = arith.constant 32 : i32
        %add3A_2650 = arith.addi %squeeze3A_2515, %add3A_2649 : i32
        %get3A_2651 = arith.index_cast %and3A_205 : i32 to index
        %get3A_2652 = arith.index_cast %add3A_2513 : i32 to index
        %get3A_2653 = arith.index_cast %add3A_2650 : i32 to index
        %get3A_2654 = tpu.vector_load %arg12[%get3A_2651, %get3A_2652, %get3A_2653] {strides = array<i32>} : memref<2x128x128xf32, #tpu.memory_space<vmem>>, vector<1x1x16xf32>,
        %get3A_2655 = vector.shape_cast %get3A_2654 : vector<1x1x16xf32> to vector<16xf32>
        %slice3A_2656 = vector.extract_strided_slice %gather3A_2536 {offsets = [0], sizes = [1], strides = [1]} : vector<16xf32> to vector<1xf32>
        %squeeze3A_2657 = vector.extract %slice3A_2656[0] : f32 from vector<1xf32>
        %mul3A_2658 = vector.broadcast %squeeze3A_2657 : f32 to vector<16xf32>
        %mul3A_2659 = arith.mulf %mul3A_2658, %get3A_24 : vector<16xf32>
        %add3A_2660 = arith.addf %get3A_2655, %mul3A_2659 : vector<16xf32>
        %slice3A_2661 = vector.extract_strided_slice %gather3A_2536 {offsets = [1], sizes = [1], strides = [1]} : vector<16xf32> to vector<1xf32>
        %squeeze3A_2662 = vector.extract %slice3A_2661[0] : f32 from vector<1xf32>
        %mul3A_2663 = vector.broadcast %squeeze3A_2662 : f32 to vector<16xf32>
        %mul3A_2664 = arith.mulf %mul3A_2663, %get3A_44 : vector<16xf32>
        %add3A_2665 = arith.addf %add3A_2660, %mul3A_2664 : vector<16xf32>
        %slice3A_2666 = vector.extract_strided_slice %gather3A_2536 {offsets = [2], sizes = [1], strides = [1]} : vector<16xf32> to vector<1xf32>
        %squeeze3A_2667 = vector.extract %slice3A_2666[0] : f32 from vector<1xf32>
        %mul3A_2668 = vector.broadcast %squeeze3A_2667 : f32 to vector<16xf32>
        %mul3A_2669 = arith.mulf %mul3A_2668, %get3A_64 : vector<16xf32>
        %add3A_2670 = arith.addf %add3A_2665, %mul3A_2669 : vector<16xf32>
        %slice3A_2671 = vector.extract_strided_slice %gather3A_2536 {offsets = [3], sizes = [1], strides = [1]} : vector<16xf32> to vector<1xf32>
        %squeeze3A_2672 = vector.extract %slice3A_2671[0] : f32 from vector<1xf32>
        %mul3A_2673 = vector.broadcast %squeeze3A_2672 : f32 to vector<16xf32>
        %mul3A_2674 = arith.mulf %mul3A_2673, %get3A_84 : vector<16xf32>
        %add3A_2675 = arith.addf %add3A_2670, %mul3A_2674 : vector<16xf32>
        %slice3A_2676 = vector.extract_strided_slice %gather3A_2536 {offsets = [4], sizes = [1], strides = [1]} : vector<16xf32> to vector<1xf32>
        %squeeze3A_2677 = vector.extract %slice3A_2676[0] : f32 from vector<1xf32>
        %mul3A_2678 = vector.broadcast %squeeze3A_2677 : f32 to vector<16xf32>
        %mul3A_2679 = arith.mulf %mul3A_2678, %get3A_104 : vector<16xf32>
        %add3A_2680 = arith.addf %add3A_2675, %mul3A_2679 : vector<16xf32>
        %slice3A_2681 = vector.extract_strided_slice %gather3A_2536 {offsets = [5], sizes = [1], strides = [1]} : vector<16xf32> to vector<1xf32>
        %squeeze3A_2682 = vector.extract %slice3A_2681[0] : f32 from vector<1xf32>
        %mul3A_2683 = vector.broadcast %squeeze3A_2682 : f32 to vector<16xf32>
        %mul3A_2684 = arith.mulf %mul3A_2683, %get3A_124 : vector<16xf32>
        %add3A_2685 = arith.addf %add3A_2680, %mul3A_2684 : vector<16xf32>
        %slice3A_2686 = vector.extract_strided_slice %gather3A_2536 {offsets = [6], sizes = [1], strides = [1]} : vector<16xf32> to vector<1xf32>
        %squeeze3A_2687 = vector.extract %slice3A_2686[0] : f32 from vector<1xf32>
        %mul3A_2688 = vector.broadcast %squeeze3A_2687 : f32 to vector<16xf32>
        %mul3A_2689 = arith.mulf %mul3A_2688, %get3A_144 : vector<16xf32>
        %add3A_2690 = arith.addf %add3A_2685, %mul3A_2689 : vector<16xf32>
        %slice3A_2691 = vector.extract_strided_slice %gather3A_2536 {offsets = [7], sizes = [1], strides = [1]} : vector<16xf32> to vector<1xf32>
        %squeeze3A_2692 = vector.extract %slice3A_2691[0] : f32 from vector<1xf32>
        %mul3A_2693 = vector.broadcast %squeeze3A_2692 : f32 to vector<16xf32>
        %mul3A_2694 = arith.mulf %mul3A_2693, %get3A_164 : vector<16xf32>
        %add3A_2695 = arith.addf %add3A_2690, %mul3A_2694 : vector<16xf32>
        %mul3A_2696 = arith.constant 8 : i32
        %mul3A_2697 = arith.muli %scan3A_245, %mul3A_2696 : i32
        %add3A_2698 = arith.constant 4 : i32
        %add3A_2699 = arith.addi %mul3A_2697, %add3A_2698 : i32
        %swap3A_2700 = arith.index_cast %add3A_2699 : i32 to index
        %swap3A_2701 = arith.constant 96 : index
        %swap3A_2702 = tpu.vector_load %arg14[%swap3A_2700, %swap3A_2701] {strides = array<i32>} : memref<64x128xf32, #tpu.memory_space<vmem>>, vector<1x16xf32>,
        %swap3A_2703 = vector.shape_cast %swap3A_2702 : vector<1x16xf32> to vector<16xf32>
        %swap3A_2704 = vector.shape_cast %add3A_2695 : vector<16xf32> to vector<1x16xf32>
        tpu.vector_store %arg14[%swap3A_2700, %swap3A_2701], %swap3A_2704 {strides = array<i32>} : memref<64x128xf32, #tpu.memory_space<vmem>>, vector<1x16xf32>,
        %add3A_2705 = arith.constant 48 : i32
        %add3A_2706 = arith.addi %squeeze3A_2515, %add3A_2705 : i32
        %get3A_2707 = arith.index_cast %and3A_205 : i32 to index
        %get3A_2708 = arith.index_cast %add3A_2513 : i32 to index
        %get3A_2709 = arith.index_cast %add3A_2706 : i32 to index
        %get3A_2710 = tpu.vector_load %arg12[%get3A_2707, %get3A_2708, %get3A_2709] {strides = array<i32>} : memref<2x128x128xf32, #tpu.memory_space<vmem>>, vector<1x1x16xf32>,
        %get3A_2711 = vector.shape_cast %get3A_2710 : vector<1x1x16xf32> to vector<16xf32>
        %slice3A_2712 = vector.extract_strided_slice %gather3A_2536 {offsets = [0], sizes = [1], strides = [1]} : vector<16xf32> to vector<1xf32>
        %squeeze3A_2713 = vector.extract %slice3A_2712[0] : f32 from vector<1xf32>
        %mul3A_2714 = vector.broadcast %squeeze3A_2713 : f32 to vector<16xf32>
        %mul3A_2715 = arith.mulf %mul3A_2714, %get3A_29 : vector<16xf32>
        %add3A_2716 = arith.addf %get3A_2711, %mul3A_2715 : vector<16xf32>
        %slice3A_2717 = vector.extract_strided_slice %gather3A_2536 {offsets = [1], sizes = [1], strides = [1]} : vector<16xf32> to vector<1xf32>
        %squeeze3A_2718 = vector.extract %slice3A_2717[0] : f32 from vector<1xf32>
        %mul3A_2719 = vector.broadcast %squeeze3A_2718 : f32 to vector<16xf32>
        %mul3A_2720 = arith.mulf %mul3A_2719, %get3A_49 : vector<16xf32>
        %add3A_2721 = arith.addf %add3A_2716, %mul3A_2720 : vector<16xf32>
        %slice3A_2722 = vector.extract_strided_slice %gather3A_2536 {offsets = [2], sizes = [1], strides = [1]} : vector<16xf32> to vector<1xf32>
        %squeeze3A_2723 = vector.extract %slice3A_2722[0] : f32 from vector<1xf32>
        %mul3A_2724 = vector.broadcast %squeeze3A_2723 : f32 to vector<16xf32>
        %mul3A_2725 = arith.mulf %mul3A_2724, %get3A_69 : vector<16xf32>
        %add3A_2726 = arith.addf %add3A_2721, %mul3A_2725 : vector<16xf32>
        %slice3A_2727 = vector.extract_strided_slice %gather3A_2536 {offsets = [3], sizes = [1], strides = [1]} : vector<16xf32> to vector<1xf32>
        %squeeze3A_2728 = vector.extract %slice3A_2727[0] : f32 from vector<1xf32>
        %mul3A_2729 = vector.broadcast %squeeze3A_2728 : f32 to vector<16xf32>
        %mul3A_2730 = arith.mulf %mul3A_2729, %get3A_89 : vector<16xf32>
        %add3A_2731 = arith.addf %add3A_2726, %mul3A_2730 : vector<16xf32>
        %slice3A_2732 = vector.extract_strided_slice %gather3A_2536 {offsets = [4], sizes = [1], strides = [1]} : vector<16xf32> to vector<1xf32>
        %squeeze3A_2733 = vector.extract %slice3A_2732[0] : f32 from vector<1xf32>
        %mul3A_2734 = vector.broadcast %squeeze3A_2733 : f32 to vector<16xf32>
        %mul3A_2735 = arith.mulf %mul3A_2734, %get3A_109 : vector<16xf32>
        %add3A_2736 = arith.addf %add3A_2731, %mul3A_2735 : vector<16xf32>
        %slice3A_2737 = vector.extract_strided_slice %gather3A_2536 {offsets = [5], sizes = [1], strides = [1]} : vector<16xf32> to vector<1xf32>
        %squeeze3A_2738 = vector.extract %slice3A_2737[0] : f32 from vector<1xf32>
        %mul3A_2739 = vector.broadcast %squeeze3A_2738 : f32 to vector<16xf32>
        %mul3A_2740 = arith.mulf %mul3A_2739, %get3A_129 : vector<16xf32>
        %add3A_2741 = arith.addf %add3A_2736, %mul3A_2740 : vector<16xf32>
        %slice3A_2742 = vector.extract_strided_slice %gather3A_2536 {offsets = [6], sizes = [1], strides = [1]} : vector<16xf32> to vector<1xf32>
        %squeeze3A_2743 = vector.extract %slice3A_2742[0] : f32 from vector<1xf32>
        %mul3A_2744 = vector.broadcast %squeeze3A_2743 : f32 to vector<16xf32>
        %mul3A_2745 = arith.mulf %mul3A_2744, %get3A_149 : vector<16xf32>
        %add3A_2746 = arith.addf %add3A_2741, %mul3A_2745 : vector<16xf32>
        %slice3A_2747 = vector.extract_strided_slice %gather3A_2536 {offsets = [7], sizes = [1], strides = [1]} : vector<16xf32> to vector<1xf32>
        %squeeze3A_2748 = vector.extract %slice3A_2747[0] : f32 from vector<1xf32>
        %mul3A_2749 = vector.broadcast %squeeze3A_2748 : f32 to vector<16xf32>
        %mul3A_2750 = arith.mulf %mul3A_2749, %get3A_169 : vector<16xf32>
        %add3A_2751 = arith.addf %add3A_2746, %mul3A_2750 : vector<16xf32>
        %mul3A_2752 = arith.constant 8 : i32
        %mul3A_2753 = arith.muli %scan3A_245, %mul3A_2752 : i32
        %add3A_2754 = arith.constant 4 : i32
        %add3A_2755 = arith.addi %mul3A_2753, %add3A_2754 : i32
        %swap3A_2756 = arith.index_cast %add3A_2755 : i32 to index
        %swap3A_2757 = arith.constant 112 : index
        %swap3A_2758 = tpu.vector_load %arg14[%swap3A_2756, %swap3A_2757] {strides = array<i32>} : memref<64x128xf32, #tpu.memory_space<vmem>>, vector<1x16xf32>,
        %swap3A_2759 = vector.shape_cast %swap3A_2758 : vector<1x16xf32> to vector<16xf32>
        %swap3A_2760 = vector.shape_cast %add3A_2751 : vector<16xf32> to vector<1x16xf32>
        tpu.vector_store %arg14[%swap3A_2756, %swap3A_2757], %swap3A_2760 {strides = array<i32>} : memref<64x128xf32, #tpu.memory_space<vmem>>, vector<1x16xf32>,
        %mul3A_2761 = arith.constant 16 : i32
        %mul3A_2762 = arith.muli %scan3A_245, %mul3A_2761 : i32
        %add3A_2763 = arith.constant 10 : i32
        %add3A_2764 = arith.addi %mul3A_2762, %add3A_2763 : i32
        %slice3A_2765 = vector.extract_strided_slice %get3A_251 {offsets = [10], sizes = [1], strides = [1]} : vector<16xi32> to vector<1xi32>
        %squeeze3A_2766 = vector.extract %slice3A_2765[0] : i32 from vector<1xi32>
        %slice3A_2767 = vector.extract_strided_slice %get3A_257 {offsets = [10], sizes = [1], strides = [1]} : vector<16xi32> to vector<1xi32>
        %squeeze3A_2768 = vector.extract %slice3A_2767[0] : i32 from vector<1xi32>
        %get3A_2769 = arith.index_cast %and3A_205 : i32 to index
        %get3A_2770 = arith.index_cast %add3A_2764 : i32 to index
        %get3A_2771 = arith.index_cast %squeeze3A_2768 : i32 to index
        %get3A_2772 = tpu.vector_load %arg13[%get3A_2769, %get3A_2770, %get3A_2771] {strides = array<i32>} : memref<2x128x128xf32, #tpu.memory_space<vmem>>, vector<1x1x16xf32>,
        %get3A_2773 = vector.shape_cast %get3A_2772 : vector<1x1x16xf32> to vector<16xf32>
        %shift_right_arithmetic3A_2774 = arith.constant 3 : i32
        %shift_right_arithmetic3A_2775 = arith.shrsi %squeeze3A_2766, %shift_right_arithmetic3A_2774 : i32
        %add3A_2776 = vector.broadcast %shift_right_arithmetic3A_2775 : i32 to vector<16xi32>
        %add3A_2777 = arith.addi %and3A_171, %add3A_2776 : vector<16xi32>
        %lt3A_2778 = arith.constant 0 : i32
        %lt3A_2779 = vector.broadcast %lt3A_2778 : i32 to vector<16xi32>
        %lt3A_2780 = arith.cmpi slt, %add3A_2777, %lt3A_2779 : vector<16xi32>
        %add3A_2781 = arith.constant 16 : i32
        %add3A_2782 = vector.broadcast %add3A_2781 : i32 to vector<16xi32>
        %add3A_2783 = arith.addi %add3A_2777, %add3A_2782 : vector<16xi32>
        %select_n3A_2784 = arith.select %lt3A_2780, %add3A_2783, %add3A_2777 : vector<16xi1>, vector<16xi32>
        %broadcast_in_dim3A_2785 = vector.shape_cast %select_n3A_2784 : vector<16xi32> to vector<16x1xi32>
        %gather3A_2786 = vector.shape_cast %broadcast_in_dim3A_2785 : vector<16x1xi32> to vector<16xi32>
        %gather3A_2787 = tpu.dynamic_gather %get3A_2773[%gather3A_2786] in [0] : vector<16xf32>, vector<16xi32> -> vector<16xf32>
        %add3A_2788 = arith.constant 0 : i32
        %add3A_2789 = arith.addi %squeeze3A_2766, %add3A_2788 : i32
        %get3A_2790 = arith.index_cast %and3A_205 : i32 to index
        %get3A_2791 = arith.index_cast %add3A_2764 : i32 to index
        %get3A_2792 = arith.index_cast %add3A_2789 : i32 to index
        %get3A_2793 = tpu.vector_load %arg12[%get3A_2790, %get3A_2791, %get3A_2792] {strides = array<i32>} : memref<2x128x128xf32, #tpu.memory_space<vmem>>, vector<1x1x16xf32>,
        %get3A_2794 = vector.shape_cast %get3A_2793 : vector<1x1x16xf32> to vector<16xf32>
        %slice3A_2795 = vector.extract_strided_slice %gather3A_2787 {offsets = [0], sizes = [1], strides = [1]} : vector<16xf32> to vector<1xf32>
        %squeeze3A_2796 = vector.extract %slice3A_2795[0] : f32 from vector<1xf32>
        %mul3A_2797 = vector.broadcast %squeeze3A_2796 : f32 to vector<16xf32>
        %mul3A_2798 = arith.mulf %mul3A_2797, %get3A_14 : vector<16xf32>
        %add3A_2799 = arith.addf %get3A_2794, %mul3A_2798 : vector<16xf32>
        %slice3A_2800 = vector.extract_strided_slice %gather3A_2787 {offsets = [1], sizes = [1], strides = [1]} : vector<16xf32> to vector<1xf32>
        %squeeze3A_2801 = vector.extract %slice3A_2800[0] : f32 from vector<1xf32>
        %mul3A_2802 = vector.broadcast %squeeze3A_2801 : f32 to vector<16xf32>
        %mul3A_2803 = arith.mulf %mul3A_2802, %get3A_34 : vector<16xf32>
        %add3A_2804 = arith.addf %add3A_2799, %mul3A_2803 : vector<16xf32>
        %slice3A_2805 = vector.extract_strided_slice %gather3A_2787 {offsets = [2], sizes = [1], strides = [1]} : vector<16xf32> to vector<1xf32>
        %squeeze3A_2806 = vector.extract %slice3A_2805[0] : f32 from vector<1xf32>
        %mul3A_2807 = vector.broadcast %squeeze3A_2806 : f32 to vector<16xf32>
        %mul3A_2808 = arith.mulf %mul3A_2807, %get3A_54 : vector<16xf32>
        %add3A_2809 = arith.addf %add3A_2804, %mul3A_2808 : vector<16xf32>
        %slice3A_2810 = vector.extract_strided_slice %gather3A_2787 {offsets = [3], sizes = [1], strides = [1]} : vector<16xf32> to vector<1xf32>
        %squeeze3A_2811 = vector.extract %slice3A_2810[0] : f32 from vector<1xf32>
        %mul3A_2812 = vector.broadcast %squeeze3A_2811 : f32 to vector<16xf32>
        %mul3A_2813 = arith.mulf %mul3A_2812, %get3A_74 : vector<16xf32>
        %add3A_2814 = arith.addf %add3A_2809, %mul3A_2813 : vector<16xf32>
        %slice3A_2815 = vector.extract_strided_slice %gather3A_2787 {offsets = [4], sizes = [1], strides = [1]} : vector<16xf32> to vector<1xf32>
        %squeeze3A_2816 = vector.extract %slice3A_2815[0] : f32 from vector<1xf32>
        %mul3A_2817 = vector.broadcast %squeeze3A_2816 : f32 to vector<16xf32>
        %mul3A_2818 = arith.mulf %mul3A_2817, %get3A_94 : vector<16xf32>
        %add3A_2819 = arith.addf %add3A_2814, %mul3A_2818 : vector<16xf32>
        %slice3A_2820 = vector.extract_strided_slice %gather3A_2787 {offsets = [5], sizes = [1], strides = [1]} : vector<16xf32> to vector<1xf32>
        %squeeze3A_2821 = vector.extract %slice3A_2820[0] : f32 from vector<1xf32>
        %mul3A_2822 = vector.broadcast %squeeze3A_2821 : f32 to vector<16xf32>
        %mul3A_2823 = arith.mulf %mul3A_2822, %get3A_114 : vector<16xf32>
        %add3A_2824 = arith.addf %add3A_2819, %mul3A_2823 : vector<16xf32>
        %slice3A_2825 = vector.extract_strided_slice %gather3A_2787 {offsets = [6], sizes = [1], strides = [1]} : vector<16xf32> to vector<1xf32>
        %squeeze3A_2826 = vector.extract %slice3A_2825[0] : f32 from vector<1xf32>
        %mul3A_2827 = vector.broadcast %squeeze3A_2826 : f32 to vector<16xf32>
        %mul3A_2828 = arith.mulf %mul3A_2827, %get3A_134 : vector<16xf32>
        %add3A_2829 = arith.addf %add3A_2824, %mul3A_2828 : vector<16xf32>
        %slice3A_2830 = vector.extract_strided_slice %gather3A_2787 {offsets = [7], sizes = [1], strides = [1]} : vector<16xf32> to vector<1xf32>
        %squeeze3A_2831 = vector.extract %slice3A_2830[0] : f32 from vector<1xf32>
        %mul3A_2832 = vector.broadcast %squeeze3A_2831 : f32 to vector<16xf32>
        %mul3A_2833 = arith.mulf %mul3A_2832, %get3A_154 : vector<16xf32>
        %add3A_2834 = arith.addf %add3A_2829, %mul3A_2833 : vector<16xf32>
        %mul3A_2835 = arith.constant 8 : i32
        %mul3A_2836 = arith.muli %scan3A_245, %mul3A_2835 : i32
        %add3A_2837 = arith.constant 5 : i32
        %add3A_2838 = arith.addi %mul3A_2836, %add3A_2837 : i32
        %swap3A_2839 = arith.index_cast %add3A_2838 : i32 to index
        %swap3A_2840 = arith.constant 0 : index
        %swap3A_2841 = tpu.vector_load %arg14[%swap3A_2839, %swap3A_2840] {strides = array<i32>} : memref<64x128xf32, #tpu.memory_space<vmem>>, vector<1x16xf32>,
        %swap3A_2842 = vector.shape_cast %swap3A_2841 : vector<1x16xf32> to vector<16xf32>
        %swap3A_2843 = vector.shape_cast %add3A_2834 : vector<16xf32> to vector<1x16xf32>
        tpu.vector_store %arg14[%swap3A_2839, %swap3A_2840], %swap3A_2843 {strides = array<i32>} : memref<64x128xf32, #tpu.memory_space<vmem>>, vector<1x16xf32>,
        %add3A_2844 = arith.constant 16 : i32
        %add3A_2845 = arith.addi %squeeze3A_2766, %add3A_2844 : i32
        %get3A_2846 = arith.index_cast %and3A_205 : i32 to index
        %get3A_2847 = arith.index_cast %add3A_2764 : i32 to index
        %get3A_2848 = arith.index_cast %add3A_2845 : i32 to index
        %get3A_2849 = tpu.vector_load %arg12[%get3A_2846, %get3A_2847, %get3A_2848] {strides = array<i32>} : memref<2x128x128xf32, #tpu.memory_space<vmem>>, vector<1x1x16xf32>,
        %get3A_2850 = vector.shape_cast %get3A_2849 : vector<1x1x16xf32> to vector<16xf32>
        %slice3A_2851 = vector.extract_strided_slice %gather3A_2787 {offsets = [0], sizes = [1], strides = [1]} : vector<16xf32> to vector<1xf32>
        %squeeze3A_2852 = vector.extract %slice3A_2851[0] : f32 from vector<1xf32>
        %mul3A_2853 = vector.broadcast %squeeze3A_2852 : f32 to vector<16xf32>
        %mul3A_2854 = arith.mulf %mul3A_2853, %get3A_19 : vector<16xf32>
        %add3A_2855 = arith.addf %get3A_2850, %mul3A_2854 : vector<16xf32>
        %slice3A_2856 = vector.extract_strided_slice %gather3A_2787 {offsets = [1], sizes = [1], strides = [1]} : vector<16xf32> to vector<1xf32>
        %squeeze3A_2857 = vector.extract %slice3A_2856[0] : f32 from vector<1xf32>
        %mul3A_2858 = vector.broadcast %squeeze3A_2857 : f32 to vector<16xf32>
        %mul3A_2859 = arith.mulf %mul3A_2858, %get3A_39 : vector<16xf32>
        %add3A_2860 = arith.addf %add3A_2855, %mul3A_2859 : vector<16xf32>
        %slice3A_2861 = vector.extract_strided_slice %gather3A_2787 {offsets = [2], sizes = [1], strides = [1]} : vector<16xf32> to vector<1xf32>
        %squeeze3A_2862 = vector.extract %slice3A_2861[0] : f32 from vector<1xf32>
        %mul3A_2863 = vector.broadcast %squeeze3A_2862 : f32 to vector<16xf32>
        %mul3A_2864 = arith.mulf %mul3A_2863, %get3A_59 : vector<16xf32>
        %add3A_2865 = arith.addf %add3A_2860, %mul3A_2864 : vector<16xf32>
        %slice3A_2866 = vector.extract_strided_slice %gather3A_2787 {offsets = [3], sizes = [1], strides = [1]} : vector<16xf32> to vector<1xf32>
        %squeeze3A_2867 = vector.extract %slice3A_2866[0] : f32 from vector<1xf32>
        %mul3A_2868 = vector.broadcast %squeeze3A_2867 : f32 to vector<16xf32>
        %mul3A_2869 = arith.mulf %mul3A_2868, %get3A_79 : vector<16xf32>
        %add3A_2870 = arith.addf %add3A_2865, %mul3A_2869 : vector<16xf32>
        %slice3A_2871 = vector.extract_strided_slice %gather3A_2787 {offsets = [4], sizes = [1], strides = [1]} : vector<16xf32> to vector<1xf32>
        %squeeze3A_2872 = vector.extract %slice3A_2871[0] : f32 from vector<1xf32>
        %mul3A_2873 = vector.broadcast %squeeze3A_2872 : f32 to vector<16xf32>
        %mul3A_2874 = arith.mulf %mul3A_2873, %get3A_99 : vector<16xf32>
        %add3A_2875 = arith.addf %add3A_2870, %mul3A_2874 : vector<16xf32>
        %slice3A_2876 = vector.extract_strided_slice %gather3A_2787 {offsets = [5], sizes = [1], strides = [1]} : vector<16xf32> to vector<1xf32>
        %squeeze3A_2877 = vector.extract %slice3A_2876[0] : f32 from vector<1xf32>
        %mul3A_2878 = vector.broadcast %squeeze3A_2877 : f32 to vector<16xf32>
        %mul3A_2879 = arith.mulf %mul3A_2878, %get3A_119 : vector<16xf32>
        %add3A_2880 = arith.addf %add3A_2875, %mul3A_2879 : vector<16xf32>
        %slice3A_2881 = vector.extract_strided_slice %gather3A_2787 {offsets = [6], sizes = [1], strides = [1]} : vector<16xf32> to vector<1xf32>
        %squeeze3A_2882 = vector.extract %slice3A_2881[0] : f32 from vector<1xf32>
        %mul3A_2883 = vector.broadcast %squeeze3A_2882 : f32 to vector<16xf32>
        %mul3A_2884 = arith.mulf %mul3A_2883, %get3A_139 : vector<16xf32>
        %add3A_2885 = arith.addf %add3A_2880, %mul3A_2884 : vector<16xf32>
        %slice3A_2886 = vector.extract_strided_slice %gather3A_2787 {offsets = [7], sizes = [1], strides = [1]} : vector<16xf32> to vector<1xf32>
        %squeeze3A_2887 = vector.extract %slice3A_2886[0] : f32 from vector<1xf32>
        %mul3A_2888 = vector.broadcast %squeeze3A_2887 : f32 to vector<16xf32>
        %mul3A_2889 = arith.mulf %mul3A_2888, %get3A_159 : vector<16xf32>
        %add3A_2890 = arith.addf %add3A_2885, %mul3A_2889 : vector<16xf32>
        %mul3A_2891 = arith.constant 8 : i32
        %mul3A_2892 = arith.muli %scan3A_245, %mul3A_2891 : i32
        %add3A_2893 = arith.constant 5 : i32
        %add3A_2894 = arith.addi %mul3A_2892, %add3A_2893 : i32
        %swap3A_2895 = arith.index_cast %add3A_2894 : i32 to index
        %swap3A_2896 = arith.constant 16 : index
        %swap3A_2897 = tpu.vector_load %arg14[%swap3A_2895, %swap3A_2896] {strides = array<i32>} : memref<64x128xf32, #tpu.memory_space<vmem>>, vector<1x16xf32>,
        %swap3A_2898 = vector.shape_cast %swap3A_2897 : vector<1x16xf32> to vector<16xf32>
        %swap3A_2899 = vector.shape_cast %add3A_2890 : vector<16xf32> to vector<1x16xf32>
        tpu.vector_store %arg14[%swap3A_2895, %swap3A_2896], %swap3A_2899 {strides = array<i32>} : memref<64x128xf32, #tpu.memory_space<vmem>>, vector<1x16xf32>,
        %add3A_2900 = arith.constant 32 : i32
        %add3A_2901 = arith.addi %squeeze3A_2766, %add3A_2900 : i32
        %get3A_2902 = arith.index_cast %and3A_205 : i32 to index
        %get3A_2903 = arith.index_cast %add3A_2764 : i32 to index
        %get3A_2904 = arith.index_cast %add3A_2901 : i32 to index
        %get3A_2905 = tpu.vector_load %arg12[%get3A_2902, %get3A_2903, %get3A_2904] {strides = array<i32>} : memref<2x128x128xf32, #tpu.memory_space<vmem>>, vector<1x1x16xf32>,
        %get3A_2906 = vector.shape_cast %get3A_2905 : vector<1x1x16xf32> to vector<16xf32>
        %slice3A_2907 = vector.extract_strided_slice %gather3A_2787 {offsets = [0], sizes = [1], strides = [1]} : vector<16xf32> to vector<1xf32>
        %squeeze3A_2908 = vector.extract %slice3A_2907[0] : f32 from vector<1xf32>
        %mul3A_2909 = vector.broadcast %squeeze3A_2908 : f32 to vector<16xf32>
        %mul3A_2910 = arith.mulf %mul3A_2909, %get3A_24 : vector<16xf32>
        %add3A_2911 = arith.addf %get3A_2906, %mul3A_2910 : vector<16xf32>
        %slice3A_2912 = vector.extract_strided_slice %gather3A_2787 {offsets = [1], sizes = [1], strides = [1]} : vector<16xf32> to vector<1xf32>
        %squeeze3A_2913 = vector.extract %slice3A_2912[0] : f32 from vector<1xf32>
        %mul3A_2914 = vector.broadcast %squeeze3A_2913 : f32 to vector<16xf32>
        %mul3A_2915 = arith.mulf %mul3A_2914, %get3A_44 : vector<16xf32>
        %add3A_2916 = arith.addf %add3A_2911, %mul3A_2915 : vector<16xf32>
        %slice3A_2917 = vector.extract_strided_slice %gather3A_2787 {offsets = [2], sizes = [1], strides = [1]} : vector<16xf32> to vector<1xf32>
        %squeeze3A_2918 = vector.extract %slice3A_2917[0] : f32 from vector<1xf32>
        %mul3A_2919 = vector.broadcast %squeeze3A_2918 : f32 to vector<16xf32>
        %mul3A_2920 = arith.mulf %mul3A_2919, %get3A_64 : vector<16xf32>
        %add3A_2921 = arith.addf %add3A_2916, %mul3A_2920 : vector<16xf32>
        %slice3A_2922 = vector.extract_strided_slice %gather3A_2787 {offsets = [3], sizes = [1], strides = [1]} : vector<16xf32> to vector<1xf32>
        %squeeze3A_2923 = vector.extract %slice3A_2922[0] : f32 from vector<1xf32>
        %mul3A_2924 = vector.broadcast %squeeze3A_2923 : f32 to vector<16xf32>
        %mul3A_2925 = arith.mulf %mul3A_2924, %get3A_84 : vector<16xf32>
        %add3A_2926 = arith.addf %add3A_2921, %mul3A_2925 : vector<16xf32>
        %slice3A_2927 = vector.extract_strided_slice %gather3A_2787 {offsets = [4], sizes = [1], strides = [1]} : vector<16xf32> to vector<1xf32>
        %squeeze3A_2928 = vector.extract %slice3A_2927[0] : f32 from vector<1xf32>
        %mul3A_2929 = vector.broadcast %squeeze3A_2928 : f32 to vector<16xf32>
        %mul3A_2930 = arith.mulf %mul3A_2929, %get3A_104 : vector<16xf32>
        %add3A_2931 = arith.addf %add3A_2926, %mul3A_2930 : vector<16xf32>
        %slice3A_2932 = vector.extract_strided_slice %gather3A_2787 {offsets = [5], sizes = [1], strides = [1]} : vector<16xf32> to vector<1xf32>
        %squeeze3A_2933 = vector.extract %slice3A_2932[0] : f32 from vector<1xf32>
        %mul3A_2934 = vector.broadcast %squeeze3A_2933 : f32 to vector<16xf32>
        %mul3A_2935 = arith.mulf %mul3A_2934, %get3A_124 : vector<16xf32>
        %add3A_2936 = arith.addf %add3A_2931, %mul3A_2935 : vector<16xf32>
        %slice3A_2937 = vector.extract_strided_slice %gather3A_2787 {offsets = [6], sizes = [1], strides = [1]} : vector<16xf32> to vector<1xf32>
        %squeeze3A_2938 = vector.extract %slice3A_2937[0] : f32 from vector<1xf32>
        %mul3A_2939 = vector.broadcast %squeeze3A_2938 : f32 to vector<16xf32>
        %mul3A_2940 = arith.mulf %mul3A_2939, %get3A_144 : vector<16xf32>
        %add3A_2941 = arith.addf %add3A_2936, %mul3A_2940 : vector<16xf32>
        %slice3A_2942 = vector.extract_strided_slice %gather3A_2787 {offsets = [7], sizes = [1], strides = [1]} : vector<16xf32> to vector<1xf32>
        %squeeze3A_2943 = vector.extract %slice3A_2942[0] : f32 from vector<1xf32>
        %mul3A_2944 = vector.broadcast %squeeze3A_2943 : f32 to vector<16xf32>
        %mul3A_2945 = arith.mulf %mul3A_2944, %get3A_164 : vector<16xf32>
        %add3A_2946 = arith.addf %add3A_2941, %mul3A_2945 : vector<16xf32>
        %mul3A_2947 = arith.constant 8 : i32
        %mul3A_2948 = arith.muli %scan3A_245, %mul3A_2947 : i32
        %add3A_2949 = arith.constant 5 : i32
        %add3A_2950 = arith.addi %mul3A_2948, %add3A_2949 : i32
        %swap3A_2951 = arith.index_cast %add3A_2950 : i32 to index
        %swap3A_2952 = arith.constant 32 : index
        %swap3A_2953 = tpu.vector_load %arg14[%swap3A_2951, %swap3A_2952] {strides = array<i32>} : memref<64x128xf32, #tpu.memory_space<vmem>>, vector<1x16xf32>,
        %swap3A_2954 = vector.shape_cast %swap3A_2953 : vector<1x16xf32> to vector<16xf32>
        %swap3A_2955 = vector.shape_cast %add3A_2946 : vector<16xf32> to vector<1x16xf32>
        tpu.vector_store %arg14[%swap3A_2951, %swap3A_2952], %swap3A_2955 {strides = array<i32>} : memref<64x128xf32, #tpu.memory_space<vmem>>, vector<1x16xf32>,
        %add3A_2956 = arith.constant 48 : i32
        %add3A_2957 = arith.addi %squeeze3A_2766, %add3A_2956 : i32
        %get3A_2958 = arith.index_cast %and3A_205 : i32 to index
        %get3A_2959 = arith.index_cast %add3A_2764 : i32 to index
        %get3A_2960 = arith.index_cast %add3A_2957 : i32 to index
        %get3A_2961 = tpu.vector_load %arg12[%get3A_2958, %get3A_2959, %get3A_2960] {strides = array<i32>} : memref<2x128x128xf32, #tpu.memory_space<vmem>>, vector<1x1x16xf32>,
        %get3A_2962 = vector.shape_cast %get3A_2961 : vector<1x1x16xf32> to vector<16xf32>
        %slice3A_2963 = vector.extract_strided_slice %gather3A_2787 {offsets = [0], sizes = [1], strides = [1]} : vector<16xf32> to vector<1xf32>
        %squeeze3A_2964 = vector.extract %slice3A_2963[0] : f32 from vector<1xf32>
        %mul3A_2965 = vector.broadcast %squeeze3A_2964 : f32 to vector<16xf32>
        %mul3A_2966 = arith.mulf %mul3A_2965, %get3A_29 : vector<16xf32>
        %add3A_2967 = arith.addf %get3A_2962, %mul3A_2966 : vector<16xf32>
        %slice3A_2968 = vector.extract_strided_slice %gather3A_2787 {offsets = [1], sizes = [1], strides = [1]} : vector<16xf32> to vector<1xf32>
        %squeeze3A_2969 = vector.extract %slice3A_2968[0] : f32 from vector<1xf32>
        %mul3A_2970 = vector.broadcast %squeeze3A_2969 : f32 to vector<16xf32>
        %mul3A_2971 = arith.mulf %mul3A_2970, %get3A_49 : vector<16xf32>
        %add3A_2972 = arith.addf %add3A_2967, %mul3A_2971 : vector<16xf32>
        %slice3A_2973 = vector.extract_strided_slice %gather3A_2787 {offsets = [2], sizes = [1], strides = [1]} : vector<16xf32> to vector<1xf32>
        %squeeze3A_2974 = vector.extract %slice3A_2973[0] : f32 from vector<1xf32>
        %mul3A_2975 = vector.broadcast %squeeze3A_2974 : f32 to vector<16xf32>
        %mul3A_2976 = arith.mulf %mul3A_2975, %get3A_69 : vector<16xf32>
        %add3A_2977 = arith.addf %add3A_2972, %mul3A_2976 : vector<16xf32>
        %slice3A_2978 = vector.extract_strided_slice %gather3A_2787 {offsets = [3], sizes = [1], strides = [1]} : vector<16xf32> to vector<1xf32>
        %squeeze3A_2979 = vector.extract %slice3A_2978[0] : f32 from vector<1xf32>
        %mul3A_2980 = vector.broadcast %squeeze3A_2979 : f32 to vector<16xf32>
        %mul3A_2981 = arith.mulf %mul3A_2980, %get3A_89 : vector<16xf32>
        %add3A_2982 = arith.addf %add3A_2977, %mul3A_2981 : vector<16xf32>
        %slice3A_2983 = vector.extract_strided_slice %gather3A_2787 {offsets = [4], sizes = [1], strides = [1]} : vector<16xf32> to vector<1xf32>
        %squeeze3A_2984 = vector.extract %slice3A_2983[0] : f32 from vector<1xf32>
        %mul3A_2985 = vector.broadcast %squeeze3A_2984 : f32 to vector<16xf32>
        %mul3A_2986 = arith.mulf %mul3A_2985, %get3A_109 : vector<16xf32>
        %add3A_2987 = arith.addf %add3A_2982, %mul3A_2986 : vector<16xf32>
        %slice3A_2988 = vector.extract_strided_slice %gather3A_2787 {offsets = [5], sizes = [1], strides = [1]} : vector<16xf32> to vector<1xf32>
        %squeeze3A_2989 = vector.extract %slice3A_2988[0] : f32 from vector<1xf32>
        %mul3A_2990 = vector.broadcast %squeeze3A_2989 : f32 to vector<16xf32>
        %mul3A_2991 = arith.mulf %mul3A_2990, %get3A_129 : vector<16xf32>
        %add3A_2992 = arith.addf %add3A_2987, %mul3A_2991 : vector<16xf32>
        %slice3A_2993 = vector.extract_strided_slice %gather3A_2787 {offsets = [6], sizes = [1], strides = [1]} : vector<16xf32> to vector<1xf32>
        %squeeze3A_2994 = vector.extract %slice3A_2993[0] : f32 from vector<1xf32>
        %mul3A_2995 = vector.broadcast %squeeze3A_2994 : f32 to vector<16xf32>
        %mul3A_2996 = arith.mulf %mul3A_2995, %get3A_149 : vector<16xf32>
        %add3A_2997 = arith.addf %add3A_2992, %mul3A_2996 : vector<16xf32>
        %slice3A_2998 = vector.extract_strided_slice %gather3A_2787 {offsets = [7], sizes = [1], strides = [1]} : vector<16xf32> to vector<1xf32>
        %squeeze3A_2999 = vector.extract %slice3A_2998[0] : f32 from vector<1xf32>
        %mul3A_3000 = vector.broadcast %squeeze3A_2999 : f32 to vector<16xf32>
        %mul3A_3001 = arith.mulf %mul3A_3000, %get3A_169 : vector<16xf32>
        %add3A_3002 = arith.addf %add3A_2997, %mul3A_3001 : vector<16xf32>
        %mul3A_3003 = arith.constant 8 : i32
        %mul3A_3004 = arith.muli %scan3A_245, %mul3A_3003 : i32
        %add3A_3005 = arith.constant 5 : i32
        %add3A_3006 = arith.addi %mul3A_3004, %add3A_3005 : i32
        %swap3A_3007 = arith.index_cast %add3A_3006 : i32 to index
        %swap3A_3008 = arith.constant 48 : index
        %swap3A_3009 = tpu.vector_load %arg14[%swap3A_3007, %swap3A_3008] {strides = array<i32>} : memref<64x128xf32, #tpu.memory_space<vmem>>, vector<1x16xf32>,
        %swap3A_3010 = vector.shape_cast %swap3A_3009 : vector<1x16xf32> to vector<16xf32>
        %swap3A_3011 = vector.shape_cast %add3A_3002 : vector<16xf32> to vector<1x16xf32>
        tpu.vector_store %arg14[%swap3A_3007, %swap3A_3008], %swap3A_3011 {strides = array<i32>} : memref<64x128xf32, #tpu.memory_space<vmem>>, vector<1x16xf32>,
        %mul3A_3012 = arith.constant 16 : i32
        %mul3A_3013 = arith.muli %scan3A_245, %mul3A_3012 : i32
        %add3A_3014 = arith.constant 11 : i32
        %add3A_3015 = arith.addi %mul3A_3013, %add3A_3014 : i32
        %slice3A_3016 = vector.extract_strided_slice %get3A_251 {offsets = [11], sizes = [1], strides = [1]} : vector<16xi32> to vector<1xi32>
        %squeeze3A_3017 = vector.extract %slice3A_3016[0] : i32 from vector<1xi32>
        %slice3A_3018 = vector.extract_strided_slice %get3A_257 {offsets = [11], sizes = [1], strides = [1]} : vector<16xi32> to vector<1xi32>
        %squeeze3A_3019 = vector.extract %slice3A_3018[0] : i32 from vector<1xi32>
        %get3A_3020 = arith.index_cast %and3A_205 : i32 to index
        %get3A_3021 = arith.index_cast %add3A_3015 : i32 to index
        %get3A_3022 = arith.index_cast %squeeze3A_3019 : i32 to index
        %get3A_3023 = tpu.vector_load %arg13[%get3A_3020, %get3A_3021, %get3A_3022] {strides = array<i32>} : memref<2x128x128xf32, #tpu.memory_space<vmem>>, vector<1x1x16xf32>,
        %get3A_3024 = vector.shape_cast %get3A_3023 : vector<1x1x16xf32> to vector<16xf32>
        %shift_right_arithmetic3A_3025 = arith.constant 3 : i32
        %shift_right_arithmetic3A_3026 = arith.shrsi %squeeze3A_3017, %shift_right_arithmetic3A_3025 : i32
        %add3A_3027 = vector.broadcast %shift_right_arithmetic3A_3026 : i32 to vector<16xi32>
        %add3A_3028 = arith.addi %and3A_171, %add3A_3027 : vector<16xi32>
        %lt3A_3029 = arith.constant 0 : i32
        %lt3A_3030 = vector.broadcast %lt3A_3029 : i32 to vector<16xi32>
        %lt3A_3031 = arith.cmpi slt, %add3A_3028, %lt3A_3030 : vector<16xi32>
        %add3A_3032 = arith.constant 16 : i32
        %add3A_3033 = vector.broadcast %add3A_3032 : i32 to vector<16xi32>
        %add3A_3034 = arith.addi %add3A_3028, %add3A_3033 : vector<16xi32>
        %select_n3A_3035 = arith.select %lt3A_3031, %add3A_3034, %add3A_3028 : vector<16xi1>, vector<16xi32>
        %broadcast_in_dim3A_3036 = vector.shape_cast %select_n3A_3035 : vector<16xi32> to vector<16x1xi32>
        %gather3A_3037 = vector.shape_cast %broadcast_in_dim3A_3036 : vector<16x1xi32> to vector<16xi32>
        %gather3A_3038 = tpu.dynamic_gather %get3A_3024[%gather3A_3037] in [0] : vector<16xf32>, vector<16xi32> -> vector<16xf32>
        %add3A_3039 = arith.constant 0 : i32
        %add3A_3040 = arith.addi %squeeze3A_3017, %add3A_3039 : i32
        %get3A_3041 = arith.index_cast %and3A_205 : i32 to index
        %get3A_3042 = arith.index_cast %add3A_3015 : i32 to index
        %get3A_3043 = arith.index_cast %add3A_3040 : i32 to index
        %get3A_3044 = tpu.vector_load %arg12[%get3A_3041, %get3A_3042, %get3A_3043] {strides = array<i32>} : memref<2x128x128xf32, #tpu.memory_space<vmem>>, vector<1x1x16xf32>,
        %get3A_3045 = vector.shape_cast %get3A_3044 : vector<1x1x16xf32> to vector<16xf32>
        %slice3A_3046 = vector.extract_strided_slice %gather3A_3038 {offsets = [0], sizes = [1], strides = [1]} : vector<16xf32> to vector<1xf32>
        %squeeze3A_3047 = vector.extract %slice3A_3046[0] : f32 from vector<1xf32>
        %mul3A_3048 = vector.broadcast %squeeze3A_3047 : f32 to vector<16xf32>
        %mul3A_3049 = arith.mulf %mul3A_3048, %get3A_14 : vector<16xf32>
        %add3A_3050 = arith.addf %get3A_3045, %mul3A_3049 : vector<16xf32>
        %slice3A_3051 = vector.extract_strided_slice %gather3A_3038 {offsets = [1], sizes = [1], strides = [1]} : vector<16xf32> to vector<1xf32>
        %squeeze3A_3052 = vector.extract %slice3A_3051[0] : f32 from vector<1xf32>
        %mul3A_3053 = vector.broadcast %squeeze3A_3052 : f32 to vector<16xf32>
        %mul3A_3054 = arith.mulf %mul3A_3053, %get3A_34 : vector<16xf32>
        %add3A_3055 = arith.addf %add3A_3050, %mul3A_3054 : vector<16xf32>
        %slice3A_3056 = vector.extract_strided_slice %gather3A_3038 {offsets = [2], sizes = [1], strides = [1]} : vector<16xf32> to vector<1xf32>
        %squeeze3A_3057 = vector.extract %slice3A_3056[0] : f32 from vector<1xf32>
        %mul3A_3058 = vector.broadcast %squeeze3A_3057 : f32 to vector<16xf32>
        %mul3A_3059 = arith.mulf %mul3A_3058, %get3A_54 : vector<16xf32>
        %add3A_3060 = arith.addf %add3A_3055, %mul3A_3059 : vector<16xf32>
        %slice3A_3061 = vector.extract_strided_slice %gather3A_3038 {offsets = [3], sizes = [1], strides = [1]} : vector<16xf32> to vector<1xf32>
        %squeeze3A_3062 = vector.extract %slice3A_3061[0] : f32 from vector<1xf32>
        %mul3A_3063 = vector.broadcast %squeeze3A_3062 : f32 to vector<16xf32>
        %mul3A_3064 = arith.mulf %mul3A_3063, %get3A_74 : vector<16xf32>
        %add3A_3065 = arith.addf %add3A_3060, %mul3A_3064 : vector<16xf32>
        %slice3A_3066 = vector.extract_strided_slice %gather3A_3038 {offsets = [4], sizes = [1], strides = [1]} : vector<16xf32> to vector<1xf32>
        %squeeze3A_3067 = vector.extract %slice3A_3066[0] : f32 from vector<1xf32>
        %mul3A_3068 = vector.broadcast %squeeze3A_3067 : f32 to vector<16xf32>
        %mul3A_3069 = arith.mulf %mul3A_3068, %get3A_94 : vector<16xf32>
        %add3A_3070 = arith.addf %add3A_3065, %mul3A_3069 : vector<16xf32>
        %slice3A_3071 = vector.extract_strided_slice %gather3A_3038 {offsets = [5], sizes = [1], strides = [1]} : vector<16xf32> to vector<1xf32>
        %squeeze3A_3072 = vector.extract %slice3A_3071[0] : f32 from vector<1xf32>
        %mul3A_3073 = vector.broadcast %squeeze3A_3072 : f32 to vector<16xf32>
        %mul3A_3074 = arith.mulf %mul3A_3073, %get3A_114 : vector<16xf32>
        %add3A_3075 = arith.addf %add3A_3070, %mul3A_3074 : vector<16xf32>
        %slice3A_3076 = vector.extract_strided_slice %gather3A_3038 {offsets = [6], sizes = [1], strides = [1]} : vector<16xf32> to vector<1xf32>
        %squeeze3A_3077 = vector.extract %slice3A_3076[0] : f32 from vector<1xf32>
        %mul3A_3078 = vector.broadcast %squeeze3A_3077 : f32 to vector<16xf32>
        %mul3A_3079 = arith.mulf %mul3A_3078, %get3A_134 : vector<16xf32>
        %add3A_3080 = arith.addf %add3A_3075, %mul3A_3079 : vector<16xf32>
        %slice3A_3081 = vector.extract_strided_slice %gather3A_3038 {offsets = [7], sizes = [1], strides = [1]} : vector<16xf32> to vector<1xf32>
        %squeeze3A_3082 = vector.extract %slice3A_3081[0] : f32 from vector<1xf32>
        %mul3A_3083 = vector.broadcast %squeeze3A_3082 : f32 to vector<16xf32>
        %mul3A_3084 = arith.mulf %mul3A_3083, %get3A_154 : vector<16xf32>
        %add3A_3085 = arith.addf %add3A_3080, %mul3A_3084 : vector<16xf32>
        %mul3A_3086 = arith.constant 8 : i32
        %mul3A_3087 = arith.muli %scan3A_245, %mul3A_3086 : i32
        %add3A_3088 = arith.constant 5 : i32
        %add3A_3089 = arith.addi %mul3A_3087, %add3A_3088 : i32
        %swap3A_3090 = arith.index_cast %add3A_3089 : i32 to index
        %swap3A_3091 = arith.constant 64 : index
        %swap3A_3092 = tpu.vector_load %arg14[%swap3A_3090, %swap3A_3091] {strides = array<i32>} : memref<64x128xf32, #tpu.memory_space<vmem>>, vector<1x16xf32>,
        %swap3A_3093 = vector.shape_cast %swap3A_3092 : vector<1x16xf32> to vector<16xf32>
        %swap3A_3094 = vector.shape_cast %add3A_3085 : vector<16xf32> to vector<1x16xf32>
        tpu.vector_store %arg14[%swap3A_3090, %swap3A_3091], %swap3A_3094 {strides = array<i32>} : memref<64x128xf32, #tpu.memory_space<vmem>>, vector<1x16xf32>,
        %add3A_3095 = arith.constant 16 : i32
        %add3A_3096 = arith.addi %squeeze3A_3017, %add3A_3095 : i32
        %get3A_3097 = arith.index_cast %and3A_205 : i32 to index
        %get3A_3098 = arith.index_cast %add3A_3015 : i32 to index
        %get3A_3099 = arith.index_cast %add3A_3096 : i32 to index
        %get3A_3100 = tpu.vector_load %arg12[%get3A_3097, %get3A_3098, %get3A_3099] {strides = array<i32>} : memref<2x128x128xf32, #tpu.memory_space<vmem>>, vector<1x1x16xf32>,
        %get3A_3101 = vector.shape_cast %get3A_3100 : vector<1x1x16xf32> to vector<16xf32>
        %slice3A_3102 = vector.extract_strided_slice %gather3A_3038 {offsets = [0], sizes = [1], strides = [1]} : vector<16xf32> to vector<1xf32>
        %squeeze3A_3103 = vector.extract %slice3A_3102[0] : f32 from vector<1xf32>
        %mul3A_3104 = vector.broadcast %squeeze3A_3103 : f32 to vector<16xf32>
        %mul3A_3105 = arith.mulf %mul3A_3104, %get3A_19 : vector<16xf32>
        %add3A_3106 = arith.addf %get3A_3101, %mul3A_3105 : vector<16xf32>
        %slice3A_3107 = vector.extract_strided_slice %gather3A_3038 {offsets = [1], sizes = [1], strides = [1]} : vector<16xf32> to vector<1xf32>
        %squeeze3A_3108 = vector.extract %slice3A_3107[0] : f32 from vector<1xf32>
        %mul3A_3109 = vector.broadcast %squeeze3A_3108 : f32 to vector<16xf32>
        %mul3A_3110 = arith.mulf %mul3A_3109, %get3A_39 : vector<16xf32>
        %add3A_3111 = arith.addf %add3A_3106, %mul3A_3110 : vector<16xf32>
        %slice3A_3112 = vector.extract_strided_slice %gather3A_3038 {offsets = [2], sizes = [1], strides = [1]} : vector<16xf32> to vector<1xf32>
        %squeeze3A_3113 = vector.extract %slice3A_3112[0] : f32 from vector<1xf32>
        %mul3A_3114 = vector.broadcast %squeeze3A_3113 : f32 to vector<16xf32>
        %mul3A_3115 = arith.mulf %mul3A_3114, %get3A_59 : vector<16xf32>
        %add3A_3116 = arith.addf %add3A_3111, %mul3A_3115 : vector<16xf32>
        %slice3A_3117 = vector.extract_strided_slice %gather3A_3038 {offsets = [3], sizes = [1], strides = [1]} : vector<16xf32> to vector<1xf32>
        %squeeze3A_3118 = vector.extract %slice3A_3117[0] : f32 from vector<1xf32>
        %mul3A_3119 = vector.broadcast %squeeze3A_3118 : f32 to vector<16xf32>
        %mul3A_3120 = arith.mulf %mul3A_3119, %get3A_79 : vector<16xf32>
        %add3A_3121 = arith.addf %add3A_3116, %mul3A_3120 : vector<16xf32>
        %slice3A_3122 = vector.extract_strided_slice %gather3A_3038 {offsets = [4], sizes = [1], strides = [1]} : vector<16xf32> to vector<1xf32>
        %squeeze3A_3123 = vector.extract %slice3A_3122[0] : f32 from vector<1xf32>
        %mul3A_3124 = vector.broadcast %squeeze3A_3123 : f32 to vector<16xf32>
        %mul3A_3125 = arith.mulf %mul3A_3124, %get3A_99 : vector<16xf32>
        %add3A_3126 = arith.addf %add3A_3121, %mul3A_3125 : vector<16xf32>
        %slice3A_3127 = vector.extract_strided_slice %gather3A_3038 {offsets = [5], sizes = [1], strides = [1]} : vector<16xf32> to vector<1xf32>
        %squeeze3A_3128 = vector.extract %slice3A_3127[0] : f32 from vector<1xf32>
        %mul3A_3129 = vector.broadcast %squeeze3A_3128 : f32 to vector<16xf32>
        %mul3A_3130 = arith.mulf %mul3A_3129, %get3A_119 : vector<16xf32>
        %add3A_3131 = arith.addf %add3A_3126, %mul3A_3130 : vector<16xf32>
        %slice3A_3132 = vector.extract_strided_slice %gather3A_3038 {offsets = [6], sizes = [1], strides = [1]} : vector<16xf32> to vector<1xf32>
        %squeeze3A_3133 = vector.extract %slice3A_3132[0] : f32 from vector<1xf32>
        %mul3A_3134 = vector.broadcast %squeeze3A_3133 : f32 to vector<16xf32>
        %mul3A_3135 = arith.mulf %mul3A_3134, %get3A_139 : vector<16xf32>
        %add3A_3136 = arith.addf %add3A_3131, %mul3A_3135 : vector<16xf32>
        %slice3A_3137 = vector.extract_strided_slice %gather3A_3038 {offsets = [7], sizes = [1], strides = [1]} : vector<16xf32> to vector<1xf32>
        %squeeze3A_3138 = vector.extract %slice3A_3137[0] : f32 from vector<1xf32>
        %mul3A_3139 = vector.broadcast %squeeze3A_3138 : f32 to vector<16xf32>
        %mul3A_3140 = arith.mulf %mul3A_3139, %get3A_159 : vector<16xf32>
        %add3A_3141 = arith.addf %add3A_3136, %mul3A_3140 : vector<16xf32>
        %mul3A_3142 = arith.constant 8 : i32
        %mul3A_3143 = arith.muli %scan3A_245, %mul3A_3142 : i32
        %add3A_3144 = arith.constant 5 : i32
        %add3A_3145 = arith.addi %mul3A_3143, %add3A_3144 : i32
        %swap3A_3146 = arith.index_cast %add3A_3145 : i32 to index
        %swap3A_3147 = arith.constant 80 : index
        %swap3A_3148 = tpu.vector_load %arg14[%swap3A_3146, %swap3A_3147] {strides = array<i32>} : memref<64x128xf32, #tpu.memory_space<vmem>>, vector<1x16xf32>,
        %swap3A_3149 = vector.shape_cast %swap3A_3148 : vector<1x16xf32> to vector<16xf32>
        %swap3A_3150 = vector.shape_cast %add3A_3141 : vector<16xf32> to vector<1x16xf32>
        tpu.vector_store %arg14[%swap3A_3146, %swap3A_3147], %swap3A_3150 {strides = array<i32>} : memref<64x128xf32, #tpu.memory_space<vmem>>, vector<1x16xf32>,
        %add3A_3151 = arith.constant 32 : i32
        %add3A_3152 = arith.addi %squeeze3A_3017, %add3A_3151 : i32
        %get3A_3153 = arith.index_cast %and3A_205 : i32 to index
        %get3A_3154 = arith.index_cast %add3A_3015 : i32 to index
        %get3A_3155 = arith.index_cast %add3A_3152 : i32 to index
        %get3A_3156 = tpu.vector_load %arg12[%get3A_3153, %get3A_3154, %get3A_3155] {strides = array<i32>} : memref<2x128x128xf32, #tpu.memory_space<vmem>>, vector<1x1x16xf32>,
        %get3A_3157 = vector.shape_cast %get3A_3156 : vector<1x1x16xf32> to vector<16xf32>
        %slice3A_3158 = vector.extract_strided_slice %gather3A_3038 {offsets = [0], sizes = [1], strides = [1]} : vector<16xf32> to vector<1xf32>
        %squeeze3A_3159 = vector.extract %slice3A_3158[0] : f32 from vector<1xf32>
        %mul3A_3160 = vector.broadcast %squeeze3A_3159 : f32 to vector<16xf32>
        %mul3A_3161 = arith.mulf %mul3A_3160, %get3A_24 : vector<16xf32>
        %add3A_3162 = arith.addf %get3A_3157, %mul3A_3161 : vector<16xf32>
        %slice3A_3163 = vector.extract_strided_slice %gather3A_3038 {offsets = [1], sizes = [1], strides = [1]} : vector<16xf32> to vector<1xf32>
        %squeeze3A_3164 = vector.extract %slice3A_3163[0] : f32 from vector<1xf32>
        %mul3A_3165 = vector.broadcast %squeeze3A_3164 : f32 to vector<16xf32>
        %mul3A_3166 = arith.mulf %mul3A_3165, %get3A_44 : vector<16xf32>
        %add3A_3167 = arith.addf %add3A_3162, %mul3A_3166 : vector<16xf32>
        %slice3A_3168 = vector.extract_strided_slice %gather3A_3038 {offsets = [2], sizes = [1], strides = [1]} : vector<16xf32> to vector<1xf32>
        %squeeze3A_3169 = vector.extract %slice3A_3168[0] : f32 from vector<1xf32>
        %mul3A_3170 = vector.broadcast %squeeze3A_3169 : f32 to vector<16xf32>
        %mul3A_3171 = arith.mulf %mul3A_3170, %get3A_64 : vector<16xf32>
        %add3A_3172 = arith.addf %add3A_3167, %mul3A_3171 : vector<16xf32>
        %slice3A_3173 = vector.extract_strided_slice %gather3A_3038 {offsets = [3], sizes = [1], strides = [1]} : vector<16xf32> to vector<1xf32>
        %squeeze3A_3174 = vector.extract %slice3A_3173[0] : f32 from vector<1xf32>
        %mul3A_3175 = vector.broadcast %squeeze3A_3174 : f32 to vector<16xf32>
        %mul3A_3176 = arith.mulf %mul3A_3175, %get3A_84 : vector<16xf32>
        %add3A_3177 = arith.addf %add3A_3172, %mul3A_3176 : vector<16xf32>
        %slice3A_3178 = vector.extract_strided_slice %gather3A_3038 {offsets = [4], sizes = [1], strides = [1]} : vector<16xf32> to vector<1xf32>
        %squeeze3A_3179 = vector.extract %slice3A_3178[0] : f32 from vector<1xf32>
        %mul3A_3180 = vector.broadcast %squeeze3A_3179 : f32 to vector<16xf32>
        %mul3A_3181 = arith.mulf %mul3A_3180, %get3A_104 : vector<16xf32>
        %add3A_3182 = arith.addf %add3A_3177, %mul3A_3181 : vector<16xf32>
        %slice3A_3183 = vector.extract_strided_slice %gather3A_3038 {offsets = [5], sizes = [1], strides = [1]} : vector<16xf32> to vector<1xf32>
        %squeeze3A_3184 = vector.extract %slice3A_3183[0] : f32 from vector<1xf32>
        %mul3A_3185 = vector.broadcast %squeeze3A_3184 : f32 to vector<16xf32>
        %mul3A_3186 = arith.mulf %mul3A_3185, %get3A_124 : vector<16xf32>
        %add3A_3187 = arith.addf %add3A_3182, %mul3A_3186 : vector<16xf32>
        %slice3A_3188 = vector.extract_strided_slice %gather3A_3038 {offsets = [6], sizes = [1], strides = [1]} : vector<16xf32> to vector<1xf32>
        %squeeze3A_3189 = vector.extract %slice3A_3188[0] : f32 from vector<1xf32>
        %mul3A_3190 = vector.broadcast %squeeze3A_3189 : f32 to vector<16xf32>
        %mul3A_3191 = arith.mulf %mul3A_3190, %get3A_144 : vector<16xf32>
        %add3A_3192 = arith.addf %add3A_3187, %mul3A_3191 : vector<16xf32>
        %slice3A_3193 = vector.extract_strided_slice %gather3A_3038 {offsets = [7], sizes = [1], strides = [1]} : vector<16xf32> to vector<1xf32>
        %squeeze3A_3194 = vector.extract %slice3A_3193[0] : f32 from vector<1xf32>
        %mul3A_3195 = vector.broadcast %squeeze3A_3194 : f32 to vector<16xf32>
        %mul3A_3196 = arith.mulf %mul3A_3195, %get3A_164 : vector<16xf32>
        %add3A_3197 = arith.addf %add3A_3192, %mul3A_3196 : vector<16xf32>
        %mul3A_3198 = arith.constant 8 : i32
        %mul3A_3199 = arith.muli %scan3A_245, %mul3A_3198 : i32
        %add3A_3200 = arith.constant 5 : i32
        %add3A_3201 = arith.addi %mul3A_3199, %add3A_3200 : i32
        %swap3A_3202 = arith.index_cast %add3A_3201 : i32 to index
        %swap3A_3203 = arith.constant 96 : index
        %swap3A_3204 = tpu.vector_load %arg14[%swap3A_3202, %swap3A_3203] {strides = array<i32>} : memref<64x128xf32, #tpu.memory_space<vmem>>, vector<1x16xf32>,
        %swap3A_3205 = vector.shape_cast %swap3A_3204 : vector<1x16xf32> to vector<16xf32>
        %swap3A_3206 = vector.shape_cast %add3A_3197 : vector<16xf32> to vector<1x16xf32>
        tpu.vector_store %arg14[%swap3A_3202, %swap3A_3203], %swap3A_3206 {strides = array<i32>} : memref<64x128xf32, #tpu.memory_space<vmem>>, vector<1x16xf32>,
        %add3A_3207 = arith.constant 48 : i32
        %add3A_3208 = arith.addi %squeeze3A_3017, %add3A_3207 : i32
        %get3A_3209 = arith.index_cast %and3A_205 : i32 to index
        %get3A_3210 = arith.index_cast %add3A_3015 : i32 to index
        %get3A_3211 = arith.index_cast %add3A_3208 : i32 to index
        %get3A_3212 = tpu.vector_load %arg12[%get3A_3209, %get3A_3210, %get3A_3211] {strides = array<i32>} : memref<2x128x128xf32, #tpu.memory_space<vmem>>, vector<1x1x16xf32>,
        %get3A_3213 = vector.shape_cast %get3A_3212 : vector<1x1x16xf32> to vector<16xf32>
        %slice3A_3214 = vector.extract_strided_slice %gather3A_3038 {offsets = [0], sizes = [1], strides = [1]} : vector<16xf32> to vector<1xf32>
        %squeeze3A_3215 = vector.extract %slice3A_3214[0] : f32 from vector<1xf32>
        %mul3A_3216 = vector.broadcast %squeeze3A_3215 : f32 to vector<16xf32>
        %mul3A_3217 = arith.mulf %mul3A_3216, %get3A_29 : vector<16xf32>
        %add3A_3218 = arith.addf %get3A_3213, %mul3A_3217 : vector<16xf32>
        %slice3A_3219 = vector.extract_strided_slice %gather3A_3038 {offsets = [1], sizes = [1], strides = [1]} : vector<16xf32> to vector<1xf32>
        %squeeze3A_3220 = vector.extract %slice3A_3219[0] : f32 from vector<1xf32>
        %mul3A_3221 = vector.broadcast %squeeze3A_3220 : f32 to vector<16xf32>
        %mul3A_3222 = arith.mulf %mul3A_3221, %get3A_49 : vector<16xf32>
        %add3A_3223 = arith.addf %add3A_3218, %mul3A_3222 : vector<16xf32>
        %slice3A_3224 = vector.extract_strided_slice %gather3A_3038 {offsets = [2], sizes = [1], strides = [1]} : vector<16xf32> to vector<1xf32>
        %squeeze3A_3225 = vector.extract %slice3A_3224[0] : f32 from vector<1xf32>
        %mul3A_3226 = vector.broadcast %squeeze3A_3225 : f32 to vector<16xf32>
        %mul3A_3227 = arith.mulf %mul3A_3226, %get3A_69 : vector<16xf32>
        %add3A_3228 = arith.addf %add3A_3223, %mul3A_3227 : vector<16xf32>
        %slice3A_3229 = vector.extract_strided_slice %gather3A_3038 {offsets = [3], sizes = [1], strides = [1]} : vector<16xf32> to vector<1xf32>
        %squeeze3A_3230 = vector.extract %slice3A_3229[0] : f32 from vector<1xf32>
        %mul3A_3231 = vector.broadcast %squeeze3A_3230 : f32 to vector<16xf32>
        %mul3A_3232 = arith.mulf %mul3A_3231, %get3A_89 : vector<16xf32>
        %add3A_3233 = arith.addf %add3A_3228, %mul3A_3232 : vector<16xf32>
        %slice3A_3234 = vector.extract_strided_slice %gather3A_3038 {offsets = [4], sizes = [1], strides = [1]} : vector<16xf32> to vector<1xf32>
        %squeeze3A_3235 = vector.extract %slice3A_3234[0] : f32 from vector<1xf32>
        %mul3A_3236 = vector.broadcast %squeeze3A_3235 : f32 to vector<16xf32>
        %mul3A_3237 = arith.mulf %mul3A_3236, %get3A_109 : vector<16xf32>
        %add3A_3238 = arith.addf %add3A_3233, %mul3A_3237 : vector<16xf32>
        %slice3A_3239 = vector.extract_strided_slice %gather3A_3038 {offsets = [5], sizes = [1], strides = [1]} : vector<16xf32> to vector<1xf32>
        %squeeze3A_3240 = vector.extract %slice3A_3239[0] : f32 from vector<1xf32>
        %mul3A_3241 = vector.broadcast %squeeze3A_3240 : f32 to vector<16xf32>
        %mul3A_3242 = arith.mulf %mul3A_3241, %get3A_129 : vector<16xf32>
        %add3A_3243 = arith.addf %add3A_3238, %mul3A_3242 : vector<16xf32>
        %slice3A_3244 = vector.extract_strided_slice %gather3A_3038 {offsets = [6], sizes = [1], strides = [1]} : vector<16xf32> to vector<1xf32>
        %squeeze3A_3245 = vector.extract %slice3A_3244[0] : f32 from vector<1xf32>
        %mul3A_3246 = vector.broadcast %squeeze3A_3245 : f32 to vector<16xf32>
        %mul3A_3247 = arith.mulf %mul3A_3246, %get3A_149 : vector<16xf32>
        %add3A_3248 = arith.addf %add3A_3243, %mul3A_3247 : vector<16xf32>
        %slice3A_3249 = vector.extract_strided_slice %gather3A_3038 {offsets = [7], sizes = [1], strides = [1]} : vector<16xf32> to vector<1xf32>
        %squeeze3A_3250 = vector.extract %slice3A_3249[0] : f32 from vector<1xf32>
        %mul3A_3251 = vector.broadcast %squeeze3A_3250 : f32 to vector<16xf32>
        %mul3A_3252 = arith.mulf %mul3A_3251, %get3A_169 : vector<16xf32>
        %add3A_3253 = arith.addf %add3A_3248, %mul3A_3252 : vector<16xf32>
        %mul3A_3254 = arith.constant 8 : i32
        %mul3A_3255 = arith.muli %scan3A_245, %mul3A_3254 : i32
        %add3A_3256 = arith.constant 5 : i32
        %add3A_3257 = arith.addi %mul3A_3255, %add3A_3256 : i32
        %swap3A_3258 = arith.index_cast %add3A_3257 : i32 to index
        %swap3A_3259 = arith.constant 112 : index
        %swap3A_3260 = tpu.vector_load %arg14[%swap3A_3258, %swap3A_3259] {strides = array<i32>} : memref<64x128xf32, #tpu.memory_space<vmem>>, vector<1x16xf32>,
        %swap3A_3261 = vector.shape_cast %swap3A_3260 : vector<1x16xf32> to vector<16xf32>
        %swap3A_3262 = vector.shape_cast %add3A_3253 : vector<16xf32> to vector<1x16xf32>
        tpu.vector_store %arg14[%swap3A_3258, %swap3A_3259], %swap3A_3262 {strides = array<i32>} : memref<64x128xf32, #tpu.memory_space<vmem>>, vector<1x16xf32>,
        %mul3A_3263 = arith.constant 16 : i32
        %mul3A_3264 = arith.muli %scan3A_245, %mul3A_3263 : i32
        %add3A_3265 = arith.constant 12 : i32
        %add3A_3266 = arith.addi %mul3A_3264, %add3A_3265 : i32
        %slice3A_3267 = vector.extract_strided_slice %get3A_251 {offsets = [12], sizes = [1], strides = [1]} : vector<16xi32> to vector<1xi32>
        %squeeze3A_3268 = vector.extract %slice3A_3267[0] : i32 from vector<1xi32>
        %slice3A_3269 = vector.extract_strided_slice %get3A_257 {offsets = [12], sizes = [1], strides = [1]} : vector<16xi32> to vector<1xi32>
        %squeeze3A_3270 = vector.extract %slice3A_3269[0] : i32 from vector<1xi32>
        %get3A_3271 = arith.index_cast %and3A_205 : i32 to index
        %get3A_3272 = arith.index_cast %add3A_3266 : i32 to index
        %get3A_3273 = arith.index_cast %squeeze3A_3270 : i32 to index
        %get3A_3274 = tpu.vector_load %arg13[%get3A_3271, %get3A_3272, %get3A_3273] {strides = array<i32>} : memref<2x128x128xf32, #tpu.memory_space<vmem>>, vector<1x1x16xf32>,
        %get3A_3275 = vector.shape_cast %get3A_3274 : vector<1x1x16xf32> to vector<16xf32>
        %shift_right_arithmetic3A_3276 = arith.constant 3 : i32
        %shift_right_arithmetic3A_3277 = arith.shrsi %squeeze3A_3268, %shift_right_arithmetic3A_3276 : i32
        %add3A_3278 = vector.broadcast %shift_right_arithmetic3A_3277 : i32 to vector<16xi32>
        %add3A_3279 = arith.addi %and3A_171, %add3A_3278 : vector<16xi32>
        %lt3A_3280 = arith.constant 0 : i32
        %lt3A_3281 = vector.broadcast %lt3A_3280 : i32 to vector<16xi32>
        %lt3A_3282 = arith.cmpi slt, %add3A_3279, %lt3A_3281 : vector<16xi32>
        %add3A_3283 = arith.constant 16 : i32
        %add3A_3284 = vector.broadcast %add3A_3283 : i32 to vector<16xi32>
        %add3A_3285 = arith.addi %add3A_3279, %add3A_3284 : vector<16xi32>
        %select_n3A_3286 = arith.select %lt3A_3282, %add3A_3285, %add3A_3279 : vector<16xi1>, vector<16xi32>
        %broadcast_in_dim3A_3287 = vector.shape_cast %select_n3A_3286 : vector<16xi32> to vector<16x1xi32>
        %gather3A_3288 = vector.shape_cast %broadcast_in_dim3A_3287 : vector<16x1xi32> to vector<16xi32>
        %gather3A_3289 = tpu.dynamic_gather %get3A_3275[%gather3A_3288] in [0] : vector<16xf32>, vector<16xi32> -> vector<16xf32>
        %add3A_3290 = arith.constant 0 : i32
        %add3A_3291 = arith.addi %squeeze3A_3268, %add3A_3290 : i32
        %get3A_3292 = arith.index_cast %and3A_205 : i32 to index
        %get3A_3293 = arith.index_cast %add3A_3266 : i32 to index
        %get3A_3294 = arith.index_cast %add3A_3291 : i32 to index
        %get3A_3295 = tpu.vector_load %arg12[%get3A_3292, %get3A_3293, %get3A_3294] {strides = array<i32>} : memref<2x128x128xf32, #tpu.memory_space<vmem>>, vector<1x1x16xf32>,
        %get3A_3296 = vector.shape_cast %get3A_3295 : vector<1x1x16xf32> to vector<16xf32>
        %slice3A_3297 = vector.extract_strided_slice %gather3A_3289 {offsets = [0], sizes = [1], strides = [1]} : vector<16xf32> to vector<1xf32>
        %squeeze3A_3298 = vector.extract %slice3A_3297[0] : f32 from vector<1xf32>
        %mul3A_3299 = vector.broadcast %squeeze3A_3298 : f32 to vector<16xf32>
        %mul3A_3300 = arith.mulf %mul3A_3299, %get3A_14 : vector<16xf32>
        %add3A_3301 = arith.addf %get3A_3296, %mul3A_3300 : vector<16xf32>
        %slice3A_3302 = vector.extract_strided_slice %gather3A_3289 {offsets = [1], sizes = [1], strides = [1]} : vector<16xf32> to vector<1xf32>
        %squeeze3A_3303 = vector.extract %slice3A_3302[0] : f32 from vector<1xf32>
        %mul3A_3304 = vector.broadcast %squeeze3A_3303 : f32 to vector<16xf32>
        %mul3A_3305 = arith.mulf %mul3A_3304, %get3A_34 : vector<16xf32>
        %add3A_3306 = arith.addf %add3A_3301, %mul3A_3305 : vector<16xf32>
        %slice3A_3307 = vector.extract_strided_slice %gather3A_3289 {offsets = [2], sizes = [1], strides = [1]} : vector<16xf32> to vector<1xf32>
        %squeeze3A_3308 = vector.extract %slice3A_3307[0] : f32 from vector<1xf32>
        %mul3A_3309 = vector.broadcast %squeeze3A_3308 : f32 to vector<16xf32>
        %mul3A_3310 = arith.mulf %mul3A_3309, %get3A_54 : vector<16xf32>
        %add3A_3311 = arith.addf %add3A_3306, %mul3A_3310 : vector<16xf32>
        %slice3A_3312 = vector.extract_strided_slice %gather3A_3289 {offsets = [3], sizes = [1], strides = [1]} : vector<16xf32> to vector<1xf32>
        %squeeze3A_3313 = vector.extract %slice3A_3312[0] : f32 from vector<1xf32>
        %mul3A_3314 = vector.broadcast %squeeze3A_3313 : f32 to vector<16xf32>
        %mul3A_3315 = arith.mulf %mul3A_3314, %get3A_74 : vector<16xf32>
        %add3A_3316 = arith.addf %add3A_3311, %mul3A_3315 : vector<16xf32>
        %slice3A_3317 = vector.extract_strided_slice %gather3A_3289 {offsets = [4], sizes = [1], strides = [1]} : vector<16xf32> to vector<1xf32>
        %squeeze3A_3318 = vector.extract %slice3A_3317[0] : f32 from vector<1xf32>
        %mul3A_3319 = vector.broadcast %squeeze3A_3318 : f32 to vector<16xf32>
        %mul3A_3320 = arith.mulf %mul3A_3319, %get3A_94 : vector<16xf32>
        %add3A_3321 = arith.addf %add3A_3316, %mul3A_3320 : vector<16xf32>
        %slice3A_3322 = vector.extract_strided_slice %gather3A_3289 {offsets = [5], sizes = [1], strides = [1]} : vector<16xf32> to vector<1xf32>
        %squeeze3A_3323 = vector.extract %slice3A_3322[0] : f32 from vector<1xf32>
        %mul3A_3324 = vector.broadcast %squeeze3A_3323 : f32 to vector<16xf32>
        %mul3A_3325 = arith.mulf %mul3A_3324, %get3A_114 : vector<16xf32>
        %add3A_3326 = arith.addf %add3A_3321, %mul3A_3325 : vector<16xf32>
        %slice3A_3327 = vector.extract_strided_slice %gather3A_3289 {offsets = [6], sizes = [1], strides = [1]} : vector<16xf32> to vector<1xf32>
        %squeeze3A_3328 = vector.extract %slice3A_3327[0] : f32 from vector<1xf32>
        %mul3A_3329 = vector.broadcast %squeeze3A_3328 : f32 to vector<16xf32>
        %mul3A_3330 = arith.mulf %mul3A_3329, %get3A_134 : vector<16xf32>
        %add3A_3331 = arith.addf %add3A_3326, %mul3A_3330 : vector<16xf32>
        %slice3A_3332 = vector.extract_strided_slice %gather3A_3289 {offsets = [7], sizes = [1], strides = [1]} : vector<16xf32> to vector<1xf32>
        %squeeze3A_3333 = vector.extract %slice3A_3332[0] : f32 from vector<1xf32>
        %mul3A_3334 = vector.broadcast %squeeze3A_3333 : f32 to vector<16xf32>
        %mul3A_3335 = arith.mulf %mul3A_3334, %get3A_154 : vector<16xf32>
        %add3A_3336 = arith.addf %add3A_3331, %mul3A_3335 : vector<16xf32>
        %mul3A_3337 = arith.constant 8 : i32
        %mul3A_3338 = arith.muli %scan3A_245, %mul3A_3337 : i32
        %add3A_3339 = arith.constant 6 : i32
        %add3A_3340 = arith.addi %mul3A_3338, %add3A_3339 : i32
        %swap3A_3341 = arith.index_cast %add3A_3340 : i32 to index
        %swap3A_3342 = arith.constant 0 : index
        %swap3A_3343 = tpu.vector_load %arg14[%swap3A_3341, %swap3A_3342] {strides = array<i32>} : memref<64x128xf32, #tpu.memory_space<vmem>>, vector<1x16xf32>,
        %swap3A_3344 = vector.shape_cast %swap3A_3343 : vector<1x16xf32> to vector<16xf32>
        %swap3A_3345 = vector.shape_cast %add3A_3336 : vector<16xf32> to vector<1x16xf32>
        tpu.vector_store %arg14[%swap3A_3341, %swap3A_3342], %swap3A_3345 {strides = array<i32>} : memref<64x128xf32, #tpu.memory_space<vmem>>, vector<1x16xf32>,
        %add3A_3346 = arith.constant 16 : i32
        %add3A_3347 = arith.addi %squeeze3A_3268, %add3A_3346 : i32
        %get3A_3348 = arith.index_cast %and3A_205 : i32 to index
        %get3A_3349 = arith.index_cast %add3A_3266 : i32 to index
        %get3A_3350 = arith.index_cast %add3A_3347 : i32 to index
        %get3A_3351 = tpu.vector_load %arg12[%get3A_3348, %get3A_3349, %get3A_3350] {strides = array<i32>} : memref<2x128x128xf32, #tpu.memory_space<vmem>>, vector<1x1x16xf32>,
        %get3A_3352 = vector.shape_cast %get3A_3351 : vector<1x1x16xf32> to vector<16xf32>
        %slice3A_3353 = vector.extract_strided_slice %gather3A_3289 {offsets = [0], sizes = [1], strides = [1]} : vector<16xf32> to vector<1xf32>
        %squeeze3A_3354 = vector.extract %slice3A_3353[0] : f32 from vector<1xf32>
        %mul3A_3355 = vector.broadcast %squeeze3A_3354 : f32 to vector<16xf32>
        %mul3A_3356 = arith.mulf %mul3A_3355, %get3A_19 : vector<16xf32>
        %add3A_3357 = arith.addf %get3A_3352, %mul3A_3356 : vector<16xf32>
        %slice3A_3358 = vector.extract_strided_slice %gather3A_3289 {offsets = [1], sizes = [1], strides = [1]} : vector<16xf32> to vector<1xf32>
        %squeeze3A_3359 = vector.extract %slice3A_3358[0] : f32 from vector<1xf32>
        %mul3A_3360 = vector.broadcast %squeeze3A_3359 : f32 to vector<16xf32>
        %mul3A_3361 = arith.mulf %mul3A_3360, %get3A_39 : vector<16xf32>
        %add3A_3362 = arith.addf %add3A_3357, %mul3A_3361 : vector<16xf32>
        %slice3A_3363 = vector.extract_strided_slice %gather3A_3289 {offsets = [2], sizes = [1], strides = [1]} : vector<16xf32> to vector<1xf32>
        %squeeze3A_3364 = vector.extract %slice3A_3363[0] : f32 from vector<1xf32>
        %mul3A_3365 = vector.broadcast %squeeze3A_3364 : f32 to vector<16xf32>
        %mul3A_3366 = arith.mulf %mul3A_3365, %get3A_59 : vector<16xf32>
        %add3A_3367 = arith.addf %add3A_3362, %mul3A_3366 : vector<16xf32>
        %slice3A_3368 = vector.extract_strided_slice %gather3A_3289 {offsets = [3], sizes = [1], strides = [1]} : vector<16xf32> to vector<1xf32>
        %squeeze3A_3369 = vector.extract %slice3A_3368[0] : f32 from vector<1xf32>
        %mul3A_3370 = vector.broadcast %squeeze3A_3369 : f32 to vector<16xf32>
        %mul3A_3371 = arith.mulf %mul3A_3370, %get3A_79 : vector<16xf32>
        %add3A_3372 = arith.addf %add3A_3367, %mul3A_3371 : vector<16xf32>
        %slice3A_3373 = vector.extract_strided_slice %gather3A_3289 {offsets = [4], sizes = [1], strides = [1]} : vector<16xf32> to vector<1xf32>
        %squeeze3A_3374 = vector.extract %slice3A_3373[0] : f32 from vector<1xf32>
        %mul3A_3375 = vector.broadcast %squeeze3A_3374 : f32 to vector<16xf32>
        %mul3A_3376 = arith.mulf %mul3A_3375, %get3A_99 : vector<16xf32>
        %add3A_3377 = arith.addf %add3A_3372, %mul3A_3376 : vector<16xf32>
        %slice3A_3378 = vector.extract_strided_slice %gather3A_3289 {offsets = [5], sizes = [1], strides = [1]} : vector<16xf32> to vector<1xf32>
        %squeeze3A_3379 = vector.extract %slice3A_3378[0] : f32 from vector<1xf32>
        %mul3A_3380 = vector.broadcast %squeeze3A_3379 : f32 to vector<16xf32>
        %mul3A_3381 = arith.mulf %mul3A_3380, %get3A_119 : vector<16xf32>
        %add3A_3382 = arith.addf %add3A_3377, %mul3A_3381 : vector<16xf32>
        %slice3A_3383 = vector.extract_strided_slice %gather3A_3289 {offsets = [6], sizes = [1], strides = [1]} : vector<16xf32> to vector<1xf32>
        %squeeze3A_3384 = vector.extract %slice3A_3383[0] : f32 from vector<1xf32>
        %mul3A_3385 = vector.broadcast %squeeze3A_3384 : f32 to vector<16xf32>
        %mul3A_3386 = arith.mulf %mul3A_3385, %get3A_139 : vector<16xf32>
        %add3A_3387 = arith.addf %add3A_3382, %mul3A_3386 : vector<16xf32>
        %slice3A_3388 = vector.extract_strided_slice %gather3A_3289 {offsets = [7], sizes = [1], strides = [1]} : vector<16xf32> to vector<1xf32>
        %squeeze3A_3389 = vector.extract %slice3A_3388[0] : f32 from vector<1xf32>
        %mul3A_3390 = vector.broadcast %squeeze3A_3389 : f32 to vector<16xf32>
        %mul3A_3391 = arith.mulf %mul3A_3390, %get3A_159 : vector<16xf32>
        %add3A_3392 = arith.addf %add3A_3387, %mul3A_3391 : vector<16xf32>
        %mul3A_3393 = arith.constant 8 : i32
        %mul3A_3394 = arith.muli %scan3A_245, %mul3A_3393 : i32
        %add3A_3395 = arith.constant 6 : i32
        %add3A_3396 = arith.addi %mul3A_3394, %add3A_3395 : i32
        %swap3A_3397 = arith.index_cast %add3A_3396 : i32 to index
        %swap3A_3398 = arith.constant 16 : index
        %swap3A_3399 = tpu.vector_load %arg14[%swap3A_3397, %swap3A_3398] {strides = array<i32>} : memref<64x128xf32, #tpu.memory_space<vmem>>, vector<1x16xf32>,
        %swap3A_3400 = vector.shape_cast %swap3A_3399 : vector<1x16xf32> to vector<16xf32>
        %swap3A_3401 = vector.shape_cast %add3A_3392 : vector<16xf32> to vector<1x16xf32>
        tpu.vector_store %arg14[%swap3A_3397, %swap3A_3398], %swap3A_3401 {strides = array<i32>} : memref<64x128xf32, #tpu.memory_space<vmem>>, vector<1x16xf32>,
        %add3A_3402 = arith.constant 32 : i32
        %add3A_3403 = arith.addi %squeeze3A_3268, %add3A_3402 : i32
        %get3A_3404 = arith.index_cast %and3A_205 : i32 to index
        %get3A_3405 = arith.index_cast %add3A_3266 : i32 to index
        %get3A_3406 = arith.index_cast %add3A_3403 : i32 to index
        %get3A_3407 = tpu.vector_load %arg12[%get3A_3404, %get3A_3405, %get3A_3406] {strides = array<i32>} : memref<2x128x128xf32, #tpu.memory_space<vmem>>, vector<1x1x16xf32>,
        %get3A_3408 = vector.shape_cast %get3A_3407 : vector<1x1x16xf32> to vector<16xf32>
        %slice3A_3409 = vector.extract_strided_slice %gather3A_3289 {offsets = [0], sizes = [1], strides = [1]} : vector<16xf32> to vector<1xf32>
        %squeeze3A_3410 = vector.extract %slice3A_3409[0] : f32 from vector<1xf32>
        %mul3A_3411 = vector.broadcast %squeeze3A_3410 : f32 to vector<16xf32>
        %mul3A_3412 = arith.mulf %mul3A_3411, %get3A_24 : vector<16xf32>
        %add3A_3413 = arith.addf %get3A_3408, %mul3A_3412 : vector<16xf32>
        %slice3A_3414 = vector.extract_strided_slice %gather3A_3289 {offsets = [1], sizes = [1], strides = [1]} : vector<16xf32> to vector<1xf32>
        %squeeze3A_3415 = vector.extract %slice3A_3414[0] : f32 from vector<1xf32>
        %mul3A_3416 = vector.broadcast %squeeze3A_3415 : f32 to vector<16xf32>
        %mul3A_3417 = arith.mulf %mul3A_3416, %get3A_44 : vector<16xf32>
        %add3A_3418 = arith.addf %add3A_3413, %mul3A_3417 : vector<16xf32>
        %slice3A_3419 = vector.extract_strided_slice %gather3A_3289 {offsets = [2], sizes = [1], strides = [1]} : vector<16xf32> to vector<1xf32>
        %squeeze3A_3420 = vector.extract %slice3A_3419[0] : f32 from vector<1xf32>
        %mul3A_3421 = vector.broadcast %squeeze3A_3420 : f32 to vector<16xf32>
        %mul3A_3422 = arith.mulf %mul3A_3421, %get3A_64 : vector<16xf32>
        %add3A_3423 = arith.addf %add3A_3418, %mul3A_3422 : vector<16xf32>
        %slice3A_3424 = vector.extract_strided_slice %gather3A_3289 {offsets = [3], sizes = [1], strides = [1]} : vector<16xf32> to vector<1xf32>
        %squeeze3A_3425 = vector.extract %slice3A_3424[0] : f32 from vector<1xf32>
        %mul3A_3426 = vector.broadcast %squeeze3A_3425 : f32 to vector<16xf32>
        %mul3A_3427 = arith.mulf %mul3A_3426, %get3A_84 : vector<16xf32>
        %add3A_3428 = arith.addf %add3A_3423, %mul3A_3427 : vector<16xf32>
        %slice3A_3429 = vector.extract_strided_slice %gather3A_3289 {offsets = [4], sizes = [1], strides = [1]} : vector<16xf32> to vector<1xf32>
        %squeeze3A_3430 = vector.extract %slice3A_3429[0] : f32 from vector<1xf32>
        %mul3A_3431 = vector.broadcast %squeeze3A_3430 : f32 to vector<16xf32>
        %mul3A_3432 = arith.mulf %mul3A_3431, %get3A_104 : vector<16xf32>
        %add3A_3433 = arith.addf %add3A_3428, %mul3A_3432 : vector<16xf32>
        %slice3A_3434 = vector.extract_strided_slice %gather3A_3289 {offsets = [5], sizes = [1], strides = [1]} : vector<16xf32> to vector<1xf32>
        %squeeze3A_3435 = vector.extract %slice3A_3434[0] : f32 from vector<1xf32>
        %mul3A_3436 = vector.broadcast %squeeze3A_3435 : f32 to vector<16xf32>
        %mul3A_3437 = arith.mulf %mul3A_3436, %get3A_124 : vector<16xf32>
        %add3A_3438 = arith.addf %add3A_3433, %mul3A_3437 : vector<16xf32>
        %slice3A_3439 = vector.extract_strided_slice %gather3A_3289 {offsets = [6], sizes = [1], strides = [1]} : vector<16xf32> to vector<1xf32>
        %squeeze3A_3440 = vector.extract %slice3A_3439[0] : f32 from vector<1xf32>
        %mul3A_3441 = vector.broadcast %squeeze3A_3440 : f32 to vector<16xf32>
        %mul3A_3442 = arith.mulf %mul3A_3441, %get3A_144 : vector<16xf32>
        %add3A_3443 = arith.addf %add3A_3438, %mul3A_3442 : vector<16xf32>
        %slice3A_3444 = vector.extract_strided_slice %gather3A_3289 {offsets = [7], sizes = [1], strides = [1]} : vector<16xf32> to vector<1xf32>
        %squeeze3A_3445 = vector.extract %slice3A_3444[0] : f32 from vector<1xf32>
        %mul3A_3446 = vector.broadcast %squeeze3A_3445 : f32 to vector<16xf32>
        %mul3A_3447 = arith.mulf %mul3A_3446, %get3A_164 : vector<16xf32>
        %add3A_3448 = arith.addf %add3A_3443, %mul3A_3447 : vector<16xf32>
        %mul3A_3449 = arith.constant 8 : i32
        %mul3A_3450 = arith.muli %scan3A_245, %mul3A_3449 : i32
        %add3A_3451 = arith.constant 6 : i32
        %add3A_3452 = arith.addi %mul3A_3450, %add3A_3451 : i32
        %swap3A_3453 = arith.index_cast %add3A_3452 : i32 to index
        %swap3A_3454 = arith.constant 32 : index
        %swap3A_3455 = tpu.vector_load %arg14[%swap3A_3453, %swap3A_3454] {strides = array<i32>} : memref<64x128xf32, #tpu.memory_space<vmem>>, vector<1x16xf32>,
        %swap3A_3456 = vector.shape_cast %swap3A_3455 : vector<1x16xf32> to vector<16xf32>
        %swap3A_3457 = vector.shape_cast %add3A_3448 : vector<16xf32> to vector<1x16xf32>
        tpu.vector_store %arg14[%swap3A_3453, %swap3A_3454], %swap3A_3457 {strides = array<i32>} : memref<64x128xf32, #tpu.memory_space<vmem>>, vector<1x16xf32>,
        %add3A_3458 = arith.constant 48 : i32
        %add3A_3459 = arith.addi %squeeze3A_3268, %add3A_3458 : i32
        %get3A_3460 = arith.index_cast %and3A_205 : i32 to index
        %get3A_3461 = arith.index_cast %add3A_3266 : i32 to index
        %get3A_3462 = arith.index_cast %add3A_3459 : i32 to index
        %get3A_3463 = tpu.vector_load %arg12[%get3A_3460, %get3A_3461, %get3A_3462] {strides = array<i32>} : memref<2x128x128xf32, #tpu.memory_space<vmem>>, vector<1x1x16xf32>,
        %get3A_3464 = vector.shape_cast %get3A_3463 : vector<1x1x16xf32> to vector<16xf32>
        %slice3A_3465 = vector.extract_strided_slice %gather3A_3289 {offsets = [0], sizes = [1], strides = [1]} : vector<16xf32> to vector<1xf32>
        %squeeze3A_3466 = vector.extract %slice3A_3465[0] : f32 from vector<1xf32>
        %mul3A_3467 = vector.broadcast %squeeze3A_3466 : f32 to vector<16xf32>
        %mul3A_3468 = arith.mulf %mul3A_3467, %get3A_29 : vector<16xf32>
        %add3A_3469 = arith.addf %get3A_3464, %mul3A_3468 : vector<16xf32>
        %slice3A_3470 = vector.extract_strided_slice %gather3A_3289 {offsets = [1], sizes = [1], strides = [1]} : vector<16xf32> to vector<1xf32>
        %squeeze3A_3471 = vector.extract %slice3A_3470[0] : f32 from vector<1xf32>
        %mul3A_3472 = vector.broadcast %squeeze3A_3471 : f32 to vector<16xf32>
        %mul3A_3473 = arith.mulf %mul3A_3472, %get3A_49 : vector<16xf32>
        %add3A_3474 = arith.addf %add3A_3469, %mul3A_3473 : vector<16xf32>
        %slice3A_3475 = vector.extract_strided_slice %gather3A_3289 {offsets = [2], sizes = [1], strides = [1]} : vector<16xf32> to vector<1xf32>
        %squeeze3A_3476 = vector.extract %slice3A_3475[0] : f32 from vector<1xf32>
        %mul3A_3477 = vector.broadcast %squeeze3A_3476 : f32 to vector<16xf32>
        %mul3A_3478 = arith.mulf %mul3A_3477, %get3A_69 : vector<16xf32>
        %add3A_3479 = arith.addf %add3A_3474, %mul3A_3478 : vector<16xf32>
        %slice3A_3480 = vector.extract_strided_slice %gather3A_3289 {offsets = [3], sizes = [1], strides = [1]} : vector<16xf32> to vector<1xf32>
        %squeeze3A_3481 = vector.extract %slice3A_3480[0] : f32 from vector<1xf32>
        %mul3A_3482 = vector.broadcast %squeeze3A_3481 : f32 to vector<16xf32>
        %mul3A_3483 = arith.mulf %mul3A_3482, %get3A_89 : vector<16xf32>
        %add3A_3484 = arith.addf %add3A_3479, %mul3A_3483 : vector<16xf32>
        %slice3A_3485 = vector.extract_strided_slice %gather3A_3289 {offsets = [4], sizes = [1], strides = [1]} : vector<16xf32> to vector<1xf32>
        %squeeze3A_3486 = vector.extract %slice3A_3485[0] : f32 from vector<1xf32>
        %mul3A_3487 = vector.broadcast %squeeze3A_3486 : f32 to vector<16xf32>
        %mul3A_3488 = arith.mulf %mul3A_3487, %get3A_109 : vector<16xf32>
        %add3A_3489 = arith.addf %add3A_3484, %mul3A_3488 : vector<16xf32>
        %slice3A_3490 = vector.extract_strided_slice %gather3A_3289 {offsets = [5], sizes = [1], strides = [1]} : vector<16xf32> to vector<1xf32>
        %squeeze3A_3491 = vector.extract %slice3A_3490[0] : f32 from vector<1xf32>
        %mul3A_3492 = vector.broadcast %squeeze3A_3491 : f32 to vector<16xf32>
        %mul3A_3493 = arith.mulf %mul3A_3492, %get3A_129 : vector<16xf32>
        %add3A_3494 = arith.addf %add3A_3489, %mul3A_3493 : vector<16xf32>
        %slice3A_3495 = vector.extract_strided_slice %gather3A_3289 {offsets = [6], sizes = [1], strides = [1]} : vector<16xf32> to vector<1xf32>
        %squeeze3A_3496 = vector.extract %slice3A_3495[0] : f32 from vector<1xf32>
        %mul3A_3497 = vector.broadcast %squeeze3A_3496 : f32 to vector<16xf32>
        %mul3A_3498 = arith.mulf %mul3A_3497, %get3A_149 : vector<16xf32>
        %add3A_3499 = arith.addf %add3A_3494, %mul3A_3498 : vector<16xf32>
        %slice3A_3500 = vector.extract_strided_slice %gather3A_3289 {offsets = [7], sizes = [1], strides = [1]} : vector<16xf32> to vector<1xf32>
        %squeeze3A_3501 = vector.extract %slice3A_3500[0] : f32 from vector<1xf32>
        %mul3A_3502 = vector.broadcast %squeeze3A_3501 : f32 to vector<16xf32>
        %mul3A_3503 = arith.mulf %mul3A_3502, %get3A_169 : vector<16xf32>
        %add3A_3504 = arith.addf %add3A_3499, %mul3A_3503 : vector<16xf32>
        %mul3A_3505 = arith.constant 8 : i32
        %mul3A_3506 = arith.muli %scan3A_245, %mul3A_3505 : i32
        %add3A_3507 = arith.constant 6 : i32
        %add3A_3508 = arith.addi %mul3A_3506, %add3A_3507 : i32
        %swap3A_3509 = arith.index_cast %add3A_3508 : i32 to index
        %swap3A_3510 = arith.constant 48 : index
        %swap3A_3511 = tpu.vector_load %arg14[%swap3A_3509, %swap3A_3510] {strides = array<i32>} : memref<64x128xf32, #tpu.memory_space<vmem>>, vector<1x16xf32>,
        %swap3A_3512 = vector.shape_cast %swap3A_3511 : vector<1x16xf32> to vector<16xf32>
        %swap3A_3513 = vector.shape_cast %add3A_3504 : vector<16xf32> to vector<1x16xf32>
        tpu.vector_store %arg14[%swap3A_3509, %swap3A_3510], %swap3A_3513 {strides = array<i32>} : memref<64x128xf32, #tpu.memory_space<vmem>>, vector<1x16xf32>,
        %mul3A_3514 = arith.constant 16 : i32
        %mul3A_3515 = arith.muli %scan3A_245, %mul3A_3514 : i32
        %add3A_3516 = arith.constant 13 : i32
        %add3A_3517 = arith.addi %mul3A_3515, %add3A_3516 : i32
        %slice3A_3518 = vector.extract_strided_slice %get3A_251 {offsets = [13], sizes = [1], strides = [1]} : vector<16xi32> to vector<1xi32>
        %squeeze3A_3519 = vector.extract %slice3A_3518[0] : i32 from vector<1xi32>
        %slice3A_3520 = vector.extract_strided_slice %get3A_257 {offsets = [13], sizes = [1], strides = [1]} : vector<16xi32> to vector<1xi32>
        %squeeze3A_3521 = vector.extract %slice3A_3520[0] : i32 from vector<1xi32>
        %get3A_3522 = arith.index_cast %and3A_205 : i32 to index
        %get3A_3523 = arith.index_cast %add3A_3517 : i32 to index
        %get3A_3524 = arith.index_cast %squeeze3A_3521 : i32 to index
        %get3A_3525 = tpu.vector_load %arg13[%get3A_3522, %get3A_3523, %get3A_3524] {strides = array<i32>} : memref<2x128x128xf32, #tpu.memory_space<vmem>>, vector<1x1x16xf32>,
        %get3A_3526 = vector.shape_cast %get3A_3525 : vector<1x1x16xf32> to vector<16xf32>
        %shift_right_arithmetic3A_3527 = arith.constant 3 : i32
        %shift_right_arithmetic3A_3528 = arith.shrsi %squeeze3A_3519, %shift_right_arithmetic3A_3527 : i32
        %add3A_3529 = vector.broadcast %shift_right_arithmetic3A_3528 : i32 to vector<16xi32>
        %add3A_3530 = arith.addi %and3A_171, %add3A_3529 : vector<16xi32>
        %lt3A_3531 = arith.constant 0 : i32
        %lt3A_3532 = vector.broadcast %lt3A_3531 : i32 to vector<16xi32>
        %lt3A_3533 = arith.cmpi slt, %add3A_3530, %lt3A_3532 : vector<16xi32>
        %add3A_3534 = arith.constant 16 : i32
        %add3A_3535 = vector.broadcast %add3A_3534 : i32 to vector<16xi32>
        %add3A_3536 = arith.addi %add3A_3530, %add3A_3535 : vector<16xi32>
        %select_n3A_3537 = arith.select %lt3A_3533, %add3A_3536, %add3A_3530 : vector<16xi1>, vector<16xi32>
        %broadcast_in_dim3A_3538 = vector.shape_cast %select_n3A_3537 : vector<16xi32> to vector<16x1xi32>
        %gather3A_3539 = vector.shape_cast %broadcast_in_dim3A_3538 : vector<16x1xi32> to vector<16xi32>
        %gather3A_3540 = tpu.dynamic_gather %get3A_3526[%gather3A_3539] in [0] : vector<16xf32>, vector<16xi32> -> vector<16xf32>
        %add3A_3541 = arith.constant 0 : i32
        %add3A_3542 = arith.addi %squeeze3A_3519, %add3A_3541 : i32
        %get3A_3543 = arith.index_cast %and3A_205 : i32 to index
        %get3A_3544 = arith.index_cast %add3A_3517 : i32 to index
        %get3A_3545 = arith.index_cast %add3A_3542 : i32 to index
        %get3A_3546 = tpu.vector_load %arg12[%get3A_3543, %get3A_3544, %get3A_3545] {strides = array<i32>} : memref<2x128x128xf32, #tpu.memory_space<vmem>>, vector<1x1x16xf32>,
        %get3A_3547 = vector.shape_cast %get3A_3546 : vector<1x1x16xf32> to vector<16xf32>
        %slice3A_3548 = vector.extract_strided_slice %gather3A_3540 {offsets = [0], sizes = [1], strides = [1]} : vector<16xf32> to vector<1xf32>
        %squeeze3A_3549 = vector.extract %slice3A_3548[0] : f32 from vector<1xf32>
        %mul3A_3550 = vector.broadcast %squeeze3A_3549 : f32 to vector<16xf32>
        %mul3A_3551 = arith.mulf %mul3A_3550, %get3A_14 : vector<16xf32>
        %add3A_3552 = arith.addf %get3A_3547, %mul3A_3551 : vector<16xf32>
        %slice3A_3553 = vector.extract_strided_slice %gather3A_3540 {offsets = [1], sizes = [1], strides = [1]} : vector<16xf32> to vector<1xf32>
        %squeeze3A_3554 = vector.extract %slice3A_3553[0] : f32 from vector<1xf32>
        %mul3A_3555 = vector.broadcast %squeeze3A_3554 : f32 to vector<16xf32>
        %mul3A_3556 = arith.mulf %mul3A_3555, %get3A_34 : vector<16xf32>
        %add3A_3557 = arith.addf %add3A_3552, %mul3A_3556 : vector<16xf32>
        %slice3A_3558 = vector.extract_strided_slice %gather3A_3540 {offsets = [2], sizes = [1], strides = [1]} : vector<16xf32> to vector<1xf32>
        %squeeze3A_3559 = vector.extract %slice3A_3558[0] : f32 from vector<1xf32>
        %mul3A_3560 = vector.broadcast %squeeze3A_3559 : f32 to vector<16xf32>
        %mul3A_3561 = arith.mulf %mul3A_3560, %get3A_54 : vector<16xf32>
        %add3A_3562 = arith.addf %add3A_3557, %mul3A_3561 : vector<16xf32>
        %slice3A_3563 = vector.extract_strided_slice %gather3A_3540 {offsets = [3], sizes = [1], strides = [1]} : vector<16xf32> to vector<1xf32>
        %squeeze3A_3564 = vector.extract %slice3A_3563[0] : f32 from vector<1xf32>
        %mul3A_3565 = vector.broadcast %squeeze3A_3564 : f32 to vector<16xf32>
        %mul3A_3566 = arith.mulf %mul3A_3565, %get3A_74 : vector<16xf32>
        %add3A_3567 = arith.addf %add3A_3562, %mul3A_3566 : vector<16xf32>
        %slice3A_3568 = vector.extract_strided_slice %gather3A_3540 {offsets = [4], sizes = [1], strides = [1]} : vector<16xf32> to vector<1xf32>
        %squeeze3A_3569 = vector.extract %slice3A_3568[0] : f32 from vector<1xf32>
        %mul3A_3570 = vector.broadcast %squeeze3A_3569 : f32 to vector<16xf32>
        %mul3A_3571 = arith.mulf %mul3A_3570, %get3A_94 : vector<16xf32>
        %add3A_3572 = arith.addf %add3A_3567, %mul3A_3571 : vector<16xf32>
        %slice3A_3573 = vector.extract_strided_slice %gather3A_3540 {offsets = [5], sizes = [1], strides = [1]} : vector<16xf32> to vector<1xf32>
        %squeeze3A_3574 = vector.extract %slice3A_3573[0] : f32 from vector<1xf32>
        %mul3A_3575 = vector.broadcast %squeeze3A_3574 : f32 to vector<16xf32>
        %mul3A_3576 = arith.mulf %mul3A_3575, %get3A_114 : vector<16xf32>
        %add3A_3577 = arith.addf %add3A_3572, %mul3A_3576 : vector<16xf32>
        %slice3A_3578 = vector.extract_strided_slice %gather3A_3540 {offsets = [6], sizes = [1], strides = [1]} : vector<16xf32> to vector<1xf32>
        %squeeze3A_3579 = vector.extract %slice3A_3578[0] : f32 from vector<1xf32>
        %mul3A_3580 = vector.broadcast %squeeze3A_3579 : f32 to vector<16xf32>
        %mul3A_3581 = arith.mulf %mul3A_3580, %get3A_134 : vector<16xf32>
        %add3A_3582 = arith.addf %add3A_3577, %mul3A_3581 : vector<16xf32>
        %slice3A_3583 = vector.extract_strided_slice %gather3A_3540 {offsets = [7], sizes = [1], strides = [1]} : vector<16xf32> to vector<1xf32>
        %squeeze3A_3584 = vector.extract %slice3A_3583[0] : f32 from vector<1xf32>
        %mul3A_3585 = vector.broadcast %squeeze3A_3584 : f32 to vector<16xf32>
        %mul3A_3586 = arith.mulf %mul3A_3585, %get3A_154 : vector<16xf32>
        %add3A_3587 = arith.addf %add3A_3582, %mul3A_3586 : vector<16xf32>
        %mul3A_3588 = arith.constant 8 : i32
        %mul3A_3589 = arith.muli %scan3A_245, %mul3A_3588 : i32
        %add3A_3590 = arith.constant 6 : i32
        %add3A_3591 = arith.addi %mul3A_3589, %add3A_3590 : i32
        %swap3A_3592 = arith.index_cast %add3A_3591 : i32 to index
        %swap3A_3593 = arith.constant 64 : index
        %swap3A_3594 = tpu.vector_load %arg14[%swap3A_3592, %swap3A_3593] {strides = array<i32>} : memref<64x128xf32, #tpu.memory_space<vmem>>, vector<1x16xf32>,
        %swap3A_3595 = vector.shape_cast %swap3A_3594 : vector<1x16xf32> to vector<16xf32>
        %swap3A_3596 = vector.shape_cast %add3A_3587 : vector<16xf32> to vector<1x16xf32>
        tpu.vector_store %arg14[%swap3A_3592, %swap3A_3593], %swap3A_3596 {strides = array<i32>} : memref<64x128xf32, #tpu.memory_space<vmem>>, vector<1x16xf32>,
        %add3A_3597 = arith.constant 16 : i32
        %add3A_3598 = arith.addi %squeeze3A_3519, %add3A_3597 : i32
        %get3A_3599 = arith.index_cast %and3A_205 : i32 to index
        %get3A_3600 = arith.index_cast %add3A_3517 : i32 to index
        %get3A_3601 = arith.index_cast %add3A_3598 : i32 to index
        %get3A_3602 = tpu.vector_load %arg12[%get3A_3599, %get3A_3600, %get3A_3601] {strides = array<i32>} : memref<2x128x128xf32, #tpu.memory_space<vmem>>, vector<1x1x16xf32>,
        %get3A_3603 = vector.shape_cast %get3A_3602 : vector<1x1x16xf32> to vector<16xf32>
        %slice3A_3604 = vector.extract_strided_slice %gather3A_3540 {offsets = [0], sizes = [1], strides = [1]} : vector<16xf32> to vector<1xf32>
        %squeeze3A_3605 = vector.extract %slice3A_3604[0] : f32 from vector<1xf32>
        %mul3A_3606 = vector.broadcast %squeeze3A_3605 : f32 to vector<16xf32>
        %mul3A_3607 = arith.mulf %mul3A_3606, %get3A_19 : vector<16xf32>
        %add3A_3608 = arith.addf %get3A_3603, %mul3A_3607 : vector<16xf32>
        %slice3A_3609 = vector.extract_strided_slice %gather3A_3540 {offsets = [1], sizes = [1], strides = [1]} : vector<16xf32> to vector<1xf32>
        %squeeze3A_3610 = vector.extract %slice3A_3609[0] : f32 from vector<1xf32>
        %mul3A_3611 = vector.broadcast %squeeze3A_3610 : f32 to vector<16xf32>
        %mul3A_3612 = arith.mulf %mul3A_3611, %get3A_39 : vector<16xf32>
        %add3A_3613 = arith.addf %add3A_3608, %mul3A_3612 : vector<16xf32>
        %slice3A_3614 = vector.extract_strided_slice %gather3A_3540 {offsets = [2], sizes = [1], strides = [1]} : vector<16xf32> to vector<1xf32>
        %squeeze3A_3615 = vector.extract %slice3A_3614[0] : f32 from vector<1xf32>
        %mul3A_3616 = vector.broadcast %squeeze3A_3615 : f32 to vector<16xf32>
        %mul3A_3617 = arith.mulf %mul3A_3616, %get3A_59 : vector<16xf32>
        %add3A_3618 = arith.addf %add3A_3613, %mul3A_3617 : vector<16xf32>
        %slice3A_3619 = vector.extract_strided_slice %gather3A_3540 {offsets = [3], sizes = [1], strides = [1]} : vector<16xf32> to vector<1xf32>
        %squeeze3A_3620 = vector.extract %slice3A_3619[0] : f32 from vector<1xf32>
        %mul3A_3621 = vector.broadcast %squeeze3A_3620 : f32 to vector<16xf32>
        %mul3A_3622 = arith.mulf %mul3A_3621, %get3A_79 : vector<16xf32>
        %add3A_3623 = arith.addf %add3A_3618, %mul3A_3622 : vector<16xf32>
        %slice3A_3624 = vector.extract_strided_slice %gather3A_3540 {offsets = [4], sizes = [1], strides = [1]} : vector<16xf32> to vector<1xf32>
        %squeeze3A_3625 = vector.extract %slice3A_3624[0] : f32 from vector<1xf32>
        %mul3A_3626 = vector.broadcast %squeeze3A_3625 : f32 to vector<16xf32>
        %mul3A_3627 = arith.mulf %mul3A_3626, %get3A_99 : vector<16xf32>
        %add3A_3628 = arith.addf %add3A_3623, %mul3A_3627 : vector<16xf32>
        %slice3A_3629 = vector.extract_strided_slice %gather3A_3540 {offsets = [5], sizes = [1], strides = [1]} : vector<16xf32> to vector<1xf32>
        %squeeze3A_3630 = vector.extract %slice3A_3629[0] : f32 from vector<1xf32>
        %mul3A_3631 = vector.broadcast %squeeze3A_3630 : f32 to vector<16xf32>
        %mul3A_3632 = arith.mulf %mul3A_3631, %get3A_119 : vector<16xf32>
        %add3A_3633 = arith.addf %add3A_3628, %mul3A_3632 : vector<16xf32>
        %slice3A_3634 = vector.extract_strided_slice %gather3A_3540 {offsets = [6], sizes = [1], strides = [1]} : vector<16xf32> to vector<1xf32>
        %squeeze3A_3635 = vector.extract %slice3A_3634[0] : f32 from vector<1xf32>
        %mul3A_3636 = vector.broadcast %squeeze3A_3635 : f32 to vector<16xf32>
        %mul3A_3637 = arith.mulf %mul3A_3636, %get3A_139 : vector<16xf32>
        %add3A_3638 = arith.addf %add3A_3633, %mul3A_3637 : vector<16xf32>
        %slice3A_3639 = vector.extract_strided_slice %gather3A_3540 {offsets = [7], sizes = [1], strides = [1]} : vector<16xf32> to vector<1xf32>
        %squeeze3A_3640 = vector.extract %slice3A_3639[0] : f32 from vector<1xf32>
        %mul3A_3641 = vector.broadcast %squeeze3A_3640 : f32 to vector<16xf32>
        %mul3A_3642 = arith.mulf %mul3A_3641, %get3A_159 : vector<16xf32>
        %add3A_3643 = arith.addf %add3A_3638, %mul3A_3642 : vector<16xf32>
        %mul3A_3644 = arith.constant 8 : i32
        %mul3A_3645 = arith.muli %scan3A_245, %mul3A_3644 : i32
        %add3A_3646 = arith.constant 6 : i32
        %add3A_3647 = arith.addi %mul3A_3645, %add3A_3646 : i32
        %swap3A_3648 = arith.index_cast %add3A_3647 : i32 to index
        %swap3A_3649 = arith.constant 80 : index
        %swap3A_3650 = tpu.vector_load %arg14[%swap3A_3648, %swap3A_3649] {strides = array<i32>} : memref<64x128xf32, #tpu.memory_space<vmem>>, vector<1x16xf32>,
        %swap3A_3651 = vector.shape_cast %swap3A_3650 : vector<1x16xf32> to vector<16xf32>
        %swap3A_3652 = vector.shape_cast %add3A_3643 : vector<16xf32> to vector<1x16xf32>
        tpu.vector_store %arg14[%swap3A_3648, %swap3A_3649], %swap3A_3652 {strides = array<i32>} : memref<64x128xf32, #tpu.memory_space<vmem>>, vector<1x16xf32>,
        %add3A_3653 = arith.constant 32 : i32
        %add3A_3654 = arith.addi %squeeze3A_3519, %add3A_3653 : i32
        %get3A_3655 = arith.index_cast %and3A_205 : i32 to index
        %get3A_3656 = arith.index_cast %add3A_3517 : i32 to index
        %get3A_3657 = arith.index_cast %add3A_3654 : i32 to index
        %get3A_3658 = tpu.vector_load %arg12[%get3A_3655, %get3A_3656, %get3A_3657] {strides = array<i32>} : memref<2x128x128xf32, #tpu.memory_space<vmem>>, vector<1x1x16xf32>,
        %get3A_3659 = vector.shape_cast %get3A_3658 : vector<1x1x16xf32> to vector<16xf32>
        %slice3A_3660 = vector.extract_strided_slice %gather3A_3540 {offsets = [0], sizes = [1], strides = [1]} : vector<16xf32> to vector<1xf32>
        %squeeze3A_3661 = vector.extract %slice3A_3660[0] : f32 from vector<1xf32>
        %mul3A_3662 = vector.broadcast %squeeze3A_3661 : f32 to vector<16xf32>
        %mul3A_3663 = arith.mulf %mul3A_3662, %get3A_24 : vector<16xf32>
        %add3A_3664 = arith.addf %get3A_3659, %mul3A_3663 : vector<16xf32>
        %slice3A_3665 = vector.extract_strided_slice %gather3A_3540 {offsets = [1], sizes = [1], strides = [1]} : vector<16xf32> to vector<1xf32>
        %squeeze3A_3666 = vector.extract %slice3A_3665[0] : f32 from vector<1xf32>
        %mul3A_3667 = vector.broadcast %squeeze3A_3666 : f32 to vector<16xf32>
        %mul3A_3668 = arith.mulf %mul3A_3667, %get3A_44 : vector<16xf32>
        %add3A_3669 = arith.addf %add3A_3664, %mul3A_3668 : vector<16xf32>
        %slice3A_3670 = vector.extract_strided_slice %gather3A_3540 {offsets = [2], sizes = [1], strides = [1]} : vector<16xf32> to vector<1xf32>
        %squeeze3A_3671 = vector.extract %slice3A_3670[0] : f32 from vector<1xf32>
        %mul3A_3672 = vector.broadcast %squeeze3A_3671 : f32 to vector<16xf32>
        %mul3A_3673 = arith.mulf %mul3A_3672, %get3A_64 : vector<16xf32>
        %add3A_3674 = arith.addf %add3A_3669, %mul3A_3673 : vector<16xf32>
        %slice3A_3675 = vector.extract_strided_slice %gather3A_3540 {offsets = [3], sizes = [1], strides = [1]} : vector<16xf32> to vector<1xf32>
        %squeeze3A_3676 = vector.extract %slice3A_3675[0] : f32 from vector<1xf32>
        %mul3A_3677 = vector.broadcast %squeeze3A_3676 : f32 to vector<16xf32>
        %mul3A_3678 = arith.mulf %mul3A_3677, %get3A_84 : vector<16xf32>
        %add3A_3679 = arith.addf %add3A_3674, %mul3A_3678 : vector<16xf32>
        %slice3A_3680 = vector.extract_strided_slice %gather3A_3540 {offsets = [4], sizes = [1], strides = [1]} : vector<16xf32> to vector<1xf32>
        %squeeze3A_3681 = vector.extract %slice3A_3680[0] : f32 from vector<1xf32>
        %mul3A_3682 = vector.broadcast %squeeze3A_3681 : f32 to vector<16xf32>
        %mul3A_3683 = arith.mulf %mul3A_3682, %get3A_104 : vector<16xf32>
        %add3A_3684 = arith.addf %add3A_3679, %mul3A_3683 : vector<16xf32>
        %slice3A_3685 = vector.extract_strided_slice %gather3A_3540 {offsets = [5], sizes = [1], strides = [1]} : vector<16xf32> to vector<1xf32>
        %squeeze3A_3686 = vector.extract %slice3A_3685[0] : f32 from vector<1xf32>
        %mul3A_3687 = vector.broadcast %squeeze3A_3686 : f32 to vector<16xf32>
        %mul3A_3688 = arith.mulf %mul3A_3687, %get3A_124 : vector<16xf32>
        %add3A_3689 = arith.addf %add3A_3684, %mul3A_3688 : vector<16xf32>
        %slice3A_3690 = vector.extract_strided_slice %gather3A_3540 {offsets = [6], sizes = [1], strides = [1]} : vector<16xf32> to vector<1xf32>
        %squeeze3A_3691 = vector.extract %slice3A_3690[0] : f32 from vector<1xf32>
        %mul3A_3692 = vector.broadcast %squeeze3A_3691 : f32 to vector<16xf32>
        %mul3A_3693 = arith.mulf %mul3A_3692, %get3A_144 : vector<16xf32>
        %add3A_3694 = arith.addf %add3A_3689, %mul3A_3693 : vector<16xf32>
        %slice3A_3695 = vector.extract_strided_slice %gather3A_3540 {offsets = [7], sizes = [1], strides = [1]} : vector<16xf32> to vector<1xf32>
        %squeeze3A_3696 = vector.extract %slice3A_3695[0] : f32 from vector<1xf32>
        %mul3A_3697 = vector.broadcast %squeeze3A_3696 : f32 to vector<16xf32>
        %mul3A_3698 = arith.mulf %mul3A_3697, %get3A_164 : vector<16xf32>
        %add3A_3699 = arith.addf %add3A_3694, %mul3A_3698 : vector<16xf32>
        %mul3A_3700 = arith.constant 8 : i32
        %mul3A_3701 = arith.muli %scan3A_245, %mul3A_3700 : i32
        %add3A_3702 = arith.constant 6 : i32
        %add3A_3703 = arith.addi %mul3A_3701, %add3A_3702 : i32
        %swap3A_3704 = arith.index_cast %add3A_3703 : i32 to index
        %swap3A_3705 = arith.constant 96 : index
        %swap3A_3706 = tpu.vector_load %arg14[%swap3A_3704, %swap3A_3705] {strides = array<i32>} : memref<64x128xf32, #tpu.memory_space<vmem>>, vector<1x16xf32>,
        %swap3A_3707 = vector.shape_cast %swap3A_3706 : vector<1x16xf32> to vector<16xf32>
        %swap3A_3708 = vector.shape_cast %add3A_3699 : vector<16xf32> to vector<1x16xf32>
        tpu.vector_store %arg14[%swap3A_3704, %swap3A_3705], %swap3A_3708 {strides = array<i32>} : memref<64x128xf32, #tpu.memory_space<vmem>>, vector<1x16xf32>,
        %add3A_3709 = arith.constant 48 : i32
        %add3A_3710 = arith.addi %squeeze3A_3519, %add3A_3709 : i32
        %get3A_3711 = arith.index_cast %and3A_205 : i32 to index
        %get3A_3712 = arith.index_cast %add3A_3517 : i32 to index
        %get3A_3713 = arith.index_cast %add3A_3710 : i32 to index
        %get3A_3714 = tpu.vector_load %arg12[%get3A_3711, %get3A_3712, %get3A_3713] {strides = array<i32>} : memref<2x128x128xf32, #tpu.memory_space<vmem>>, vector<1x1x16xf32>,
        %get3A_3715 = vector.shape_cast %get3A_3714 : vector<1x1x16xf32> to vector<16xf32>
        %slice3A_3716 = vector.extract_strided_slice %gather3A_3540 {offsets = [0], sizes = [1], strides = [1]} : vector<16xf32> to vector<1xf32>
        %squeeze3A_3717 = vector.extract %slice3A_3716[0] : f32 from vector<1xf32>
        %mul3A_3718 = vector.broadcast %squeeze3A_3717 : f32 to vector<16xf32>
        %mul3A_3719 = arith.mulf %mul3A_3718, %get3A_29 : vector<16xf32>
        %add3A_3720 = arith.addf %get3A_3715, %mul3A_3719 : vector<16xf32>
        %slice3A_3721 = vector.extract_strided_slice %gather3A_3540 {offsets = [1], sizes = [1], strides = [1]} : vector<16xf32> to vector<1xf32>
        %squeeze3A_3722 = vector.extract %slice3A_3721[0] : f32 from vector<1xf32>
        %mul3A_3723 = vector.broadcast %squeeze3A_3722 : f32 to vector<16xf32>
        %mul3A_3724 = arith.mulf %mul3A_3723, %get3A_49 : vector<16xf32>
        %add3A_3725 = arith.addf %add3A_3720, %mul3A_3724 : vector<16xf32>
        %slice3A_3726 = vector.extract_strided_slice %gather3A_3540 {offsets = [2], sizes = [1], strides = [1]} : vector<16xf32> to vector<1xf32>
        %squeeze3A_3727 = vector.extract %slice3A_3726[0] : f32 from vector<1xf32>
        %mul3A_3728 = vector.broadcast %squeeze3A_3727 : f32 to vector<16xf32>
        %mul3A_3729 = arith.mulf %mul3A_3728, %get3A_69 : vector<16xf32>
        %add3A_3730 = arith.addf %add3A_3725, %mul3A_3729 : vector<16xf32>
        %slice3A_3731 = vector.extract_strided_slice %gather3A_3540 {offsets = [3], sizes = [1], strides = [1]} : vector<16xf32> to vector<1xf32>
        %squeeze3A_3732 = vector.extract %slice3A_3731[0] : f32 from vector<1xf32>
        %mul3A_3733 = vector.broadcast %squeeze3A_3732 : f32 to vector<16xf32>
        %mul3A_3734 = arith.mulf %mul3A_3733, %get3A_89 : vector<16xf32>
        %add3A_3735 = arith.addf %add3A_3730, %mul3A_3734 : vector<16xf32>
        %slice3A_3736 = vector.extract_strided_slice %gather3A_3540 {offsets = [4], sizes = [1], strides = [1]} : vector<16xf32> to vector<1xf32>
        %squeeze3A_3737 = vector.extract %slice3A_3736[0] : f32 from vector<1xf32>
        %mul3A_3738 = vector.broadcast %squeeze3A_3737 : f32 to vector<16xf32>
        %mul3A_3739 = arith.mulf %mul3A_3738, %get3A_109 : vector<16xf32>
        %add3A_3740 = arith.addf %add3A_3735, %mul3A_3739 : vector<16xf32>
        %slice3A_3741 = vector.extract_strided_slice %gather3A_3540 {offsets = [5], sizes = [1], strides = [1]} : vector<16xf32> to vector<1xf32>
        %squeeze3A_3742 = vector.extract %slice3A_3741[0] : f32 from vector<1xf32>
        %mul3A_3743 = vector.broadcast %squeeze3A_3742 : f32 to vector<16xf32>
        %mul3A_3744 = arith.mulf %mul3A_3743, %get3A_129 : vector<16xf32>
        %add3A_3745 = arith.addf %add3A_3740, %mul3A_3744 : vector<16xf32>
        %slice3A_3746 = vector.extract_strided_slice %gather3A_3540 {offsets = [6], sizes = [1], strides = [1]} : vector<16xf32> to vector<1xf32>
        %squeeze3A_3747 = vector.extract %slice3A_3746[0] : f32 from vector<1xf32>
        %mul3A_3748 = vector.broadcast %squeeze3A_3747 : f32 to vector<16xf32>
        %mul3A_3749 = arith.mulf %mul3A_3748, %get3A_149 : vector<16xf32>
        %add3A_3750 = arith.addf %add3A_3745, %mul3A_3749 : vector<16xf32>
        %slice3A_3751 = vector.extract_strided_slice %gather3A_3540 {offsets = [7], sizes = [1], strides = [1]} : vector<16xf32> to vector<1xf32>
        %squeeze3A_3752 = vector.extract %slice3A_3751[0] : f32 from vector<1xf32>
        %mul3A_3753 = vector.broadcast %squeeze3A_3752 : f32 to vector<16xf32>
        %mul3A_3754 = arith.mulf %mul3A_3753, %get3A_169 : vector<16xf32>
        %add3A_3755 = arith.addf %add3A_3750, %mul3A_3754 : vector<16xf32>
        %mul3A_3756 = arith.constant 8 : i32
        %mul3A_3757 = arith.muli %scan3A_245, %mul3A_3756 : i32
        %add3A_3758 = arith.constant 6 : i32
        %add3A_3759 = arith.addi %mul3A_3757, %add3A_3758 : i32
        %swap3A_3760 = arith.index_cast %add3A_3759 : i32 to index
        %swap3A_3761 = arith.constant 112 : index
        %swap3A_3762 = tpu.vector_load %arg14[%swap3A_3760, %swap3A_3761] {strides = array<i32>} : memref<64x128xf32, #tpu.memory_space<vmem>>, vector<1x16xf32>,
        %swap3A_3763 = vector.shape_cast %swap3A_3762 : vector<1x16xf32> to vector<16xf32>
        %swap3A_3764 = vector.shape_cast %add3A_3755 : vector<16xf32> to vector<1x16xf32>
        tpu.vector_store %arg14[%swap3A_3760, %swap3A_3761], %swap3A_3764 {strides = array<i32>} : memref<64x128xf32, #tpu.memory_space<vmem>>, vector<1x16xf32>,
        %mul3A_3765 = arith.constant 16 : i32
        %mul3A_3766 = arith.muli %scan3A_245, %mul3A_3765 : i32
        %add3A_3767 = arith.constant 14 : i32
        %add3A_3768 = arith.addi %mul3A_3766, %add3A_3767 : i32
        %slice3A_3769 = vector.extract_strided_slice %get3A_251 {offsets = [14], sizes = [1], strides = [1]} : vector<16xi32> to vector<1xi32>
        %squeeze3A_3770 = vector.extract %slice3A_3769[0] : i32 from vector<1xi32>
        %slice3A_3771 = vector.extract_strided_slice %get3A_257 {offsets = [14], sizes = [1], strides = [1]} : vector<16xi32> to vector<1xi32>
        %squeeze3A_3772 = vector.extract %slice3A_3771[0] : i32 from vector<1xi32>
        %get3A_3773 = arith.index_cast %and3A_205 : i32 to index
        %get3A_3774 = arith.index_cast %add3A_3768 : i32 to index
        %get3A_3775 = arith.index_cast %squeeze3A_3772 : i32 to index
        %get3A_3776 = tpu.vector_load %arg13[%get3A_3773, %get3A_3774, %get3A_3775] {strides = array<i32>} : memref<2x128x128xf32, #tpu.memory_space<vmem>>, vector<1x1x16xf32>,
        %get3A_3777 = vector.shape_cast %get3A_3776 : vector<1x1x16xf32> to vector<16xf32>
        %shift_right_arithmetic3A_3778 = arith.constant 3 : i32
        %shift_right_arithmetic3A_3779 = arith.shrsi %squeeze3A_3770, %shift_right_arithmetic3A_3778 : i32
        %add3A_3780 = vector.broadcast %shift_right_arithmetic3A_3779 : i32 to vector<16xi32>
        %add3A_3781 = arith.addi %and3A_171, %add3A_3780 : vector<16xi32>
        %lt3A_3782 = arith.constant 0 : i32
        %lt3A_3783 = vector.broadcast %lt3A_3782 : i32 to vector<16xi32>
        %lt3A_3784 = arith.cmpi slt, %add3A_3781, %lt3A_3783 : vector<16xi32>
        %add3A_3785 = arith.constant 16 : i32
        %add3A_3786 = vector.broadcast %add3A_3785 : i32 to vector<16xi32>
        %add3A_3787 = arith.addi %add3A_3781, %add3A_3786 : vector<16xi32>
        %select_n3A_3788 = arith.select %lt3A_3784, %add3A_3787, %add3A_3781 : vector<16xi1>, vector<16xi32>
        %broadcast_in_dim3A_3789 = vector.shape_cast %select_n3A_3788 : vector<16xi32> to vector<16x1xi32>
        %gather3A_3790 = vector.shape_cast %broadcast_in_dim3A_3789 : vector<16x1xi32> to vector<16xi32>
        %gather3A_3791 = tpu.dynamic_gather %get3A_3777[%gather3A_3790] in [0] : vector<16xf32>, vector<16xi32> -> vector<16xf32>
        %add3A_3792 = arith.constant 0 : i32
        %add3A_3793 = arith.addi %squeeze3A_3770, %add3A_3792 : i32
        %get3A_3794 = arith.index_cast %and3A_205 : i32 to index
        %get3A_3795 = arith.index_cast %add3A_3768 : i32 to index
        %get3A_3796 = arith.index_cast %add3A_3793 : i32 to index
        %get3A_3797 = tpu.vector_load %arg12[%get3A_3794, %get3A_3795, %get3A_3796] {strides = array<i32>} : memref<2x128x128xf32, #tpu.memory_space<vmem>>, vector<1x1x16xf32>,
        %get3A_3798 = vector.shape_cast %get3A_3797 : vector<1x1x16xf32> to vector<16xf32>
        %slice3A_3799 = vector.extract_strided_slice %gather3A_3791 {offsets = [0], sizes = [1], strides = [1]} : vector<16xf32> to vector<1xf32>
        %squeeze3A_3800 = vector.extract %slice3A_3799[0] : f32 from vector<1xf32>
        %mul3A_3801 = vector.broadcast %squeeze3A_3800 : f32 to vector<16xf32>
        %mul3A_3802 = arith.mulf %mul3A_3801, %get3A_14 : vector<16xf32>
        %add3A_3803 = arith.addf %get3A_3798, %mul3A_3802 : vector<16xf32>
        %slice3A_3804 = vector.extract_strided_slice %gather3A_3791 {offsets = [1], sizes = [1], strides = [1]} : vector<16xf32> to vector<1xf32>
        %squeeze3A_3805 = vector.extract %slice3A_3804[0] : f32 from vector<1xf32>
        %mul3A_3806 = vector.broadcast %squeeze3A_3805 : f32 to vector<16xf32>
        %mul3A_3807 = arith.mulf %mul3A_3806, %get3A_34 : vector<16xf32>
        %add3A_3808 = arith.addf %add3A_3803, %mul3A_3807 : vector<16xf32>
        %slice3A_3809 = vector.extract_strided_slice %gather3A_3791 {offsets = [2], sizes = [1], strides = [1]} : vector<16xf32> to vector<1xf32>
        %squeeze3A_3810 = vector.extract %slice3A_3809[0] : f32 from vector<1xf32>
        %mul3A_3811 = vector.broadcast %squeeze3A_3810 : f32 to vector<16xf32>
        %mul3A_3812 = arith.mulf %mul3A_3811, %get3A_54 : vector<16xf32>
        %add3A_3813 = arith.addf %add3A_3808, %mul3A_3812 : vector<16xf32>
        %slice3A_3814 = vector.extract_strided_slice %gather3A_3791 {offsets = [3], sizes = [1], strides = [1]} : vector<16xf32> to vector<1xf32>
        %squeeze3A_3815 = vector.extract %slice3A_3814[0] : f32 from vector<1xf32>
        %mul3A_3816 = vector.broadcast %squeeze3A_3815 : f32 to vector<16xf32>
        %mul3A_3817 = arith.mulf %mul3A_3816, %get3A_74 : vector<16xf32>
        %add3A_3818 = arith.addf %add3A_3813, %mul3A_3817 : vector<16xf32>
        %slice3A_3819 = vector.extract_strided_slice %gather3A_3791 {offsets = [4], sizes = [1], strides = [1]} : vector<16xf32> to vector<1xf32>
        %squeeze3A_3820 = vector.extract %slice3A_3819[0] : f32 from vector<1xf32>
        %mul3A_3821 = vector.broadcast %squeeze3A_3820 : f32 to vector<16xf32>
        %mul3A_3822 = arith.mulf %mul3A_3821, %get3A_94 : vector<16xf32>
        %add3A_3823 = arith.addf %add3A_3818, %mul3A_3822 : vector<16xf32>
        %slice3A_3824 = vector.extract_strided_slice %gather3A_3791 {offsets = [5], sizes = [1], strides = [1]} : vector<16xf32> to vector<1xf32>
        %squeeze3A_3825 = vector.extract %slice3A_3824[0] : f32 from vector<1xf32>
        %mul3A_3826 = vector.broadcast %squeeze3A_3825 : f32 to vector<16xf32>
        %mul3A_3827 = arith.mulf %mul3A_3826, %get3A_114 : vector<16xf32>
        %add3A_3828 = arith.addf %add3A_3823, %mul3A_3827 : vector<16xf32>
        %slice3A_3829 = vector.extract_strided_slice %gather3A_3791 {offsets = [6], sizes = [1], strides = [1]} : vector<16xf32> to vector<1xf32>
        %squeeze3A_3830 = vector.extract %slice3A_3829[0] : f32 from vector<1xf32>
        %mul3A_3831 = vector.broadcast %squeeze3A_3830 : f32 to vector<16xf32>
        %mul3A_3832 = arith.mulf %mul3A_3831, %get3A_134 : vector<16xf32>
        %add3A_3833 = arith.addf %add3A_3828, %mul3A_3832 : vector<16xf32>
        %slice3A_3834 = vector.extract_strided_slice %gather3A_3791 {offsets = [7], sizes = [1], strides = [1]} : vector<16xf32> to vector<1xf32>
        %squeeze3A_3835 = vector.extract %slice3A_3834[0] : f32 from vector<1xf32>
        %mul3A_3836 = vector.broadcast %squeeze3A_3835 : f32 to vector<16xf32>
        %mul3A_3837 = arith.mulf %mul3A_3836, %get3A_154 : vector<16xf32>
        %add3A_3838 = arith.addf %add3A_3833, %mul3A_3837 : vector<16xf32>
        %mul3A_3839 = arith.constant 8 : i32
        %mul3A_3840 = arith.muli %scan3A_245, %mul3A_3839 : i32
        %add3A_3841 = arith.constant 7 : i32
        %add3A_3842 = arith.addi %mul3A_3840, %add3A_3841 : i32
        %swap3A_3843 = arith.index_cast %add3A_3842 : i32 to index
        %swap3A_3844 = arith.constant 0 : index
        %swap3A_3845 = tpu.vector_load %arg14[%swap3A_3843, %swap3A_3844] {strides = array<i32>} : memref<64x128xf32, #tpu.memory_space<vmem>>, vector<1x16xf32>,
        %swap3A_3846 = vector.shape_cast %swap3A_3845 : vector<1x16xf32> to vector<16xf32>
        %swap3A_3847 = vector.shape_cast %add3A_3838 : vector<16xf32> to vector<1x16xf32>
        tpu.vector_store %arg14[%swap3A_3843, %swap3A_3844], %swap3A_3847 {strides = array<i32>} : memref<64x128xf32, #tpu.memory_space<vmem>>, vector<1x16xf32>,
        %add3A_3848 = arith.constant 16 : i32
        %add3A_3849 = arith.addi %squeeze3A_3770, %add3A_3848 : i32
        %get3A_3850 = arith.index_cast %and3A_205 : i32 to index
        %get3A_3851 = arith.index_cast %add3A_3768 : i32 to index
        %get3A_3852 = arith.index_cast %add3A_3849 : i32 to index
        %get3A_3853 = tpu.vector_load %arg12[%get3A_3850, %get3A_3851, %get3A_3852] {strides = array<i32>} : memref<2x128x128xf32, #tpu.memory_space<vmem>>, vector<1x1x16xf32>,
        %get3A_3854 = vector.shape_cast %get3A_3853 : vector<1x1x16xf32> to vector<16xf32>
        %slice3A_3855 = vector.extract_strided_slice %gather3A_3791 {offsets = [0], sizes = [1], strides = [1]} : vector<16xf32> to vector<1xf32>
        %squeeze3A_3856 = vector.extract %slice3A_3855[0] : f32 from vector<1xf32>
        %mul3A_3857 = vector.broadcast %squeeze3A_3856 : f32 to vector<16xf32>
        %mul3A_3858 = arith.mulf %mul3A_3857, %get3A_19 : vector<16xf32>
        %add3A_3859 = arith.addf %get3A_3854, %mul3A_3858 : vector<16xf32>
        %slice3A_3860 = vector.extract_strided_slice %gather3A_3791 {offsets = [1], sizes = [1], strides = [1]} : vector<16xf32> to vector<1xf32>
        %squeeze3A_3861 = vector.extract %slice3A_3860[0] : f32 from vector<1xf32>
        %mul3A_3862 = vector.broadcast %squeeze3A_3861 : f32 to vector<16xf32>
        %mul3A_3863 = arith.mulf %mul3A_3862, %get3A_39 : vector<16xf32>
        %add3A_3864 = arith.addf %add3A_3859, %mul3A_3863 : vector<16xf32>
        %slice3A_3865 = vector.extract_strided_slice %gather3A_3791 {offsets = [2], sizes = [1], strides = [1]} : vector<16xf32> to vector<1xf32>
        %squeeze3A_3866 = vector.extract %slice3A_3865[0] : f32 from vector<1xf32>
        %mul3A_3867 = vector.broadcast %squeeze3A_3866 : f32 to vector<16xf32>
        %mul3A_3868 = arith.mulf %mul3A_3867, %get3A_59 : vector<16xf32>
        %add3A_3869 = arith.addf %add3A_3864, %mul3A_3868 : vector<16xf32>
        %slice3A_3870 = vector.extract_strided_slice %gather3A_3791 {offsets = [3], sizes = [1], strides = [1]} : vector<16xf32> to vector<1xf32>
        %squeeze3A_3871 = vector.extract %slice3A_3870[0] : f32 from vector<1xf32>
        %mul3A_3872 = vector.broadcast %squeeze3A_3871 : f32 to vector<16xf32>
        %mul3A_3873 = arith.mulf %mul3A_3872, %get3A_79 : vector<16xf32>
        %add3A_3874 = arith.addf %add3A_3869, %mul3A_3873 : vector<16xf32>
        %slice3A_3875 = vector.extract_strided_slice %gather3A_3791 {offsets = [4], sizes = [1], strides = [1]} : vector<16xf32> to vector<1xf32>
        %squeeze3A_3876 = vector.extract %slice3A_3875[0] : f32 from vector<1xf32>
        %mul3A_3877 = vector.broadcast %squeeze3A_3876 : f32 to vector<16xf32>
        %mul3A_3878 = arith.mulf %mul3A_3877, %get3A_99 : vector<16xf32>
        %add3A_3879 = arith.addf %add3A_3874, %mul3A_3878 : vector<16xf32>
        %slice3A_3880 = vector.extract_strided_slice %gather3A_3791 {offsets = [5], sizes = [1], strides = [1]} : vector<16xf32> to vector<1xf32>
        %squeeze3A_3881 = vector.extract %slice3A_3880[0] : f32 from vector<1xf32>
        %mul3A_3882 = vector.broadcast %squeeze3A_3881 : f32 to vector<16xf32>
        %mul3A_3883 = arith.mulf %mul3A_3882, %get3A_119 : vector<16xf32>
        %add3A_3884 = arith.addf %add3A_3879, %mul3A_3883 : vector<16xf32>
        %slice3A_3885 = vector.extract_strided_slice %gather3A_3791 {offsets = [6], sizes = [1], strides = [1]} : vector<16xf32> to vector<1xf32>
        %squeeze3A_3886 = vector.extract %slice3A_3885[0] : f32 from vector<1xf32>
        %mul3A_3887 = vector.broadcast %squeeze3A_3886 : f32 to vector<16xf32>
        %mul3A_3888 = arith.mulf %mul3A_3887, %get3A_139 : vector<16xf32>
        %add3A_3889 = arith.addf %add3A_3884, %mul3A_3888 : vector<16xf32>
        %slice3A_3890 = vector.extract_strided_slice %gather3A_3791 {offsets = [7], sizes = [1], strides = [1]} : vector<16xf32> to vector<1xf32>
        %squeeze3A_3891 = vector.extract %slice3A_3890[0] : f32 from vector<1xf32>
        %mul3A_3892 = vector.broadcast %squeeze3A_3891 : f32 to vector<16xf32>
        %mul3A_3893 = arith.mulf %mul3A_3892, %get3A_159 : vector<16xf32>
        %add3A_3894 = arith.addf %add3A_3889, %mul3A_3893 : vector<16xf32>
        %mul3A_3895 = arith.constant 8 : i32
        %mul3A_3896 = arith.muli %scan3A_245, %mul3A_3895 : i32
        %add3A_3897 = arith.constant 7 : i32
        %add3A_3898 = arith.addi %mul3A_3896, %add3A_3897 : i32
        %swap3A_3899 = arith.index_cast %add3A_3898 : i32 to index
        %swap3A_3900 = arith.constant 16 : index
        %swap3A_3901 = tpu.vector_load %arg14[%swap3A_3899, %swap3A_3900] {strides = array<i32>} : memref<64x128xf32, #tpu.memory_space<vmem>>, vector<1x16xf32>,
        %swap3A_3902 = vector.shape_cast %swap3A_3901 : vector<1x16xf32> to vector<16xf32>
        %swap3A_3903 = vector.shape_cast %add3A_3894 : vector<16xf32> to vector<1x16xf32>
        tpu.vector_store %arg14[%swap3A_3899, %swap3A_3900], %swap3A_3903 {strides = array<i32>} : memref<64x128xf32, #tpu.memory_space<vmem>>, vector<1x16xf32>,
        %add3A_3904 = arith.constant 32 : i32
        %add3A_3905 = arith.addi %squeeze3A_3770, %add3A_3904 : i32
        %get3A_3906 = arith.index_cast %and3A_205 : i32 to index
        %get3A_3907 = arith.index_cast %add3A_3768 : i32 to index
        %get3A_3908 = arith.index_cast %add3A_3905 : i32 to index
        %get3A_3909 = tpu.vector_load %arg12[%get3A_3906, %get3A_3907, %get3A_3908] {strides = array<i32>} : memref<2x128x128xf32, #tpu.memory_space<vmem>>, vector<1x1x16xf32>,
        %get3A_3910 = vector.shape_cast %get3A_3909 : vector<1x1x16xf32> to vector<16xf32>
        %slice3A_3911 = vector.extract_strided_slice %gather3A_3791 {offsets = [0], sizes = [1], strides = [1]} : vector<16xf32> to vector<1xf32>
        %squeeze3A_3912 = vector.extract %slice3A_3911[0] : f32 from vector<1xf32>
        %mul3A_3913 = vector.broadcast %squeeze3A_3912 : f32 to vector<16xf32>
        %mul3A_3914 = arith.mulf %mul3A_3913, %get3A_24 : vector<16xf32>
        %add3A_3915 = arith.addf %get3A_3910, %mul3A_3914 : vector<16xf32>
        %slice3A_3916 = vector.extract_strided_slice %gather3A_3791 {offsets = [1], sizes = [1], strides = [1]} : vector<16xf32> to vector<1xf32>
        %squeeze3A_3917 = vector.extract %slice3A_3916[0] : f32 from vector<1xf32>
        %mul3A_3918 = vector.broadcast %squeeze3A_3917 : f32 to vector<16xf32>
        %mul3A_3919 = arith.mulf %mul3A_3918, %get3A_44 : vector<16xf32>
        %add3A_3920 = arith.addf %add3A_3915, %mul3A_3919 : vector<16xf32>
        %slice3A_3921 = vector.extract_strided_slice %gather3A_3791 {offsets = [2], sizes = [1], strides = [1]} : vector<16xf32> to vector<1xf32>
        %squeeze3A_3922 = vector.extract %slice3A_3921[0] : f32 from vector<1xf32>
        %mul3A_3923 = vector.broadcast %squeeze3A_3922 : f32 to vector<16xf32>
        %mul3A_3924 = arith.mulf %mul3A_3923, %get3A_64 : vector<16xf32>
        %add3A_3925 = arith.addf %add3A_3920, %mul3A_3924 : vector<16xf32>
        %slice3A_3926 = vector.extract_strided_slice %gather3A_3791 {offsets = [3], sizes = [1], strides = [1]} : vector<16xf32> to vector<1xf32>
        %squeeze3A_3927 = vector.extract %slice3A_3926[0] : f32 from vector<1xf32>
        %mul3A_3928 = vector.broadcast %squeeze3A_3927 : f32 to vector<16xf32>
        %mul3A_3929 = arith.mulf %mul3A_3928, %get3A_84 : vector<16xf32>
        %add3A_3930 = arith.addf %add3A_3925, %mul3A_3929 : vector<16xf32>
        %slice3A_3931 = vector.extract_strided_slice %gather3A_3791 {offsets = [4], sizes = [1], strides = [1]} : vector<16xf32> to vector<1xf32>
        %squeeze3A_3932 = vector.extract %slice3A_3931[0] : f32 from vector<1xf32>
        %mul3A_3933 = vector.broadcast %squeeze3A_3932 : f32 to vector<16xf32>
        %mul3A_3934 = arith.mulf %mul3A_3933, %get3A_104 : vector<16xf32>
        %add3A_3935 = arith.addf %add3A_3930, %mul3A_3934 : vector<16xf32>
        %slice3A_3936 = vector.extract_strided_slice %gather3A_3791 {offsets = [5], sizes = [1], strides = [1]} : vector<16xf32> to vector<1xf32>
        %squeeze3A_3937 = vector.extract %slice3A_3936[0] : f32 from vector<1xf32>
        %mul3A_3938 = vector.broadcast %squeeze3A_3937 : f32 to vector<16xf32>
        %mul3A_3939 = arith.mulf %mul3A_3938, %get3A_124 : vector<16xf32>
        %add3A_3940 = arith.addf %add3A_3935, %mul3A_3939 : vector<16xf32>
        %slice3A_3941 = vector.extract_strided_slice %gather3A_3791 {offsets = [6], sizes = [1], strides = [1]} : vector<16xf32> to vector<1xf32>
        %squeeze3A_3942 = vector.extract %slice3A_3941[0] : f32 from vector<1xf32>
        %mul3A_3943 = vector.broadcast %squeeze3A_3942 : f32 to vector<16xf32>
        %mul3A_3944 = arith.mulf %mul3A_3943, %get3A_144 : vector<16xf32>
        %add3A_3945 = arith.addf %add3A_3940, %mul3A_3944 : vector<16xf32>
        %slice3A_3946 = vector.extract_strided_slice %gather3A_3791 {offsets = [7], sizes = [1], strides = [1]} : vector<16xf32> to vector<1xf32>
        %squeeze3A_3947 = vector.extract %slice3A_3946[0] : f32 from vector<1xf32>
        %mul3A_3948 = vector.broadcast %squeeze3A_3947 : f32 to vector<16xf32>
        %mul3A_3949 = arith.mulf %mul3A_3948, %get3A_164 : vector<16xf32>
        %add3A_3950 = arith.addf %add3A_3945, %mul3A_3949 : vector<16xf32>
        %mul3A_3951 = arith.constant 8 : i32
        %mul3A_3952 = arith.muli %scan3A_245, %mul3A_3951 : i32
        %add3A_3953 = arith.constant 7 : i32
        %add3A_3954 = arith.addi %mul3A_3952, %add3A_3953 : i32
        %swap3A_3955 = arith.index_cast %add3A_3954 : i32 to index
        %swap3A_3956 = arith.constant 32 : index
        %swap3A_3957 = tpu.vector_load %arg14[%swap3A_3955, %swap3A_3956] {strides = array<i32>} : memref<64x128xf32, #tpu.memory_space<vmem>>, vector<1x16xf32>,
        %swap3A_3958 = vector.shape_cast %swap3A_3957 : vector<1x16xf32> to vector<16xf32>
        %swap3A_3959 = vector.shape_cast %add3A_3950 : vector<16xf32> to vector<1x16xf32>
        tpu.vector_store %arg14[%swap3A_3955, %swap3A_3956], %swap3A_3959 {strides = array<i32>} : memref<64x128xf32, #tpu.memory_space<vmem>>, vector<1x16xf32>,
        %add3A_3960 = arith.constant 48 : i32
        %add3A_3961 = arith.addi %squeeze3A_3770, %add3A_3960 : i32
        %get3A_3962 = arith.index_cast %and3A_205 : i32 to index
        %get3A_3963 = arith.index_cast %add3A_3768 : i32 to index
        %get3A_3964 = arith.index_cast %add3A_3961 : i32 to index
        %get3A_3965 = tpu.vector_load %arg12[%get3A_3962, %get3A_3963, %get3A_3964] {strides = array<i32>} : memref<2x128x128xf32, #tpu.memory_space<vmem>>, vector<1x1x16xf32>,
        %get3A_3966 = vector.shape_cast %get3A_3965 : vector<1x1x16xf32> to vector<16xf32>
        %slice3A_3967 = vector.extract_strided_slice %gather3A_3791 {offsets = [0], sizes = [1], strides = [1]} : vector<16xf32> to vector<1xf32>
        %squeeze3A_3968 = vector.extract %slice3A_3967[0] : f32 from vector<1xf32>
        %mul3A_3969 = vector.broadcast %squeeze3A_3968 : f32 to vector<16xf32>
        %mul3A_3970 = arith.mulf %mul3A_3969, %get3A_29 : vector<16xf32>
        %add3A_3971 = arith.addf %get3A_3966, %mul3A_3970 : vector<16xf32>
        %slice3A_3972 = vector.extract_strided_slice %gather3A_3791 {offsets = [1], sizes = [1], strides = [1]} : vector<16xf32> to vector<1xf32>
        %squeeze3A_3973 = vector.extract %slice3A_3972[0] : f32 from vector<1xf32>
        %mul3A_3974 = vector.broadcast %squeeze3A_3973 : f32 to vector<16xf32>
        %mul3A_3975 = arith.mulf %mul3A_3974, %get3A_49 : vector<16xf32>
        %add3A_3976 = arith.addf %add3A_3971, %mul3A_3975 : vector<16xf32>
        %slice3A_3977 = vector.extract_strided_slice %gather3A_3791 {offsets = [2], sizes = [1], strides = [1]} : vector<16xf32> to vector<1xf32>
        %squeeze3A_3978 = vector.extract %slice3A_3977[0] : f32 from vector<1xf32>
        %mul3A_3979 = vector.broadcast %squeeze3A_3978 : f32 to vector<16xf32>
        %mul3A_3980 = arith.mulf %mul3A_3979, %get3A_69 : vector<16xf32>
        %add3A_3981 = arith.addf %add3A_3976, %mul3A_3980 : vector<16xf32>
        %slice3A_3982 = vector.extract_strided_slice %gather3A_3791 {offsets = [3], sizes = [1], strides = [1]} : vector<16xf32> to vector<1xf32>
        %squeeze3A_3983 = vector.extract %slice3A_3982[0] : f32 from vector<1xf32>
        %mul3A_3984 = vector.broadcast %squeeze3A_3983 : f32 to vector<16xf32>
        %mul3A_3985 = arith.mulf %mul3A_3984, %get3A_89 : vector<16xf32>
        %add3A_3986 = arith.addf %add3A_3981, %mul3A_3985 : vector<16xf32>
        %slice3A_3987 = vector.extract_strided_slice %gather3A_3791 {offsets = [4], sizes = [1], strides = [1]} : vector<16xf32> to vector<1xf32>
        %squeeze3A_3988 = vector.extract %slice3A_3987[0] : f32 from vector<1xf32>
        %mul3A_3989 = vector.broadcast %squeeze3A_3988 : f32 to vector<16xf32>
        %mul3A_3990 = arith.mulf %mul3A_3989, %get3A_109 : vector<16xf32>
        %add3A_3991 = arith.addf %add3A_3986, %mul3A_3990 : vector<16xf32>
        %slice3A_3992 = vector.extract_strided_slice %gather3A_3791 {offsets = [5], sizes = [1], strides = [1]} : vector<16xf32> to vector<1xf32>
        %squeeze3A_3993 = vector.extract %slice3A_3992[0] : f32 from vector<1xf32>
        %mul3A_3994 = vector.broadcast %squeeze3A_3993 : f32 to vector<16xf32>
        %mul3A_3995 = arith.mulf %mul3A_3994, %get3A_129 : vector<16xf32>
        %add3A_3996 = arith.addf %add3A_3991, %mul3A_3995 : vector<16xf32>
        %slice3A_3997 = vector.extract_strided_slice %gather3A_3791 {offsets = [6], sizes = [1], strides = [1]} : vector<16xf32> to vector<1xf32>
        %squeeze3A_3998 = vector.extract %slice3A_3997[0] : f32 from vector<1xf32>
        %mul3A_3999 = vector.broadcast %squeeze3A_3998 : f32 to vector<16xf32>
        %mul3A_4000 = arith.mulf %mul3A_3999, %get3A_149 : vector<16xf32>
        %add3A_4001 = arith.addf %add3A_3996, %mul3A_4000 : vector<16xf32>
        %slice3A_4002 = vector.extract_strided_slice %gather3A_3791 {offsets = [7], sizes = [1], strides = [1]} : vector<16xf32> to vector<1xf32>
        %squeeze3A_4003 = vector.extract %slice3A_4002[0] : f32 from vector<1xf32>
        %mul3A_4004 = vector.broadcast %squeeze3A_4003 : f32 to vector<16xf32>
        %mul3A_4005 = arith.mulf %mul3A_4004, %get3A_169 : vector<16xf32>
        %add3A_4006 = arith.addf %add3A_4001, %mul3A_4005 : vector<16xf32>
        %mul3A_4007 = arith.constant 8 : i32
        %mul3A_4008 = arith.muli %scan3A_245, %mul3A_4007 : i32
        %add3A_4009 = arith.constant 7 : i32
        %add3A_4010 = arith.addi %mul3A_4008, %add3A_4009 : i32
        %swap3A_4011 = arith.index_cast %add3A_4010 : i32 to index
        %swap3A_4012 = arith.constant 48 : index
        %swap3A_4013 = tpu.vector_load %arg14[%swap3A_4011, %swap3A_4012] {strides = array<i32>} : memref<64x128xf32, #tpu.memory_space<vmem>>, vector<1x16xf32>,
        %swap3A_4014 = vector.shape_cast %swap3A_4013 : vector<1x16xf32> to vector<16xf32>
        %swap3A_4015 = vector.shape_cast %add3A_4006 : vector<16xf32> to vector<1x16xf32>
        tpu.vector_store %arg14[%swap3A_4011, %swap3A_4012], %swap3A_4015 {strides = array<i32>} : memref<64x128xf32, #tpu.memory_space<vmem>>, vector<1x16xf32>,
        %mul3A_4016 = arith.constant 16 : i32
        %mul3A_4017 = arith.muli %scan3A_245, %mul3A_4016 : i32
        %add3A_4018 = arith.constant 15 : i32
        %add3A_4019 = arith.addi %mul3A_4017, %add3A_4018 : i32
        %slice3A_4020 = vector.extract_strided_slice %get3A_251 {offsets = [15], sizes = [1], strides = [1]} : vector<16xi32> to vector<1xi32>
        %squeeze3A_4021 = vector.extract %slice3A_4020[0] : i32 from vector<1xi32>
        %slice3A_4022 = vector.extract_strided_slice %get3A_257 {offsets = [15], sizes = [1], strides = [1]} : vector<16xi32> to vector<1xi32>
        %squeeze3A_4023 = vector.extract %slice3A_4022[0] : i32 from vector<1xi32>
        %get3A_4024 = arith.index_cast %and3A_205 : i32 to index
        %get3A_4025 = arith.index_cast %add3A_4019 : i32 to index
        %get3A_4026 = arith.index_cast %squeeze3A_4023 : i32 to index
        %get3A_4027 = tpu.vector_load %arg13[%get3A_4024, %get3A_4025, %get3A_4026] {strides = array<i32>} : memref<2x128x128xf32, #tpu.memory_space<vmem>>, vector<1x1x16xf32>,
        %get3A_4028 = vector.shape_cast %get3A_4027 : vector<1x1x16xf32> to vector<16xf32>
        %shift_right_arithmetic3A_4029 = arith.constant 3 : i32
        %shift_right_arithmetic3A_4030 = arith.shrsi %squeeze3A_4021, %shift_right_arithmetic3A_4029 : i32
        %add3A_4031 = vector.broadcast %shift_right_arithmetic3A_4030 : i32 to vector<16xi32>
        %add3A_4032 = arith.addi %and3A_171, %add3A_4031 : vector<16xi32>
        %lt3A_4033 = arith.constant 0 : i32
        %lt3A_4034 = vector.broadcast %lt3A_4033 : i32 to vector<16xi32>
        %lt3A_4035 = arith.cmpi slt, %add3A_4032, %lt3A_4034 : vector<16xi32>
        %add3A_4036 = arith.constant 16 : i32
        %add3A_4037 = vector.broadcast %add3A_4036 : i32 to vector<16xi32>
        %add3A_4038 = arith.addi %add3A_4032, %add3A_4037 : vector<16xi32>
        %select_n3A_4039 = arith.select %lt3A_4035, %add3A_4038, %add3A_4032 : vector<16xi1>, vector<16xi32>
        %broadcast_in_dim3A_4040 = vector.shape_cast %select_n3A_4039 : vector<16xi32> to vector<16x1xi32>
        %gather3A_4041 = vector.shape_cast %broadcast_in_dim3A_4040 : vector<16x1xi32> to vector<16xi32>
        %gather3A_4042 = tpu.dynamic_gather %get3A_4028[%gather3A_4041] in [0] : vector<16xf32>, vector<16xi32> -> vector<16xf32>
        %add3A_4043 = arith.constant 0 : i32
        %add3A_4044 = arith.addi %squeeze3A_4021, %add3A_4043 : i32
        %get3A_4045 = arith.index_cast %and3A_205 : i32 to index
        %get3A_4046 = arith.index_cast %add3A_4019 : i32 to index
        %get3A_4047 = arith.index_cast %add3A_4044 : i32 to index
        %get3A_4048 = tpu.vector_load %arg12[%get3A_4045, %get3A_4046, %get3A_4047] {strides = array<i32>} : memref<2x128x128xf32, #tpu.memory_space<vmem>>, vector<1x1x16xf32>,
        %get3A_4049 = vector.shape_cast %get3A_4048 : vector<1x1x16xf32> to vector<16xf32>
        %slice3A_4050 = vector.extract_strided_slice %gather3A_4042 {offsets = [0], sizes = [1], strides = [1]} : vector<16xf32> to vector<1xf32>
        %squeeze3A_4051 = vector.extract %slice3A_4050[0] : f32 from vector<1xf32>
        %mul3A_4052 = vector.broadcast %squeeze3A_4051 : f32 to vector<16xf32>
        %mul3A_4053 = arith.mulf %mul3A_4052, %get3A_14 : vector<16xf32>
        %add3A_4054 = arith.addf %get3A_4049, %mul3A_4053 : vector<16xf32>
        %slice3A_4055 = vector.extract_strided_slice %gather3A_4042 {offsets = [1], sizes = [1], strides = [1]} : vector<16xf32> to vector<1xf32>
        %squeeze3A_4056 = vector.extract %slice3A_4055[0] : f32 from vector<1xf32>
        %mul3A_4057 = vector.broadcast %squeeze3A_4056 : f32 to vector<16xf32>
        %mul3A_4058 = arith.mulf %mul3A_4057, %get3A_34 : vector<16xf32>
        %add3A_4059 = arith.addf %add3A_4054, %mul3A_4058 : vector<16xf32>
        %slice3A_4060 = vector.extract_strided_slice %gather3A_4042 {offsets = [2], sizes = [1], strides = [1]} : vector<16xf32> to vector<1xf32>
        %squeeze3A_4061 = vector.extract %slice3A_4060[0] : f32 from vector<1xf32>
        %mul3A_4062 = vector.broadcast %squeeze3A_4061 : f32 to vector<16xf32>
        %mul3A_4063 = arith.mulf %mul3A_4062, %get3A_54 : vector<16xf32>
        %add3A_4064 = arith.addf %add3A_4059, %mul3A_4063 : vector<16xf32>
        %slice3A_4065 = vector.extract_strided_slice %gather3A_4042 {offsets = [3], sizes = [1], strides = [1]} : vector<16xf32> to vector<1xf32>
        %squeeze3A_4066 = vector.extract %slice3A_4065[0] : f32 from vector<1xf32>
        %mul3A_4067 = vector.broadcast %squeeze3A_4066 : f32 to vector<16xf32>
        %mul3A_4068 = arith.mulf %mul3A_4067, %get3A_74 : vector<16xf32>
        %add3A_4069 = arith.addf %add3A_4064, %mul3A_4068 : vector<16xf32>
        %slice3A_4070 = vector.extract_strided_slice %gather3A_4042 {offsets = [4], sizes = [1], strides = [1]} : vector<16xf32> to vector<1xf32>
        %squeeze3A_4071 = vector.extract %slice3A_4070[0] : f32 from vector<1xf32>
        %mul3A_4072 = vector.broadcast %squeeze3A_4071 : f32 to vector<16xf32>
        %mul3A_4073 = arith.mulf %mul3A_4072, %get3A_94 : vector<16xf32>
        %add3A_4074 = arith.addf %add3A_4069, %mul3A_4073 : vector<16xf32>
        %slice3A_4075 = vector.extract_strided_slice %gather3A_4042 {offsets = [5], sizes = [1], strides = [1]} : vector<16xf32> to vector<1xf32>
        %squeeze3A_4076 = vector.extract %slice3A_4075[0] : f32 from vector<1xf32>
        %mul3A_4077 = vector.broadcast %squeeze3A_4076 : f32 to vector<16xf32>
        %mul3A_4078 = arith.mulf %mul3A_4077, %get3A_114 : vector<16xf32>
        %add3A_4079 = arith.addf %add3A_4074, %mul3A_4078 : vector<16xf32>
        %slice3A_4080 = vector.extract_strided_slice %gather3A_4042 {offsets = [6], sizes = [1], strides = [1]} : vector<16xf32> to vector<1xf32>
        %squeeze3A_4081 = vector.extract %slice3A_4080[0] : f32 from vector<1xf32>
        %mul3A_4082 = vector.broadcast %squeeze3A_4081 : f32 to vector<16xf32>
        %mul3A_4083 = arith.mulf %mul3A_4082, %get3A_134 : vector<16xf32>
        %add3A_4084 = arith.addf %add3A_4079, %mul3A_4083 : vector<16xf32>
        %slice3A_4085 = vector.extract_strided_slice %gather3A_4042 {offsets = [7], sizes = [1], strides = [1]} : vector<16xf32> to vector<1xf32>
        %squeeze3A_4086 = vector.extract %slice3A_4085[0] : f32 from vector<1xf32>
        %mul3A_4087 = vector.broadcast %squeeze3A_4086 : f32 to vector<16xf32>
        %mul3A_4088 = arith.mulf %mul3A_4087, %get3A_154 : vector<16xf32>
        %add3A_4089 = arith.addf %add3A_4084, %mul3A_4088 : vector<16xf32>
        %mul3A_4090 = arith.constant 8 : i32
        %mul3A_4091 = arith.muli %scan3A_245, %mul3A_4090 : i32
        %add3A_4092 = arith.constant 7 : i32
        %add3A_4093 = arith.addi %mul3A_4091, %add3A_4092 : i32
        %swap3A_4094 = arith.index_cast %add3A_4093 : i32 to index
        %swap3A_4095 = arith.constant 64 : index
        %swap3A_4096 = tpu.vector_load %arg14[%swap3A_4094, %swap3A_4095] {strides = array<i32>} : memref<64x128xf32, #tpu.memory_space<vmem>>, vector<1x16xf32>,
        %swap3A_4097 = vector.shape_cast %swap3A_4096 : vector<1x16xf32> to vector<16xf32>
        %swap3A_4098 = vector.shape_cast %add3A_4089 : vector<16xf32> to vector<1x16xf32>
        tpu.vector_store %arg14[%swap3A_4094, %swap3A_4095], %swap3A_4098 {strides = array<i32>} : memref<64x128xf32, #tpu.memory_space<vmem>>, vector<1x16xf32>,
        %add3A_4099 = arith.constant 16 : i32
        %add3A_4100 = arith.addi %squeeze3A_4021, %add3A_4099 : i32
        %get3A_4101 = arith.index_cast %and3A_205 : i32 to index
        %get3A_4102 = arith.index_cast %add3A_4019 : i32 to index
        %get3A_4103 = arith.index_cast %add3A_4100 : i32 to index
        %get3A_4104 = tpu.vector_load %arg12[%get3A_4101, %get3A_4102, %get3A_4103] {strides = array<i32>} : memref<2x128x128xf32, #tpu.memory_space<vmem>>, vector<1x1x16xf32>,
        %get3A_4105 = vector.shape_cast %get3A_4104 : vector<1x1x16xf32> to vector<16xf32>
        %slice3A_4106 = vector.extract_strided_slice %gather3A_4042 {offsets = [0], sizes = [1], strides = [1]} : vector<16xf32> to vector<1xf32>
        %squeeze3A_4107 = vector.extract %slice3A_4106[0] : f32 from vector<1xf32>
        %mul3A_4108 = vector.broadcast %squeeze3A_4107 : f32 to vector<16xf32>
        %mul3A_4109 = arith.mulf %mul3A_4108, %get3A_19 : vector<16xf32>
        %add3A_4110 = arith.addf %get3A_4105, %mul3A_4109 : vector<16xf32>
        %slice3A_4111 = vector.extract_strided_slice %gather3A_4042 {offsets = [1], sizes = [1], strides = [1]} : vector<16xf32> to vector<1xf32>
        %squeeze3A_4112 = vector.extract %slice3A_4111[0] : f32 from vector<1xf32>
        %mul3A_4113 = vector.broadcast %squeeze3A_4112 : f32 to vector<16xf32>
        %mul3A_4114 = arith.mulf %mul3A_4113, %get3A_39 : vector<16xf32>
        %add3A_4115 = arith.addf %add3A_4110, %mul3A_4114 : vector<16xf32>
        %slice3A_4116 = vector.extract_strided_slice %gather3A_4042 {offsets = [2], sizes = [1], strides = [1]} : vector<16xf32> to vector<1xf32>
        %squeeze3A_4117 = vector.extract %slice3A_4116[0] : f32 from vector<1xf32>
        %mul3A_4118 = vector.broadcast %squeeze3A_4117 : f32 to vector<16xf32>
        %mul3A_4119 = arith.mulf %mul3A_4118, %get3A_59 : vector<16xf32>
        %add3A_4120 = arith.addf %add3A_4115, %mul3A_4119 : vector<16xf32>
        %slice3A_4121 = vector.extract_strided_slice %gather3A_4042 {offsets = [3], sizes = [1], strides = [1]} : vector<16xf32> to vector<1xf32>
        %squeeze3A_4122 = vector.extract %slice3A_4121[0] : f32 from vector<1xf32>
        %mul3A_4123 = vector.broadcast %squeeze3A_4122 : f32 to vector<16xf32>
        %mul3A_4124 = arith.mulf %mul3A_4123, %get3A_79 : vector<16xf32>
        %add3A_4125 = arith.addf %add3A_4120, %mul3A_4124 : vector<16xf32>
        %slice3A_4126 = vector.extract_strided_slice %gather3A_4042 {offsets = [4], sizes = [1], strides = [1]} : vector<16xf32> to vector<1xf32>
        %squeeze3A_4127 = vector.extract %slice3A_4126[0] : f32 from vector<1xf32>
        %mul3A_4128 = vector.broadcast %squeeze3A_4127 : f32 to vector<16xf32>
        %mul3A_4129 = arith.mulf %mul3A_4128, %get3A_99 : vector<16xf32>
        %add3A_4130 = arith.addf %add3A_4125, %mul3A_4129 : vector<16xf32>
        %slice3A_4131 = vector.extract_strided_slice %gather3A_4042 {offsets = [5], sizes = [1], strides = [1]} : vector<16xf32> to vector<1xf32>
        %squeeze3A_4132 = vector.extract %slice3A_4131[0] : f32 from vector<1xf32>
        %mul3A_4133 = vector.broadcast %squeeze3A_4132 : f32 to vector<16xf32>
        %mul3A_4134 = arith.mulf %mul3A_4133, %get3A_119 : vector<16xf32>
        %add3A_4135 = arith.addf %add3A_4130, %mul3A_4134 : vector<16xf32>
        %slice3A_4136 = vector.extract_strided_slice %gather3A_4042 {offsets = [6], sizes = [1], strides = [1]} : vector<16xf32> to vector<1xf32>
        %squeeze3A_4137 = vector.extract %slice3A_4136[0] : f32 from vector<1xf32>
        %mul3A_4138 = vector.broadcast %squeeze3A_4137 : f32 to vector<16xf32>
        %mul3A_4139 = arith.mulf %mul3A_4138, %get3A_139 : vector<16xf32>
        %add3A_4140 = arith.addf %add3A_4135, %mul3A_4139 : vector<16xf32>
        %slice3A_4141 = vector.extract_strided_slice %gather3A_4042 {offsets = [7], sizes = [1], strides = [1]} : vector<16xf32> to vector<1xf32>
        %squeeze3A_4142 = vector.extract %slice3A_4141[0] : f32 from vector<1xf32>
        %mul3A_4143 = vector.broadcast %squeeze3A_4142 : f32 to vector<16xf32>
        %mul3A_4144 = arith.mulf %mul3A_4143, %get3A_159 : vector<16xf32>
        %add3A_4145 = arith.addf %add3A_4140, %mul3A_4144 : vector<16xf32>
        %mul3A_4146 = arith.constant 8 : i32
        %mul3A_4147 = arith.muli %scan3A_245, %mul3A_4146 : i32
        %add3A_4148 = arith.constant 7 : i32
        %add3A_4149 = arith.addi %mul3A_4147, %add3A_4148 : i32
        %swap3A_4150 = arith.index_cast %add3A_4149 : i32 to index
        %swap3A_4151 = arith.constant 80 : index
        %swap3A_4152 = tpu.vector_load %arg14[%swap3A_4150, %swap3A_4151] {strides = array<i32>} : memref<64x128xf32, #tpu.memory_space<vmem>>, vector<1x16xf32>,
        %swap3A_4153 = vector.shape_cast %swap3A_4152 : vector<1x16xf32> to vector<16xf32>
        %swap3A_4154 = vector.shape_cast %add3A_4145 : vector<16xf32> to vector<1x16xf32>
        tpu.vector_store %arg14[%swap3A_4150, %swap3A_4151], %swap3A_4154 {strides = array<i32>} : memref<64x128xf32, #tpu.memory_space<vmem>>, vector<1x16xf32>,
        %add3A_4155 = arith.constant 32 : i32
        %add3A_4156 = arith.addi %squeeze3A_4021, %add3A_4155 : i32
        %get3A_4157 = arith.index_cast %and3A_205 : i32 to index
        %get3A_4158 = arith.index_cast %add3A_4019 : i32 to index
        %get3A_4159 = arith.index_cast %add3A_4156 : i32 to index
        %get3A_4160 = tpu.vector_load %arg12[%get3A_4157, %get3A_4158, %get3A_4159] {strides = array<i32>} : memref<2x128x128xf32, #tpu.memory_space<vmem>>, vector<1x1x16xf32>,
        %get3A_4161 = vector.shape_cast %get3A_4160 : vector<1x1x16xf32> to vector<16xf32>
        %slice3A_4162 = vector.extract_strided_slice %gather3A_4042 {offsets = [0], sizes = [1], strides = [1]} : vector<16xf32> to vector<1xf32>
        %squeeze3A_4163 = vector.extract %slice3A_4162[0] : f32 from vector<1xf32>
        %mul3A_4164 = vector.broadcast %squeeze3A_4163 : f32 to vector<16xf32>
        %mul3A_4165 = arith.mulf %mul3A_4164, %get3A_24 : vector<16xf32>
        %add3A_4166 = arith.addf %get3A_4161, %mul3A_4165 : vector<16xf32>
        %slice3A_4167 = vector.extract_strided_slice %gather3A_4042 {offsets = [1], sizes = [1], strides = [1]} : vector<16xf32> to vector<1xf32>
        %squeeze3A_4168 = vector.extract %slice3A_4167[0] : f32 from vector<1xf32>
        %mul3A_4169 = vector.broadcast %squeeze3A_4168 : f32 to vector<16xf32>
        %mul3A_4170 = arith.mulf %mul3A_4169, %get3A_44 : vector<16xf32>
        %add3A_4171 = arith.addf %add3A_4166, %mul3A_4170 : vector<16xf32>
        %slice3A_4172 = vector.extract_strided_slice %gather3A_4042 {offsets = [2], sizes = [1], strides = [1]} : vector<16xf32> to vector<1xf32>
        %squeeze3A_4173 = vector.extract %slice3A_4172[0] : f32 from vector<1xf32>
        %mul3A_4174 = vector.broadcast %squeeze3A_4173 : f32 to vector<16xf32>
        %mul3A_4175 = arith.mulf %mul3A_4174, %get3A_64 : vector<16xf32>
        %add3A_4176 = arith.addf %add3A_4171, %mul3A_4175 : vector<16xf32>
        %slice3A_4177 = vector.extract_strided_slice %gather3A_4042 {offsets = [3], sizes = [1], strides = [1]} : vector<16xf32> to vector<1xf32>
        %squeeze3A_4178 = vector.extract %slice3A_4177[0] : f32 from vector<1xf32>
        %mul3A_4179 = vector.broadcast %squeeze3A_4178 : f32 to vector<16xf32>
        %mul3A_4180 = arith.mulf %mul3A_4179, %get3A_84 : vector<16xf32>
        %add3A_4181 = arith.addf %add3A_4176, %mul3A_4180 : vector<16xf32>
        %slice3A_4182 = vector.extract_strided_slice %gather3A_4042 {offsets = [4], sizes = [1], strides = [1]} : vector<16xf32> to vector<1xf32>
        %squeeze3A_4183 = vector.extract %slice3A_4182[0] : f32 from vector<1xf32>
        %mul3A_4184 = vector.broadcast %squeeze3A_4183 : f32 to vector<16xf32>
        %mul3A_4185 = arith.mulf %mul3A_4184, %get3A_104 : vector<16xf32>
        %add3A_4186 = arith.addf %add3A_4181, %mul3A_4185 : vector<16xf32>
        %slice3A_4187 = vector.extract_strided_slice %gather3A_4042 {offsets = [5], sizes = [1], strides = [1]} : vector<16xf32> to vector<1xf32>
        %squeeze3A_4188 = vector.extract %slice3A_4187[0] : f32 from vector<1xf32>
        %mul3A_4189 = vector.broadcast %squeeze3A_4188 : f32 to vector<16xf32>
        %mul3A_4190 = arith.mulf %mul3A_4189, %get3A_124 : vector<16xf32>
        %add3A_4191 = arith.addf %add3A_4186, %mul3A_4190 : vector<16xf32>
        %slice3A_4192 = vector.extract_strided_slice %gather3A_4042 {offsets = [6], sizes = [1], strides = [1]} : vector<16xf32> to vector<1xf32>
        %squeeze3A_4193 = vector.extract %slice3A_4192[0] : f32 from vector<1xf32>
        %mul3A_4194 = vector.broadcast %squeeze3A_4193 : f32 to vector<16xf32>
        %mul3A_4195 = arith.mulf %mul3A_4194, %get3A_144 : vector<16xf32>
        %add3A_4196 = arith.addf %add3A_4191, %mul3A_4195 : vector<16xf32>
        %slice3A_4197 = vector.extract_strided_slice %gather3A_4042 {offsets = [7], sizes = [1], strides = [1]} : vector<16xf32> to vector<1xf32>
        %squeeze3A_4198 = vector.extract %slice3A_4197[0] : f32 from vector<1xf32>
        %mul3A_4199 = vector.broadcast %squeeze3A_4198 : f32 to vector<16xf32>
        %mul3A_4200 = arith.mulf %mul3A_4199, %get3A_164 : vector<16xf32>
        %add3A_4201 = arith.addf %add3A_4196, %mul3A_4200 : vector<16xf32>
        %mul3A_4202 = arith.constant 8 : i32
        %mul3A_4203 = arith.muli %scan3A_245, %mul3A_4202 : i32
        %add3A_4204 = arith.constant 7 : i32
        %add3A_4205 = arith.addi %mul3A_4203, %add3A_4204 : i32
        %swap3A_4206 = arith.index_cast %add3A_4205 : i32 to index
        %swap3A_4207 = arith.constant 96 : index
        %swap3A_4208 = tpu.vector_load %arg14[%swap3A_4206, %swap3A_4207] {strides = array<i32>} : memref<64x128xf32, #tpu.memory_space<vmem>>, vector<1x16xf32>,
        %swap3A_4209 = vector.shape_cast %swap3A_4208 : vector<1x16xf32> to vector<16xf32>
        %swap3A_4210 = vector.shape_cast %add3A_4201 : vector<16xf32> to vector<1x16xf32>
        tpu.vector_store %arg14[%swap3A_4206, %swap3A_4207], %swap3A_4210 {strides = array<i32>} : memref<64x128xf32, #tpu.memory_space<vmem>>, vector<1x16xf32>,
        %add3A_4211 = arith.constant 48 : i32
        %add3A_4212 = arith.addi %squeeze3A_4021, %add3A_4211 : i32
        %get3A_4213 = arith.index_cast %and3A_205 : i32 to index
        %get3A_4214 = arith.index_cast %add3A_4019 : i32 to index
        %get3A_4215 = arith.index_cast %add3A_4212 : i32 to index
        %get3A_4216 = tpu.vector_load %arg12[%get3A_4213, %get3A_4214, %get3A_4215] {strides = array<i32>} : memref<2x128x128xf32, #tpu.memory_space<vmem>>, vector<1x1x16xf32>,
        %get3A_4217 = vector.shape_cast %get3A_4216 : vector<1x1x16xf32> to vector<16xf32>
        %slice3A_4218 = vector.extract_strided_slice %gather3A_4042 {offsets = [0], sizes = [1], strides = [1]} : vector<16xf32> to vector<1xf32>
        %squeeze3A_4219 = vector.extract %slice3A_4218[0] : f32 from vector<1xf32>
        %mul3A_4220 = vector.broadcast %squeeze3A_4219 : f32 to vector<16xf32>
        %mul3A_4221 = arith.mulf %mul3A_4220, %get3A_29 : vector<16xf32>
        %add3A_4222 = arith.addf %get3A_4217, %mul3A_4221 : vector<16xf32>
        %slice3A_4223 = vector.extract_strided_slice %gather3A_4042 {offsets = [1], sizes = [1], strides = [1]} : vector<16xf32> to vector<1xf32>
        %squeeze3A_4224 = vector.extract %slice3A_4223[0] : f32 from vector<1xf32>
        %mul3A_4225 = vector.broadcast %squeeze3A_4224 : f32 to vector<16xf32>
        %mul3A_4226 = arith.mulf %mul3A_4225, %get3A_49 : vector<16xf32>
        %add3A_4227 = arith.addf %add3A_4222, %mul3A_4226 : vector<16xf32>
        %slice3A_4228 = vector.extract_strided_slice %gather3A_4042 {offsets = [2], sizes = [1], strides = [1]} : vector<16xf32> to vector<1xf32>
        %squeeze3A_4229 = vector.extract %slice3A_4228[0] : f32 from vector<1xf32>
        %mul3A_4230 = vector.broadcast %squeeze3A_4229 : f32 to vector<16xf32>
        %mul3A_4231 = arith.mulf %mul3A_4230, %get3A_69 : vector<16xf32>
        %add3A_4232 = arith.addf %add3A_4227, %mul3A_4231 : vector<16xf32>
        %slice3A_4233 = vector.extract_strided_slice %gather3A_4042 {offsets = [3], sizes = [1], strides = [1]} : vector<16xf32> to vector<1xf32>
        %squeeze3A_4234 = vector.extract %slice3A_4233[0] : f32 from vector<1xf32>
        %mul3A_4235 = vector.broadcast %squeeze3A_4234 : f32 to vector<16xf32>
        %mul3A_4236 = arith.mulf %mul3A_4235, %get3A_89 : vector<16xf32>
        %add3A_4237 = arith.addf %add3A_4232, %mul3A_4236 : vector<16xf32>
        %slice3A_4238 = vector.extract_strided_slice %gather3A_4042 {offsets = [4], sizes = [1], strides = [1]} : vector<16xf32> to vector<1xf32>
        %squeeze3A_4239 = vector.extract %slice3A_4238[0] : f32 from vector<1xf32>
        %mul3A_4240 = vector.broadcast %squeeze3A_4239 : f32 to vector<16xf32>
        %mul3A_4241 = arith.mulf %mul3A_4240, %get3A_109 : vector<16xf32>
        %add3A_4242 = arith.addf %add3A_4237, %mul3A_4241 : vector<16xf32>
        %slice3A_4243 = vector.extract_strided_slice %gather3A_4042 {offsets = [5], sizes = [1], strides = [1]} : vector<16xf32> to vector<1xf32>
        %squeeze3A_4244 = vector.extract %slice3A_4243[0] : f32 from vector<1xf32>
        %mul3A_4245 = vector.broadcast %squeeze3A_4244 : f32 to vector<16xf32>
        %mul3A_4246 = arith.mulf %mul3A_4245, %get3A_129 : vector<16xf32>
        %add3A_4247 = arith.addf %add3A_4242, %mul3A_4246 : vector<16xf32>
        %slice3A_4248 = vector.extract_strided_slice %gather3A_4042 {offsets = [6], sizes = [1], strides = [1]} : vector<16xf32> to vector<1xf32>
        %squeeze3A_4249 = vector.extract %slice3A_4248[0] : f32 from vector<1xf32>
        %mul3A_4250 = vector.broadcast %squeeze3A_4249 : f32 to vector<16xf32>
        %mul3A_4251 = arith.mulf %mul3A_4250, %get3A_149 : vector<16xf32>
        %add3A_4252 = arith.addf %add3A_4247, %mul3A_4251 : vector<16xf32>
        %slice3A_4253 = vector.extract_strided_slice %gather3A_4042 {offsets = [7], sizes = [1], strides = [1]} : vector<16xf32> to vector<1xf32>
        %squeeze3A_4254 = vector.extract %slice3A_4253[0] : f32 from vector<1xf32>
        %mul3A_4255 = vector.broadcast %squeeze3A_4254 : f32 to vector<16xf32>
        %mul3A_4256 = arith.mulf %mul3A_4255, %get3A_169 : vector<16xf32>
        %add3A_4257 = arith.addf %add3A_4252, %mul3A_4256 : vector<16xf32>
        %mul3A_4258 = arith.constant 8 : i32
        %mul3A_4259 = arith.muli %scan3A_245, %mul3A_4258 : i32
        %add3A_4260 = arith.constant 7 : i32
        %add3A_4261 = arith.addi %mul3A_4259, %add3A_4260 : i32
        %swap3A_4262 = arith.index_cast %add3A_4261 : i32 to index
        %swap3A_4263 = arith.constant 112 : index
        %swap3A_4264 = tpu.vector_load %arg14[%swap3A_4262, %swap3A_4263] {strides = array<i32>} : memref<64x128xf32, #tpu.memory_space<vmem>>, vector<1x16xf32>,
        %swap3A_4265 = vector.shape_cast %swap3A_4264 : vector<1x16xf32> to vector<16xf32>
        %swap3A_4266 = vector.shape_cast %add3A_4257 : vector<16xf32> to vector<1x16xf32>
        tpu.vector_store %arg14[%swap3A_4262, %swap3A_4263], %swap3A_4266 {strides = array<i32>} : memref<64x128xf32, #tpu.memory_space<vmem>>, vector<1x16xf32>,
      }
      %scan3A_240 = arith.constant 8 : i32
      %mul3A_241 = arith.constant 64 : i32
      %mul3A_242 = arith.muli %scan3A_203, %mul3A_241 : i32
      %multiple_of3A_243 = tpu.assume_multiple %mul3A_242, 64 : i32
      %add3A_244 = arith.addi %multiple_of3A_5, %multiple_of3A_243 : i32
      "tpu.region"() ({
        %run_scoped3A = tpu.sem_alloc : memref<!tpu.dma_semaphore, #tpu.memory_space<semaphore_mem>>
        %dma_start3A_245 = arith.constant 0 : i32
        %dma_start3A_246 = tpu.memref_slice %arg6[%add3A_244, %dma_start3A_245] : memref<102400x128xf32, #tpu.memory_space<hbm>> -> memref<64x128xf32, #tpu.memory_space<hbm>>
        %dma_start3A_247 = arith.constant 0 : i32
        %dma_start3A_248 = tpu.memref_slice %arg6[%add3A_244, %dma_start3A_247] : memref<102400x128xf32, #tpu.memory_space<hbm>> -> memref<64x128xf32, #tpu.memory_space<hbm>>
        tpu.enqueue_dma source(%arg14 : memref<64x128xf32, #tpu.memory_space<vmem>>) target(%dma_start3A_248 : memref<64x128xf32, #tpu.memory_space<hbm>>) target_semaphore(%run_scoped3A : memref<!tpu.dma_semaphore, #tpu.memory_space<semaphore_mem>>)
        %dma_wait3A_249 = arith.constant 0 : i32
        %dma_wait3A_250 = tpu.memref_slice %arg6[%add3A_244, %dma_wait3A_249] : memref<102400x128xf32, #tpu.memory_space<hbm>> -> memref<64x128xf32, #tpu.memory_space<hbm>>
        %dma_wait3A_251 = arith.constant 0 : i32
        %dma_wait3A_252 = tpu.memref_slice %arg6[%add3A_244, %dma_wait3A_251] : memref<102400x128xf32, #tpu.memory_space<hbm>> -> memref<64x128xf32, #tpu.memory_space<hbm>>
        tpu.wait_dma2 semaphore(%run_scoped3A : memref<!tpu.dma_semaphore, #tpu.memory_space<semaphore_mem>>) src(%arg14 : memref<64x128xf32, #tpu.memory_space<vmem>>) dst(%dma_wait3A_252 : memref<64x128xf32, #tpu.memory_space<hbm>>)
        tpu.yield
      }) : () -> ()
    }
    %scan3A_202 = arith.constant 50 : i32
    return
  }
}

module attributes {stable_mosaic.version = 14 : i64} {
  func.func @_tp_body(%arg0: i32, %arg1: memref<64x4096xf32, #tpu.memory_space<vmem>>, %arg2: memref<8x4096xf32, #tpu.memory_space<vmem>>, %arg3: memref<2048x128xf32, #tpu.memory_space<vmem>>, %arg4: memref<256x128xf32, #tpu.memory_space<vmem>>) attributes {dimension_semantics = [#tpu.dimension_semantics<arbitrary>], iteration_bounds = array<i64: 245>, scalar_prefetch = 0 : i64, scratch_operands = 0 : i64, tpu.core_type = #tpu.core_type<tc>, window_params = [{transform_indices = @transform_0, window_bounds = array<i64: 64, 4096>}, {transform_indices = @transform_1, window_bounds = array<i64: 8, 4096>}, {transform_indices = @transform_2, window_bounds = array<i64: 2048, 128>}, {transform_indices = @transform_3, window_bounds = array<i64: 256, 128>}]} {
    %get3A = arith.constant 0 : index
    %get3A_0 = arith.constant 0 : index
    %get3A_1 = vector.load %arg1[%get3A, %get3A_0] : memref<64x4096xf32, #tpu.memory_space<vmem>>, vector<64x4096xf32>
    %transpose3A = tpu.transpose %get3A_1, [1, 0] : vector<64x4096xf32> -> vector<4096x64xf32>
    %reshape3A = vector.shape_cast %transpose3A : vector<4096x64xf32> to vector<2048x2x64xf32>
    %slice3A = vector.extract_strided_slice %reshape3A {offsets = [0, 0, 0], sizes = [2048, 1, 64], strides = [1, 1, 1]} : vector<2048x2x64xf32> to vector<2048x1x64xf32>
    %squeeze3A = vector.shape_cast %slice3A : vector<2048x1x64xf32> to vector<2048x64xf32>
    %swap3A = arith.constant 0 : index
    %swap3A_2 = arith.constant 0 : index
    %swap3A_3 = vector.load %arg3[%swap3A, %swap3A_2] : memref<2048x128xf32, #tpu.memory_space<vmem>>, vector<2048x64xf32>
    tpu.vector_store %arg3[%swap3A, %swap3A_2], %squeeze3A {strides = array<i32>} : memref<2048x128xf32, #tpu.memory_space<vmem>>, vector<2048x64xf32>,
    %slice3A_4 = vector.extract_strided_slice %reshape3A {offsets = [0, 1, 0], sizes = [2048, 1, 64], strides = [1, 1, 1]} : vector<2048x2x64xf32> to vector<2048x1x64xf32>
    %squeeze3A_5 = vector.shape_cast %slice3A_4 : vector<2048x1x64xf32> to vector<2048x64xf32>
    %swap3A_6 = arith.constant 0 : index
    %swap3A_7 = arith.constant 64 : index
    %swap3A_8 = vector.load %arg3[%swap3A_6, %swap3A_7] : memref<2048x128xf32, #tpu.memory_space<vmem>>, vector<2048x64xf32>
    tpu.vector_store %arg3[%swap3A_6, %swap3A_7], %squeeze3A_5 {strides = array<i32>} : memref<2048x128xf32, #tpu.memory_space<vmem>>, vector<2048x64xf32>,
    %get3A_9 = arith.constant 0 : index
    %get3A_10 = arith.constant 0 : index
    %get3A_11 = vector.load %arg2[%get3A_9, %get3A_10] : memref<8x4096xf32, #tpu.memory_space<vmem>>, vector<8x4096xf32>
    %transpose3A_12 = tpu.transpose %get3A_11, [1, 0] : vector<8x4096xf32> -> vector<4096x8xf32>
    %reshape3A_13 = vector.shape_cast %transpose3A_12 : vector<4096x8xf32> to vector<256x16x8xf32>
    %slice3A_14 = vector.extract_strided_slice %reshape3A_13 {offsets = [0, 0, 0], sizes = [256, 1, 8], strides = [1, 1, 1]} : vector<256x16x8xf32> to vector<256x1x8xf32>
    %squeeze3A_15 = vector.shape_cast %slice3A_14 : vector<256x1x8xf32> to vector<256x8xf32>
    %swap3A_16 = arith.constant 0 : index
    %swap3A_17 = arith.constant 0 : index
    %swap3A_18 = vector.load %arg4[%swap3A_16, %swap3A_17] : memref<256x128xf32, #tpu.memory_space<vmem>>, vector<256x8xf32>
    tpu.vector_store %arg4[%swap3A_16, %swap3A_17], %squeeze3A_15 {strides = array<i32>} : memref<256x128xf32, #tpu.memory_space<vmem>>, vector<256x8xf32>,
    %slice3A_19 = vector.extract_strided_slice %reshape3A_13 {offsets = [0, 1, 0], sizes = [256, 1, 8], strides = [1, 1, 1]} : vector<256x16x8xf32> to vector<256x1x8xf32>
    %squeeze3A_20 = vector.shape_cast %slice3A_19 : vector<256x1x8xf32> to vector<256x8xf32>
    %swap3A_21 = arith.constant 0 : index
    %swap3A_22 = arith.constant 8 : index
    %swap3A_23 = vector.load %arg4[%swap3A_21, %swap3A_22] : memref<256x128xf32, #tpu.memory_space<vmem>>, vector<256x8xf32>
    tpu.vector_store %arg4[%swap3A_21, %swap3A_22], %squeeze3A_20 {strides = array<i32>} : memref<256x128xf32, #tpu.memory_space<vmem>>, vector<256x8xf32>,
    %slice3A_24 = vector.extract_strided_slice %reshape3A_13 {offsets = [0, 2, 0], sizes = [256, 1, 8], strides = [1, 1, 1]} : vector<256x16x8xf32> to vector<256x1x8xf32>
    %squeeze3A_25 = vector.shape_cast %slice3A_24 : vector<256x1x8xf32> to vector<256x8xf32>
    %swap3A_26 = arith.constant 0 : index
    %swap3A_27 = arith.constant 16 : index
    %swap3A_28 = vector.load %arg4[%swap3A_26, %swap3A_27] : memref<256x128xf32, #tpu.memory_space<vmem>>, vector<256x8xf32>
    tpu.vector_store %arg4[%swap3A_26, %swap3A_27], %squeeze3A_25 {strides = array<i32>} : memref<256x128xf32, #tpu.memory_space<vmem>>, vector<256x8xf32>,
    %slice3A_29 = vector.extract_strided_slice %reshape3A_13 {offsets = [0, 3, 0], sizes = [256, 1, 8], strides = [1, 1, 1]} : vector<256x16x8xf32> to vector<256x1x8xf32>
    %squeeze3A_30 = vector.shape_cast %slice3A_29 : vector<256x1x8xf32> to vector<256x8xf32>
    %swap3A_31 = arith.constant 0 : index
    %swap3A_32 = arith.constant 24 : index
    %swap3A_33 = vector.load %arg4[%swap3A_31, %swap3A_32] : memref<256x128xf32, #tpu.memory_space<vmem>>, vector<256x8xf32>
    tpu.vector_store %arg4[%swap3A_31, %swap3A_32], %squeeze3A_30 {strides = array<i32>} : memref<256x128xf32, #tpu.memory_space<vmem>>, vector<256x8xf32>,
    %slice3A_34 = vector.extract_strided_slice %reshape3A_13 {offsets = [0, 4, 0], sizes = [256, 1, 8], strides = [1, 1, 1]} : vector<256x16x8xf32> to vector<256x1x8xf32>
    %squeeze3A_35 = vector.shape_cast %slice3A_34 : vector<256x1x8xf32> to vector<256x8xf32>
    %swap3A_36 = arith.constant 0 : index
    %swap3A_37 = arith.constant 32 : index
    %swap3A_38 = vector.load %arg4[%swap3A_36, %swap3A_37] : memref<256x128xf32, #tpu.memory_space<vmem>>, vector<256x8xf32>
    tpu.vector_store %arg4[%swap3A_36, %swap3A_37], %squeeze3A_35 {strides = array<i32>} : memref<256x128xf32, #tpu.memory_space<vmem>>, vector<256x8xf32>,
    %slice3A_39 = vector.extract_strided_slice %reshape3A_13 {offsets = [0, 5, 0], sizes = [256, 1, 8], strides = [1, 1, 1]} : vector<256x16x8xf32> to vector<256x1x8xf32>
    %squeeze3A_40 = vector.shape_cast %slice3A_39 : vector<256x1x8xf32> to vector<256x8xf32>
    %swap3A_41 = arith.constant 0 : index
    %swap3A_42 = arith.constant 40 : index
    %swap3A_43 = vector.load %arg4[%swap3A_41, %swap3A_42] : memref<256x128xf32, #tpu.memory_space<vmem>>, vector<256x8xf32>
    tpu.vector_store %arg4[%swap3A_41, %swap3A_42], %squeeze3A_40 {strides = array<i32>} : memref<256x128xf32, #tpu.memory_space<vmem>>, vector<256x8xf32>,
    %slice3A_44 = vector.extract_strided_slice %reshape3A_13 {offsets = [0, 6, 0], sizes = [256, 1, 8], strides = [1, 1, 1]} : vector<256x16x8xf32> to vector<256x1x8xf32>
    %squeeze3A_45 = vector.shape_cast %slice3A_44 : vector<256x1x8xf32> to vector<256x8xf32>
    %swap3A_46 = arith.constant 0 : index
    %swap3A_47 = arith.constant 48 : index
    %swap3A_48 = vector.load %arg4[%swap3A_46, %swap3A_47] : memref<256x128xf32, #tpu.memory_space<vmem>>, vector<256x8xf32>
    tpu.vector_store %arg4[%swap3A_46, %swap3A_47], %squeeze3A_45 {strides = array<i32>} : memref<256x128xf32, #tpu.memory_space<vmem>>, vector<256x8xf32>,
    %slice3A_49 = vector.extract_strided_slice %reshape3A_13 {offsets = [0, 7, 0], sizes = [256, 1, 8], strides = [1, 1, 1]} : vector<256x16x8xf32> to vector<256x1x8xf32>
    %squeeze3A_50 = vector.shape_cast %slice3A_49 : vector<256x1x8xf32> to vector<256x8xf32>
    %swap3A_51 = arith.constant 0 : index
    %swap3A_52 = arith.constant 56 : index
    %swap3A_53 = vector.load %arg4[%swap3A_51, %swap3A_52] : memref<256x128xf32, #tpu.memory_space<vmem>>, vector<256x8xf32>
    tpu.vector_store %arg4[%swap3A_51, %swap3A_52], %squeeze3A_50 {strides = array<i32>} : memref<256x128xf32, #tpu.memory_space<vmem>>, vector<256x8xf32>,
    %slice3A_54 = vector.extract_strided_slice %reshape3A_13 {offsets = [0, 8, 0], sizes = [256, 1, 8], strides = [1, 1, 1]} : vector<256x16x8xf32> to vector<256x1x8xf32>
    %squeeze3A_55 = vector.shape_cast %slice3A_54 : vector<256x1x8xf32> to vector<256x8xf32>
    %swap3A_56 = arith.constant 0 : index
    %swap3A_57 = arith.constant 64 : index
    %swap3A_58 = vector.load %arg4[%swap3A_56, %swap3A_57] : memref<256x128xf32, #tpu.memory_space<vmem>>, vector<256x8xf32>
    tpu.vector_store %arg4[%swap3A_56, %swap3A_57], %squeeze3A_55 {strides = array<i32>} : memref<256x128xf32, #tpu.memory_space<vmem>>, vector<256x8xf32>,
    %slice3A_59 = vector.extract_strided_slice %reshape3A_13 {offsets = [0, 9, 0], sizes = [256, 1, 8], strides = [1, 1, 1]} : vector<256x16x8xf32> to vector<256x1x8xf32>
    %squeeze3A_60 = vector.shape_cast %slice3A_59 : vector<256x1x8xf32> to vector<256x8xf32>
    %swap3A_61 = arith.constant 0 : index
    %swap3A_62 = arith.constant 72 : index
    %swap3A_63 = vector.load %arg4[%swap3A_61, %swap3A_62] : memref<256x128xf32, #tpu.memory_space<vmem>>, vector<256x8xf32>
    tpu.vector_store %arg4[%swap3A_61, %swap3A_62], %squeeze3A_60 {strides = array<i32>} : memref<256x128xf32, #tpu.memory_space<vmem>>, vector<256x8xf32>,
    %slice3A_64 = vector.extract_strided_slice %reshape3A_13 {offsets = [0, 10, 0], sizes = [256, 1, 8], strides = [1, 1, 1]} : vector<256x16x8xf32> to vector<256x1x8xf32>
    %squeeze3A_65 = vector.shape_cast %slice3A_64 : vector<256x1x8xf32> to vector<256x8xf32>
    %swap3A_66 = arith.constant 0 : index
    %swap3A_67 = arith.constant 80 : index
    %swap3A_68 = vector.load %arg4[%swap3A_66, %swap3A_67] : memref<256x128xf32, #tpu.memory_space<vmem>>, vector<256x8xf32>
    tpu.vector_store %arg4[%swap3A_66, %swap3A_67], %squeeze3A_65 {strides = array<i32>} : memref<256x128xf32, #tpu.memory_space<vmem>>, vector<256x8xf32>,
    %slice3A_69 = vector.extract_strided_slice %reshape3A_13 {offsets = [0, 11, 0], sizes = [256, 1, 8], strides = [1, 1, 1]} : vector<256x16x8xf32> to vector<256x1x8xf32>
    %squeeze3A_70 = vector.shape_cast %slice3A_69 : vector<256x1x8xf32> to vector<256x8xf32>
    %swap3A_71 = arith.constant 0 : index
    %swap3A_72 = arith.constant 88 : index
    %swap3A_73 = vector.load %arg4[%swap3A_71, %swap3A_72] : memref<256x128xf32, #tpu.memory_space<vmem>>, vector<256x8xf32>
    tpu.vector_store %arg4[%swap3A_71, %swap3A_72], %squeeze3A_70 {strides = array<i32>} : memref<256x128xf32, #tpu.memory_space<vmem>>, vector<256x8xf32>,
    %slice3A_74 = vector.extract_strided_slice %reshape3A_13 {offsets = [0, 12, 0], sizes = [256, 1, 8], strides = [1, 1, 1]} : vector<256x16x8xf32> to vector<256x1x8xf32>
    %squeeze3A_75 = vector.shape_cast %slice3A_74 : vector<256x1x8xf32> to vector<256x8xf32>
    %swap3A_76 = arith.constant 0 : index
    %swap3A_77 = arith.constant 96 : index
    %swap3A_78 = vector.load %arg4[%swap3A_76, %swap3A_77] : memref<256x128xf32, #tpu.memory_space<vmem>>, vector<256x8xf32>
    tpu.vector_store %arg4[%swap3A_76, %swap3A_77], %squeeze3A_75 {strides = array<i32>} : memref<256x128xf32, #tpu.memory_space<vmem>>, vector<256x8xf32>,
    %slice3A_79 = vector.extract_strided_slice %reshape3A_13 {offsets = [0, 13, 0], sizes = [256, 1, 8], strides = [1, 1, 1]} : vector<256x16x8xf32> to vector<256x1x8xf32>
    %squeeze3A_80 = vector.shape_cast %slice3A_79 : vector<256x1x8xf32> to vector<256x8xf32>
    %swap3A_81 = arith.constant 0 : index
    %swap3A_82 = arith.constant 104 : index
    %swap3A_83 = vector.load %arg4[%swap3A_81, %swap3A_82] : memref<256x128xf32, #tpu.memory_space<vmem>>, vector<256x8xf32>
    tpu.vector_store %arg4[%swap3A_81, %swap3A_82], %squeeze3A_80 {strides = array<i32>} : memref<256x128xf32, #tpu.memory_space<vmem>>, vector<256x8xf32>,
    %slice3A_84 = vector.extract_strided_slice %reshape3A_13 {offsets = [0, 14, 0], sizes = [256, 1, 8], strides = [1, 1, 1]} : vector<256x16x8xf32> to vector<256x1x8xf32>
    %squeeze3A_85 = vector.shape_cast %slice3A_84 : vector<256x1x8xf32> to vector<256x8xf32>
    %swap3A_86 = arith.constant 0 : index
    %swap3A_87 = arith.constant 112 : index
    %swap3A_88 = vector.load %arg4[%swap3A_86, %swap3A_87] : memref<256x128xf32, #tpu.memory_space<vmem>>, vector<256x8xf32>
    tpu.vector_store %arg4[%swap3A_86, %swap3A_87], %squeeze3A_85 {strides = array<i32>} : memref<256x128xf32, #tpu.memory_space<vmem>>, vector<256x8xf32>,
    %slice3A_89 = vector.extract_strided_slice %reshape3A_13 {offsets = [0, 15, 0], sizes = [256, 1, 8], strides = [1, 1, 1]} : vector<256x16x8xf32> to vector<256x1x8xf32>
    %squeeze3A_90 = vector.shape_cast %slice3A_89 : vector<256x1x8xf32> to vector<256x8xf32>
    %swap3A_91 = arith.constant 0 : index
    %swap3A_92 = arith.constant 120 : index
    %swap3A_93 = vector.load %arg4[%swap3A_91, %swap3A_92] : memref<256x128xf32, #tpu.memory_space<vmem>>, vector<256x8xf32>
    tpu.vector_store %arg4[%swap3A_91, %swap3A_92], %squeeze3A_90 {strides = array<i32>} : memref<256x128xf32, #tpu.memory_space<vmem>>, vector<256x8xf32>,
    return
  }
  func.func @transform_0(%arg0: i32) -> (i32, i32) {
    %c0_i32 = arith.constant 0 : i32
    %c0_i32_0 = arith.constant 0 : i32
    return %c0_i32, %arg0 : i32, i32
  }
  func.func @transform_1(%arg0: i32) -> (i32, i32) {
    %c0_i32 = arith.constant 0 : i32
    %c0_i32_0 = arith.constant 0 : i32
    return %c0_i32, %arg0 : i32, i32
  }
  func.func @transform_2(%arg0: i32) -> (i32, i32) {
    %c0_i32 = arith.constant 0 : i32
    %c0_i32_0 = arith.constant 0 : i32
    return %arg0, %c0_i32 : i32, i32
  }
  func.func @transform_3(%arg0: i32) -> (i32, i32) {
    %c0_i32 = arith.constant 0 : i32
    %c0_i32_0 = arith.constant 0 : i32
    return %arg0, %c0_i32 : i32, i32
  }
}

</mosaic_0001>

<sc_bundles>
// kernel: kernel.4.cloned.1.call-start
scs
__scs_entry_jumppad:
0x0: {  	(pc) =	sbr.rel $0x88, $3  }
0x1: {  	(tag) =	ssettag $0x0;
	lr =	simm.s32 $0x1  }
0x2: {  	[smem:$0x3F9D] =	sst lr;
	_ =	strace $0xD0000000  }
0x3: {  	_ = 	snop  }
0x4: {  	_ = 	snop  }
0x5: {  	_ = 	snop  }
0x6: {  	_ = 	snop  }
0x7: {  	_ = 	snop  }
__scs_overlays_trampoline_lowered:
0x8: {  	[smem:$0x3FAC] =	sst s0  }
0x9: {  	[smem:$0x3FAD] =	sst s1  }
0xa: {  	[smem:$0x3FAE] =	sst s2  }
0xb: {  	[smem:$0x3FAF] =	sst s3  }
0xc: {  	[smem:$0x3FB0] =	sst s4  }
0xd: {  	[smem:$0x3FB1] =	sst s5  }
0xe: {  	[smem:$0x3FB2] =	sst s6  }
0xf: {  	[smem:$0x3FB3] =	sst s7  }
0x10: {  	[smem:$0x3FB4] =	sst s8  }
0x11: {  	[smem:$0x3FB5] =	sst s9;
	s0 =	simm.s32 @!p0 $0x0  }
0x12: {  	s1 =	sld [smem:$0x3F9B];
	s0 =	simm.s32 @p0 $0x1  }
0x13: {  	[smem:$0x3FB6] =	sst s0;
	s0 =	simm.s32 @!p1 $0x0  }
0x14: {  	s2 =	sld [smem:$0x3F9A];
	s0 =	simm.s32 @p1 $0x1  }
0x15: {  	[smem:$0x3FB7] =	sst s0;
	s0 =	simm.s32 @!p2 $0x0  }
0x16: {  	s3 =	sld [smem:$0x3FDB];
	s0 =	simm.s32 @p2 $0x1  }
0x17: {  	s4 =	simm.s32 $0x1BF5;
	[smem:$0x3FB9] =	sst s0  }
0x18: {  	s0 =	sld [smem:$0x3F9C];
	_ =	swait.ge [sflag:s4], $0x0  }
0x19: {  	s7 =	sld [smem:$0x3F9D]  }
0x1a: {  	s8 =	sadd.s32 $0xFFFFE003, lr  }
0x1b: {  	s9 =	sadd.s32 $0xFFFFFEF7, lr;
	s5 =	simm.s32 $0xFFFFFFFF;
	p2 =	slt.u32 s8, $0xFFFFF086  }
0x1c: {  	p1 =	slt.u32 s9, $0xF7A;
	s5 =	simm.s32 @!p2 $0x0  }
0x1d: {  	s5 =	simm.s32 @p1 $0x1;
	p0 =	seq.s32 s7, s2  }
0x1e: {  	s7 =	smul.u32 @!p0 $0xF7A, s2;
	p2 =	seq.s32 @!p0 s5, $0x0  }
0x1f: {  	s9 =	smul.u32 $0xF7A, s1;
	s8 =	simm.s32 @!p0 $0x1BF5;
	p2 =	por !p2, p0  }
0x20: {  	[sflag:s8] =	ssyncset.s32 @!p0 $0xFFFFF086;
	s6 =	sadd.s32 @!p0 s3, s7;
	s7 =	simm.s32 @!p0 $0x108  }
0x21: {  	s3 =	sadd.s32 s3, s9;
	s6 =	sadd.s32 @!p0 $0x88, s6;
	s7 =	simm.s32 @p2 $0x1082  }
0x22: {  	[simem:s7], [sflag:s8] =	dma.local @!p0 [hbm:s6], $0xF7A  }
0x23: {  	s9 =	sor.u32 $0xD0000000, s2;
	s6 =	simm.s32 $0x108;
	_ =	swait.ge @!p0 [sflag:s8], $0x0  }
0x24: {  	s3 =	sadd.s32 $0x88, s3;
	s6 =	simm.s32 @!p1 $0x1082;
	[sflag:s4] =	ssyncset.s32 $0xFFFFF086  }
0x25: {  	[simem:s6], [sflag:s4] =	dma.local [hbm:s3], $0xF7A  }
0x26: {  	[smem:$0x3F9D] =	sst s1;
	(tag) =	ssettag s2;
	_ =	strace s9  }
0x27: {  	s1 =	sld [smem:$0x3FAD]  }
0x28: {  	s2 =	sld [smem:$0x3FAE]  }
0x29: {  	s4 =	sld [smem:$0x3FB0]  }
0x2a: {  	p0 =	seq.s32 s5, $0x0;
	s5 =	sld [smem:$0x3FB1]  }
0x2b: {  	s6 =	sld [smem:$0x3FB2]  }
0x2c: {  	s7 =	sld [smem:$0x3FB3]  }
0x2d: {  	s3 =	simm.s32 $0x108;
	s8 =	sld [smem:$0x3FB4]  }
0x2e: {  	s3 =	simm.s32 @!p0 $0x1082;
	s9 =	sld [smem:$0x3FB5]  }
0x2f: {  	lr =	sadd.s32 s0, s3;
	s0 =	sld [smem:$0x3FAC]  }
0x30: {  	s3 =	sld [smem:$0x3FAF]  }
0x31: {  	[smem:$0x3FB8] =	sst s10  }
0x32: {  	s10 =	sld [smem:$0x3FB6];
	_ =	sdelay $0x3  }
0x33: {  	p0 =	seq.s32 s10, $0x1;
	s10 =	sld [smem:$0x3FB8];
	_ =	sdelay $0x3  }
0x34: {  	[smem:$0x3FB8] =	sst s10  }
0x35: {  	s10 =	sld [smem:$0x3FB7];
	_ =	sdelay $0x3  }
0x36: {  	p1 =	seq.s32 s10, $0x1;
	s10 =	sld [smem:$0x3FB8];
	_ =	sdelay $0x3  }
0x37: {  	[smem:$0x3FB8] =	sst s10  }
0x38: {  	s10 =	sld [smem:$0x3FB9]  }
0x39: {  	_ = 	snop;
	(pc) =	sbr.ind lr, $3  }
0x3a: {  	_ = 	snop  }
0x3b: {  	_ = 	snop  }
0x3c: {  	p2 =	seq.s32 s10, $0x1;
	s10 =	sld [smem:$0x3FB8]  }
0x3d: {  	_ =	shalt  }
0x3e: {  	_ =	shalt  }
0x3f: {  	_ =	shalt  }
0x40: {  	_ =	shalt  }
0x41: {  	_ =	shalt  }
0x42: {  	_ =	shalt  }
0x43: {  	_ =	shalt  }
0x44: {  	_ =	shalt  }
0x45: {  	_ =	shalt  }
0x46: {  	_ =	shalt  }
0x47: {  	_ =	shalt  }
0x48: {  	_ =	shalt  }
0x49: {  	_ =	shalt  }
0x4a: {  	_ =	shalt  }
0x4b: {  	_ =	shalt  }
0x4c: {  	_ =	shalt  }
0x4d: {  	_ =	shalt  }
0x4e: {  	_ =	shalt  }
0x4f: {  	_ =	shalt  }
0x50: {  	_ =	shalt  }
0x51: {  	_ =	shalt  }
0x52: {  	_ =	shalt  }
0x53: {  	_ =	shalt  }
0x54: {  	_ =	shalt  }
0x55: {  	_ =	shalt  }
0x56: {  	_ =	shalt  }
0x57: {  	_ =	shalt  }
0x58: {  	_ =	shalt  }
0x59: {  	_ =	shalt  }
0x5a: {  	_ =	shalt  }
0x5b: {  	_ =	shalt  }
0x5c: {  	_ =	shalt  }
0x5d: {  	_ =	shalt  }
0x5e: {  	_ =	shalt  }
0x5f: {  	_ =	shalt  }
0x60: {  	_ =	shalt  }
0x61: {  	_ =	shalt  }
0x62: {  	_ =	shalt  }
0x63: {  	_ =	shalt  }
0x64: {  	_ =	shalt  }
0x65: {  	_ =	shalt  }
0x66: {  	_ =	shalt  }
0x67: {  	_ =	shalt  }
0x68: {  	_ =	shalt  }
0x69: {  	_ =	shalt  }
0x6a: {  	_ =	shalt  }
0x6b: {  	_ =	shalt  }
0x6c: {  	_ =	shalt  }
0x6d: {  	_ =	shalt  }
0x6e: {  	_ =	shalt  }
0x6f: {  	_ =	shalt  }
0x70: {  	_ =	shalt  }
0x71: {  	_ =	shalt  }
0x72: {  	_ =	shalt  }
0x73: {  	_ =	shalt  }
0x74: {  	_ =	shalt  }
0x75: {  	_ =	shalt  }
0x76: {  	_ =	shalt  }
0x77: {  	_ =	shalt  }
0x78: {  	_ =	shalt  }
0x79: {  	_ =	shalt  }
0x7a: {  	_ =	shalt  }
0x7b: {  	_ =	shalt  }
0x7c: {  	_ =	shalt  }
0x7d: {  	_ =	shalt  }
0x7e: {  	_ =	shalt  }
0x7f: {  	_ =	shalt  }
0x80: {  	_ =	shalt  }
0x81: {  	_ =	shalt  }
0x82: {  	_ =	shalt  }
0x83: {  	_ =	shalt  }
0x84: {  	_ =	shalt  }
0x85: {  	_ =	shalt  }
0x86: {  	_ =	shalt  }
0x87: {  	_ =	shalt  }
.Lfunc_end0:
.L_simem_size_0:
called_computation.1_lowered:
.L_overlay_start_0:
0x88: {  	s2 =	sld [smem:$0x3FD9]  }
0x89: {  	s3 =	sld [smem:$0x3FFE];
	_ =	sdelay $0x1  }
0x8a: {  	s1 =	srdreg.scid  }
0x8b: {  	s0 =	sand.u32 $0x1, s1  }
0x8c: {  	s17 =	sshll.u32 s0, $0xA;
	s2 =	sadd.s32 s3, s2  }
0x8d: {  	s2 =	sadd.s32 s2, s17  }
0x8e: {  	[smem:$0x3FC4] =	sst s2  }
0x8f: {  	_ = 	snop  }
0x90: {  	s2 =	sld [smem:$0x3FD0];
	(tm) =	ssettm $0x1  }
0x91: {  	s18 =	sld [smem:$0x3FFB];
	_ =	sdelay $0x3  }
0x92: {  	_ =	strace s18  }
0x93: {  	s3 =	sld [smem:$0x3FFC];
	_ =	sdelay $0x3  }
0x94: {  	_ =	strace s3  }
0x95: {  	s3 =	sld [smem:$0x3FFD];
	_ =	sdelay $0x3  }
0x96: {  	_ =	strace s3  }
0x97: {  	_ =	strace $0x8FFFFFFF  }
0x98: {  	s19 =	sld [smem:$0x3FDB];
	_ =	sdelay $0x1  }
0x99: {  	s4 =	simm.s32 $_scs_section_size  }
0x9a: {  	s5 =	simm.s32 $_size__tile_overlayer_lowered;
	s6 =	simm.s32 $_tile_overlayer_lowered  }
0x9b: {  	s22 =	simm.s32 $0x1BFF;
	s21 =	sshll.u32 s6, $0x1;
	s3 =	sadd.s32 s4, s19  }
0x9c: {  	s7 =	simm.s32 $0x0;
	s20 =	sshll.u32 s5, $0x1;
	s5 =	sadd.s32 s21, s3  }
0x9d: {  	[timem:s7], [sflag:s22] =	dma.local [hbm:s5], s20  }
0x9e: {  	_ =	swait.ge [sflag:s22], s20  }
0x9f: {  	s4 =	ssub.s32 $0x0, s20;
	[sflag:s22] =	ssyncset.done $0x0  }
0xa0: {  	[sflag:s22] =	ssyncadd.s32 s4;
	_ =	sdelay $0x1  }
0xa1: {  	s23 =	simm.s32 $0x1B8B  }
0xa2: {  	_ =	swait.ge [sflag:s23], $0x1  }
0xa3: {  	[sflag:s23] =	ssyncset.done $0x0  }
0xa4: {  	s25 =	simm.s32 $0x1B8E;
	s24 =	sld [smem:$0x3FFE];
	[sflag:s23] =	ssyncadd.s32 $0xFFFFFFFF  }
0xa5: {  	s26 =	simm.s32 $execute0_lowered;
	[smem:$0x3FD2] =	sst s25  }
0xa6: {  	s5 =	sshll.u32 s26, $0x1;
	_ =	strace $0x80000046;
	[dreg:$0x1] =	wrdreg $0xFFFFFFFF  }
0xa7: {  	s28 =	simm.s32 $_size_execute0_lowered;
	s3 =	sadd.s32 s3, s5;
	[dreg:$0x0] =	wrdreg $0x0  }
0xa8: {  	s5 =	sshll.u32 s28, $0x1;
	[dreg:$0x2] =	wrdreg s3  }
0xa9: {  	[dreg:$0x3] =	wrdreg s5  }
0xaa: {  	[dreg:$0x4] =	wrdreg $0xC0  }
0xab: {  	_ =	task [dreg:s7], $0x5FFFF  }
0xac: {  	[dreg:$0x1] =	wrdreg $0xFFFFFFFF  }
0xad: {  	[dreg:$0x0] =	wrdreg $0x60  }
0xae: {  	[dreg:$0x2] =	wrdreg s24  }
0xaf: {  	[dreg:$0x3] =	wrdreg s2  }
0xb0: {  	[dreg:$0x4] =	wrdreg $0x9  }
0xb1: {  	_ =	task.clear_ibuf [dreg:s7], $0x5FFFF;
	_ =	strace $0x90000046  }
0xb2: {  	s29 =	simm.s32 $0x9;
	_ =	strace $0x80000048  }
0xb3: {  	_ =	swait.ge [sflag:s29], $0x1  }
0xb4: {  	[sflag:s29] =	ssyncadd.s32 $0xFFFFFFFF  }
0xb5: {  	_ =	strace $0x90000048  }
0xb6: {  	_ =	sfence  }
0xb7: {  	s30 =	sld [smem:$0x0];
	_ =	sdelay $0x2  }
0xb8: {  	s31 =	sshll.u32 s1, $0xD;
	s1 =	sshrl.u32 s1, $0x2  }
0xb9: {  	s3 =	sand.u32 $0x4000, s31;
	s1 =	sadd.s32 s1, s30  }
0xba: {  	s0 =	sor.u32 s3, s0;
	s1 =	sshll.u32 s1, $0x11  }
0xbb: {  	s0 =	sor.u32 s1, s0  }
0xbc: {  	s0 =	sadd.s32 $0x8F2B, s0  }
0xbd: {  	[sflag:s0] =	ssyncadd.remote.s32 $0x1  }
0xbe: {  	_ =	sfence.sel $0xFFFF  }
0xbf: {  	[dreg:$0x0] =	wrdreg $0xFFFFFFFF;
	(pc) =	sbr.abs _section_cstart, $3  }
0xc0: {  	[dreg:$0x1] =	wrdreg $0xFFFFFFFF  }
0xc1: {  	_ =	task.clear_ibuf [dreg:s7], $0x2FFFF;
	_ =	strace $0x9FFFFFFF  }
0xc2: {  	(tm) =	ssettm $0x7FFFFFFF  }
0xc3: {  	_ =	shalt  }
tec
execute0_lowered:
.L_overlay_start_1:
0x0: {  	(tag) =	ssettag $0x1  }
0x1: {  	s6 =	rddreg [dreg:$0x0]  }
0x2: {  	s1 =	srdreg.scid;
	s0 =	stileid.u32  }
0x3: {  	s2 =	rddreg [dreg:$0x1];
	s3 =	simm.s32 $0x0;
	s11 =	simm.s32 $0x19D00  }
0x4: {  	s12 =	simm.s32 $0x80;
	s13 =	simm.s32 $0x1900;
	s14 =	simm.s32 $0x7D00  }
0x5: {  	s15 =	simm.s32 $0x3200;
	s16 =	simm.s32 $0xFD00;
	s17 =	simm.s32 $0x17D00  }
0x6: {  	s18 =	simm.s32 $0x0;
	s4 =	sand.u32 $0x1, s1;
	s5 =	sshll.u32 s0, $0x1  }
0x7: {  	[smem:$0x7FF] =	sst s3;
	s8 =	sor.u32 s4, s5;
	s7 =	ssub.s32 $0x2, s4  }
0x8: {  	_ =	strace $0x80000047;
	s5 =	smul.u32 $0x320, s8;
	s10 =	sshrl.u32 s7, $0x1  }
0x9: {  	s4 =	sadd.s32 $0xA00, s6;
	s8 =	smul.u32 $0x64000, s8;
	s10 =	ssub.s32 s7, s10  }
0xa: {  	v0 =	vlaneseq.u32;
	s9 =	sadd.s32 s5, s6;
	s5 =	sadd.s32 $0x7000, s6;
	s6 =	sadd.s32 $0x7A8200, s6  }
0xb: {  	v0 =	vand.u32 $0x7, v0;
	s7 =	sadd.s32 $0xC00, s9;
	s9 =	smax.u32 s10, $0x1;
	s10 =	simm.s32 $0x3  }
.LBB2_1:
0xc: {  	[tilespmem:s3], [sflag:$0x3] =	stream.linear.gather [hbm4b:s7+s3], $0x1900, $0x38;
	[tilespmem:$0x1A100] =	vst v63  }
0xd: {  	_ =	swait.ge [sflag:s10], $0x1900  }
0xe: {  	[sflag:s10] =	ssyncset.done $0x0  }
0xf: {  	[sflag:s10] =	ssyncadd.s32 $0xFFFFE700  }
0x10: {  	[tilespmem:s11], [sflag:$0x3] =	stream.linear.gather [hbm4b:s4+s3], $0x400, $0x38;
	[tilespmem:$0x1A100] =	vst v63  }
0x11: {  	_ =	swait.ge [sflag:s10], $0x400  }
0x12: {  	[sflag:s10] =	ssyncset.done $0x0  }
0x13: {  	s19 =	simm.s32 $0x0;
	[sflag:s10] =	ssyncadd.s32 $0xFFFFFC00  }
0x14: {  	v1 =	vld [tilespmem:s19+$0x0];
	_ =	sdelay $0x2  }
0x15: {  	s20 =	simm.s32 $0x40  }
.LBB2_2:
0x16: {  	p0 =	sne.s32 s20, $0x63C0  }
.Ltmp0:
0x17: {  	s21 =	sshra.s32 s20, $0x2;
	s20 =	sadd.s32 $0x40, s20;
	v2 =	vshra.s32 v1, $0x1;
	v3 =	vshra.s32 v1, $0x4;
	v4 =	vshll.u32 v1, $0x6;
	(pc) =	sbr.rel @p0 .LBB2_2-.Ltmp0, $4  }
0x18: {  	v1 =	vld [tilespmem:s21+$0x0];
	[tilespmem:s19+$0x1900] =	vst v2;
	v4 =	vand.u32 $0x40, v4;
	v2 =	vshll.u32 v2, $0x4  }
0x19: {  	[tilespmem:s19+$0x4B00] =	vst v4;
	v2 =	vand.u32 $0x70, v2  }
0x1a: {  	[tilespmem:s19+$0x6400] =	vst v2  }
0x1b: {  	[tilespmem:s19+$0x3200] =	vst v3;
	s19 =	smov.u32 s21  }
0x1c: {  	_ = 	snop  }
0x1d: {  	v2 =	vshra.s32 v1, $0x1  }
0x1e: {  	v3 =	vshll.u32 v1, $0x6;
	v1 =	vshra.s32 v1, $0x4;
	[tilespmem:s19+$0x1900] =	vst v2  }
0x1f: {  	v3 =	vand.u32 $0x40, v3;
	v2 =	vshll.u32 v2, $0x4;
	[tilespmem:s19+$0x3200] =	vst v1  }
0x20: {  	[tilespmem:s19+$0x4B00] =	vst v3;
	v2 =	vand.u32 $0x70, v2  }
0x21: {  	[tilespmem:s19+$0x6400] =	vst v2  }
0x22: {  	v1 =	vld [tilespmem:$0x19D00]  }
0x23: {  	v2 =	vld [tilespmem:$0x19D10]  }
0x24: {  	v3 =	vld [tilespmem:$0x19D20]  }
0x25: {  	v4 =	vld [tilespmem:$0x19D30]  }
0x26: {  	v5 =	vld [tilespmem:$0x19D80]  }
0x27: {  	v6 =	vld [tilespmem:$0x19D90]  }
0x28: {  	v7 =	vld [tilespmem:$0x19DA0]  }
0x29: {  	v8 =	vld [tilespmem:$0x19DB0]  }
0x2a: {  	v9 =	vld [tilespmem:$0x19E00]  }
0x2b: {  	v10 =	vld [tilespmem:$0x19E10]  }
0x2c: {  	v11 =	vld [tilespmem:$0x19E20]  }
0x2d: {  	v12 =	vld [tilespmem:$0x19E30]  }
0x2e: {  	v13 =	vld [tilespmem:$0x19E80]  }
0x2f: {  	v14 =	vld [tilespmem:$0x19E90]  }
0x30: {  	v15 =	vld [tilespmem:$0x19EA0]  }
0x31: {  	v16 =	vld [tilespmem:$0x19EB0]  }
0x32: {  	v17 =	vld [tilespmem:$0x19F00]  }
0x33: {  	v18 =	vld [tilespmem:$0x19F10]  }
0x34: {  	v19 =	vld [tilespmem:$0x19F20]  }
0x35: {  	v20 =	vld [tilespmem:$0x19F30]  }
0x36: {  	v21 =	vld [tilespmem:$0x19F80]  }
0x37: {  	v22 =	vld [tilespmem:$0x19F90]  }
0x38: {  	v23 =	vld [tilespmem:$0x19FA0]  }
0x39: {  	v24 =	vld [tilespmem:$0x19FB0]  }
0x3a: {  	v25 =	vld [tilespmem:$0x1A000]  }
0x3b: {  	v26 =	vld [tilespmem:$0x1A010]  }
0x3c: {  	v27 =	vld [tilespmem:$0x1A020]  }
0x3d: {  	v28 =	vld [tilespmem:$0x1A030]  }
0x3e: {  	v29 =	vld [tilespmem:$0x1A080]  }
0x3f: {  	v30 =	vld [tilespmem:$0x1A090]  }
0x40: {  	s22 =	simm.s32 $0x0;
	v31 =	vld [tilespmem:$0x1A0A0]  }
0x41: {  	v32 =	vld [tilespmem:$0x1A0B0];
	[tilespmem:s14], [sflag:$0x1] =	stream.indirect.gather [hbm4b:s5+s12], $0x80, s13, s12, $0xb8  }
0x42: {  	p0 =	por $0x0, $0x0;
	s20 =	simm.s32 $0x4B00;
	s19 =	simm.s32 $0x6400  }
0x43: {  	[tilespmem:s16], [sflag:$0x1] =	stream.indirect.gather [hbm4b:s6+s12], $0x80, s15, s12, $0xb8;
	[tilespmem:$0x1A100] =	vst v63  }
.LBB2_4:
0x44: {  	s21 =	sadd.s32 $0x1, s22;
	p1 =	seq.s32 s22, $0x31  }
0x45: {  	s30 =	sand.u32 $0x1, s22;
	s23 =	sand.u32 @!p1 $0x1, s21  }
0x46: {  	s26 =	sshll.u32 @!p1 s21, $0x7;
	s29 =	simm.s32 @!p1 $0x80;
	s24 =	sshll.u32 @!p1 s23, $0xE  }
0x47: {  	s28 =	sadd.s32 @!p1 $0x1900, s26;
	s23 =	sadd.s32 @!p1 $0x1, s23;
	s25 =	sadd.s32 @!p1 $0x7D00, s24  }
0x48: {  	[tilespmem:s25], [sflag:s23] =	stream.indirect.gather @!p1 [hbm4b:s5+s29], $0x80, s28, s29, $0xb8;
	[tilespmem:$0x1A100] =	vst v63  }
0x49: {  	s26 =	sadd.s32 @!p1 $0x3200, s26;
	s24 =	sadd.s32 @!p1 $0xFD00, s24;
	s25 =	sadd.s32 $0x1, s30  }
0x4a: {  	[tilespmem:s24], [sflag:s23] =	stream.indirect.gather @!p1 [hbm4b:s6+s29], $0x80, s26, s29, $0xb8;
	[tilespmem:$0x1A100] =	vst v63  }
0x4b: {  	_ =	swait.ge [sflag:s25], $0x4000  }
0x4c: {  	s23 =	simm.s32 $0x1;
	[sflag:s25] =	ssyncset.done $0x0  }
0x4d: {  	s28 =	smov.u32 s19;
	s23 =	simm.s32 @!p0 $0x0;
	[sflag:s25] =	ssyncadd.s32 $0xFFFFC000  }
0x4e: {  	s26 =	smov.u32 s20;
	s31 =	sshll.u32 s23, $0xE;
	_ =	swait.ge [sflag:s25], $0x4000  }
0x4f: {  	s29 =	simm.s32 $0x0;
	s23 =	sadd.s32 $0x7D00, s31;
	[sflag:s25] =	ssyncset.done $0x0  }
0x50: {  	s24 =	sadd.s32 $0xFD00, s31;
	[sflag:s25] =	ssyncadd.s32 $0xFFFFC000;
	s25 =	simm.s32 $0x17F00  }
.LBB2_5:
0x51: {  	v34 =	vld [tilespmem:s26+$0x0]  }
0x52: {  	v33 =	vld [tilespmem:s28+$0x0];
	_ =	sdelay $0x3  }
0x53: {  	(v2sf) =	vpush v34, $0x0  }
0x54: {  	(v2sf) =	vpush v33, $0x0;
	_ =	sdelay $0xd  }
0x55: {  	s31 =	spop (v2sf)  }
0x56: {  	s30 =	spop (v2sf)  }
0x57: {  	s1 =	sand.u32 $0x7F, s30;
	s30 =	sshll.u32 s30, $0x2  }
0x58: {  	s30 =	sand.u32 $0xFFFFFE00, s30;
	s1 =	sshll.u32 s1, $0x2  }
0x59: {  	s1 =	sor.u32 s1, s30  }
0x5a: {  	s1 =	sshra.s32 s1, $0x2  }
0x5b: {  	s30 =	sshra.s32 s29, $0x2;
	s1 =	sadd.s32 s1, s24  }
0x5c: {  	s1 =	sadd.s32 s30, s1  }
0x5d: {  	s0 =	sshll.u32 s31, $0x2;
	v35 =	vld [tilespmem:s1+$0x0];
	s1 =	sand.u32 $0x7F, s31  }
0x5e: {  	s0 =	sand.u32 $0xFFFFFE00, s0;
	s1 =	sshll.u32 s1, $0x2  }
0x5f: {  	s0 =	sor.u32 s1, s0  }
0x60: {  	s1 =	sshra.s32 s31, $0x3;
	s0 =	sshra.s32 s0, $0x2  }
0x61: {  	v36 =	vadd.s32 s1, v0;
	s0 =	sadd.s32 s0, s23  }
0x62: {  	v35 =	vperm.xlane v35, v36;
	s0 =	sadd.s32 s30, s0  }
0x63: {  	v54 =	vld [tilespmem:s0+$0x0]  }
0x64: {  	v37 =	vbroadcast v35, $0x0;
	_ =	sdelay $0x1  }
0x65: {  	v39 =	vbroadcast v35, $0x1;
	v38 =	vmul.f32 v37, v1;
	_ =	sdelay $0x1  }
0x66: {  	v40 =	vbroadcast v35, $0x2;
	v55 =	vmul.f32 v39, v5;
	v36 =	vadd.f32 v38, v54;
	_ =	sdelay $0x1  }
0x67: {  	v41 =	vbroadcast v35, $0x3;
	v56 =	vmul.f32 v40, v9;
	v36 =	vadd.f32 v36, v55;
	_ =	sdelay $0x1  }
0x68: {  	v42 =	vbroadcast v35, $0x4;
	v57 =	vmul.f32 v41, v13;
	v36 =	vadd.f32 v36, v56;
	_ =	sdelay $0x1  }
0x69: {  	v43 =	vbroadcast v35, $0x5;
	v58 =	vmul.f32 v42, v17;
	v36 =	vadd.f32 v36, v57;
	_ =	sdelay $0x1  }
0x6a: {  	v44 =	vbroadcast v35, $0x6;
	v59 =	vmul.f32 v43, v21;
	v36 =	vadd.f32 v36, v58;
	_ =	sdelay $0x1  }
0x6b: {  	s0 =	sadd.s32 $0x10, s31;
	v35 =	vbroadcast v35, $0x7;
	v60 =	vmul.f32 v44, v25;
	v36 =	vadd.f32 v36, v59  }
0x6c: {  	s1 =	sand.u32 $0x7F, s0;
	s0 =	sshll.u32 s0, $0x2  }
0x6d: {  	s0 =	sand.u32 $0xFFFFFE00, s0;
	s1 =	sshll.u32 s1, $0x2;
	v61 =	vmul.f32 v35, v29;
	v36 =	vadd.f32 v36, v60  }
0x6e: {  	s0 =	sor.u32 s1, s0  }
0x6f: {  	s0 =	sshra.s32 s0, $0x2;
	v36 =	vadd.f32 v36, v61  }
0x70: {  	s0 =	sadd.s32 s0, s23  }
0x71: {  	s0 =	sadd.s32 s30, s0;
	[tilespmem:s25+$0xFFFFFE00] =	vst v36  }
0x72: {  	v36 =	vld [tilespmem:s0+$0x0];
	_ =	sdelay $0x2  }
0x73: {  	v62 =	vmul.f32 v37, v2;
	_ =	sdelay $0x1  }
0x74: {  	v63 =	vmul.f32 v39, v6;
	v36 =	vadd.f32 v36, v62;
	_ =	sdelay $0x1  }
0x75: {  	v45 =	vmul.f32 v40, v10;
	v36 =	vadd.f32 v36, v63;
	_ =	sdelay $0x1  }
0x76: {  	v46 =	vmul.f32 v41, v14;
	v36 =	vadd.f32 v36, v45;
	_ =	sdelay $0x1  }
0x77: {  	v47 =	vmul.f32 v42, v18;
	v36 =	vadd.f32 v36, v46;
	_ =	sdelay $0x1  }
0x78: {  	v48 =	vmul.f32 v43, v22;
	v36 =	vadd.f32 v36, v47;
	_ =	sdelay $0x1  }
0x79: {  	v49 =	vmul.f32 v44, v26;
	s0 =	sadd.s32 $0x20, s31;
	v36 =	vadd.f32 v36, v48  }
0x7a: {  	s1 =	sand.u32 $0x7F, s0;
	s0 =	sshll.u32 s0, $0x2  }
0x7b: {  	v50 =	vmul.f32 v35, v30;
	s0 =	sand.u32 $0xFFFFFE00, s0;
	s1 =	sshll.u32 s1, $0x2;
	v36 =	vadd.f32 v36, v49  }
0x7c: {  	s0 =	sor.u32 s1, s0  }
0x7d: {  	s0 =	sshra.s32 s0, $0x2;
	v36 =	vadd.f32 v36, v50  }
0x7e: {  	s0 =	sadd.s32 s0, s23  }
0x7f: {  	s0 =	sadd.s32 s30, s0;
	[tilespmem:s25+$0xFFFFFE10] =	vst v36  }
0x80: {  	v36 =	vld [tilespmem:s0+$0x0];
	_ =	sdelay $0x2  }
0x81: {  	v51 =	vmul.f32 v37, v3;
	_ =	sdelay $0x1  }
0x82: {  	v52 =	vmul.f32 v39, v7;
	v36 =	vadd.f32 v36, v51;
	_ =	sdelay $0x1  }
0x83: {  	v53 =	vmul.f32 v40, v11;
	v36 =	vadd.f32 v36, v52;
	_ =	sdelay $0x1  }
0x84: {  	v54 =	vmul.f32 v41, v15;
	v36 =	vadd.f32 v36, v53;
	_ =	sdelay $0x1  }
0x85: {  	v55 =	vmul.f32 v42, v19;
	v36 =	vadd.f32 v36, v54;
	_ =	sdelay $0x1  }
0x86: {  	v56 =	vmul.f32 v43, v23;
	v36 =	vadd.f32 v36, v55;
	_ =	sdelay $0x1  }
0x87: {  	v57 =	vmul.f32 v44, v27;
	s1 =	sadd.s32 $0x30, s31;
	v36 =	vadd.f32 v36, v56  }
0x88: {  	s31 =	sand.u32 $0x7F, s1;
	s0 =	sshll.u32 s1, $0x2  }
0x89: {  	v58 =	vmul.f32 v35, v31;
	s1 =	sshll.u32 s31, $0x2;
	s0 =	sand.u32 $0xFFFFFE00, s0;
	v36 =	vadd.f32 v36, v57  }
0x8a: {  	s0 =	sor.u32 s1, s0  }
0x8b: {  	s0 =	sshra.s32 s0, $0x2;
	v36 =	vadd.f32 v36, v58  }
0x8c: {  	s0 =	sadd.s32 s0, s23  }
0x8d: {  	(v2sf) =	vpush v34, $0x1;
	s0 =	sadd.s32 s30, s0;
	[tilespmem:s25+$0xFFFFFE20] =	vst v36  }
0x8e: {  	(v2sf) =	vpush v33, $0x1;
	v36 =	vld [tilespmem:s0+$0x0];
	_ =	sdelay $0x2  }
0x8f: {  	v37 =	vmul.f32 v37, v4;
	_ =	sdelay $0x1  }
0x90: {  	v59 =	vmul.f32 v39, v8;
	v36 =	vadd.f32 v36, v37;
	_ =	sdelay $0x1  }
0x91: {  	v60 =	vmul.f32 v40, v12;
	v36 =	vadd.f32 v36, v59;
	_ =	sdelay $0x1  }
0x92: {  	v61 =	vmul.f32 v41, v16;
	v36 =	vadd.f32 v36, v60;
	_ =	sdelay $0x1  }
0x93: {  	v62 =	vmul.f32 v42, v20;
	v36 =	vadd.f32 v36, v61;
	_ =	sdelay $0x1  }
0x94: {  	v63 =	vmul.f32 v43, v24;
	v36 =	vadd.f32 v36, v62  }
0x95: {  	s31 =	spop (v2sf)  }
0x96: {  	v40 =	vmul.f32 v44, v28;
	s0 =	spop (v2sf);
	v36 =	vadd.f32 v36, v63  }
0x97: {  	s1 =	sand.u32 $0x7F, s0;
	s0 =	sshll.u32 s0, $0x2  }
0x98: {  	v35 =	vmul.f32 v35, v32;
	s0 =	sand.u32 $0xFFFFFE00, s0;
	s1 =	sshll.u32 s1, $0x2;
	v36 =	vadd.f32 v36, v40  }
0x99: {  	s0 =	sor.u32 s1, s0  }
0x9a: {  	s0 =	sshra.s32 s0, $0x2;
	v35 =	vadd.f32 v36, v35  }
0x9b: {  	s0 =	sadd.s32 s0, s24  }
0x9c: {  	s0 =	sadd.s32 s30, s0;
	[tilespmem:s25+$0xFFFFFE30] =	vst v35  }
0x9d: {  	s1 =	sshll.u32 s31, $0x2;
	v35 =	vld [tilespmem:s0+$0x80];
	s0 =	sand.u32 $0x7F, s31  }
0x9e: {  	s1 =	sand.u32 $0xFFFFFE00, s1;
	s0 =	sshll.u32 s0, $0x2  }
0x9f: {  	s0 =	sor.u32 s0, s1  }
0xa0: {  	s1 =	sshra.s32 s31, $0x3;
	s0 =	sshra.s32 s0, $0x2  }
0xa1: {  	v41 =	vadd.s32 s1, v0;
	s0 =	sadd.s32 s0, s23  }
0xa2: {  	v35 =	vperm.xlane v35, v41;
	s0 =	sadd.s32 s30, s0  }
0xa3: {  	v42 =	vld [tilespmem:s0+$0x80]  }
0xa4: {  	v37 =	vbroadcast v35, $0x0;
	_ =	sdelay $0x1  }
0xa5: {  	v39 =	vbroadcast v35, $0x1;
	v43 =	vmul.f32 v37, v1;
	_ =	sdelay $0x1  }
0xa6: {  	v40 =	vbroadcast v35, $0x2;
	v44 =	vmul.f32 v39, v5;
	v36 =	vadd.f32 v43, v42;
	_ =	sdelay $0x1  }
0xa7: {  	v41 =	vbroadcast v35, $0x3;
	v45 =	vmul.f32 v40, v9;
	v36 =	vadd.f32 v36, v44;
	_ =	sdelay $0x1  }
0xa8: {  	v46 =	vmul.f32 v41, v13;
	v42 =	vbroadcast v35, $0x4;
	v36 =	vadd.f32 v36, v45;
	_ =	sdelay $0x1  }
0xa9: {  	v43 =	vbroadcast v35, $0x5;
	v47 =	vmul.f32 v42, v17;
	v36 =	vadd.f32 v36, v46;
	_ =	sdelay $0x1  }
0xaa: {  	v48 =	vmul.f32 v43, v21;
	v44 =	vbroadcast v35, $0x6;
	v36 =	vadd.f32 v36, v47;
	_ =	sdelay $0x1  }
0xab: {  	s0 =	sadd.s32 $0x10, s31;
	v35 =	vbroadcast v35, $0x7;
	v49 =	vmul.f32 v44, v25;
	v36 =	vadd.f32 v36, v48  }
0xac: {  	s1 =	sand.u32 $0x7F, s0;
	s0 =	sshll.u32 s0, $0x2  }
0xad: {  	s0 =	sand.u32 $0xFFFFFE00, s0;
	s1 =	sshll.u32 s1, $0x2;
	v50 =	vmul.f32 v35, v29;
	v36 =	vadd.f32 v36, v49  }
0xae: {  	s0 =	sor.u32 s1, s0  }
0xaf: {  	s0 =	sshra.s32 s0, $0x2;
	v36 =	vadd.f32 v36, v50  }
0xb0: {  	s0 =	sadd.s32 s0, s23  }
0xb1: {  	s0 =	sadd.s32 s30, s0;
	[tilespmem:s25+$0xFFFFFE40] =	vst v36  }
0xb2: {  	v36 =	vld [tilespmem:s0+$0x80];
	_ =	sdelay $0x2  }
0xb3: {  	v51 =	vmul.f32 v37, v2;
	_ =	sdelay $0x1  }
0xb4: {  	v52 =	vmul.f32 v39, v6;
	v36 =	vadd.f32 v36, v51;
	_ =	sdelay $0x1  }
0xb5: {  	v53 =	vmul.f32 v40, v10;
	v36 =	vadd.f32 v36, v52;
	_ =	sdelay $0x1  }
0xb6: {  	v54 =	vmul.f32 v41, v14;
	v36 =	vadd.f32 v36, v53;
	_ =	sdelay $0x1  }
0xb7: {  	v55 =	vmul.f32 v42, v18;
	v36 =	vadd.f32 v36, v54;
	_ =	sdelay $0x1  }
0xb8: {  	v56 =	vmul.f32 v43, v22;
	v36 =	vadd.f32 v36, v55;
	_ =	sdelay $0x1  }
0xb9: {  	v57 =	vmul.f32 v44, v26;
	s0 =	sadd.s32 $0x20, s31;
	v36 =	vadd.f32 v36, v56  }
0xba: {  	s1 =	sand.u32 $0x7F, s0;
	s0 =	sshll.u32 s0, $0x2  }
0xbb: {  	v58 =	vmul.f32 v35, v30;
	s0 =	sand.u32 $0xFFFFFE00, s0;
	s1 =	sshll.u32 s1, $0x2;
	v36 =	vadd.f32 v36, v57  }
0xbc: {  	s0 =	sor.u32 s1, s0  }
0xbd: {  	s0 =	sshra.s32 s0, $0x2;
	v36 =	vadd.f32 v36, v58  }
0xbe: {  	s0 =	sadd.s32 s0, s23  }
0xbf: {  	s0 =	sadd.s32 s30, s0;
	[tilespmem:s25+$0xFFFFFE50] =	vst v36  }
0xc0: {  	v36 =	vld [tilespmem:s0+$0x80];
	_ =	sdelay $0x2  }
0xc1: {  	v59 =	vmul.f32 v37, v3;
	_ =	sdelay $0x1  }
0xc2: {  	v60 =	vmul.f32 v39, v7;
	v36 =	vadd.f32 v36, v59;
	_ =	sdelay $0x1  }
0xc3: {  	v61 =	vmul.f32 v40, v11;
	v36 =	vadd.f32 v36, v60;
	_ =	sdelay $0x1  }
0xc4: {  	v62 =	vmul.f32 v41, v15;
	v36 =	vadd.f32 v36, v61;
	_ =	sdelay $0x1  }
0xc5: {  	v63 =	vmul.f32 v42, v19;
	v36 =	vadd.f32 v36, v62;
	_ =	sdelay $0x1  }
0xc6: {  	v45 =	vmul.f32 v43, v23;
	v36 =	vadd.f32 v36, v63;
	_ =	sdelay $0x1  }
0xc7: {  	v46 =	vmul.f32 v44, v27;
	s1 =	sadd.s32 $0x30, s31;
	v36 =	vadd.f32 v36, v45  }
0xc8: {  	s31 =	sand.u32 $0x7F, s1;
	s0 =	sshll.u32 s1, $0x2  }
0xc9: {  	v47 =	vmul.f32 v35, v31;
	s1 =	sshll.u32 s31, $0x2;
	s0 =	sand.u32 $0xFFFFFE00, s0;
	v36 =	vadd.f32 v36, v46  }
0xca: {  	s0 =	sor.u32 s1, s0  }
0xcb: {  	s0 =	sshra.s32 s0, $0x2;
	v36 =	vadd.f32 v36, v47  }
0xcc: {  	s0 =	sadd.s32 s0, s23  }
0xcd: {  	(v2sf) =	vpush v34, $0x2;
	s0 =	sadd.s32 s30, s0;
	[tilespmem:s25+$0xFFFFFE60] =	vst v36  }
0xce: {  	(v2sf) =	vpush v33, $0x2;
	v36 =	vld [tilespmem:s0+$0x80];
	_ =	sdelay $0x2  }
0xcf: {  	v37 =	vmul.f32 v37, v4;
	_ =	sdelay $0x1  }
0xd0: {  	v48 =	vmul.f32 v39, v8;
	v36 =	vadd.f32 v36, v37;
	_ =	sdelay $0x1  }
0xd1: {  	v49 =	vmul.f32 v40, v12;
	v36 =	vadd.f32 v36, v48;
	_ =	sdelay $0x1  }
0xd2: {  	v50 =	vmul.f32 v41, v16;
	v36 =	vadd.f32 v36, v49;
	_ =	sdelay $0x1  }
0xd3: {  	v51 =	vmul.f32 v42, v20;
	v36 =	vadd.f32 v36, v50;
	_ =	sdelay $0x1  }
0xd4: {  	v52 =	vmul.f32 v43, v24;
	v36 =	vadd.f32 v36, v51  }
0xd5: {  	s31 =	spop (v2sf)  }
0xd6: {  	v53 =	vmul.f32 v44, v28;
	s0 =	spop (v2sf);
	v36 =	vadd.f32 v36, v52  }
0xd7: {  	s1 =	sand.u32 $0x7F, s0;
	s0 =	sshll.u32 s0, $0x2  }
0xd8: {  	v35 =	vmul.f32 v35, v32;
	s0 =	sand.u32 $0xFFFFFE00, s0;
	s1 =	sshll.u32 s1, $0x2;
	v36 =	vadd.f32 v36, v53  }
0xd9: {  	s0 =	sor.u32 s1, s0  }
0xda: {  	s0 =	sshra.s32 s0, $0x2;
	v35 =	vadd.f32 v36, v35  }
0xdb: {  	s0 =	sadd.s32 s0, s24  }
0xdc: {  	s0 =	sadd.s32 s30, s0;
	[tilespmem:s25+$0xFFFFFE70] =	vst v35  }
0xdd: {  	s1 =	sshll.u32 s31, $0x2;
	v35 =	vld [tilespmem:s0+$0x100];
	s0 =	sand.u32 $0x7F, s31  }
0xde: {  	s1 =	sand.u32 $0xFFFFFE00, s1;
	s0 =	sshll.u32 s0, $0x2  }
0xdf: {  	s0 =	sor.u32 s0, s1  }
0xe0: {  	s1 =	sshra.s32 s31, $0x3;
	s0 =	sshra.s32 s0, $0x2  }
0xe1: {  	v54 =	vadd.s32 s1, v0;
	s0 =	sadd.s32 s0, s23  }
0xe2: {  	v35 =	vperm.xlane v35, v54;
	s0 =	sadd.s32 s30, s0  }
0xe3: {  	v55 =	vld [tilespmem:s0+$0x100]  }
0xe4: {  	v37 =	vbroadcast v35, $0x0;
	_ =	sdelay $0x1  }
0xe5: {  	v39 =	vbroadcast v35, $0x1;
	v56 =	vmul.f32 v37, v1;
	_ =	sdelay $0x1  }
0xe6: {  	v40 =	vbroadcast v35, $0x2;
	v57 =	vmul.f32 v39, v5;
	v36 =	vadd.f32 v56, v55;
	_ =	sdelay $0x1  }
0xe7: {  	v41 =	vbroadcast v35, $0x3;
	v58 =	vmul.f32 v40, v9;
	v36 =	vadd.f32 v36, v57;
	_ =	sdelay $0x1  }
0xe8: {  	v42 =	vbroadcast v35, $0x4;
	v59 =	vmul.f32 v41, v13;
	v36 =	vadd.f32 v36, v58;
	_ =	sdelay $0x1  }
0xe9: {  	v43 =	vbroadcast v35, $0x5;
	v60 =	vmul.f32 v42, v17;
	v36 =	vadd.f32 v36, v59;
	_ =	sdelay $0x1  }
0xea: {  	v44 =	vbroadcast v35, $0x6;
	v61 =	vmul.f32 v43, v21;
	v36 =	vadd.f32 v36, v60;
	_ =	sdelay $0x1  }
0xeb: {  	s0 =	sadd.s32 $0x10, s31;
	v35 =	vbroadcast v35, $0x7;
	v62 =	vmul.f32 v44, v25;
	v36 =	vadd.f32 v36, v61  }
0xec: {  	s1 =	sand.u32 $0x7F, s0;
	s0 =	sshll.u32 s0, $0x2  }
0xed: {  	s0 =	sand.u32 $0xFFFFFE00, s0;
	s1 =	sshll.u32 s1, $0x2;
	v63 =	vmul.f32 v35, v29;
	v36 =	vadd.f32 v36, v62  }
0xee: {  	s0 =	sor.u32 s1, s0  }
0xef: {  	s0 =	sshra.s32 s0, $0x2;
	v36 =	vadd.f32 v36, v63  }
0xf0: {  	s0 =	sadd.s32 s0, s23  }
0xf1: {  	s0 =	sadd.s32 s30, s0;
	[tilespmem:s25+$0xFFFFFE80] =	vst v36  }
0xf2: {  	v36 =	vld [tilespmem:s0+$0x100];
	_ =	sdelay $0x2  }
0xf3: {  	v45 =	vmul.f32 v37, v2;
	_ =	sdelay $0x1  }
0xf4: {  	v46 =	vmul.f32 v39, v6;
	v36 =	vadd.f32 v36, v45;
	_ =	sdelay $0x1  }
0xf5: {  	v47 =	vmul.f32 v40, v10;
	v36 =	vadd.f32 v36, v46;
	_ =	sdelay $0x1  }
0xf6: {  	v48 =	vmul.f32 v41, v14;
	v36 =	vadd.f32 v36, v47;
	_ =	sdelay $0x1  }
0xf7: {  	v49 =	vmul.f32 v42, v18;
	v36 =	vadd.f32 v36, v48;
	_ =	sdelay $0x1  }
0xf8: {  	v50 =	vmul.f32 v43, v22;
	v36 =	vadd.f32 v36, v49;
	_ =	sdelay $0x1  }
0xf9: {  	v51 =	vmul.f32 v44, v26;
	s0 =	sadd.s32 $0x20, s31;
	v36 =	vadd.f32 v36, v50  }
0xfa: {  	s1 =	sand.u32 $0x7F, s0;
	s0 =	sshll.u32 s0, $0x2  }
0xfb: {  	v52 =	vmul.f32 v35, v30;
	s0 =	sand.u32 $0xFFFFFE00, s0;
	s1 =	sshll.u32 s1, $0x2;
	v36 =	vadd.f32 v36, v51  }
0xfc: {  	s0 =	sor.u32 s1, s0  }
0xfd: {  	s0 =	sshra.s32 s0, $0x2;
	v36 =	vadd.f32 v36, v52  }
0xfe: {  	s0 =	sadd.s32 s0, s23  }
0xff: {  	s0 =	sadd.s32 s30, s0;
	[tilespmem:s25+$0xFFFFFE90] =	vst v36  }
0x100: {  	v36 =	vld [tilespmem:s0+$0x100];
	_ =	sdelay $0x2  }
0x101: {  	v53 =	vmul.f32 v37, v3;
	_ =	sdelay $0x1  }
0x102: {  	v54 =	vmul.f32 v39, v7;
	v36 =	vadd.f32 v36, v53;
	_ =	sdelay $0x1  }
0x103: {  	v55 =	vmul.f32 v40, v11;
	v36 =	vadd.f32 v36, v54;
	_ =	sdelay $0x1  }
0x104: {  	v56 =	vmul.f32 v41, v15;
	v36 =	vadd.f32 v36, v55;
	_ =	sdelay $0x1  }
0x105: {  	v57 =	vmul.f32 v42, v19;
	v36 =	vadd.f32 v36, v56;
	_ =	sdelay $0x1  }
0x106: {  	v58 =	vmul.f32 v43, v23;
	v36 =	vadd.f32 v36, v57;
	_ =	sdelay $0x1  }
0x107: {  	v59 =	vmul.f32 v44, v27;
	s1 =	sadd.s32 $0x30, s31;
	v36 =	vadd.f32 v36, v58  }
0x108: {  	s31 =	sand.u32 $0x7F, s1;
	s0 =	sshll.u32 s1, $0x2  }
0x109: {  	v60 =	vmul.f32 v35, v31;
	s1 =	sshll.u32 s31, $0x2;
	s0 =	sand.u32 $0xFFFFFE00, s0;
	v36 =	vadd.f32 v36, v59  }
0x10a: {  	s0 =	sor.u32 s1, s0  }
0x10b: {  	s0 =	sshra.s32 s0, $0x2;
	v36 =	vadd.f32 v36, v60  }
0x10c: {  	s0 =	sadd.s32 s0, s23  }
0x10d: {  	(v2sf) =	vpush v34, $0x3;
	s0 =	sadd.s32 s30, s0;
	[tilespmem:s25+$0xFFFFFEA0] =	vst v36  }
0x10e: {  	(v2sf) =	vpush v33, $0x3;
	v36 =	vld [tilespmem:s0+$0x100];
	_ =	sdelay $0x2  }
0x10f: {  	v37 =	vmul.f32 v37, v4;
	_ =	sdelay $0x1  }
0x110: {  	v61 =	vmul.f32 v39, v8;
	v36 =	vadd.f32 v36, v37;
	_ =	sdelay $0x1  }
0x111: {  	v62 =	vmul.f32 v40, v12;
	v36 =	vadd.f32 v36, v61;
	_ =	sdelay $0x1  }
0x112: {  	v63 =	vmul.f32 v41, v16;
	v36 =	vadd.f32 v36, v62;
	_ =	sdelay $0x1  }
0x113: {  	v40 =	vmul.f32 v42, v20;
	v36 =	vadd.f32 v36, v63;
	_ =	sdelay $0x1  }
0x114: {  	v41 =	vmul.f32 v43, v24;
	v36 =	vadd.f32 v36, v40  }
0x115: {  	s31 =	spop (v2sf)  }
0x116: {  	v42 =	vmul.f32 v44, v28;
	s0 =	spop (v2sf);
	v36 =	vadd.f32 v36, v41  }
0x117: {  	s1 =	sand.u32 $0x7F, s0;
	s0 =	sshll.u32 s0, $0x2  }
0x118: {  	v35 =	vmul.f32 v35, v32;
	s0 =	sand.u32 $0xFFFFFE00, s0;
	s1 =	sshll.u32 s1, $0x2;
	v36 =	vadd.f32 v36, v42  }
0x119: {  	s0 =	sor.u32 s1, s0  }
0x11a: {  	s0 =	sshra.s32 s0, $0x2;
	v35 =	vadd.f32 v36, v35  }
0x11b: {  	s0 =	sadd.s32 s0, s24  }
0x11c: {  	s0 =	sadd.s32 s30, s0;
	[tilespmem:s25+$0xFFFFFEB0] =	vst v35  }
0x11d: {  	s1 =	sshll.u32 s31, $0x2;
	v35 =	vld [tilespmem:s0+$0x180];
	s0 =	sand.u32 $0x7F, s31  }
0x11e: {  	s1 =	sand.u32 $0xFFFFFE00, s1;
	s0 =	sshll.u32 s0, $0x2  }
0x11f: {  	s0 =	sor.u32 s0, s1  }
0x120: {  	s1 =	sshra.s32 s31, $0x3;
	s0 =	sshra.s32 s0, $0x2  }
0x121: {  	v43 =	vadd.s32 s1, v0;
	s0 =	sadd.s32 s0, s23  }
0x122: {  	v35 =	vperm.xlane v35, v43;
	s0 =	sadd.s32 s30, s0  }
0x123: {  	v44 =	vld [tilespmem:s0+$0x180]  }
0x124: {  	v37 =	vbroadcast v35, $0x0;
	_ =	sdelay $0x1  }
0x125: {  	v39 =	vbroadcast v35, $0x1;
	v45 =	vmul.f32 v37, v1;
	_ =	sdelay $0x1  }
0x126: {  	v40 =	vbroadcast v35, $0x2;
	v46 =	vmul.f32 v39, v5;
	v36 =	vadd.f32 v45, v44;
	_ =	sdelay $0x1  }
0x127: {  	v41 =	vbroadcast v35, $0x3;
	v47 =	vmul.f32 v40, v9;
	v36 =	vadd.f32 v36, v46;
	_ =	sdelay $0x1  }
0x128: {  	v42 =	vbroadcast v35, $0x4;
	v48 =	vmul.f32 v41, v13;
	v36 =	vadd.f32 v36, v47;
	_ =	sdelay $0x1  }
0x129: {  	v43 =	vbroadcast v35, $0x5;
	v49 =	vmul.f32 v42, v17;
	v36 =	vadd.f32 v36, v48;
	_ =	sdelay $0x1  }
0x12a: {  	v50 =	vmul.f32 v43, v21;
	v44 =	vbroadcast v35, $0x6;
	v36 =	vadd.f32 v36, v49;
	_ =	sdelay $0x1  }
0x12b: {  	s0 =	sadd.s32 $0x10, s31;
	v35 =	vbroadcast v35, $0x7;
	v51 =	vmul.f32 v44, v25;
	v36 =	vadd.f32 v36, v50  }
0x12c: {  	s1 =	sand.u32 $0x7F, s0;
	s0 =	sshll.u32 s0, $0x2  }
0x12d: {  	s0 =	sand.u32 $0xFFFFFE00, s0;
	s1 =	sshll.u32 s1, $0x2;
	v52 =	vmul.f32 v35, v29;
	v36 =	vadd.f32 v36, v51  }
0x12e: {  	s0 =	sor.u32 s1, s0  }
0x12f: {  	s0 =	sshra.s32 s0, $0x2;
	v36 =	vadd.f32 v36, v52  }
0x130: {  	s0 =	sadd.s32 s0, s23  }
0x131: {  	s0 =	sadd.s32 s30, s0;
	[tilespmem:s25+$0xFFFFFEC0] =	vst v36  }
0x132: {  	v36 =	vld [tilespmem:s0+$0x180];
	_ =	sdelay $0x2  }
0x133: {  	v53 =	vmul.f32 v37, v2;
	_ =	sdelay $0x1  }
0x134: {  	v54 =	vmul.f32 v39, v6;
	v36 =	vadd.f32 v36, v53;
	_ =	sdelay $0x1  }
0x135: {  	v55 =	vmul.f32 v40, v10;
	v36 =	vadd.f32 v36, v54;
	_ =	sdelay $0x1  }
0x136: {  	v56 =	vmul.f32 v41, v14;
	v36 =	vadd.f32 v36, v55;
	_ =	sdelay $0x1  }
0x137: {  	v57 =	vmul.f32 v42, v18;
	v36 =	vadd.f32 v36, v56;
	_ =	sdelay $0x1  }
0x138: {  	v58 =	vmul.f32 v43, v22;
	v36 =	vadd.f32 v36, v57;
	_ =	sdelay $0x1  }
0x139: {  	v59 =	vmul.f32 v44, v26;
	s0 =	sadd.s32 $0x20, s31;
	v36 =	vadd.f32 v36, v58  }
0x13a: {  	s1 =	sand.u32 $0x7F, s0;
	s0 =	sshll.u32 s0, $0x2  }
0x13b: {  	v60 =	vmul.f32 v35, v30;
	s0 =	sand.u32 $0xFFFFFE00, s0;
	s1 =	sshll.u32 s1, $0x2;
	v36 =	vadd.f32 v36, v59  }
0x13c: {  	s0 =	sor.u32 s1, s0  }
0x13d: {  	s0 =	sshra.s32 s0, $0x2;
	v36 =	vadd.f32 v36, v60  }
0x13e: {  	s0 =	sadd.s32 s0, s23  }
0x13f: {  	s0 =	sadd.s32 s30, s0;
	[tilespmem:s25+$0xFFFFFED0] =	vst v36  }
0x140: {  	v36 =	vld [tilespmem:s0+$0x180];
	_ =	sdelay $0x2  }
0x141: {  	v61 =	vmul.f32 v37, v3;
	_ =	sdelay $0x1  }
0x142: {  	v62 =	vmul.f32 v39, v7;
	v36 =	vadd.f32 v36, v61;
	_ =	sdelay $0x1  }
0x143: {  	v63 =	vmul.f32 v40, v11;
	v36 =	vadd.f32 v36, v62;
	_ =	sdelay $0x1  }
0x144: {  	v45 =	vmul.f32 v41, v15;
	v36 =	vadd.f32 v36, v63;
	_ =	sdelay $0x1  }
0x145: {  	v46 =	vmul.f32 v42, v19;
	v36 =	vadd.f32 v36, v45;
	_ =	sdelay $0x1  }
0x146: {  	v47 =	vmul.f32 v43, v23;
	v36 =	vadd.f32 v36, v46;
	_ =	sdelay $0x1  }
0x147: {  	v48 =	vmul.f32 v44, v27;
	s1 =	sadd.s32 $0x30, s31;
	v36 =	vadd.f32 v36, v47  }
0x148: {  	s31 =	sand.u32 $0x7F, s1;
	s0 =	sshll.u32 s1, $0x2  }
0x149: {  	v49 =	vmul.f32 v35, v31;
	s1 =	sshll.u32 s31, $0x2;
	s0 =	sand.u32 $0xFFFFFE00, s0;
	v36 =	vadd.f32 v36, v48  }
0x14a: {  	s0 =	sor.u32 s1, s0  }
0x14b: {  	s0 =	sshra.s32 s0, $0x2;
	v36 =	vadd.f32 v36, v49  }
0x14c: {  	s0 =	sadd.s32 s0, s23  }
0x14d: {  	(v2sf) =	vpush v34, $0x4;
	s0 =	sadd.s32 s30, s0;
	[tilespmem:s25+$0xFFFFFEE0] =	vst v36  }
0x14e: {  	(v2sf) =	vpush v33, $0x4;
	v36 =	vld [tilespmem:s0+$0x180];
	_ =	sdelay $0x2  }
0x14f: {  	v37 =	vmul.f32 v37, v4;
	_ =	sdelay $0x1  }
0x150: {  	v50 =	vmul.f32 v39, v8;
	v36 =	vadd.f32 v36, v37;
	_ =	sdelay $0x1  }
0x151: {  	v51 =	vmul.f32 v40, v12;
	v36 =	vadd.f32 v36, v50;
	_ =	sdelay $0x1  }
0x152: {  	v52 =	vmul.f32 v41, v16;
	v36 =	vadd.f32 v36, v51;
	_ =	sdelay $0x1  }
0x153: {  	v53 =	vmul.f32 v42, v20;
	v36 =	vadd.f32 v36, v52;
	_ =	sdelay $0x1  }
0x154: {  	v54 =	vmul.f32 v43, v24;
	v36 =	vadd.f32 v36, v53  }
0x155: {  	s31 =	spop (v2sf)  }
0x156: {  	v55 =	vmul.f32 v44, v28;
	s0 =	spop (v2sf);
	v36 =	vadd.f32 v36, v54  }
0x157: {  	s1 =	sand.u32 $0x7F, s0;
	s0 =	sshll.u32 s0, $0x2  }
0x158: {  	v35 =	vmul.f32 v35, v32;
	s0 =	sand.u32 $0xFFFFFE00, s0;
	s1 =	sshll.u32 s1, $0x2;
	v36 =	vadd.f32 v36, v55  }
0x159: {  	s0 =	sor.u32 s1, s0  }
0x15a: {  	s0 =	sshra.s32 s0, $0x2;
	v35 =	vadd.f32 v36, v35  }
0x15b: {  	s0 =	sadd.s32 s0, s24  }
0x15c: {  	s0 =	sadd.s32 s30, s0;
	[tilespmem:s25+$0xFFFFFEF0] =	vst v35  }
0x15d: {  	s1 =	sshll.u32 s31, $0x2;
	v35 =	vld [tilespmem:s0+$0x200];
	s0 =	sand.u32 $0x7F, s31  }
0x15e: {  	s1 =	sand.u32 $0xFFFFFE00, s1;
	s0 =	sshll.u32 s0, $0x2  }
0x15f: {  	s0 =	sor.u32 s0, s1  }
0x160: {  	s1 =	sshra.s32 s31, $0x3;
	s0 =	sshra.s32 s0, $0x2  }
0x161: {  	v56 =	vadd.s32 s1, v0;
	s0 =	sadd.s32 s0, s23  }
0x162: {  	v35 =	vperm.xlane v35, v56;
	s0 =	sadd.s32 s30, s0  }
0x163: {  	v57 =	vld [tilespmem:s0+$0x200]  }
0x164: {  	v37 =	vbroadcast v35, $0x0;
	_ =	sdelay $0x1  }
0x165: {  	v39 =	vbroadcast v35, $0x1;
	v58 =	vmul.f32 v37, v1;
	_ =	sdelay $0x1  }
0x166: {  	v40 =	vbroadcast v35, $0x2;
	v59 =	vmul.f32 v39, v5;
	v36 =	vadd.f32 v58, v57;
	_ =	sdelay $0x1  }
0x167: {  	v41 =	vbroadcast v35, $0x3;
	v60 =	vmul.f32 v40, v9;
	v36 =	vadd.f32 v36, v59;
	_ =	sdelay $0x1  }
0x168: {  	v42 =	vbroadcast v35, $0x4;
	v61 =	vmul.f32 v41, v13;
	v36 =	vadd.f32 v36, v60;
	_ =	sdelay $0x1  }
0x169: {  	v43 =	vbroadcast v35, $0x5;
	v62 =	vmul.f32 v42, v17;
	v36 =	vadd.f32 v36, v61;
	_ =	sdelay $0x1  }
0x16a: {  	v44 =	vbroadcast v35, $0x6;
	v63 =	vmul.f32 v43, v21;
	v36 =	vadd.f32 v36, v62;
	_ =	sdelay $0x1  }
0x16b: {  	s0 =	sadd.s32 $0x10, s31;
	v35 =	vbroadcast v35, $0x7;
	v47 =	vmul.f32 v44, v25;
	v36 =	vadd.f32 v36, v63  }
0x16c: {  	s1 =	sand.u32 $0x7F, s0;
	s0 =	sshll.u32 s0, $0x2  }
0x16d: {  	s0 =	sand.u32 $0xFFFFFE00, s0;
	s1 =	sshll.u32 s1, $0x2;
	v48 =	vmul.f32 v35, v29;
	v36 =	vadd.f32 v36, v47  }
0x16e: {  	s0 =	sor.u32 s1, s0  }
0x16f: {  	s0 =	sshra.s32 s0, $0x2;
	v36 =	vadd.f32 v36, v48  }
0x170: {  	s0 =	sadd.s32 s0, s23  }
0x171: {  	s0 =	sadd.s32 s30, s0;
	[tilespmem:s25+$0xFFFFFF00] =	vst v36  }
0x172: {  	v36 =	vld [tilespmem:s0+$0x200];
	_ =	sdelay $0x2  }
0x173: {  	v49 =	vmul.f32 v37, v2;
	_ =	sdelay $0x1  }
0x174: {  	v50 =	vmul.f32 v39, v6;
	v36 =	vadd.f32 v36, v49;
	_ =	sdelay $0x1  }
0x175: {  	v51 =	vmul.f32 v40, v10;
	v36 =	vadd.f32 v36, v50;
	_ =	sdelay $0x1  }
0x176: {  	v52 =	vmul.f32 v41, v14;
	v36 =	vadd.f32 v36, v51;
	_ =	sdelay $0x1  }
0x177: {  	v53 =	vmul.f32 v42, v18;
	v36 =	vadd.f32 v36, v52;
	_ =	sdelay $0x1  }
0x178: {  	v54 =	vmul.f32 v43, v22;
	v36 =	vadd.f32 v36, v53;
	_ =	sdelay $0x1  }
0x179: {  	v55 =	vmul.f32 v44, v26;
	s0 =	sadd.s32 $0x20, s31;
	v36 =	vadd.f32 v36, v54  }
0x17a: {  	s1 =	sand.u32 $0x7F, s0;
	s0 =	sshll.u32 s0, $0x2  }
0x17b: {  	v56 =	vmul.f32 v35, v30;
	s0 =	sand.u32 $0xFFFFFE00, s0;
	s1 =	sshll.u32 s1, $0x2;
	v36 =	vadd.f32 v36, v55  }
0x17c: {  	s0 =	sor.u32 s1, s0  }
0x17d: {  	s0 =	sshra.s32 s0, $0x2;
	v36 =	vadd.f32 v36, v56  }
0x17e: {  	s0 =	sadd.s32 s0, s23  }
0x17f: {  	s0 =	sadd.s32 s30, s0;
	[tilespmem:s25+$0xFFFFFF10] =	vst v36  }
0x180: {  	v36 =	vld [tilespmem:s0+$0x200];
	_ =	sdelay $0x2  }
0x181: {  	v57 =	vmul.f32 v37, v3;
	_ =	sdelay $0x1  }
0x182: {  	v58 =	vmul.f32 v39, v7;
	v36 =	vadd.f32 v36, v57;
	_ =	sdelay $0x1  }
0x183: {  	v59 =	vmul.f32 v40, v11;
	v36 =	vadd.f32 v36, v58;
	_ =	sdelay $0x1  }
0x184: {  	v60 =	vmul.f32 v41, v15;
	v36 =	vadd.f32 v36, v59;
	_ =	sdelay $0x1  }
0x185: {  	v61 =	vmul.f32 v42, v19;
	v36 =	vadd.f32 v36, v60;
	_ =	sdelay $0x1  }
0x186: {  	v62 =	vmul.f32 v43, v23;
	v36 =	vadd.f32 v36, v61;
	_ =	sdelay $0x1  }
0x187: {  	v63 =	vmul.f32 v44, v27;
	s1 =	sadd.s32 $0x30, s31;
	v36 =	vadd.f32 v36, v62  }
0x188: {  	s31 =	sand.u32 $0x7F, s1;
	s0 =	sshll.u32 s1, $0x2  }
0x189: {  	v45 =	vmul.f32 v35, v31;
	s1 =	sshll.u32 s31, $0x2;
	s0 =	sand.u32 $0xFFFFFE00, s0;
	v36 =	vadd.f32 v36, v63  }
0x18a: {  	s0 =	sor.u32 s1, s0  }
0x18b: {  	s0 =	sshra.s32 s0, $0x2;
	v36 =	vadd.f32 v36, v45  }
0x18c: {  	s0 =	sadd.s32 s0, s23  }
0x18d: {  	(v2sf) =	vpush v34, $0x5;
	s0 =	sadd.s32 s30, s0;
	[tilespmem:s25+$0xFFFFFF20] =	vst v36  }
0x18e: {  	(v2sf) =	vpush v33, $0x5;
	v36 =	vld [tilespmem:s0+$0x200];
	_ =	sdelay $0x2  }
0x18f: {  	v37 =	vmul.f32 v37, v4;
	_ =	sdelay $0x1  }
0x190: {  	v46 =	vmul.f32 v39, v8;
	v36 =	vadd.f32 v36, v37;
	_ =	sdelay $0x1  }
0x191: {  	v47 =	vmul.f32 v40, v12;
	v36 =	vadd.f32 v36, v46;
	_ =	sdelay $0x1  }
0x192: {  	v48 =	vmul.f32 v41, v16;
	v36 =	vadd.f32 v36, v47;
	_ =	sdelay $0x1  }
0x193: {  	v49 =	vmul.f32 v42, v20;
	v36 =	vadd.f32 v36, v48;
	_ =	sdelay $0x1  }
0x194: {  	v50 =	vmul.f32 v43, v24;
	v36 =	vadd.f32 v36, v49  }
0x195: {  	s31 =	spop (v2sf)  }
0x196: {  	v51 =	vmul.f32 v44, v28;
	s0 =	spop (v2sf);
	v36 =	vadd.f32 v36, v50  }
0x197: {  	s1 =	sand.u32 $0x7F, s0;
	s0 =	sshll.u32 s0, $0x2  }
0x198: {  	v35 =	vmul.f32 v35, v32;
	s0 =	sand.u32 $0xFFFFFE00, s0;
	s1 =	sshll.u32 s1, $0x2;
	v36 =	vadd.f32 v36, v51  }
0x199: {  	s0 =	sor.u32 s1, s0  }
0x19a: {  	s0 =	sshra.s32 s0, $0x2;
	v35 =	vadd.f32 v36, v35  }
0x19b: {  	s0 =	sadd.s32 s0, s24  }
0x19c: {  	s0 =	sadd.s32 s30, s0;
	[tilespmem:s25+$0xFFFFFF30] =	vst v35  }
0x19d: {  	s1 =	sshll.u32 s31, $0x2;
	v35 =	vld [tilespmem:s0+$0x280];
	s0 =	sand.u32 $0x7F, s31  }
0x19e: {  	s1 =	sand.u32 $0xFFFFFE00, s1;
	s0 =	sshll.u32 s0, $0x2  }
0x19f: {  	s0 =	sor.u32 s0, s1  }
0x1a0: {  	s1 =	sshra.s32 s31, $0x3;
	s0 =	sshra.s32 s0, $0x2  }
0x1a1: {  	v52 =	vadd.s32 s1, v0;
	s0 =	sadd.s32 s0, s23  }
0x1a2: {  	v35 =	vperm.xlane v35, v52;
	s0 =	sadd.s32 s30, s0  }
0x1a3: {  	v53 =	vld [tilespmem:s0+$0x280]  }
0x1a4: {  	v37 =	vbroadcast v35, $0x0;
	_ =	sdelay $0x1  }
0x1a5: {  	v39 =	vbroadcast v35, $0x1;
	v54 =	vmul.f32 v37, v1;
	_ =	sdelay $0x1  }
0x1a6: {  	v40 =	vbroadcast v35, $0x2;
	v55 =	vmul.f32 v39, v5;
	v36 =	vadd.f32 v54, v53;
	_ =	sdelay $0x1  }
0x1a7: {  	v41 =	vbroadcast v35, $0x3;
	v56 =	vmul.f32 v40, v9;
	v36 =	vadd.f32 v36, v55;
	_ =	sdelay $0x1  }
0x1a8: {  	v42 =	vbroadcast v35, $0x4;
	v57 =	vmul.f32 v41, v13;
	v36 =	vadd.f32 v36, v56;
	_ =	sdelay $0x1  }
0x1a9: {  	v43 =	vbroadcast v35, $0x5;
	v58 =	vmul.f32 v42, v17;
	v36 =	vadd.f32 v36, v57;
	_ =	sdelay $0x1  }
0x1aa: {  	v44 =	vbroadcast v35, $0x6;
	v59 =	vmul.f32 v43, v21;
	v36 =	vadd.f32 v36, v58;
	_ =	sdelay $0x1  }
0x1ab: {  	s0 =	sadd.s32 $0x10, s31;
	v35 =	vbroadcast v35, $0x7;
	v60 =	vmul.f32 v44, v25;
	v36 =	vadd.f32 v36, v59  }
0x1ac: {  	s1 =	sand.u32 $0x7F, s0;
	s0 =	sshll.u32 s0, $0x2  }
0x1ad: {  	s0 =	sand.u32 $0xFFFFFE00, s0;
	s1 =	sshll.u32 s1, $0x2;
	v61 =	vmul.f32 v35, v29;
	v36 =	vadd.f32 v36, v60  }
0x1ae: {  	s0 =	sor.u32 s1, s0  }
0x1af: {  	s0 =	sshra.s32 s0, $0x2;
	v36 =	vadd.f32 v36, v61  }
0x1b0: {  	s0 =	sadd.s32 s0, s23  }
0x1b1: {  	s0 =	sadd.s32 s30, s0;
	[tilespmem:s25+$0xFFFFFF40] =	vst v36  }
0x1b2: {  	v36 =	vld [tilespmem:s0+$0x280];
	_ =	sdelay $0x2  }
0x1b3: {  	v62 =	vmul.f32 v37, v2;
	_ =	sdelay $0x1  }
0x1b4: {  	v63 =	vmul.f32 v39, v6;
	v36 =	vadd.f32 v36, v62;
	_ =	sdelay $0x1  }
0x1b5: {  	v45 =	vmul.f32 v40, v10;
	v36 =	vadd.f32 v36, v63;
	_ =	sdelay $0x1  }
0x1b6: {  	v46 =	vmul.f32 v41, v14;
	v36 =	vadd.f32 v36, v45;
	_ =	sdelay $0x1  }
0x1b7: {  	v47 =	vmul.f32 v42, v18;
	v36 =	vadd.f32 v36, v46;
	_ =	sdelay $0x1  }
0x1b8: {  	v48 =	vmul.f32 v43, v22;
	v36 =	vadd.f32 v36, v47;
	_ =	sdelay $0x1  }
0x1b9: {  	v49 =	vmul.f32 v44, v26;
	s0 =	sadd.s32 $0x20, s31;
	v36 =	vadd.f32 v36, v48  }
0x1ba: {  	s1 =	sand.u32 $0x7F, s0;
	s0 =	sshll.u32 s0, $0x2  }
0x1bb: {  	v50 =	vmul.f32 v35, v30;
	s0 =	sand.u32 $0xFFFFFE00, s0;
	s1 =	sshll.u32 s1, $0x2;
	v36 =	vadd.f32 v36, v49  }
0x1bc: {  	s0 =	sor.u32 s1, s0  }
0x1bd: {  	s0 =	sshra.s32 s0, $0x2;
	v36 =	vadd.f32 v36, v50  }
0x1be: {  	s0 =	sadd.s32 s0, s23  }
0x1bf: {  	s0 =	sadd.s32 s30, s0;
	[tilespmem:s25+$0xFFFFFF50] =	vst v36  }
0x1c0: {  	v36 =	vld [tilespmem:s0+$0x280];
	_ =	sdelay $0x2  }
0x1c1: {  	v51 =	vmul.f32 v37, v3;
	_ =	sdelay $0x1  }
0x1c2: {  	v52 =	vmul.f32 v39, v7;
	v36 =	vadd.f32 v36, v51;
	_ =	sdelay $0x1  }
0x1c3: {  	v53 =	vmul.f32 v40, v11;
	v36 =	vadd.f32 v36, v52;
	_ =	sdelay $0x1  }
0x1c4: {  	v54 =	vmul.f32 v41, v15;
	v36 =	vadd.f32 v36, v53;
	_ =	sdelay $0x1  }
0x1c5: {  	v55 =	vmul.f32 v42, v19;
	v36 =	vadd.f32 v36, v54;
	_ =	sdelay $0x1  }
0x1c6: {  	v56 =	vmul.f32 v43, v23;
	v36 =	vadd.f32 v36, v55;
	_ =	sdelay $0x1  }
0x1c7: {  	v57 =	vmul.f32 v44, v27;
	s1 =	sadd.s32 $0x30, s31;
	v36 =	vadd.f32 v36, v56  }
0x1c8: {  	s31 =	sand.u32 $0x7F, s1;
	s0 =	sshll.u32 s1, $0x2  }
0x1c9: {  	v58 =	vmul.f32 v35, v31;
	s1 =	sshll.u32 s31, $0x2;
	s0 =	sand.u32 $0xFFFFFE00, s0;
	v36 =	vadd.f32 v36, v57  }
0x1ca: {  	s0 =	sor.u32 s1, s0  }
0x1cb: {  	s0 =	sshra.s32 s0, $0x2;
	v36 =	vadd.f32 v36, v58  }
0x1cc: {  	s0 =	sadd.s32 s0, s23  }
0x1cd: {  	(v2sf) =	vpush v34, $0x6;
	s0 =	sadd.s32 s30, s0;
	[tilespmem:s25+$0xFFFFFF60] =	vst v36  }
0x1ce: {  	(v2sf) =	vpush v33, $0x6;
	v36 =	vld [tilespmem:s0+$0x280];
	_ =	sdelay $0x2  }
0x1cf: {  	v37 =	vmul.f32 v37, v4;
	_ =	sdelay $0x1  }
0x1d0: {  	v59 =	vmul.f32 v39, v8;
	v36 =	vadd.f32 v36, v37;
	_ =	sdelay $0x1  }
0x1d1: {  	v60 =	vmul.f32 v40, v12;
	v36 =	vadd.f32 v36, v59;
	_ =	sdelay $0x1  }
0x1d2: {  	v61 =	vmul.f32 v41, v16;
	v36 =	vadd.f32 v36, v60;
	_ =	sdelay $0x1  }
0x1d3: {  	v62 =	vmul.f32 v42, v20;
	v36 =	vadd.f32 v36, v61;
	_ =	sdelay $0x1  }
0x1d4: {  	v63 =	vmul.f32 v43, v24;
	v36 =	vadd.f32 v36, v62  }
0x1d5: {  	s31 =	spop (v2sf)  }
0x1d6: {  	v40 =	vmul.f32 v44, v28;
	s0 =	spop (v2sf);
	v36 =	vadd.f32 v36, v63  }
0x1d7: {  	s1 =	sand.u32 $0x7F, s0;
	s0 =	sshll.u32 s0, $0x2  }
0x1d8: {  	v35 =	vmul.f32 v35, v32;
	s0 =	sand.u32 $0xFFFFFE00, s0;
	s1 =	sshll.u32 s1, $0x2;
	v36 =	vadd.f32 v36, v40  }
0x1d9: {  	s0 =	sor.u32 s1, s0  }
0x1da: {  	s0 =	sshra.s32 s0, $0x2;
	v35 =	vadd.f32 v36, v35  }
0x1db: {  	s0 =	sadd.s32 s0, s24  }
0x1dc: {  	s0 =	sadd.s32 s30, s0;
	[tilespmem:s25+$0xFFFFFF70] =	vst v35  }
0x1dd: {  	s1 =	sshll.u32 s31, $0x2;
	v35 =	vld [tilespmem:s0+$0x300];
	s0 =	sand.u32 $0x7F, s31  }
0x1de: {  	s1 =	sand.u32 $0xFFFFFE00, s1;
	s0 =	sshll.u32 s0, $0x2  }
0x1df: {  	s0 =	sor.u32 s0, s1  }
0x1e0: {  	s1 =	sshra.s32 s31, $0x3;
	s0 =	sshra.s32 s0, $0x2  }
0x1e1: {  	v41 =	vadd.s32 s1, v0;
	s0 =	sadd.s32 s0, s23  }
0x1e2: {  	v35 =	vperm.xlane v35, v41;
	s0 =	sadd.s32 s30, s0  }
0x1e3: {  	v42 =	vld [tilespmem:s0+$0x300]  }
0x1e4: {  	v37 =	vbroadcast v35, $0x0;
	_ =	sdelay $0x1  }
0x1e5: {  	v39 =	vbroadcast v35, $0x1;
	v43 =	vmul.f32 v37, v1;
	_ =	sdelay $0x1  }
0x1e6: {  	v40 =	vbroadcast v35, $0x2;
	v44 =	vmul.f32 v39, v5;
	v36 =	vadd.f32 v43, v42;
	_ =	sdelay $0x1  }
0x1e7: {  	v41 =	vbroadcast v35, $0x3;
	v45 =	vmul.f32 v40, v9;
	v36 =	vadd.f32 v36, v44;
	_ =	sdelay $0x1  }
0x1e8: {  	v46 =	vmul.f32 v41, v13;
	v42 =	vbroadcast v35, $0x4;
	v36 =	vadd.f32 v36, v45;
	_ =	sdelay $0x1  }
0x1e9: {  	v43 =	vbroadcast v35, $0x5;
	v47 =	vmul.f32 v42, v17;
	v36 =	vadd.f32 v36, v46;
	_ =	sdelay $0x1  }
0x1ea: {  	v48 =	vmul.f32 v43, v21;
	v44 =	vbroadcast v35, $0x6;
	v36 =	vadd.f32 v36, v47;
	_ =	sdelay $0x1  }
0x1eb: {  	s0 =	sadd.s32 $0x10, s31;
	v35 =	vbroadcast v35, $0x7;
	v49 =	vmul.f32 v44, v25;
	v36 =	vadd.f32 v36, v48  }
0x1ec: {  	s1 =	sand.u32 $0x7F, s0;
	s0 =	sshll.u32 s0, $0x2  }
0x1ed: {  	s0 =	sand.u32 $0xFFFFFE00, s0;
	s1 =	sshll.u32 s1, $0x2;
	v50 =	vmul.f32 v35, v29;
	v36 =	vadd.f32 v36, v49  }
0x1ee: {  	s0 =	sor.u32 s1, s0  }
0x1ef: {  	s0 =	sshra.s32 s0, $0x2;
	v36 =	vadd.f32 v36, v50  }
0x1f0: {  	s0 =	sadd.s32 s0, s23  }
0x1f1: {  	s0 =	sadd.s32 s30, s0;
	[tilespmem:s25+$0xFFFFFF80] =	vst v36  }
0x1f2: {  	v36 =	vld [tilespmem:s0+$0x300];
	_ =	sdelay $0x2  }
0x1f3: {  	v51 =	vmul.f32 v37, v2;
	_ =	sdelay $0x1  }
0x1f4: {  	v52 =	vmul.f32 v39, v6;
	v36 =	vadd.f32 v36, v51;
	_ =	sdelay $0x1  }
0x1f5: {  	v53 =	vmul.f32 v40, v10;
	v36 =	vadd.f32 v36, v52;
	_ =	sdelay $0x1  }
0x1f6: {  	v54 =	vmul.f32 v41, v14;
	v36 =	vadd.f32 v36, v53;
	_ =	sdelay $0x1  }
0x1f7: {  	v55 =	vmul.f32 v42, v18;
	v36 =	vadd.f32 v36, v54;
	_ =	sdelay $0x1  }
0x1f8: {  	v56 =	vmul.f32 v43, v22;
	v36 =	vadd.f32 v36, v55;
	_ =	sdelay $0x1  }
0x1f9: {  	v57 =	vmul.f32 v44, v26;
	s0 =	sadd.s32 $0x20, s31;
	v36 =	vadd.f32 v36, v56  }
0x1fa: {  	s1 =	sand.u32 $0x7F, s0;
	s0 =	sshll.u32 s0, $0x2  }
0x1fb: {  	v58 =	vmul.f32 v35, v30;
	s0 =	sand.u32 $0xFFFFFE00, s0;
	s1 =	sshll.u32 s1, $0x2;
	v36 =	vadd.f32 v36, v57  }
0x1fc: {  	s0 =	sor.u32 s1, s0  }
0x1fd: {  	s0 =	sshra.s32 s0, $0x2;
	v36 =	vadd.f32 v36, v58  }
0x1fe: {  	s0 =	sadd.s32 s0, s23  }
0x1ff: {  	s0 =	sadd.s32 s30, s0;
	[tilespmem:s25+$0xFFFFFF90] =	vst v36  }
0x200: {  	v36 =	vld [tilespmem:s0+$0x300];
	_ =	sdelay $0x2  }
0x201: {  	v59 =	vmul.f32 v37, v3;
	_ =	sdelay $0x1  }
0x202: {  	v60 =	vmul.f32 v39, v7;
	v36 =	vadd.f32 v36, v59;
	_ =	sdelay $0x1  }
0x203: {  	v61 =	vmul.f32 v40, v11;
	v36 =	vadd.f32 v36, v60;
	_ =	sdelay $0x1  }
0x204: {  	v62 =	vmul.f32 v41, v15;
	v36 =	vadd.f32 v36, v61;
	_ =	sdelay $0x1  }
0x205: {  	v63 =	vmul.f32 v42, v19;
	v36 =	vadd.f32 v36, v62;
	_ =	sdelay $0x1  }
0x206: {  	v45 =	vmul.f32 v43, v23;
	v36 =	vadd.f32 v36, v63;
	_ =	sdelay $0x1  }
0x207: {  	v46 =	vmul.f32 v44, v27;
	s1 =	sadd.s32 $0x30, s31;
	v36 =	vadd.f32 v36, v45  }
0x208: {  	s31 =	sand.u32 $0x7F, s1;
	s0 =	sshll.u32 s1, $0x2  }
0x209: {  	v47 =	vmul.f32 v35, v31;
	s1 =	sshll.u32 s31, $0x2;
	s0 =	sand.u32 $0xFFFFFE00, s0;
	v36 =	vadd.f32 v36, v46  }
0x20a: {  	s0 =	sor.u32 s1, s0  }
0x20b: {  	s0 =	sshra.s32 s0, $0x2;
	v36 =	vadd.f32 v36, v47  }
0x20c: {  	s0 =	sadd.s32 s0, s23  }
0x20d: {  	(v2sf) =	vpush v34, $0x7;
	s0 =	sadd.s32 s30, s0;
	[tilespmem:s25+$0xFFFFFFA0] =	vst v36  }
0x20e: {  	(v2sf) =	vpush v33, $0x7;
	v36 =	vld [tilespmem:s0+$0x300];
	_ =	sdelay $0x2  }
0x20f: {  	v37 =	vmul.f32 v37, v4;
	_ =	sdelay $0x1  }
0x210: {  	v48 =	vmul.f32 v39, v8;
	v36 =	vadd.f32 v36, v37;
	_ =	sdelay $0x1  }
0x211: {  	v49 =	vmul.f32 v40, v12;
	v36 =	vadd.f32 v36, v48;
	_ =	sdelay $0x1  }
0x212: {  	v50 =	vmul.f32 v41, v16;
	v36 =	vadd.f32 v36, v49;
	_ =	sdelay $0x1  }
0x213: {  	v51 =	vmul.f32 v42, v20;
	v36 =	vadd.f32 v36, v50;
	_ =	sdelay $0x1  }
0x214: {  	v52 =	vmul.f32 v43, v24;
	v36 =	vadd.f32 v36, v51  }
0x215: {  	s31 =	spop (v2sf)  }
0x216: {  	v53 =	vmul.f32 v44, v28;
	s0 =	spop (v2sf);
	v36 =	vadd.f32 v36, v52  }
0x217: {  	s1 =	sand.u32 $0x7F, s0;
	s0 =	sshll.u32 s0, $0x2  }
0x218: {  	v35 =	vmul.f32 v35, v32;
	s0 =	sand.u32 $0xFFFFFE00, s0;
	s1 =	sshll.u32 s1, $0x2;
	v36 =	vadd.f32 v36, v53  }
0x219: {  	s0 =	sor.u32 s1, s0  }
0x21a: {  	s0 =	sshra.s32 s0, $0x2;
	v35 =	vadd.f32 v36, v35  }
0x21b: {  	s0 =	sadd.s32 s0, s24  }
0x21c: {  	s0 =	sadd.s32 s30, s0;
	[tilespmem:s25+$0xFFFFFFB0] =	vst v35  }
0x21d: {  	s1 =	sshll.u32 s31, $0x2;
	v35 =	vld [tilespmem:s0+$0x380];
	s0 =	sand.u32 $0x7F, s31  }
0x21e: {  	s1 =	sand.u32 $0xFFFFFE00, s1;
	s0 =	sshll.u32 s0, $0x2  }
0x21f: {  	s0 =	sor.u32 s0, s1  }
0x220: {  	s1 =	sshra.s32 s31, $0x3;
	s0 =	sshra.s32 s0, $0x2  }
0x221: {  	v54 =	vadd.s32 s1, v0;
	s0 =	sadd.s32 s0, s23  }
0x222: {  	v35 =	vperm.xlane v35, v54;
	s0 =	sadd.s32 s30, s0  }
0x223: {  	v55 =	vld [tilespmem:s0+$0x380]  }
0x224: {  	v37 =	vbroadcast v35, $0x0;
	_ =	sdelay $0x1  }
0x225: {  	v39 =	vbroadcast v35, $0x1;
	v56 =	vmul.f32 v37, v1;
	_ =	sdelay $0x1  }
0x226: {  	v40 =	vbroadcast v35, $0x2;
	v57 =	vmul.f32 v39, v5;
	v36 =	vadd.f32 v56, v55;
	_ =	sdelay $0x1  }
0x227: {  	v41 =	vbroadcast v35, $0x3;
	v58 =	vmul.f32 v40, v9;
	v36 =	vadd.f32 v36, v57;
	_ =	sdelay $0x1  }
0x228: {  	v42 =	vbroadcast v35, $0x4;
	v59 =	vmul.f32 v41, v13;
	v36 =	vadd.f32 v36, v58;
	_ =	sdelay $0x1  }
0x229: {  	v43 =	vbroadcast v35, $0x5;
	v60 =	vmul.f32 v42, v17;
	v36 =	vadd.f32 v36, v59;
	_ =	sdelay $0x1  }
0x22a: {  	v44 =	vbroadcast v35, $0x6;
	v61 =	vmul.f32 v43, v21;
	v36 =	vadd.f32 v36, v60;
	_ =	sdelay $0x1  }
0x22b: {  	s0 =	sadd.s32 $0x10, s31;
	v35 =	vbroadcast v35, $0x7;
	v62 =	vmul.f32 v44, v25;
	v36 =	vadd.f32 v36, v61  }
0x22c: {  	s1 =	sand.u32 $0x7F, s0;
	s0 =	sshll.u32 s0, $0x2  }
0x22d: {  	s0 =	sand.u32 $0xFFFFFE00, s0;
	s1 =	sshll.u32 s1, $0x2;
	v63 =	vmul.f32 v35, v29;
	v36 =	vadd.f32 v36, v62  }
0x22e: {  	s0 =	sor.u32 s1, s0  }
0x22f: {  	s0 =	sshra.s32 s0, $0x2;
	v36 =	vadd.f32 v36, v63  }
0x230: {  	s0 =	sadd.s32 s0, s23  }
0x231: {  	s0 =	sadd.s32 s30, s0;
	[tilespmem:s25+$0xFFFFFFC0] =	vst v36  }
0x232: {  	v36 =	vld [tilespmem:s0+$0x380];
	_ =	sdelay $0x2  }
0x233: {  	v45 =	vmul.f32 v37, v2;
	_ =	sdelay $0x1  }
0x234: {  	v46 =	vmul.f32 v39, v6;
	v36 =	vadd.f32 v36, v45;
	_ =	sdelay $0x1  }
0x235: {  	v47 =	vmul.f32 v40, v10;
	v36 =	vadd.f32 v36, v46;
	_ =	sdelay $0x1  }
0x236: {  	v48 =	vmul.f32 v41, v14;
	v36 =	vadd.f32 v36, v47;
	_ =	sdelay $0x1  }
0x237: {  	v49 =	vmul.f32 v42, v18;
	v36 =	vadd.f32 v36, v48;
	_ =	sdelay $0x1  }
0x238: {  	v50 =	vmul.f32 v43, v22;
	v36 =	vadd.f32 v36, v49;
	_ =	sdelay $0x1  }
0x239: {  	v51 =	vmul.f32 v44, v26;
	s0 =	sadd.s32 $0x20, s31;
	v36 =	vadd.f32 v36, v50  }
0x23a: {  	s1 =	sand.u32 $0x7F, s0;
	s0 =	sshll.u32 s0, $0x2  }
0x23b: {  	v52 =	vmul.f32 v35, v30;
	s0 =	sand.u32 $0xFFFFFE00, s0;
	s1 =	sshll.u32 s1, $0x2;
	v36 =	vadd.f32 v36, v51  }
0x23c: {  	s0 =	sor.u32 s1, s0  }
0x23d: {  	s0 =	sshra.s32 s0, $0x2;
	v36 =	vadd.f32 v36, v52  }
0x23e: {  	s0 =	sadd.s32 s0, s23  }
0x23f: {  	s0 =	sadd.s32 s30, s0;
	[tilespmem:s25+$0xFFFFFFD0] =	vst v36  }
0x240: {  	v36 =	vld [tilespmem:s0+$0x380];
	_ =	sdelay $0x2  }
0x241: {  	v53 =	vmul.f32 v37, v3;
	_ =	sdelay $0x1  }
0x242: {  	v54 =	vmul.f32 v39, v7;
	v36 =	vadd.f32 v36, v53;
	_ =	sdelay $0x1  }
0x243: {  	v55 =	vmul.f32 v40, v11;
	v36 =	vadd.f32 v36, v54;
	_ =	sdelay $0x1  }
0x244: {  	v56 =	vmul.f32 v41, v15;
	v36 =	vadd.f32 v36, v55;
	_ =	sdelay $0x1  }
0x245: {  	v57 =	vmul.f32 v42, v19;
	v36 =	vadd.f32 v36, v56;
	_ =	sdelay $0x1  }
0x246: {  	v58 =	vmul.f32 v43, v23;
	v36 =	vadd.f32 v36, v57;
	_ =	sdelay $0x1  }
0x247: {  	v59 =	vmul.f32 v44, v27;
	s1 =	sadd.s32 $0x30, s31;
	v36 =	vadd.f32 v36, v58  }
0x248: {  	s31 =	sand.u32 $0x7F, s1;
	s0 =	sshll.u32 s1, $0x2  }
0x249: {  	v60 =	vmul.f32 v35, v31;
	s1 =	sshll.u32 s31, $0x2;
	s0 =	sand.u32 $0xFFFFFE00, s0;
	v36 =	vadd.f32 v36, v59  }
0x24a: {  	s0 =	sor.u32 s1, s0  }
0x24b: {  	s0 =	sshra.s32 s0, $0x2;
	v36 =	vadd.f32 v36, v60  }
0x24c: {  	s0 =	sadd.s32 s0, s23  }
0x24d: {  	(v2sf) =	vpush v34, $0x8;
	s0 =	sadd.s32 s30, s0;
	[tilespmem:s25+$0xFFFFFFE0] =	vst v36  }
0x24e: {  	(v2sf) =	vpush v33, $0x8;
	v36 =	vld [tilespmem:s0+$0x380];
	_ =	sdelay $0x2  }
0x24f: {  	v37 =	vmul.f32 v37, v4;
	_ =	sdelay $0x1  }
0x250: {  	v61 =	vmul.f32 v39, v8;
	v36 =	vadd.f32 v36, v37;
	_ =	sdelay $0x1  }
0x251: {  	v62 =	vmul.f32 v40, v12;
	v36 =	vadd.f32 v36, v61;
	_ =	sdelay $0x1  }
0x252: {  	v63 =	vmul.f32 v41, v16;
	v36 =	vadd.f32 v36, v62;
	_ =	sdelay $0x1  }
0x253: {  	v40 =	vmul.f32 v42, v20;
	v36 =	vadd.f32 v36, v63;
	_ =	sdelay $0x1  }
0x254: {  	v41 =	vmul.f32 v43, v24;
	v36 =	vadd.f32 v36, v40  }
0x255: {  	s31 =	spop (v2sf)  }
0x256: {  	v42 =	vmul.f32 v44, v28;
	s0 =	spop (v2sf);
	v36 =	vadd.f32 v36, v41  }
0x257: {  	s1 =	sand.u32 $0x7F, s0;
	s0 =	sshll.u32 s0, $0x2  }
0x258: {  	v35 =	vmul.f32 v35, v32;
	s0 =	sand.u32 $0xFFFFFE00, s0;
	s1 =	sshll.u32 s1, $0x2;
	v36 =	vadd.f32 v36, v42  }
0x259: {  	s0 =	sor.u32 s1, s0  }
0x25a: {  	s0 =	sshra.s32 s0, $0x2;
	v35 =	vadd.f32 v36, v35  }
0x25b: {  	s0 =	sadd.s32 s0, s24  }
0x25c: {  	s0 =	sadd.s32 s30, s0;
	[tilespmem:s25+$0xFFFFFFF0] =	vst v35  }
0x25d: {  	s1 =	sshll.u32 s31, $0x2;
	v35 =	vld [tilespmem:s0+$0x400];
	s0 =	sand.u32 $0x7F, s31  }
0x25e: {  	s1 =	sand.u32 $0xFFFFFE00, s1;
	s0 =	sshll.u32 s0, $0x2  }
0x25f: {  	s0 =	sor.u32 s0, s1  }
0x260: {  	s1 =	sshra.s32 s31, $0x3;
	s0 =	sshra.s32 s0, $0x2  }
0x261: {  	v43 =	vadd.s32 s1, v0;
	s0 =	sadd.s32 s0, s23  }
0x262: {  	v35 =	vperm.xlane v35, v43;
	s0 =	sadd.s32 s30, s0  }
0x263: {  	v44 =	vld [tilespmem:s0+$0x400]  }
0x264: {  	v37 =	vbroadcast v35, $0x0;
	_ =	sdelay $0x1  }
0x265: {  	v39 =	vbroadcast v35, $0x1;
	v45 =	vmul.f32 v37, v1;
	_ =	sdelay $0x1  }
0x266: {  	v40 =	vbroadcast v35, $0x2;
	v46 =	vmul.f32 v39, v5;
	v36 =	vadd.f32 v45, v44;
	_ =	sdelay $0x1  }
0x267: {  	v41 =	vbroadcast v35, $0x3;
	v47 =	vmul.f32 v40, v9;
	v36 =	vadd.f32 v36, v46;
	_ =	sdelay $0x1  }
0x268: {  	v42 =	vbroadcast v35, $0x4;
	v48 =	vmul.f32 v41, v13;
	v36 =	vadd.f32 v36, v47;
	_ =	sdelay $0x1  }
0x269: {  	v43 =	vbroadcast v35, $0x5;
	v49 =	vmul.f32 v42, v17;
	v36 =	vadd.f32 v36, v48;
	_ =	sdelay $0x1  }
0x26a: {  	v50 =	vmul.f32 v43, v21;
	v44 =	vbroadcast v35, $0x6;
	v36 =	vadd.f32 v36, v49;
	_ =	sdelay $0x1  }
0x26b: {  	s0 =	sadd.s32 $0x10, s31;
	v35 =	vbroadcast v35, $0x7;
	v51 =	vmul.f32 v44, v25;
	v36 =	vadd.f32 v36, v50  }
0x26c: {  	s1 =	sand.u32 $0x7F, s0;
	s0 =	sshll.u32 s0, $0x2  }
0x26d: {  	s0 =	sand.u32 $0xFFFFFE00, s0;
	s1 =	sshll.u32 s1, $0x2;
	v52 =	vmul.f32 v35, v29;
	v36 =	vadd.f32 v36, v51  }
0x26e: {  	s0 =	sor.u32 s1, s0  }
0x26f: {  	s0 =	sshra.s32 s0, $0x2;
	v36 =	vadd.f32 v36, v52  }
0x270: {  	s0 =	sadd.s32 s0, s23  }
0x271: {  	s0 =	sadd.s32 s30, s0;
	[tilespmem:s25+$0x0] =	vst v36  }
0x272: {  	v36 =	vld [tilespmem:s0+$0x400];
	_ =	sdelay $0x2  }
0x273: {  	v53 =	vmul.f32 v37, v2;
	_ =	sdelay $0x1  }
0x274: {  	v54 =	vmul.f32 v39, v6;
	v36 =	vadd.f32 v36, v53;
	_ =	sdelay $0x1  }
0x275: {  	v55 =	vmul.f32 v40, v10;
	v36 =	vadd.f32 v36, v54;
	_ =	sdelay $0x1  }
0x276: {  	v56 =	vmul.f32 v41, v14;
	v36 =	vadd.f32 v36, v55;
	_ =	sdelay $0x1  }
0x277: {  	v57 =	vmul.f32 v42, v18;
	v36 =	vadd.f32 v36, v56;
	_ =	sdelay $0x1  }
0x278: {  	v58 =	vmul.f32 v43, v22;
	v36 =	vadd.f32 v36, v57;
	_ =	sdelay $0x1  }
0x279: {  	v59 =	vmul.f32 v44, v26;
	s0 =	sadd.s32 $0x20, s31;
	v36 =	vadd.f32 v36, v58  }
0x27a: {  	s1 =	sand.u32 $0x7F, s0;
	s0 =	sshll.u32 s0, $0x2  }
0x27b: {  	v60 =	vmul.f32 v35, v30;
	s0 =	sand.u32 $0xFFFFFE00, s0;
	s1 =	sshll.u32 s1, $0x2;
	v36 =	vadd.f32 v36, v59  }
0x27c: {  	s0 =	sor.u32 s1, s0  }
0x27d: {  	s0 =	sshra.s32 s0, $0x2;
	v36 =	vadd.f32 v36, v60  }
0x27e: {  	s0 =	sadd.s32 s0, s23  }
0x27f: {  	s0 =	sadd.s32 s30, s0;
	[tilespmem:s25+$0x10] =	vst v36  }
0x280: {  	v36 =	vld [tilespmem:s0+$0x400];
	_ =	sdelay $0x2  }
0x281: {  	v61 =	vmul.f32 v37, v3;
	_ =	sdelay $0x1  }
0x282: {  	v62 =	vmul.f32 v39, v7;
	v36 =	vadd.f32 v36, v61;
	_ =	sdelay $0x1  }
0x283: {  	v63 =	vmul.f32 v40, v11;
	v36 =	vadd.f32 v36, v62;
	_ =	sdelay $0x1  }
0x284: {  	v45 =	vmul.f32 v41, v15;
	v36 =	vadd.f32 v36, v63;
	_ =	sdelay $0x1  }
0x285: {  	v46 =	vmul.f32 v42, v19;
	v36 =	vadd.f32 v36, v45;
	_ =	sdelay $0x1  }
0x286: {  	v47 =	vmul.f32 v43, v23;
	v36 =	vadd.f32 v36, v46;
	_ =	sdelay $0x1  }
0x287: {  	v48 =	vmul.f32 v44, v27;
	s1 =	sadd.s32 $0x30, s31;
	v36 =	vadd.f32 v36, v47  }
0x288: {  	s31 =	sand.u32 $0x7F, s1;
	s0 =	sshll.u32 s1, $0x2  }
0x289: {  	v49 =	vmul.f32 v35, v31;
	s1 =	sshll.u32 s31, $0x2;
	s0 =	sand.u32 $0xFFFFFE00, s0;
	v36 =	vadd.f32 v36, v48  }
0x28a: {  	s0 =	sor.u32 s1, s0  }
0x28b: {  	s0 =	sshra.s32 s0, $0x2;
	v36 =	vadd.f32 v36, v49  }
0x28c: {  	s0 =	sadd.s32 s0, s23  }
0x28d: {  	(v2sf) =	vpush v34, $0x9;
	s0 =	sadd.s32 s30, s0;
	[tilespmem:s25+$0x20] =	vst v36  }
0x28e: {  	(v2sf) =	vpush v33, $0x9;
	v36 =	vld [tilespmem:s0+$0x400];
	_ =	sdelay $0x2  }
0x28f: {  	v37 =	vmul.f32 v37, v4;
	_ =	sdelay $0x1  }
0x290: {  	v50 =	vmul.f32 v39, v8;
	v36 =	vadd.f32 v36, v37;
	_ =	sdelay $0x1  }
0x291: {  	v51 =	vmul.f32 v40, v12;
	v36 =	vadd.f32 v36, v50;
	_ =	sdelay $0x1  }
0x292: {  	v52 =	vmul.f32 v41, v16;
	v36 =	vadd.f32 v36, v51;
	_ =	sdelay $0x1  }
0x293: {  	v53 =	vmul.f32 v42, v20;
	v36 =	vadd.f32 v36, v52;
	_ =	sdelay $0x1  }
0x294: {  	v54 =	vmul.f32 v43, v24;
	v36 =	vadd.f32 v36, v53  }
0x295: {  	s31 =	spop (v2sf)  }
0x296: {  	v55 =	vmul.f32 v44, v28;
	s0 =	spop (v2sf);
	v36 =	vadd.f32 v36, v54  }
0x297: {  	s1 =	sand.u32 $0x7F, s0;
	s0 =	sshll.u32 s0, $0x2  }
0x298: {  	v35 =	vmul.f32 v35, v32;
	s0 =	sand.u32 $0xFFFFFE00, s0;
	s1 =	sshll.u32 s1, $0x2;
	v36 =	vadd.f32 v36, v55  }
0x299: {  	s0 =	sor.u32 s1, s0  }
0x29a: {  	s0 =	sshra.s32 s0, $0x2;
	v35 =	vadd.f32 v36, v35  }
0x29b: {  	s0 =	sadd.s32 s0, s24  }
0x29c: {  	s0 =	sadd.s32 s30, s0;
	[tilespmem:s25+$0x30] =	vst v35  }
0x29d: {  	s1 =	sshll.u32 s31, $0x2;
	v35 =	vld [tilespmem:s0+$0x480];
	s0 =	sand.u32 $0x7F, s31  }
0x29e: {  	s1 =	sand.u32 $0xFFFFFE00, s1;
	s0 =	sshll.u32 s0, $0x2  }
0x29f: {  	s0 =	sor.u32 s0, s1  }
0x2a0: {  	s1 =	sshra.s32 s31, $0x3;
	s0 =	sshra.s32 s0, $0x2  }
0x2a1: {  	v56 =	vadd.s32 s1, v0;
	s0 =	sadd.s32 s0, s23  }
0x2a2: {  	v35 =	vperm.xlane v35, v56;
	s0 =	sadd.s32 s30, s0  }
0x2a3: {  	v57 =	vld [tilespmem:s0+$0x480]  }
0x2a4: {  	v37 =	vbroadcast v35, $0x0;
	_ =	sdelay $0x1  }
0x2a5: {  	v39 =	vbroadcast v35, $0x1;
	v58 =	vmul.f32 v37, v1;
	_ =	sdelay $0x1  }
0x2a6: {  	v40 =	vbroadcast v35, $0x2;
	v59 =	vmul.f32 v39, v5;
	v36 =	vadd.f32 v58, v57;
	_ =	sdelay $0x1  }
0x2a7: {  	v41 =	vbroadcast v35, $0x3;
	v60 =	vmul.f32 v40, v9;
	v36 =	vadd.f32 v36, v59;
	_ =	sdelay $0x1  }
0x2a8: {  	v42 =	vbroadcast v35, $0x4;
	v61 =	vmul.f32 v41, v13;
	v36 =	vadd.f32 v36, v60;
	_ =	sdelay $0x1  }
0x2a9: {  	v43 =	vbroadcast v35, $0x5;
	v62 =	vmul.f32 v42, v17;
	v36 =	vadd.f32 v36, v61;
	_ =	sdelay $0x1  }
0x2aa: {  	v44 =	vbroadcast v35, $0x6;
	v63 =	vmul.f32 v43, v21;
	v36 =	vadd.f32 v36, v62;
	_ =	sdelay $0x1  }
0x2ab: {  	s0 =	sadd.s32 $0x10, s31;
	v35 =	vbroadcast v35, $0x7;
	v47 =	vmul.f32 v44, v25;
	v36 =	vadd.f32 v36, v63  }
0x2ac: {  	s1 =	sand.u32 $0x7F, s0;
	s0 =	sshll.u32 s0, $0x2  }
0x2ad: {  	s0 =	sand.u32 $0xFFFFFE00, s0;
	s1 =	sshll.u32 s1, $0x2;
	v48 =	vmul.f32 v35, v29;
	v36 =	vadd.f32 v36, v47  }
0x2ae: {  	s0 =	sor.u32 s1, s0  }
0x2af: {  	s0 =	sshra.s32 s0, $0x2;
	v36 =	vadd.f32 v36, v48  }
0x2b0: {  	s0 =	sadd.s32 s0, s23  }
0x2b1: {  	s0 =	sadd.s32 s30, s0;
	[tilespmem:s25+$0x40] =	vst v36  }
0x2b2: {  	v36 =	vld [tilespmem:s0+$0x480];
	_ =	sdelay $0x2  }
0x2b3: {  	v49 =	vmul.f32 v37, v2;
	_ =	sdelay $0x1  }
0x2b4: {  	v50 =	vmul.f32 v39, v6;
	v36 =	vadd.f32 v36, v49;
	_ =	sdelay $0x1  }
0x2b5: {  	v51 =	vmul.f32 v40, v10;
	v36 =	vadd.f32 v36, v50;
	_ =	sdelay $0x1  }
0x2b6: {  	v52 =	vmul.f32 v41, v14;
	v36 =	vadd.f32 v36, v51;
	_ =	sdelay $0x1  }
0x2b7: {  	v53 =	vmul.f32 v42, v18;
	v36 =	vadd.f32 v36, v52;
	_ =	sdelay $0x1  }
0x2b8: {  	v54 =	vmul.f32 v43, v22;
	v36 =	vadd.f32 v36, v53;
	_ =	sdelay $0x1  }
0x2b9: {  	v55 =	vmul.f32 v44, v26;
	s0 =	sadd.s32 $0x20, s31;
	v36 =	vadd.f32 v36, v54  }
0x2ba: {  	s1 =	sand.u32 $0x7F, s0;
	s0 =	sshll.u32 s0, $0x2  }
0x2bb: {  	v56 =	vmul.f32 v35, v30;
	s0 =	sand.u32 $0xFFFFFE00, s0;
	s1 =	sshll.u32 s1, $0x2;
	v36 =	vadd.f32 v36, v55  }
0x2bc: {  	s0 =	sor.u32 s1, s0  }
0x2bd: {  	s0 =	sshra.s32 s0, $0x2;
	v36 =	vadd.f32 v36, v56  }
0x2be: {  	s0 =	sadd.s32 s0, s23  }
0x2bf: {  	s0 =	sadd.s32 s30, s0;
	[tilespmem:s25+$0x50] =	vst v36  }
0x2c0: {  	v36 =	vld [tilespmem:s0+$0x480];
	_ =	sdelay $0x2  }
0x2c1: {  	v57 =	vmul.f32 v37, v3;
	_ =	sdelay $0x1  }
0x2c2: {  	v58 =	vmul.f32 v39, v7;
	v36 =	vadd.f32 v36, v57;
	_ =	sdelay $0x1  }
0x2c3: {  	v59 =	vmul.f32 v40, v11;
	v36 =	vadd.f32 v36, v58;
	_ =	sdelay $0x1  }
0x2c4: {  	v60 =	vmul.f32 v41, v15;
	v36 =	vadd.f32 v36, v59;
	_ =	sdelay $0x1  }
0x2c5: {  	v61 =	vmul.f32 v42, v19;
	v36 =	vadd.f32 v36, v60;
	_ =	sdelay $0x1  }
0x2c6: {  	v62 =	vmul.f32 v43, v23;
	v36 =	vadd.f32 v36, v61;
	_ =	sdelay $0x1  }
0x2c7: {  	v63 =	vmul.f32 v44, v27;
	s1 =	sadd.s32 $0x30, s31;
	v36 =	vadd.f32 v36, v62  }
0x2c8: {  	s31 =	sand.u32 $0x7F, s1;
	s0 =	sshll.u32 s1, $0x2  }
0x2c9: {  	v45 =	vmul.f32 v35, v31;
	s1 =	sshll.u32 s31, $0x2;
	s0 =	sand.u32 $0xFFFFFE00, s0;
	v36 =	vadd.f32 v36, v63  }
0x2ca: {  	s0 =	sor.u32 s1, s0  }
0x2cb: {  	s0 =	sshra.s32 s0, $0x2;
	v36 =	vadd.f32 v36, v45  }
0x2cc: {  	s0 =	sadd.s32 s0, s23  }
0x2cd: {  	(v2sf) =	vpush v34, $0xA;
	s0 =	sadd.s32 s30, s0;
	[tilespmem:s25+$0x60] =	vst v36  }
0x2ce: {  	(v2sf) =	vpush v33, $0xA;
	v36 =	vld [tilespmem:s0+$0x480];
	_ =	sdelay $0x2  }
0x2cf: {  	v37 =	vmul.f32 v37, v4;
	_ =	sdelay $0x1  }
0x2d0: {  	v46 =	vmul.f32 v39, v8;
	v36 =	vadd.f32 v36, v37;
	_ =	sdelay $0x1  }
0x2d1: {  	v47 =	vmul.f32 v40, v12;
	v36 =	vadd.f32 v36, v46;
	_ =	sdelay $0x1  }
0x2d2: {  	v48 =	vmul.f32 v41, v16;
	v36 =	vadd.f32 v36, v47;
	_ =	sdelay $0x1  }
0x2d3: {  	v49 =	vmul.f32 v42, v20;
	v36 =	vadd.f32 v36, v48;
	_ =	sdelay $0x1  }
0x2d4: {  	v50 =	vmul.f32 v43, v24;
	v36 =	vadd.f32 v36, v49  }
0x2d5: {  	s31 =	spop (v2sf)  }
0x2d6: {  	v51 =	vmul.f32 v44, v28;
	s0 =	spop (v2sf);
	v36 =	vadd.f32 v36, v50  }
0x2d7: {  	s1 =	sand.u32 $0x7F, s0;
	s0 =	sshll.u32 s0, $0x2  }
0x2d8: {  	v35 =	vmul.f32 v35, v32;
	s0 =	sand.u32 $0xFFFFFE00, s0;
	s1 =	sshll.u32 s1, $0x2;
	v36 =	vadd.f32 v36, v51  }
0x2d9: {  	s0 =	sor.u32 s1, s0  }
0x2da: {  	s0 =	sshra.s32 s0, $0x2;
	v35 =	vadd.f32 v36, v35  }
0x2db: {  	s0 =	sadd.s32 s0, s24  }
0x2dc: {  	s0 =	sadd.s32 s30, s0;
	[tilespmem:s25+$0x70] =	vst v35  }
0x2dd: {  	s1 =	sshll.u32 s31, $0x2;
	v35 =	vld [tilespmem:s0+$0x500];
	s0 =	sand.u32 $0x7F, s31  }
0x2de: {  	s1 =	sand.u32 $0xFFFFFE00, s1;
	s0 =	sshll.u32 s0, $0x2  }
0x2df: {  	s0 =	sor.u32 s0, s1  }
0x2e0: {  	s1 =	sshra.s32 s31, $0x3;
	s0 =	sshra.s32 s0, $0x2  }
0x2e1: {  	v52 =	vadd.s32 s1, v0;
	s0 =	sadd.s32 s0, s23  }
0x2e2: {  	v35 =	vperm.xlane v35, v52;
	s0 =	sadd.s32 s30, s0  }
0x2e3: {  	v53 =	vld [tilespmem:s0+$0x500]  }
0x2e4: {  	v37 =	vbroadcast v35, $0x0;
	_ =	sdelay $0x1  }
0x2e5: {  	v39 =	vbroadcast v35, $0x1;
	v54 =	vmul.f32 v37, v1;
	_ =	sdelay $0x1  }
0x2e6: {  	v40 =	vbroadcast v35, $0x2;
	v55 =	vmul.f32 v39, v5;
	v36 =	vadd.f32 v54, v53;
	_ =	sdelay $0x1  }
0x2e7: {  	v41 =	vbroadcast v35, $0x3;
	v56 =	vmul.f32 v40, v9;
	v36 =	vadd.f32 v36, v55;
	_ =	sdelay $0x1  }
0x2e8: {  	v42 =	vbroadcast v35, $0x4;
	v57 =	vmul.f32 v41, v13;
	v36 =	vadd.f32 v36, v56;
	_ =	sdelay $0x1  }
0x2e9: {  	v43 =	vbroadcast v35, $0x5;
	v58 =	vmul.f32 v42, v17;
	v36 =	vadd.f32 v36, v57;
	_ =	sdelay $0x1  }
0x2ea: {  	v44 =	vbroadcast v35, $0x6;
	v59 =	vmul.f32 v43, v21;
	v36 =	vadd.f32 v36, v58;
	_ =	sdelay $0x1  }
0x2eb: {  	s0 =	sadd.s32 $0x10, s31;
	v35 =	vbroadcast v35, $0x7;
	v60 =	vmul.f32 v44, v25;
	v36 =	vadd.f32 v36, v59  }
0x2ec: {  	s1 =	sand.u32 $0x7F, s0;
	s0 =	sshll.u32 s0, $0x2  }
0x2ed: {  	s0 =	sand.u32 $0xFFFFFE00, s0;
	s1 =	sshll.u32 s1, $0x2;
	v61 =	vmul.f32 v35, v29;
	v36 =	vadd.f32 v36, v60  }
0x2ee: {  	s0 =	sor.u32 s1, s0  }
0x2ef: {  	s0 =	sshra.s32 s0, $0x2;
	v36 =	vadd.f32 v36, v61  }
0x2f0: {  	s0 =	sadd.s32 s0, s23  }
0x2f1: {  	s0 =	sadd.s32 s30, s0;
	[tilespmem:s25+$0x80] =	vst v36  }
0x2f2: {  	v36 =	vld [tilespmem:s0+$0x500];
	_ =	sdelay $0x2  }
0x2f3: {  	v62 =	vmul.f32 v37, v2;
	_ =	sdelay $0x1  }
0x2f4: {  	v63 =	vmul.f32 v39, v6;
	v36 =	vadd.f32 v36, v62;
	_ =	sdelay $0x1  }
0x2f5: {  	v45 =	vmul.f32 v40, v10;
	v36 =	vadd.f32 v36, v63;
	_ =	sdelay $0x1  }
0x2f6: {  	v46 =	vmul.f32 v41, v14;
	v36 =	vadd.f32 v36, v45;
	_ =	sdelay $0x1  }
0x2f7: {  	v47 =	vmul.f32 v42, v18;
	v36 =	vadd.f32 v36, v46;
	_ =	sdelay $0x1  }
0x2f8: {  	v48 =	vmul.f32 v43, v22;
	v36 =	vadd.f32 v36, v47;
	_ =	sdelay $0x1  }
0x2f9: {  	v49 =	vmul.f32 v44, v26;
	s0 =	sadd.s32 $0x20, s31;
	v36 =	vadd.f32 v36, v48  }
0x2fa: {  	s1 =	sand.u32 $0x7F, s0;
	s0 =	sshll.u32 s0, $0x2  }
0x2fb: {  	v50 =	vmul.f32 v35, v30;
	s0 =	sand.u32 $0xFFFFFE00, s0;
	s1 =	sshll.u32 s1, $0x2;
	v36 =	vadd.f32 v36, v49  }
0x2fc: {  	s0 =	sor.u32 s1, s0  }
0x2fd: {  	s0 =	sshra.s32 s0, $0x2;
	v36 =	vadd.f32 v36, v50  }
0x2fe: {  	s0 =	sadd.s32 s0, s23  }
0x2ff: {  	s0 =	sadd.s32 s30, s0;
	[tilespmem:s25+$0x90] =	vst v36  }
0x300: {  	v36 =	vld [tilespmem:s0+$0x500];
	_ =	sdelay $0x2  }
0x301: {  	v51 =	vmul.f32 v37, v3;
	_ =	sdelay $0x1  }
0x302: {  	v52 =	vmul.f32 v39, v7;
	v36 =	vadd.f32 v36, v51;
	_ =	sdelay $0x1  }
0x303: {  	v53 =	vmul.f32 v40, v11;
	v36 =	vadd.f32 v36, v52;
	_ =	sdelay $0x1  }
0x304: {  	v54 =	vmul.f32 v41, v15;
	v36 =	vadd.f32 v36, v53;
	_ =	sdelay $0x1  }
0x305: {  	v55 =	vmul.f32 v42, v19;
	v36 =	vadd.f32 v36, v54;
	_ =	sdelay $0x1  }
0x306: {  	v56 =	vmul.f32 v43, v23;
	v36 =	vadd.f32 v36, v55;
	_ =	sdelay $0x1  }
0x307: {  	v57 =	vmul.f32 v44, v27;
	s1 =	sadd.s32 $0x30, s31;
	v36 =	vadd.f32 v36, v56  }
0x308: {  	s31 =	sand.u32 $0x7F, s1;
	s0 =	sshll.u32 s1, $0x2  }
0x309: {  	v58 =	vmul.f32 v35, v31;
	s1 =	sshll.u32 s31, $0x2;
	s0 =	sand.u32 $0xFFFFFE00, s0;
	v36 =	vadd.f32 v36, v57  }
0x30a: {  	s0 =	sor.u32 s1, s0  }
0x30b: {  	s0 =	sshra.s32 s0, $0x2;
	v36 =	vadd.f32 v36, v58  }
0x30c: {  	s0 =	sadd.s32 s0, s23  }
0x30d: {  	(v2sf) =	vpush v34, $0xB;
	s0 =	sadd.s32 s30, s0;
	[tilespmem:s25+$0xA0] =	vst v36  }
0x30e: {  	(v2sf) =	vpush v33, $0xB;
	v36 =	vld [tilespmem:s0+$0x500];
	_ =	sdelay $0x2  }
0x30f: {  	v37 =	vmul.f32 v37, v4;
	_ =	sdelay $0x1  }
0x310: {  	v59 =	vmul.f32 v39, v8;
	v36 =	vadd.f32 v36, v37;
	_ =	sdelay $0x1  }
0x311: {  	v60 =	vmul.f32 v40, v12;
	v36 =	vadd.f32 v36, v59;
	_ =	sdelay $0x1  }
0x312: {  	v61 =	vmul.f32 v41, v16;
	v36 =	vadd.f32 v36, v60;
	_ =	sdelay $0x1  }
0x313: {  	v62 =	vmul.f32 v42, v20;
	v36 =	vadd.f32 v36, v61;
	_ =	sdelay $0x1  }
0x314: {  	v63 =	vmul.f32 v43, v24;
	v36 =	vadd.f32 v36, v62  }
0x315: {  	s31 =	spop (v2sf)  }
0x316: {  	v40 =	vmul.f32 v44, v28;
	s0 =	spop (v2sf);
	v36 =	vadd.f32 v36, v63  }
0x317: {  	s1 =	sand.u32 $0x7F, s0;
	s0 =	sshll.u32 s0, $0x2  }
0x318: {  	v35 =	vmul.f32 v35, v32;
	s0 =	sand.u32 $0xFFFFFE00, s0;
	s1 =	sshll.u32 s1, $0x2;
	v36 =	vadd.f32 v36, v40  }
0x319: {  	s0 =	sor.u32 s1, s0  }
0x31a: {  	s0 =	sshra.s32 s0, $0x2;
	v35 =	vadd.f32 v36, v35  }
0x31b: {  	s0 =	sadd.s32 s0, s24  }
0x31c: {  	s0 =	sadd.s32 s30, s0;
	[tilespmem:s25+$0xB0] =	vst v35  }
0x31d: {  	s1 =	sshll.u32 s31, $0x2;
	v35 =	vld [tilespmem:s0+$0x580];
	s0 =	sand.u32 $0x7F, s31  }
0x31e: {  	s1 =	sand.u32 $0xFFFFFE00, s1;
	s0 =	sshll.u32 s0, $0x2  }
0x31f: {  	s0 =	sor.u32 s0, s1  }
0x320: {  	s1 =	sshra.s32 s31, $0x3;
	s0 =	sshra.s32 s0, $0x2  }
0x321: {  	v41 =	vadd.s32 s1, v0;
	s0 =	sadd.s32 s0, s23  }
0x322: {  	v35 =	vperm.xlane v35, v41;
	s0 =	sadd.s32 s30, s0  }
0x323: {  	v42 =	vld [tilespmem:s0+$0x580]  }
0x324: {  	v37 =	vbroadcast v35, $0x0;
	_ =	sdelay $0x1  }
0x325: {  	v39 =	vbroadcast v35, $0x1;
	v43 =	vmul.f32 v37, v1;
	_ =	sdelay $0x1  }
0x326: {  	v40 =	vbroadcast v35, $0x2;
	v44 =	vmul.f32 v39, v5;
	v36 =	vadd.f32 v43, v42;
	_ =	sdelay $0x1  }
0x327: {  	v41 =	vbroadcast v35, $0x3;
	v45 =	vmul.f32 v40, v9;
	v36 =	vadd.f32 v36, v44;
	_ =	sdelay $0x1  }
0x328: {  	v46 =	vmul.f32 v41, v13;
	v42 =	vbroadcast v35, $0x4;
	v36 =	vadd.f32 v36, v45;
	_ =	sdelay $0x1  }
0x329: {  	v43 =	vbroadcast v35, $0x5;
	v47 =	vmul.f32 v42, v17;
	v36 =	vadd.f32 v36, v46;
	_ =	sdelay $0x1  }
0x32a: {  	v48 =	vmul.f32 v43, v21;
	v44 =	vbroadcast v35, $0x6;
	v36 =	vadd.f32 v36, v47;
	_ =	sdelay $0x1  }
0x32b: {  	s0 =	sadd.s32 $0x10, s31;
	v35 =	vbroadcast v35, $0x7;
	v49 =	vmul.f32 v44, v25;
	v36 =	vadd.f32 v36, v48  }
0x32c: {  	s1 =	sand.u32 $0x7F, s0;
	s0 =	sshll.u32 s0, $0x2  }
0x32d: {  	s0 =	sand.u32 $0xFFFFFE00, s0;
	s1 =	sshll.u32 s1, $0x2;
	v50 =	vmul.f32 v35, v29;
	v36 =	vadd.f32 v36, v49  }
0x32e: {  	s0 =	sor.u32 s1, s0  }
0x32f: {  	s0 =	sshra.s32 s0, $0x2;
	v36 =	vadd.f32 v36, v50  }
0x330: {  	s0 =	sadd.s32 s0, s23  }
0x331: {  	s0 =	sadd.s32 s30, s0;
	[tilespmem:s25+$0xC0] =	vst v36  }
0x332: {  	v36 =	vld [tilespmem:s0+$0x580];
	_ =	sdelay $0x2  }
0x333: {  	v51 =	vmul.f32 v37, v2;
	_ =	sdelay $0x1  }
0x334: {  	v52 =	vmul.f32 v39, v6;
	v36 =	vadd.f32 v36, v51;
	_ =	sdelay $0x1  }
0x335: {  	v53 =	vmul.f32 v40, v10;
	v36 =	vadd.f32 v36, v52;
	_ =	sdelay $0x1  }
0x336: {  	v54 =	vmul.f32 v41, v14;
	v36 =	vadd.f32 v36, v53;
	_ =	sdelay $0x1  }
0x337: {  	v55 =	vmul.f32 v42, v18;
	v36 =	vadd.f32 v36, v54;
	_ =	sdelay $0x1  }
0x338: {  	v56 =	vmul.f32 v43, v22;
	v36 =	vadd.f32 v36, v55;
	_ =	sdelay $0x1  }
0x339: {  	v57 =	vmul.f32 v44, v26;
	s0 =	sadd.s32 $0x20, s31;
	v36 =	vadd.f32 v36, v56  }
0x33a: {  	s1 =	sand.u32 $0x7F, s0;
	s0 =	sshll.u32 s0, $0x2  }
0x33b: {  	v58 =	vmul.f32 v35, v30;
	s0 =	sand.u32 $0xFFFFFE00, s0;
	s1 =	sshll.u32 s1, $0x2;
	v36 =	vadd.f32 v36, v57  }
0x33c: {  	s0 =	sor.u32 s1, s0  }
0x33d: {  	s0 =	sshra.s32 s0, $0x2;
	v36 =	vadd.f32 v36, v58  }
0x33e: {  	s0 =	sadd.s32 s0, s23  }
0x33f: {  	s0 =	sadd.s32 s30, s0;
	[tilespmem:s25+$0xD0] =	vst v36  }
0x340: {  	v36 =	vld [tilespmem:s0+$0x580];
	_ =	sdelay $0x2  }
0x341: {  	v59 =	vmul.f32 v37, v3;
	_ =	sdelay $0x1  }
0x342: {  	v60 =	vmul.f32 v39, v7;
	v36 =	vadd.f32 v36, v59;
	_ =	sdelay $0x1  }
0x343: {  	v61 =	vmul.f32 v40, v11;
	v36 =	vadd.f32 v36, v60;
	_ =	sdelay $0x1  }
0x344: {  	v62 =	vmul.f32 v41, v15;
	v36 =	vadd.f32 v36, v61;
	_ =	sdelay $0x1  }
0x345: {  	v63 =	vmul.f32 v42, v19;
	v36 =	vadd.f32 v36, v62;
	_ =	sdelay $0x1  }
0x346: {  	v45 =	vmul.f32 v43, v23;
	v36 =	vadd.f32 v36, v63;
	_ =	sdelay $0x1  }
0x347: {  	v46 =	vmul.f32 v44, v27;
	s1 =	sadd.s32 $0x30, s31;
	v36 =	vadd.f32 v36, v45  }
0x348: {  	s31 =	sand.u32 $0x7F, s1;
	s0 =	sshll.u32 s1, $0x2  }
0x349: {  	v47 =	vmul.f32 v35, v31;
	s1 =	sshll.u32 s31, $0x2;
	s0 =	sand.u32 $0xFFFFFE00, s0;
	v36 =	vadd.f32 v36, v46  }
0x34a: {  	s0 =	sor.u32 s1, s0  }
0x34b: {  	s0 =	sshra.s32 s0, $0x2;
	v36 =	vadd.f32 v36, v47  }
0x34c: {  	s0 =	sadd.s32 s0, s23  }
0x34d: {  	(v2sf) =	vpush v34, $0xC;
	s0 =	sadd.s32 s30, s0;
	[tilespmem:s25+$0xE0] =	vst v36  }
0x34e: {  	(v2sf) =	vpush v33, $0xC;
	v36 =	vld [tilespmem:s0+$0x580];
	_ =	sdelay $0x2  }
0x34f: {  	v37 =	vmul.f32 v37, v4;
	_ =	sdelay $0x1  }
0x350: {  	v48 =	vmul.f32 v39, v8;
	v36 =	vadd.f32 v36, v37;
	_ =	sdelay $0x1  }
0x351: {  	v49 =	vmul.f32 v40, v12;
	v36 =	vadd.f32 v36, v48;
	_ =	sdelay $0x1  }
0x352: {  	v50 =	vmul.f32 v41, v16;
	v36 =	vadd.f32 v36, v49;
	_ =	sdelay $0x1  }
0x353: {  	v51 =	vmul.f32 v42, v20;
	v36 =	vadd.f32 v36, v50;
	_ =	sdelay $0x1  }
0x354: {  	v52 =	vmul.f32 v43, v24;
	v36 =	vadd.f32 v36, v51  }
0x355: {  	s31 =	spop (v2sf)  }
0x356: {  	v53 =	vmul.f32 v44, v28;
	s0 =	spop (v2sf);
	v36 =	vadd.f32 v36, v52  }
0x357: {  	s1 =	sand.u32 $0x7F, s0;
	s0 =	sshll.u32 s0, $0x2  }
0x358: {  	v35 =	vmul.f32 v35, v32;
	s0 =	sand.u32 $0xFFFFFE00, s0;
	s1 =	sshll.u32 s1, $0x2;
	v36 =	vadd.f32 v36, v53  }
0x359: {  	s0 =	sor.u32 s1, s0  }
0x35a: {  	s0 =	sshra.s32 s0, $0x2;
	v35 =	vadd.f32 v36, v35  }
0x35b: {  	s0 =	sadd.s32 s0, s24  }
0x35c: {  	s0 =	sadd.s32 s30, s0;
	[tilespmem:s25+$0xF0] =	vst v35  }
0x35d: {  	s1 =	sshll.u32 s31, $0x2;
	v35 =	vld [tilespmem:s0+$0x600];
	s0 =	sand.u32 $0x7F, s31  }
0x35e: {  	s1 =	sand.u32 $0xFFFFFE00, s1;
	s0 =	sshll.u32 s0, $0x2  }
0x35f: {  	s0 =	sor.u32 s0, s1  }
0x360: {  	s1 =	sshra.s32 s31, $0x3;
	s0 =	sshra.s32 s0, $0x2  }
0x361: {  	v54 =	vadd.s32 s1, v0;
	s0 =	sadd.s32 s0, s23  }
0x362: {  	v35 =	vperm.xlane v35, v54;
	s0 =	sadd.s32 s30, s0  }
0x363: {  	v55 =	vld [tilespmem:s0+$0x600]  }
0x364: {  	v37 =	vbroadcast v35, $0x0;
	_ =	sdelay $0x1  }
0x365: {  	v39 =	vbroadcast v35, $0x1;
	v56 =	vmul.f32 v37, v1;
	_ =	sdelay $0x1  }
0x366: {  	v40 =	vbroadcast v35, $0x2;
	v57 =	vmul.f32 v39, v5;
	v36 =	vadd.f32 v56, v55;
	_ =	sdelay $0x1  }
0x367: {  	v41 =	vbroadcast v35, $0x3;
	v58 =	vmul.f32 v40, v9;
	v36 =	vadd.f32 v36, v57;
	_ =	sdelay $0x1  }
0x368: {  	v42 =	vbroadcast v35, $0x4;
	v59 =	vmul.f32 v41, v13;
	v36 =	vadd.f32 v36, v58;
	_ =	sdelay $0x1  }
0x369: {  	v43 =	vbroadcast v35, $0x5;
	v60 =	vmul.f32 v42, v17;
	v36 =	vadd.f32 v36, v59;
	_ =	sdelay $0x1  }
0x36a: {  	v44 =	vbroadcast v35, $0x6;
	v61 =	vmul.f32 v43, v21;
	v36 =	vadd.f32 v36, v60;
	_ =	sdelay $0x1  }
0x36b: {  	s0 =	sadd.s32 $0x10, s31;
	v35 =	vbroadcast v35, $0x7;
	v62 =	vmul.f32 v44, v25;
	v36 =	vadd.f32 v36, v61  }
0x36c: {  	s1 =	sand.u32 $0x7F, s0;
	s0 =	sshll.u32 s0, $0x2  }
0x36d: {  	s0 =	sand.u32 $0xFFFFFE00, s0;
	s1 =	sshll.u32 s1, $0x2;
	v63 =	vmul.f32 v35, v29;
	v36 =	vadd.f32 v36, v62  }
0x36e: {  	s0 =	sor.u32 s1, s0  }
0x36f: {  	s0 =	sshra.s32 s0, $0x2;
	v36 =	vadd.f32 v36, v63  }
0x370: {  	s0 =	sadd.s32 s0, s23  }
0x371: {  	s0 =	sadd.s32 s30, s0;
	[tilespmem:s25+$0x100] =	vst v36  }
0x372: {  	v36 =	vld [tilespmem:s0+$0x600];
	_ =	sdelay $0x2  }
0x373: {  	v45 =	vmul.f32 v37, v2;
	_ =	sdelay $0x1  }
0x374: {  	v46 =	vmul.f32 v39, v6;
	v36 =	vadd.f32 v36, v45;
	_ =	sdelay $0x1  }
0x375: {  	v47 =	vmul.f32 v40, v10;
	v36 =	vadd.f32 v36, v46;
	_ =	sdelay $0x1  }
0x376: {  	v48 =	vmul.f32 v41, v14;
	v36 =	vadd.f32 v36, v47;
	_ =	sdelay $0x1  }
0x377: {  	v49 =	vmul.f32 v42, v18;
	v36 =	vadd.f32 v36, v48;
	_ =	sdelay $0x1  }
0x378: {  	v50 =	vmul.f32 v43, v22;
	v36 =	vadd.f32 v36, v49;
	_ =	sdelay $0x1  }
0x379: {  	v51 =	vmul.f32 v44, v26;
	s0 =	sadd.s32 $0x20, s31;
	v36 =	vadd.f32 v36, v50  }
0x37a: {  	s1 =	sand.u32 $0x7F, s0;
	s0 =	sshll.u32 s0, $0x2  }
0x37b: {  	v52 =	vmul.f32 v35, v30;
	s0 =	sand.u32 $0xFFFFFE00, s0;
	s1 =	sshll.u32 s1, $0x2;
	v36 =	vadd.f32 v36, v51  }
0x37c: {  	s0 =	sor.u32 s1, s0  }
0x37d: {  	s0 =	sshra.s32 s0, $0x2;
	v36 =	vadd.f32 v36, v52  }
0x37e: {  	s0 =	sadd.s32 s0, s23  }
0x37f: {  	s0 =	sadd.s32 s30, s0;
	[tilespmem:s25+$0x110] =	vst v36  }
0x380: {  	v36 =	vld [tilespmem:s0+$0x600];
	_ =	sdelay $0x2  }
0x381: {  	v53 =	vmul.f32 v37, v3;
	_ =	sdelay $0x1  }
0x382: {  	v54 =	vmul.f32 v39, v7;
	v36 =	vadd.f32 v36, v53;
	_ =	sdelay $0x1  }
0x383: {  	v55 =	vmul.f32 v40, v11;
	v36 =	vadd.f32 v36, v54;
	_ =	sdelay $0x1  }
0x384: {  	v56 =	vmul.f32 v41, v15;
	v36 =	vadd.f32 v36, v55;
	_ =	sdelay $0x1  }
0x385: {  	v57 =	vmul.f32 v42, v19;
	v36 =	vadd.f32 v36, v56;
	_ =	sdelay $0x1  }
0x386: {  	v58 =	vmul.f32 v43, v23;
	v36 =	vadd.f32 v36, v57;
	_ =	sdelay $0x1  }
0x387: {  	v59 =	vmul.f32 v44, v27;
	s1 =	sadd.s32 $0x30, s31;
	v36 =	vadd.f32 v36, v58  }
0x388: {  	s31 =	sand.u32 $0x7F, s1;
	s0 =	sshll.u32 s1, $0x2  }
0x389: {  	v60 =	vmul.f32 v35, v31;
	s1 =	sshll.u32 s31, $0x2;
	s0 =	sand.u32 $0xFFFFFE00, s0;
	v36 =	vadd.f32 v36, v59  }
0x38a: {  	s0 =	sor.u32 s1, s0  }
0x38b: {  	s0 =	sshra.s32 s0, $0x2;
	v36 =	vadd.f32 v36, v60  }
0x38c: {  	s0 =	sadd.s32 s0, s23  }
0x38d: {  	(v2sf) =	vpush v34, $0xD;
	s0 =	sadd.s32 s30, s0;
	[tilespmem:s25+$0x120] =	vst v36  }
0x38e: {  	(v2sf) =	vpush v33, $0xD;
	v36 =	vld [tilespmem:s0+$0x600];
	_ =	sdelay $0x2  }
0x38f: {  	v37 =	vmul.f32 v37, v4;
	_ =	sdelay $0x1  }
0x390: {  	v61 =	vmul.f32 v39, v8;
	v36 =	vadd.f32 v36, v37;
	_ =	sdelay $0x1  }
0x391: {  	v62 =	vmul.f32 v40, v12;
	v36 =	vadd.f32 v36, v61;
	_ =	sdelay $0x1  }
0x392: {  	v63 =	vmul.f32 v41, v16;
	v36 =	vadd.f32 v36, v62;
	_ =	sdelay $0x1  }
0x393: {  	v40 =	vmul.f32 v42, v20;
	v36 =	vadd.f32 v36, v63;
	_ =	sdelay $0x1  }
0x394: {  	v41 =	vmul.f32 v43, v24;
	v36 =	vadd.f32 v36, v40  }
0x395: {  	s31 =	spop (v2sf)  }
0x396: {  	v42 =	vmul.f32 v44, v28;
	s0 =	spop (v2sf);
	v36 =	vadd.f32 v36, v41  }
0x397: {  	s1 =	sand.u32 $0x7F, s0;
	s0 =	sshll.u32 s0, $0x2  }
0x398: {  	v35 =	vmul.f32 v35, v32;
	s0 =	sand.u32 $0xFFFFFE00, s0;
	s1 =	sshll.u32 s1, $0x2;
	v36 =	vadd.f32 v36, v42  }
0x399: {  	s0 =	sor.u32 s1, s0  }
0x39a: {  	s0 =	sshra.s32 s0, $0x2;
	v35 =	vadd.f32 v36, v35  }
0x39b: {  	s0 =	sadd.s32 s0, s24  }
0x39c: {  	s0 =	sadd.s32 s30, s0;
	[tilespmem:s25+$0x130] =	vst v35  }
0x39d: {  	s1 =	sshll.u32 s31, $0x2;
	v35 =	vld [tilespmem:s0+$0x680];
	s0 =	sand.u32 $0x7F, s31  }
0x39e: {  	s1 =	sand.u32 $0xFFFFFE00, s1;
	s0 =	sshll.u32 s0, $0x2  }
0x39f: {  	s0 =	sor.u32 s0, s1  }
0x3a0: {  	s1 =	sshra.s32 s31, $0x3;
	s0 =	sshra.s32 s0, $0x2  }
0x3a1: {  	v43 =	vadd.s32 s1, v0;
	s0 =	sadd.s32 s0, s23  }
0x3a2: {  	v35 =	vperm.xlane v35, v43;
	s0 =	sadd.s32 s30, s0  }
0x3a3: {  	v44 =	vld [tilespmem:s0+$0x680]  }
0x3a4: {  	v37 =	vbroadcast v35, $0x0;
	_ =	sdelay $0x1  }
0x3a5: {  	v39 =	vbroadcast v35, $0x1;
	v45 =	vmul.f32 v37, v1;
	_ =	sdelay $0x1  }
0x3a6: {  	v40 =	vbroadcast v35, $0x2;
	v46 =	vmul.f32 v39, v5;
	v36 =	vadd.f32 v45, v44;
	_ =	sdelay $0x1  }
0x3a7: {  	v41 =	vbroadcast v35, $0x3;
	v47 =	vmul.f32 v40, v9;
	v36 =	vadd.f32 v36, v46;
	_ =	sdelay $0x1  }
0x3a8: {  	v42 =	vbroadcast v35, $0x4;
	v48 =	vmul.f32 v41, v13;
	v36 =	vadd.f32 v36, v47;
	_ =	sdelay $0x1  }
0x3a9: {  	v43 =	vbroadcast v35, $0x5;
	v49 =	vmul.f32 v42, v17;
	v36 =	vadd.f32 v36, v48;
	_ =	sdelay $0x1  }
0x3aa: {  	v50 =	vmul.f32 v43, v21;
	v44 =	vbroadcast v35, $0x6;
	v36 =	vadd.f32 v36, v49;
	_ =	sdelay $0x1  }
0x3ab: {  	s0 =	sadd.s32 $0x10, s31;
	v35 =	vbroadcast v35, $0x7;
	v51 =	vmul.f32 v44, v25;
	v36 =	vadd.f32 v36, v50  }
0x3ac: {  	s1 =	sand.u32 $0x7F, s0;
	s0 =	sshll.u32 s0, $0x2  }
0x3ad: {  	s0 =	sand.u32 $0xFFFFFE00, s0;
	s1 =	sshll.u32 s1, $0x2;
	v52 =	vmul.f32 v35, v29;
	v36 =	vadd.f32 v36, v51  }
0x3ae: {  	s0 =	sor.u32 s1, s0  }
0x3af: {  	s0 =	sshra.s32 s0, $0x2;
	v36 =	vadd.f32 v36, v52  }
0x3b0: {  	s0 =	sadd.s32 s0, s23  }
0x3b1: {  	s0 =	sadd.s32 s30, s0;
	[tilespmem:s25+$0x140] =	vst v36  }
0x3b2: {  	v36 =	vld [tilespmem:s0+$0x680];
	_ =	sdelay $0x2  }
0x3b3: {  	v53 =	vmul.f32 v37, v2;
	_ =	sdelay $0x1  }
0x3b4: {  	v54 =	vmul.f32 v39, v6;
	v36 =	vadd.f32 v36, v53;
	_ =	sdelay $0x1  }
0x3b5: {  	v55 =	vmul.f32 v40, v10;
	v36 =	vadd.f32 v36, v54;
	_ =	sdelay $0x1  }
0x3b6: {  	v56 =	vmul.f32 v41, v14;
	v36 =	vadd.f32 v36, v55;
	_ =	sdelay $0x1  }
0x3b7: {  	v57 =	vmul.f32 v42, v18;
	v36 =	vadd.f32 v36, v56;
	_ =	sdelay $0x1  }
0x3b8: {  	v58 =	vmul.f32 v43, v22;
	v36 =	vadd.f32 v36, v57;
	_ =	sdelay $0x1  }
0x3b9: {  	v59 =	vmul.f32 v44, v26;
	s0 =	sadd.s32 $0x20, s31;
	v36 =	vadd.f32 v36, v58  }
0x3ba: {  	s1 =	sand.u32 $0x7F, s0;
	s0 =	sshll.u32 s0, $0x2  }
0x3bb: {  	v60 =	vmul.f32 v35, v30;
	s0 =	sand.u32 $0xFFFFFE00, s0;
	s1 =	sshll.u32 s1, $0x2;
	v36 =	vadd.f32 v36, v59  }
0x3bc: {  	s0 =	sor.u32 s1, s0  }
0x3bd: {  	s0 =	sshra.s32 s0, $0x2;
	v36 =	vadd.f32 v36, v60  }
0x3be: {  	s0 =	sadd.s32 s0, s23  }
0x3bf: {  	s0 =	sadd.s32 s30, s0;
	[tilespmem:s25+$0x150] =	vst v36  }
0x3c0: {  	v36 =	vld [tilespmem:s0+$0x680];
	_ =	sdelay $0x2  }
0x3c1: {  	v61 =	vmul.f32 v37, v3;
	_ =	sdelay $0x1  }
0x3c2: {  	v62 =	vmul.f32 v39, v7;
	v36 =	vadd.f32 v36, v61;
	_ =	sdelay $0x1  }
0x3c3: {  	v63 =	vmul.f32 v40, v11;
	v36 =	vadd.f32 v36, v62;
	_ =	sdelay $0x1  }
0x3c4: {  	v45 =	vmul.f32 v41, v15;
	v36 =	vadd.f32 v36, v63;
	_ =	sdelay $0x1  }
0x3c5: {  	v46 =	vmul.f32 v42, v19;
	v36 =	vadd.f32 v36, v45;
	_ =	sdelay $0x1  }
0x3c6: {  	v47 =	vmul.f32 v43, v23;
	v36 =	vadd.f32 v36, v46;
	_ =	sdelay $0x1  }
0x3c7: {  	v48 =	vmul.f32 v44, v27;
	s1 =	sadd.s32 $0x30, s31;
	v36 =	vadd.f32 v36, v47  }
0x3c8: {  	s31 =	sand.u32 $0x7F, s1;
	s0 =	sshll.u32 s1, $0x2  }
0x3c9: {  	v49 =	vmul.f32 v35, v31;
	s1 =	sshll.u32 s31, $0x2;
	s0 =	sand.u32 $0xFFFFFE00, s0;
	v36 =	vadd.f32 v36, v48  }
0x3ca: {  	s0 =	sor.u32 s1, s0  }
0x3cb: {  	s0 =	sshra.s32 s0, $0x2;
	v36 =	vadd.f32 v36, v49  }
0x3cc: {  	s0 =	sadd.s32 s0, s23  }
0x3cd: {  	(v2sf) =	vpush v34, $0xE;
	s0 =	sadd.s32 s30, s0;
	[tilespmem:s25+$0x160] =	vst v36  }
0x3ce: {  	(v2sf) =	vpush v33, $0xE;
	v36 =	vld [tilespmem:s0+$0x680];
	_ =	sdelay $0x2  }
0x3cf: {  	v37 =	vmul.f32 v37, v4;
	_ =	sdelay $0x1  }
0x3d0: {  	v50 =	vmul.f32 v39, v8;
	v36 =	vadd.f32 v36, v37;
	_ =	sdelay $0x1  }
0x3d1: {  	v51 =	vmul.f32 v40, v12;
	v36 =	vadd.f32 v36, v50;
	_ =	sdelay $0x1  }
0x3d2: {  	v52 =	vmul.f32 v41, v16;
	v36 =	vadd.f32 v36, v51;
	_ =	sdelay $0x1  }
0x3d3: {  	v53 =	vmul.f32 v42, v20;
	v36 =	vadd.f32 v36, v52;
	_ =	sdelay $0x1  }
0x3d4: {  	v54 =	vmul.f32 v43, v24;
	v36 =	vadd.f32 v36, v53  }
0x3d5: {  	s31 =	spop (v2sf)  }
0x3d6: {  	v55 =	vmul.f32 v44, v28;
	s0 =	spop (v2sf);
	v36 =	vadd.f32 v36, v54  }
0x3d7: {  	s1 =	sand.u32 $0x7F, s0;
	s0 =	sshll.u32 s0, $0x2  }
0x3d8: {  	v35 =	vmul.f32 v35, v32;
	s0 =	sand.u32 $0xFFFFFE00, s0;
	s1 =	sshll.u32 s1, $0x2;
	v36 =	vadd.f32 v36, v55  }
0x3d9: {  	s0 =	sor.u32 s1, s0  }
0x3da: {  	s0 =	sshra.s32 s0, $0x2;
	v35 =	vadd.f32 v36, v35  }
0x3db: {  	s0 =	sadd.s32 s0, s24  }
0x3dc: {  	s0 =	sadd.s32 s30, s0;
	[tilespmem:s25+$0x170] =	vst v35  }
0x3dd: {  	s1 =	sshll.u32 s31, $0x2;
	v35 =	vld [tilespmem:s0+$0x700];
	s0 =	sand.u32 $0x7F, s31  }
0x3de: {  	s1 =	sand.u32 $0xFFFFFE00, s1;
	s0 =	sshll.u32 s0, $0x2  }
0x3df: {  	s0 =	sor.u32 s0, s1  }
0x3e0: {  	s1 =	sshra.s32 s31, $0x3;
	s0 =	sshra.s32 s0, $0x2  }
0x3e1: {  	v56 =	vadd.s32 s1, v0;
	s0 =	sadd.s32 s0, s23  }
0x3e2: {  	v35 =	vperm.xlane v35, v56;
	s0 =	sadd.s32 s30, s0  }
0x3e3: {  	v57 =	vld [tilespmem:s0+$0x700]  }
0x3e4: {  	v37 =	vbroadcast v35, $0x0;
	_ =	sdelay $0x1  }
0x3e5: {  	v39 =	vbroadcast v35, $0x1;
	v58 =	vmul.f32 v37, v1;
	_ =	sdelay $0x1  }
0x3e6: {  	v40 =	vbroadcast v35, $0x2;
	v59 =	vmul.f32 v39, v5;
	v36 =	vadd.f32 v58, v57;
	_ =	sdelay $0x1  }
0x3e7: {  	v41 =	vbroadcast v35, $0x3;
	v60 =	vmul.f32 v40, v9;
	v36 =	vadd.f32 v36, v59;
	_ =	sdelay $0x1  }
0x3e8: {  	v42 =	vbroadcast v35, $0x4;
	v61 =	vmul.f32 v41, v13;
	v36 =	vadd.f32 v36, v60;
	_ =	sdelay $0x1  }
0x3e9: {  	v43 =	vbroadcast v35, $0x5;
	v62 =	vmul.f32 v42, v17;
	v36 =	vadd.f32 v36, v61;
	_ =	sdelay $0x1  }
0x3ea: {  	v44 =	vbroadcast v35, $0x6;
	v63 =	vmul.f32 v43, v21;
	v36 =	vadd.f32 v36, v62;
	_ =	sdelay $0x1  }
0x3eb: {  	s0 =	sadd.s32 $0x10, s31;
	v35 =	vbroadcast v35, $0x7;
	v46 =	vmul.f32 v44, v25;
	v36 =	vadd.f32 v36, v63  }
0x3ec: {  	s1 =	sand.u32 $0x7F, s0;
	s0 =	sshll.u32 s0, $0x2  }
0x3ed: {  	s0 =	sand.u32 $0xFFFFFE00, s0;
	s1 =	sshll.u32 s1, $0x2;
	v47 =	vmul.f32 v35, v29;
	v36 =	vadd.f32 v36, v46  }
0x3ee: {  	s0 =	sor.u32 s1, s0  }
0x3ef: {  	s0 =	sshra.s32 s0, $0x2;
	v36 =	vadd.f32 v36, v47  }
0x3f0: {  	s0 =	sadd.s32 s0, s23  }
0x3f1: {  	s0 =	sadd.s32 s30, s0;
	[tilespmem:s25+$0x180] =	vst v36  }
0x3f2: {  	v36 =	vld [tilespmem:s0+$0x700];
	_ =	sdelay $0x2  }
0x3f3: {  	v48 =	vmul.f32 v37, v2;
	_ =	sdelay $0x1  }
0x3f4: {  	v49 =	vmul.f32 v39, v6;
	v36 =	vadd.f32 v36, v48;
	_ =	sdelay $0x1  }
0x3f5: {  	v50 =	vmul.f32 v40, v10;
	v36 =	vadd.f32 v36, v49;
	_ =	sdelay $0x1  }
0x3f6: {  	v51 =	vmul.f32 v41, v14;
	v36 =	vadd.f32 v36, v50;
	_ =	sdelay $0x1  }
0x3f7: {  	v52 =	vmul.f32 v42, v18;
	v36 =	vadd.f32 v36, v51;
	_ =	sdelay $0x1  }
0x3f8: {  	v53 =	vmul.f32 v43, v22;
	v36 =	vadd.f32 v36, v52;
	_ =	sdelay $0x1  }
0x3f9: {  	v54 =	vmul.f32 v44, v26;
	s0 =	sadd.s32 $0x20, s31;
	v36 =	vadd.f32 v36, v53  }
0x3fa: {  	s1 =	sand.u32 $0x7F, s0;
	s0 =	sshll.u32 s0, $0x2  }
0x3fb: {  	v55 =	vmul.f32 v35, v30;
	s0 =	sand.u32 $0xFFFFFE00, s0;
	s1 =	sshll.u32 s1, $0x2;
	v36 =	vadd.f32 v36, v54  }
0x3fc: {  	s0 =	sor.u32 s1, s0  }
0x3fd: {  	s0 =	sshra.s32 s0, $0x2;
	v36 =	vadd.f32 v36, v55  }
0x3fe: {  	s0 =	sadd.s32 s0, s23  }
0x3ff: {  	s0 =	sadd.s32 s30, s0;
	[tilespmem:s25+$0x190] =	vst v36  }
0x400: {  	v36 =	vld [tilespmem:s0+$0x700];
	_ =	sdelay $0x2  }
0x401: {  	v56 =	vmul.f32 v37, v3;
	_ =	sdelay $0x1  }
0x402: {  	v57 =	vmul.f32 v39, v7;
	v36 =	vadd.f32 v36, v56;
	_ =	sdelay $0x1  }
0x403: {  	v58 =	vmul.f32 v40, v11;
	v36 =	vadd.f32 v36, v57;
	_ =	sdelay $0x1  }
0x404: {  	v59 =	vmul.f32 v41, v15;
	v36 =	vadd.f32 v36, v58;
	_ =	sdelay $0x1  }
0x405: {  	v60 =	vmul.f32 v42, v19;
	v36 =	vadd.f32 v36, v59;
	_ =	sdelay $0x1  }
0x406: {  	v61 =	vmul.f32 v43, v23;
	v36 =	vadd.f32 v36, v60;
	_ =	sdelay $0x1  }
0x407: {  	v62 =	vmul.f32 v44, v27;
	s1 =	sadd.s32 $0x30, s31;
	v36 =	vadd.f32 v36, v61  }
0x408: {  	s31 =	sand.u32 $0x7F, s1;
	s0 =	sshll.u32 s1, $0x2  }
0x409: {  	v63 =	vmul.f32 v35, v31;
	s1 =	sshll.u32 s31, $0x2;
	s0 =	sand.u32 $0xFFFFFE00, s0;
	v36 =	vadd.f32 v36, v62  }
0x40a: {  	s0 =	sor.u32 s1, s0  }
0x40b: {  	s0 =	sshra.s32 s0, $0x2;
	v36 =	vadd.f32 v36, v63  }
0x40c: {  	s0 =	sadd.s32 s0, s23  }
0x40d: {  	(v2sf) =	vpush v34, $0xF;
	s0 =	sadd.s32 s30, s0;
	[tilespmem:s25+$0x1A0] =	vst v36  }
0x40e: {  	(v2sf) =	vpush v33, $0xF;
	v38 =	vld [tilespmem:s0+$0x700];
	_ =	sdelay $0x2  }
0x40f: {  	v45 =	vmul.f32 v37, v4;
	_ =	sdelay $0x1  }
0x410: {  	v46 =	vmul.f32 v39, v8;
	v33 =	vadd.f32 v38, v45;
	_ =	sdelay $0x1  }
0x411: {  	v47 =	vmul.f32 v40, v12;
	v33 =	vadd.f32 v33, v46;
	_ =	sdelay $0x1  }
0x412: {  	v48 =	vmul.f32 v41, v16;
	v33 =	vadd.f32 v33, v47;
	_ =	sdelay $0x1  }
0x413: {  	v49 =	vmul.f32 v42, v20;
	v33 =	vadd.f32 v33, v48;
	_ =	sdelay $0x1  }
0x414: {  	v50 =	vmul.f32 v43, v24;
	v33 =	vadd.f32 v33, v49  }
0x415: {  	s31 =	spop (v2sf)  }
0x416: {  	v51 =	vmul.f32 v44, v28;
	s0 =	spop (v2sf);
	v33 =	vadd.f32 v33, v50  }
0x417: {  	s1 =	sand.u32 $0x7F, s0;
	s0 =	sshll.u32 s0, $0x2  }
0x418: {  	v52 =	vmul.f32 v35, v32;
	s0 =	sand.u32 $0xFFFFFE00, s0;
	s1 =	sshll.u32 s1, $0x2;
	v33 =	vadd.f32 v33, v51  }
0x419: {  	s0 =	sor.u32 s1, s0  }
0x41a: {  	s0 =	sshra.s32 s0, $0x2;
	v33 =	vadd.f32 v33, v52  }
0x41b: {  	s0 =	sadd.s32 s0, s24  }
0x41c: {  	s0 =	sadd.s32 s30, s0;
	[tilespmem:s25+$0x1B0] =	vst v33  }
0x41d: {  	s1 =	sshll.u32 s31, $0x2;
	v33 =	vld [tilespmem:s0+$0x780];
	s0 =	sand.u32 $0x7F, s31  }
0x41e: {  	s1 =	sand.u32 $0xFFFFFE00, s1;
	s0 =	sshll.u32 s0, $0x2  }
0x41f: {  	s0 =	sor.u32 s0, s1  }
0x420: {  	s1 =	sshra.s32 s31, $0x3;
	s0 =	sshra.s32 s0, $0x2  }
0x421: {  	v53 =	vadd.s32 s1, v0;
	s0 =	sadd.s32 s0, s23  }
0x422: {  	v33 =	vperm.xlane v33, v53;
	s0 =	sadd.s32 s30, s0  }
0x423: {  	v54 =	vld [tilespmem:s0+$0x780]  }
0x424: {  	v35 =	vbroadcast v33, $0x0;
	_ =	sdelay $0x1  }
0x425: {  	v37 =	vbroadcast v33, $0x1;
	v55 =	vmul.f32 v35, v1;
	_ =	sdelay $0x1  }
0x426: {  	v38 =	vbroadcast v33, $0x2;
	v56 =	vmul.f32 v37, v5;
	v34 =	vadd.f32 v55, v54;
	_ =	sdelay $0x1  }
0x427: {  	v39 =	vbroadcast v33, $0x3;
	v57 =	vmul.f32 v38, v9;
	v34 =	vadd.f32 v34, v56;
	_ =	sdelay $0x1  }
0x428: {  	v40 =	vbroadcast v33, $0x4;
	v58 =	vmul.f32 v39, v13;
	v34 =	vadd.f32 v34, v57;
	_ =	sdelay $0x1  }
0x429: {  	v41 =	vbroadcast v33, $0x5;
	v59 =	vmul.f32 v40, v17;
	v34 =	vadd.f32 v34, v58;
	_ =	sdelay $0x1  }
0x42a: {  	v42 =	vbroadcast v33, $0x6;
	v60 =	vmul.f32 v41, v21;
	v34 =	vadd.f32 v34, v59;
	_ =	sdelay $0x1  }
0x42b: {  	s0 =	sadd.s32 $0x10, s31;
	v33 =	vbroadcast v33, $0x7;
	v61 =	vmul.f32 v42, v25;
	v34 =	vadd.f32 v34, v60  }
0x42c: {  	s1 =	sand.u32 $0x7F, s0;
	s0 =	sshll.u32 s0, $0x2  }
0x42d: {  	s0 =	sand.u32 $0xFFFFFE00, s0;
	s1 =	sshll.u32 s1, $0x2;
	v62 =	vmul.f32 v33, v29;
	v34 =	vadd.f32 v34, v61  }
0x42e: {  	s0 =	sor.u32 s1, s0  }
0x42f: {  	s0 =	sshra.s32 s0, $0x2;
	v34 =	vadd.f32 v34, v62  }
0x430: {  	s0 =	sadd.s32 s0, s23  }
0x431: {  	s0 =	sadd.s32 s30, s0;
	[tilespmem:s25+$0x1C0] =	vst v34  }
0x432: {  	v34 =	vld [tilespmem:s0+$0x780];
	_ =	sdelay $0x2  }
0x433: {  	v63 =	vmul.f32 v35, v2;
	_ =	sdelay $0x1  }
0x434: {  	v43 =	vmul.f32 v37, v6;
	v34 =	vadd.f32 v34, v63;
	_ =	sdelay $0x1  }
0x435: {  	v44 =	vmul.f32 v38, v10;
	v34 =	vadd.f32 v34, v43;
	_ =	sdelay $0x1  }
0x436: {  	v45 =	vmul.f32 v39, v14;
	v34 =	vadd.f32 v34, v44;
	_ =	sdelay $0x1  }
0x437: {  	v46 =	vmul.f32 v40, v18;
	v34 =	vadd.f32 v34, v45;
	_ =	sdelay $0x1  }
0x438: {  	v47 =	vmul.f32 v41, v22;
	v34 =	vadd.f32 v34, v46;
	_ =	sdelay $0x1  }
0x439: {  	v48 =	vmul.f32 v42, v26;
	s0 =	sadd.s32 $0x20, s31;
	v34 =	vadd.f32 v34, v47  }
0x43a: {  	s1 =	sand.u32 $0x7F, s0;
	s0 =	sshll.u32 s0, $0x2  }
0x43b: {  	v49 =	vmul.f32 v33, v30;
	s0 =	sand.u32 $0xFFFFFE00, s0;
	s1 =	sshll.u32 s1, $0x2;
	v34 =	vadd.f32 v34, v48  }
0x43c: {  	s0 =	sor.u32 s1, s0  }
0x43d: {  	s0 =	sshra.s32 s0, $0x2;
	v34 =	vadd.f32 v34, v49  }
0x43e: {  	s0 =	sadd.s32 s0, s23  }
0x43f: {  	s0 =	sadd.s32 s30, s0;
	[tilespmem:s25+$0x1D0] =	vst v34  }
0x440: {  	v34 =	vld [tilespmem:s0+$0x780];
	_ =	sdelay $0x2  }
0x441: {  	v50 =	vmul.f32 v35, v3;
	_ =	sdelay $0x1  }
0x442: {  	v51 =	vmul.f32 v37, v7;
	v34 =	vadd.f32 v34, v50;
	_ =	sdelay $0x1  }
0x443: {  	v52 =	vmul.f32 v38, v11;
	v34 =	vadd.f32 v34, v51;
	_ =	sdelay $0x1  }
0x444: {  	v53 =	vmul.f32 v39, v15;
	v34 =	vadd.f32 v34, v52;
	_ =	sdelay $0x1  }
0x445: {  	v54 =	vmul.f32 v40, v19;
	v34 =	vadd.f32 v34, v53;
	_ =	sdelay $0x1  }
0x446: {  	v55 =	vmul.f32 v41, v23;
	v34 =	vadd.f32 v34, v54;
	_ =	sdelay $0x1  }
0x447: {  	v56 =	vmul.f32 v42, v27;
	s1 =	sadd.s32 $0x30, s31;
	v34 =	vadd.f32 v34, v55  }
0x448: {  	s31 =	sand.u32 $0x7F, s1;
	s0 =	sshll.u32 s1, $0x2  }
0x449: {  	v57 =	vmul.f32 v33, v31;
	s1 =	sshll.u32 s31, $0x2;
	s0 =	sand.u32 $0xFFFFFE00, s0;
	v34 =	vadd.f32 v34, v56  }
0x44a: {  	s0 =	sor.u32 s1, s0  }
0x44b: {  	s0 =	sshra.s32 s0, $0x2;
	v34 =	vadd.f32 v34, v57  }
0x44c: {  	s0 =	sadd.s32 s0, s23  }
0x44d: {  	s0 =	sadd.s32 s30, s0;
	[tilespmem:s25+$0x1E0] =	vst v34  }
0x44e: {  	v34 =	vld [tilespmem:s0+$0x780];
	_ =	sdelay $0x2  }
0x44f: {  	v35 =	vmul.f32 v35, v4;
	_ =	sdelay $0x1  }
0x450: {  	v58 =	vmul.f32 v37, v8;
	v34 =	vadd.f32 v34, v35;
	_ =	sdelay $0x1  }
0x451: {  	v59 =	vmul.f32 v38, v12;
	v34 =	vadd.f32 v34, v58;
	_ =	sdelay $0x1  }
0x452: {  	v60 =	vmul.f32 v39, v16;
	v34 =	vadd.f32 v34, v59;
	_ =	sdelay $0x1  }
0x453: {  	v61 =	vmul.f32 v40, v20;
	v34 =	vadd.f32 v34, v60;
	_ =	sdelay $0x1  }
0x454: {  	v62 =	vmul.f32 v41, v24;
	v34 =	vadd.f32 v34, v61;
	_ =	sdelay $0x1  }
0x455: {  	v63 =	vmul.f32 v42, v28;
	v34 =	vadd.f32 v34, v62  }
0x456: {  	p1 =	sne.s32 s29, $0xE000  }
.Ltmp1:
0x457: {  	v33 =	vmul.f32 v33, v32;
	v34 =	vadd.f32 v34, v63;
	(pc) =	sbr.rel @p1 .LBB2_5-.Ltmp1, $4  }
0x458: {  	_ = 	snop  }
0x459: {  	v33 =	vadd.f32 v34, v33  }
0x45a: {  	s28 =	sadd.s32 $0x10, s28  }
0x45b: {  	s26 =	sadd.s32 $0x10, s26;
	s29 =	sadd.s32 $0x2000, s29;
	[tilespmem:s25+$0x1F0] =	vst v33;
	s25 =	sadd.s32 $0x400, s25  }
0x45c: {  	s0 =	sshll.u32 s22, $0xD  }
0x45d: {  	s0 =	sadd.s32 s8, s0  }
0x45e: {  	p1 =	sne.s32 s21, $0x32;
	s0 =	sshrl.u32 s0, $0x3  }
.Ltmp2:
0x45f: {  	s0 =	sadd.s32 s2, s0;
	(pc) =	sbr.rel @p1 .LBB2_4-.Ltmp2, $4  }
0x460: {  	[hbm4b:s0+s3] =	stream.linear.scatter [tilespmem:s17], [sflag:$0x3], $0x2000, $0x38;
	[tilespmem:$0x1A100] =	vst v63  }
0x461: {  	_ =	swait.ge [sflag:s10], $0x2000  }
0x462: {  	p0 =	por !p0, !p0;
	s19 =	sadd.s32 $0x80, s19;
	[sflag:s10] =	ssyncset.done $0x0  }
0x463: {  	s20 =	sadd.s32 $0x80, s20;
	s22 =	smov.u32 s21;
	[sflag:s10] =	ssyncadd.s32 $0xFFFFE000  }
0x464: {  	s18 =	sadd.s32 $0x1, s18  }
0x465: {  	p0 =	sne.s32 s18, s9  }
.Ltmp3:
0x466: {  	_ = 	snop;
	(pc) =	sbr.rel @p0 .LBB2_1-.Ltmp3, $1  }
0x467: {  	_ =	sdelay $0x3  }
0x468: {  	_ =	sfence.sel $0x180000  }
0x469: {  	[bflag:$0x0] =	sbarrier.arrive $0xFFFF  }
0x46a: {  	_ =	strace $0x90000047  }
0x46b: {  	s0 =	stileid.u32;
	[bflag:$0x2] =	sbarrier.arrive $0xFFFF  }
0x46c: {  	p0 =	sne.s32 s0, $0x0;
	s0 =	rddreg [dreg:$0x2]  }
0x46d: {  	s0 =	sadd.s32 @!p0 $0x100000, s0  }
0x46e: {  	[sflag:s0] =	ssyncadd.tile.s32 @!p0 $0x1;
	_ =	shalt  }
.Lfunc_end2:
_tile_overlayer_lowered:
.L_overlay_start_2:
0x46f: {  	(tag) =	ssettag $0x2  }
0x470: {  	s0 =	rddreg [dreg:$0x0];
	s2 =	stileid.u32  }
0x471: {  	s1 =	rddreg [dreg:$0x1];
	p0 =	sne.s32 s2, $0x0  }
0x472: {  	s3 =	rddreg [dreg:$0x2];
	[bflag:$0x3] =	sbarrier.arrive $0xFFFF;
	s2 =	simm.s32 @!p0 $0x1C03  }
0x473: {  	[timem:s3], [sflag:s2] =	dma.local @!p0 [hbm:s0], s1  }
0x474: {  	s0 =	simm.s32 @!p0 $0x3  }
0x475: {  	_ =	swait.ge @!p0 [sflag:s0], s1  }
0x476: {  	s1 =	ssub.s32 @!p0 $0x0, s1;
	[sflag:s0] =	ssyncset.done @!p0 $0x0  }
0x477: {  	[sflag:s0] =	ssyncadd.s32 @!p0 s1  }
0x478: {  	[bflag:$0x3] =	sbarrier.arrive $0xFFFF  }
0x479: {  	_ =	shalt  }

// kernel: sparse-core-data-format-call.cloned.1.call-start
scs
called_computation_lowered:
.L_overlay_start_0:
0x0: {  	s2 =	sld [smem:$0x3FD9]  }
0x1: {  	s3 =	sld [smem:$0x3FFE];
	_ =	sdelay $0x1  }
0x2: {  	s1 =	srdreg.scid  }
0x3: {  	s0 =	sand.u32 $0x1, s1  }
0x4: {  	s18 =	sshll.u32 s0, $0xA;
	s2 =	sadd.s32 s3, s2  }
0x5: {  	s2 =	sadd.s32 s2, s18  }
0x6: {  	[smem:$0x3FC4] =	sst s2  }
0x7: {  	_ = 	snop  }
0x8: {  	s2 =	sld [smem:$0x3FD0];
	(tm) =	ssettm $0x1  }
0x9: {  	s19 =	sld [smem:$0x3FFB];
	_ =	sdelay $0x3  }
0xa: {  	_ =	strace s19  }
0xb: {  	s3 =	sld [smem:$0x3FFC];
	_ =	sdelay $0x3  }
0xc: {  	_ =	strace s3  }
0xd: {  	s3 =	sld [smem:$0x3FFD];
	_ =	sdelay $0x3  }
0xe: {  	_ =	strace s3  }
0xf: {  	_ =	strace $0x8FFFFFFF  }
0x10: {  	s20 =	sld [smem:$0x3FDB];
	_ =	sdelay $0x1  }
0x11: {  	s4 =	simm.s32 $_scs_section_size  }
0x12: {  	s5 =	simm.s32 $_size__tile_overlayer_lowered;
	s6 =	simm.s32 $_tile_overlayer_lowered  }
0x13: {  	s23 =	simm.s32 $0x1BFF;
	s22 =	sshll.u32 s6, $0x1;
	s3 =	sadd.s32 s4, s20  }
0x14: {  	s7 =	simm.s32 $0x0;
	s21 =	sshll.u32 s5, $0x1;
	s5 =	sadd.s32 s22, s3  }
0x15: {  	[timem:s7], [sflag:s23] =	dma.local [hbm:s5], s21  }
0x16: {  	_ =	swait.ge [sflag:s23], s21  }
0x17: {  	s4 =	ssub.s32 $0x0, s21;
	[sflag:s23] =	ssyncset.done $0x0  }
0x18: {  	[sflag:s23] =	ssyncadd.s32 s4;
	_ =	sdelay $0x1  }
0x19: {  	s24 =	simm.s32 $0x1B8B  }
0x1a: {  	_ =	swait.ge [sflag:s24], $0x1  }
0x1b: {  	[sflag:s24] =	ssyncset.done $0x0  }
0x1c: {  	s26 =	simm.s32 $0x1B8E;
	s25 =	sld [smem:$0x3FFE];
	[sflag:s24] =	ssyncadd.s32 $0xFFFFFFFF  }
0x1d: {  	s27 =	simm.s32 $execute0_lowered;
	[smem:$0x3FD2] =	sst s26  }
0x1e: {  	s5 =	sshll.u32 s27, $0x1;
	_ =	strace $0x80000049;
	[dreg:$0x1] =	wrdreg $0xFFFFFFFF  }
0x1f: {  	s28 =	simm.s32 $_size_execute0_lowered;
	s3 =	sadd.s32 s3, s5;
	[dreg:$0x0] =	wrdreg $0x0  }
0x20: {  	s5 =	sshll.u32 s28, $0x1;
	[dreg:$0x2] =	wrdreg s3  }
0x21: {  	[dreg:$0x3] =	wrdreg s5  }
0x22: {  	[dreg:$0x4] =	wrdreg $0xC0  }
0x23: {  	_ =	task [dreg:s7], $0x5FFFF  }
0x24: {  	[dreg:$0x1] =	wrdreg $0xFFFFFFFF  }
0x25: {  	[dreg:$0x0] =	wrdreg $0x60  }
0x26: {  	[dreg:$0x2] =	wrdreg s25  }
0x27: {  	[dreg:$0x3] =	wrdreg s2  }
0x28: {  	[dreg:$0x4] =	wrdreg $0x9  }
0x29: {  	_ =	task.clear_ibuf [dreg:s7], $0x5FFFF;
	_ =	strace $0x90000049  }
0x2a: {  	s29 =	simm.s32 $0x9;
	_ =	strace $0x8000004B  }
0x2b: {  	_ =	swait.ge [sflag:s29], $0x1  }
0x2c: {  	[sflag:s29] =	ssyncadd.s32 $0xFFFFFFFF  }
0x2d: {  	_ =	strace $0x9000004B  }
0x2e: {  	_ =	sfence  }
0x2f: {  	s30 =	sld [smem:$0x0];
	_ =	sdelay $0x2  }
0x30: {  	s31 =	sshll.u32 s1, $0xD;
	s1 =	sshrl.u32 s1, $0x2  }
0x31: {  	s3 =	sand.u32 $0x4000, s31;
	s1 =	sadd.s32 s1, s30  }
0x32: {  	s0 =	sor.u32 s3, s0;
	s1 =	sshll.u32 s1, $0x11  }
0x33: {  	s0 =	sor.u32 s1, s0  }
0x34: {  	s0 =	sadd.s32 $0x8F2B, s0  }
0x35: {  	[sflag:s0] =	ssyncadd.remote.s32 $0x1  }
0x36: {  	_ =	sfence.sel $0xFFFF  }
0x37: {  	[dreg:$0x0] =	wrdreg $0xFFFFFFFF;
	(pc) =	sbr.abs _section_cstart, $3  }
0x38: {  	[dreg:$0x1] =	wrdreg $0xFFFFFFFF  }
0x39: {  	_ =	task.clear_ibuf [dreg:s7], $0x2FFFF;
	_ =	strace $0x9FFFFFFF  }
0x3a: {  	(tm) =	ssettm $0x7FFFFFFF  }
0x3b: {  	_ =	shalt  }
tec
execute0_lowered:
.L_overlay_start_1:
0x0: {  	(tag) =	ssettag $0x1  }
0x1: {  	s0 =	srdreg.scid  }
0x2: {  	s1 =	sshll.u32 s0, $0x4  }
0x3: {  	s0 =	stileid.u32;
	s1 =	sand.u32 $0x10, s1  }
0x4: {  	s1 =	sor.u32 s0, s1  }
0x5: {  	s6 =	rddreg [dreg:$0x0];
	s4 =	simm.s32 $0x1;
	s2 =	sshll.u32 s1, $0x7  }
0x6: {  	s7 =	simm.s32 $0x2;
	s12 =	simm.s32 $0x0;
	s1 =	ssub.s32 $0x1000, s2  }
0x7: {  	s8 =	simm.s32 $0x8000;
	s13 =	simm.s32 $0x0;
	s3 =	sand.u32 $0xF80, s1  }
0x8: {  	s9 =	simm.s32 $0x0;
	s5 =	sshrl.u32 s1, $0xC;
	p0 =	sne.s32 s3, $0x0  }
.Ltmp0:
0x9: {  	s1 =	rddreg [dreg:$0x2];
	s4 =	simm.s32 @!p0 $0x0;
	(pc) =	sbr.rel .LBB1_1-.Ltmp0, $4  }
0xa: {  	s11 =	simm.s32 $0x0;
	s3 =	rddreg [dreg:$0x1];
	s5 =	sadd.s32 s4, s5  }
0xb: {  	_ =	strace $0x8000004A;
	s4 =	simm.s32 $0x1;
	s5 =	smul.u32 $0x32, s5  }
0xc: {  	s6 =	sadd.s32 $0xA00, s6;
	s10 =	smov.u32 s2;
	[sflag:s4] =	ssyncpa.u1 $0x0  }
0xd: {  	p0 =	por $0x0, $0x0;
	[sflag:s7] =	ssyncpa.u1 $0x0;
	s7 =	sor.u32 $0x1, s5  }
.LBB1_4:
0xe: {  	s16 =	sshll.u32 s13, $0x3;
	s17 =	sand.u32 $0x78, s13  }
0xf: {  	s30 =	sand.u32 $0x7E00, s13;
	s12 =	sshll.u32 s12, $0xF;
	s16 =	sand.u32 $0xC00, s16  }
0x10: {  	[tilespmem:s15+$0x810 ss:$0x81] =	vst.msk $0xffff, v2;
	s31 =	sand.u32 $0x7, s13;
	s16 =	sor.u32 s17, s16;
	s17 =	sadd.s32 s3, s30  }
0x11: {  	[tilespmem:s15+$0x1020 ss:$0x81] =	vst.msk $0xffff, v0;
	s13 =	sshll.u32 s31, $0x12;
	s12 =	sadd.s32 s12, s17;
	s16 =	sshrl.u32 s16, $0x3  }
0x12: {  	[tilespmem:s15+$0x0 ss:$0x81] =	vst.msk $0xffff, v1;
	s13 =	sor.u32 $0x400, s13;
	s12 =	sadd.s32 s16, s12  }
0x13: {  	[hbm4b:s12+s13] =	stream.strided.scatter [tilespmem:s14], [sflag:$0x2], $0x2000, s8, s13, $0x20;
	[tilespmem:$0x8080] =	vst v63  }
.LBB1_5:
0x14: {  	s14 =	sadd.s32 $0x1, s9  }
0x15: {  	s12 =	sadd.s32 $0x1000, s10;
	s16 =	smov.u32 s10;
	p2 =	sgt.s32 s14, $0x31  }
0x16: {  	s16 =	smov.u32 @p2 s12  }
0x17: {  	s14 =	simm.s32 @p2 $0x0;
	p2 =	sgt.s32 s16, $0xFFF  }
0x18: {  	s16 =	smov.u32 @p2 s2;
	p2 =	sne.s32 s11, s7  }
.Ltmp1:
0x19: {  	p1 =	slt.u32 s11, $0x2;
	(pc) =	sbr.rel @!p2 .LBB1_6-.Ltmp1, $4  }
0x1a: {  	s15 =	simm.s32 @!p1 $0x2  }
0x1b: {  	s13 =	smov.u32 s10;
	p0 =	por !p0, !p0;
	_ =	swait.ge @!p1 [sflag:s15], $0x2000  }
0x1c: {  	s12 =	smov.u32 s9;
	[sflag:s15] =	ssyncset.done @!p1 $0x0;
	s9 =	smov.u32 s14  }
0x1d: {  	s11 =	sadd.s32 $0x1, s11;
	[sflag:s15] =	ssyncadd.s32 @!p1 $0xFFFFE000;
	s10 =	smov.u32 s16  }
.LBB1_1:
0x1e: {  	p1 =	sge.u32 s11, s5  }
0x1f: {  	s14 =	sand.u32 @!p1 $0x1FFFFFF, s9  }
0x20: {  	s15 =	smulhi.u32 @!p1 $0x4924925, s14;
	_ =	sdelay $0x1  }
0x21: {  	s15 =	smul.u32 @!p1 $0x38, s15  }
0x22: {  	s16 =	sxor.u32 @!p1 $0xFFFFFFFF, s11;
	s17 =	smul.u32 @!p1 $0x380, s10  }
0x23: {  	s31 =	sadd.s32 $0xFFFFFFFF, s11;
	s16 =	sshll.u32 @!p1 s16, $0xD;
	s14 =	ssub.s32 @!p1 s14, s15  }
0x24: {  	s15 =	sand.u32 @!p1 $0x2000, s16;
	s16 =	sadd.s32 @!p1 s6, s17;
	s14 =	sshll.u32 @!p1 s14, $0x4  }
0x25: {  	s17 =	simm.s32 @!p1 $0x1C00;
	s14 =	sadd.s32 @!p1 s14, s16;
	s16 =	simm.s32 @!p1 $0x40  }
0x26: {  	[tilespmem:s15], [sflag:$0x1] =	stream.strided.gather @!p1 [hbm4b:s14+s16], $0x2000, s17, s16, $0x38;
	[tilespmem:$0x8080] =	vst v63  }
0x27: {  	p1 =	sge.u32 s31, s5  }
.Ltmp2:
0x28: {  	_ = 	snop;
	(pc) =	sbr.rel @p1 .LBB1_5-.Ltmp2, $1  }
0x29: {  	_ =	sdelay $0x3  }
0x2a: {  	s14 =	simm.s32 $0x1  }
0x2b: {  	_ =	swait.ge [sflag:s4], $0x2000;
	s14 =	simm.s32 @!p0 $0x0  }
0x2c: {  	[sflag:s4] =	ssyncset.done $0x0;
	s15 =	sshll.u32 s14, $0xD  }
0x2d: {  	[sflag:s4] =	ssyncadd.s32 $0xFFFFE000;
	s18 =	sor.u32 $0x20, s15  }
0x2e: {  	s14 =	smul.u32 $0x8100, s14;
	v3 =	vld [tilespmem:s18+$0x10]  }
0x2f: {  	s30 =	sand.u32 $0x1, s11;
	v2 =	vld [tilespmem:s18+$0xFFFFFFF0]  }
0x30: {  	s15 =	smul.u32 $0x8100, s30;
	s14 =	sshrl.u32 s14, $0x2;
	v0 =	vld [tilespmem:s18+$0x0]  }
0x31: {  	v1 =	vld [tilespmem:s18+$0xFFFFFFE0];
	s16 =	sor.u32 $0x4000, s14  }
0x32: {  	s31 =	sshrl.u32 s15, $0x2;
	s15 =	sadd.s32 $0x0, s16  }
0x33: {  	s17 =	simm.s32 $0x4;
	s18 =	sadd.s32 $0x40, s18;
	s14 =	sor.u32 $0x4000, s31;
	[tilespmem:s15+$0x1830 ss:$0x81] =	vst.msk $0xffff, v3  }
.LBB1_3:
0x34: {  	v3 =	vld [tilespmem:s18+$0x10];
	p1 =	sne.s32 s17, $0x1FC;
	[tilespmem:s15+$0x810 ss:$0x81] =	vst.msk $0xffff, v2;
	s19 =	smov.u32 s17;
	s17 =	sadd.s32 $0x4, s17  }
.Ltmp3:
0x35: {  	v2 =	vld [tilespmem:s18+$0xFFFFFFF0];
	[tilespmem:s15+$0x1020 ss:$0x81] =	vst.msk $0xffff, v0;
	(pc) =	sbr.rel @p1 .LBB1_3-.Ltmp3, $4  }
0x36: {  	v0 =	vld [tilespmem:s18+$0x0];
	[tilespmem:s15+$0x0 ss:$0x81] =	vst.msk $0xffff, v1  }
0x37: {  	s15 =	sshra.s32 s19, $0x2;
	v1 =	vld [tilespmem:s18+$0xFFFFFFE0]  }
0x38: {  	s15 =	sadd.s32 s15, s16  }
0x39: {  	s18 =	sadd.s32 $0x40, s18;
	[tilespmem:s15+$0x1830 ss:$0x81] =	vst.msk $0xffff, v3  }
.Ltmp4:
0x3a: {  	_ = 	snop;
	(pc) =	sbr.rel .LBB1_4-.Ltmp4, $1  }
0x3b: {  	_ =	sdelay $0x3  }
.LBB1_6:
0x3c: {  	_ =	sfence.sel $0x180000  }
0x3d: {  	s2 =	simm.s32 $0x1;
	[bflag:$0x0] =	sbarrier.arrive $0xFFFF  }
0x3e: {  	s31 =	simm.s32 $0x2;
	[sflag:s2] =	ssyncpa.u1 $0x1  }
0x3f: {  	[sflag:s31] =	ssyncpa.u1 $0x1  }
0x40: {  	p0 =	sne.s32 s0, $0x0;
	_ =	strace $0x9000004A  }
0x41: {  	s0 =	sadd.s32 @!p0 $0x100000, s1;
	[bflag:$0x2] =	sbarrier.arrive $0xFFFF  }
0x42: {  	[sflag:s0] =	ssyncadd.tile.s32 @!p0 $0x1;
	_ =	shalt  }
.Lfunc_end1:
_tile_overlayer_lowered:
.L_overlay_start_2:
0x43: {  	(tag) =	ssettag $0x2  }
0x44: {  	s0 =	rddreg [dreg:$0x0];
	s2 =	stileid.u32  }
0x45: {  	s1 =	rddreg [dreg:$0x1];
	p0 =	sne.s32 s2, $0x0  }
0x46: {  	s3 =	rddreg [dreg:$0x2];
	[bflag:$0x3] =	sbarrier.arrive $0xFFFF;
	s2 =	simm.s32 @!p0 $0x1C01  }
0x47: {  	[timem:s3], [sflag:s2] =	dma.local @!p0 [hbm:s0], s1  }
0x48: {  	s0 =	simm.s32 @!p0 $0x1  }
0x49: {  	_ =	swait.ge @!p0 [sflag:s0], s1  }
0x4a: {  	s1 =	ssub.s32 @!p0 $0x0, s1;
	[sflag:s0] =	ssyncset.done @!p0 $0x0  }
0x4b: {  	[sflag:s0] =	ssyncadd.s32 @!p0 s1  }
0x4c: {  	[bflag:$0x3] =	sbarrier.arrive $0xFFFF  }
0x4d: {  	_ =	shalt  }

</sc_bundles>
